<compile_context>
chip_gen: v7x
topology: tpu7x:2x2x1
jax: 0.10.2.dev20260603
libtpu: 0.0.44.dev20260713+nightly
codegen_flags: <defaults>
</compile_context>

<pallas_src>
import functools

import jax
import jax.numpy as jnp
from jax import lax
from jax.experimental import pallas as pl
from jax.experimental.pallas import tpu as pltpu
from jax.experimental.pallas import tpu_sc as plsc

EMBED_DIM = 384
MAX_POS = 64
D3 = EMBED_DIM // 3

NUM_CORES = 2
NUM_SUBCORES = 16
NUM_WORKERS = NUM_CORES * NUM_SUBCORES

TOKENS = 4 * 16384
TOK_PER_W = TOKENS // NUM_WORKERS
CHUNK = 64
NCHUNK = TOK_PER_W // CHUNK
GROUPS = CHUNK // 16
TBL_ROWS = 3 * MAX_POS
JCHUNKS = EMBED_DIM // 16
JCHUNKS32 = EMBED_DIM // 32


def _project_tables_body(d_ref, h_ref, w_ref, pwt_ref, pb_ref, out_ref):
    bias = pb_ref[0, :]
    td = jnp.dot(d_ref[...], pwt_ref[0:D3, :], preferred_element_type=jnp.float32)
    th = jnp.dot(h_ref[...], pwt_ref[D3:2 * D3, :], preferred_element_type=jnp.float32)
    tw = jnp.dot(w_ref[...], pwt_ref[2 * D3:3 * D3, :], preferred_element_type=jnp.float32)
    out_ref[0:MAX_POS, :] = td + bias[None, :]
    out_ref[MAX_POS:2 * MAX_POS, :] = th
    out_ref[2 * MAX_POS:3 * MAX_POS, :] = tw


def _project_tables(d_table, h_table, w_table, proj_w, proj_b):
    return pl.pallas_call(
        _project_tables_body,
        out_shape=jax.ShapeDtypeStruct((TBL_ROWS, EMBED_DIM), jnp.float32),
    )(d_table, h_table, w_table, proj_w.T, proj_b.reshape(1, EMBED_DIM))


def _sc_body(pos_hbm, tc_hbm, out_hbm, posv, tcv, ob0, ob1, sem0, sem1):
    wid = lax.axis_index("s") * NUM_CORES + lax.axis_index("c")
    base = wid * TOK_PER_W
    bb = wid // 8
    nb = (wid % 8) * TOK_PER_W

    pltpu.sync_copy(pos_hbm.at[pl.ds(base * 3, TOK_PER_W * 3)], posv.at[pl.ds(0, TOK_PER_W * 3)])
    pltpu.sync_copy(tc_hbm, tcv)

    iota16 = lax.iota(jnp.int32, 16)
    obufs = (ob0, ob1)
    sems = (sem0, sem1)

    def process_chunk(c, obuf):
        def extract(p):
            pv = posv[pl.ds((c * CHUNK + 4 * p) * 3, 16)]
            out = []
            for t in range(4):
                out.append((
                    jnp.clip(pv[3 * t], 0, MAX_POS - 1) * (EMBED_DIM // 2),
                    (jnp.clip(pv[3 * t + 1], 0, MAX_POS - 1) + MAX_POS) * (EMBED_DIM // 2),
                    (jnp.clip(pv[3 * t + 2], 0, MAX_POS - 1) + 2 * MAX_POS) * (EMBED_DIM // 2),
                ))
            return out

        def pair_body(p, carry):
            nxt = extract(p + 1)

            def flush(item):
                tok, d16, h16, w16, off = item
                s32 = (plsc.bitcast(d16, jnp.bfloat16)
                       + plsc.bitcast(h16, jnp.bfloat16)
                       + plsc.bitcast(w16, jnp.bfloat16))
                sa, sb = plsc.unpack(s32, format=plsc.PackFormat.INTERLEAVED)
                obuf[tok, pl.ds(off, 16)] = sa
                obuf[tok, pl.ds(off + 16, 16)] = sb

            pend = []
            for t in range(4):
                rd, rh, rw = carry[t]
                tok = 4 * p + t
                for jc in range(JCHUNKS32):
                    j16w = jc * 16
                    pend.append((
                        tok,
                        tcv[pl.ds(rd + j16w, 16)],
                        tcv[pl.ds(rh + j16w, 16)],
                        tcv[pl.ds(rw + j16w, 16)],
                        jc * 32,
                    ))
                    if len(pend) > 2:
                        flush(pend.pop(0))
            for item in pend:
                flush(item)
            return nxt

        lax.fori_loop(0, CHUNK // 4, pair_body, extract(0))

    def chunk_pair(cp, carry):
        for b in range(2):
            c = cp * 2 + b

            @pl.when(cp > 0)
            def _wait_prev():
                pltpu.make_async_copy(
                    obufs[b], out_hbm.at[bb, pl.ds(nb, CHUNK)],
                    sems[b],
                ).wait()

            process_chunk(c, obufs[b])

            pltpu.make_async_copy(
                obufs[b],
                out_hbm.at[bb, pl.ds(nb + c * CHUNK, CHUNK)],
                sems[b],
            ).start()
        return carry

    lax.fori_loop(0, NCHUNK // 2, chunk_pair, 0)

    for b in range(2):
        pltpu.make_async_copy(
            obufs[b], out_hbm.at[bb, pl.ds(nb, CHUNK)], sems[b]
        ).wait()


_sc_gather = functools.partial(
    pl.kernel,
    out_type=jax.ShapeDtypeStruct((4, 16384, EMBED_DIM), jnp.float32),
    mesh=plsc.VectorSubcoreMesh(
        core_axis_name="c", subcore_axis_name="s",
        num_cores=NUM_CORES, num_subcores=NUM_SUBCORES,
    ),
    compiler_params=pltpu.CompilerParams(needs_layout_passes=False),
    scratch_types=[
        pltpu.VMEM((TOK_PER_W * 3 + 16,), jnp.int32),
        pltpu.VMEM((TBL_ROWS * EMBED_DIM // 2,), jnp.int32),
        pltpu.VMEM((CHUNK, EMBED_DIM), jnp.float32),
        pltpu.VMEM((CHUNK, EMBED_DIM), jnp.float32),
        pltpu.SemaphoreType.DMA,
        pltpu.SemaphoreType.DMA,
    ],
)(_sc_body)


@jax.jit
def kernel(positions, d_table, h_table, w_table, proj_w, proj_b):
    tc = _project_tables(d_table, h_table, w_table, proj_w, proj_b)
    tcb = (
        tc.astype(jnp.bfloat16)
        .reshape(TBL_ROWS, JCHUNKS32, 2, 16)
        .transpose(0, 1, 3, 2)
        .reshape(TBL_ROWS * EMBED_DIM // 2, 2)
    )
    tci = lax.bitcast_convert_type(tcb, jnp.int32)
    pos = positions.astype(jnp.int32).reshape(TOKENS * 3)
    return _sc_gather(pos, tci)

# --- scband reference (transcript-rebuilt; emitter-appended) ---
"""Pipeline reference for scband-learnable-positional-encoding3-d-17480516895330 (READ-ONLY COPY).

The authoritative reference and input builder live on the scoring server;
editing this copy changes nothing except your own understanding.
"""

import jax, jax.numpy as jnp
import numpy as np

EMBED_DIM = 384
MAX_POS = 64
D3 = EMBED_DIM // 3  # 128

def setup_inputs(seed: int = 0) -> dict:
    key = jax.random.key(seed)
    k1, k2, k3, k4, k5, k6 = jax.random.split(key, 6)
    positions = jax.random.randint(k1, (4, 16384, 3), 0, MAX_POS, dtype=jnp.int64 if jax.config.jax_enable_x64 else jnp.int32).astype(jnp.int32)
    d_table = jax.random.normal(k2, (MAX_POS, D3), dtype=jnp.float32)
    h_table = jax.random.normal(k3, (MAX_POS, D3), dtype=jnp.float32)
    w_table = jax.random.normal(k4, (MAX_POS, D3), dtype=jnp.float32)
    # nn.Linear(384, 384): weight [out, in], bias [out]
    bound = 1.0 / np.sqrt(3 * D3)
    proj_w = jax.random.uniform(k5, (EMBED_DIM, 3 * D3), minval=-bound, maxval=bound, dtype=jnp.float32)
    proj_b = jax.random.uniform(k6, (EMBED_DIM,), minval=-bound, maxval=bound, dtype=jnp.float32)
    return {"positions": positions, "d_table": d_table, "h_table": h_table, "w_table": w_table, "proj_w": proj_w, "proj_b": proj_b}

def reference(positions, d_table, h_table, w_table, proj_w, proj_b):
    pos = jnp.clip(positions.astype(jnp.int32), 0, MAX_POS - 1)
    d_enc = jnp.take(d_table, pos[:, :, 0], axis=0)
    h_enc = jnp.take(h_table, pos[:, :, 1], axis=0)
    w_enc = jnp.take(w_table, pos[:, :, 2], axis=0)
    combined = jnp.concatenate([d_enc, h_enc, w_enc], axis=-1)
    out = jnp.einsum('bnd,od->bno', combined, proj_w) + proj_b
    return out

if __name__ == "__main__":
    import jax
    _d = setup_inputs()
    print(jax.jit(kernel)(*tuple(_d.values())))

</pallas_src>

<mosaic_0001>
#map = affine_map<(d0, d1) -> (0)>
#map1 = affine_map<(d0, d1) -> (0, 0, 0)>
module attributes {stable_mosaic.version = 14 : i64} {
  func.func @_sc_body(%arg0: i32, %arg1: i32, %arg2: memref<196608xi32, #tpu.memory_space<hbm>>, %arg3: memref<36864xi32, #tpu.memory_space<hbm>>, %arg4: memref<4x16384x384xf32, #tpu.memory_space<hbm>>, %arg5: memref<6160xi32, #tpu.memory_space<vmem>>, %arg6: memref<36864xi32, #tpu.memory_space<vmem>>, %arg7: memref<64x384xf32, #tpu.memory_space<vmem>>, %arg8: memref<64x384xf32, #tpu.memory_space<vmem>>, %arg9: memref<!tpu.dma_semaphore, #tpu.memory_space<semaphore_mem>>, %arg10: memref<!tpu.dma_semaphore, #tpu.memory_space<semaphore_mem>>) attributes {dimension_semantics = [#tpu.dimension_semantics<core_parallel>, #tpu.dimension_semantics<subcore_parallel>], iteration_bounds = array<i64: 2, 16>, scalar_prefetch = 0 : i64, scratch_operands = 6 : i64, tpu.core_type = #tpu.core_type<sc_vector_subcore>, window_params = [{transform_indices = #map}, {transform_indices = #map}, {transform_indices = #map1}]} {
    %mul3A = arith.constant 2 : i32
    %mul3A_0 = arith.muli %arg1, %mul3A : i32
    %add3A = arith.addi %mul3A_0, %arg0 : i32
    %mul3A_1 = arith.constant 2048 : i32
    %mul3A_2 = arith.muli %add3A, %mul3A_1 : i32
    %jit3A = arith.constant 8 : i32
    %div3A = arith.divsi %add3A, %jit3A : i32
    %sign3A = arith.constant 0 : i32
    %sign3A_3 = arith.cmpi sgt, %add3A, %sign3A : i32
    %sign3A_4 = arith.extui %sign3A_3 : i1 to i32
    %sign3A_5 = arith.constant 0 : i32
    %sign3A_6 = arith.cmpi slt, %add3A, %sign3A_5 : i32
    %sign3A_7 = arith.extui %sign3A_6 : i1 to i32
    %sign3A_8 = arith.subi %sign3A_4, %sign3A_7 : i32
    %sign3A_9 = arith.constant 0 : i32
    %sign3A_10 = arith.cmpi sgt, %jit3A, %sign3A_9 : i32
    %sign3A_11 = arith.extui %sign3A_10 : i1 to i32
    %sign3A_12 = arith.constant 0 : i32
    %sign3A_13 = arith.cmpi slt, %jit3A, %sign3A_12 : i32
    %sign3A_14 = arith.extui %sign3A_13 : i1 to i32
    %sign3A_15 = arith.subi %sign3A_11, %sign3A_14 : i32
    %ne3A = arith.cmpi ne, %sign3A_8, %sign3A_15 : i32
    %rem3A = arith.remsi %add3A, %jit3A : i32
    %ne3A_16 = arith.constant 0 : i32
    %ne3A_17 = arith.cmpi ne, %rem3A, %ne3A_16 : i32
    %and3A = arith.andi %ne3A, %ne3A_17 : i1
    %sub3A = arith.constant 1 : i32
    %sub3A_18 = arith.subi %div3A, %sub3A : i32
    %select_n3A = arith.select %and3A, %sub3A_18, %div3A : i32
    %jit3A_19 = arith.constant 8 : i32
    %eq3A = arith.constant 0 : i32
    %eq3A_20 = arith.cmpi eq, %jit3A_19, %eq3A : i32
    %jit3A_21 = arith.constant 1 : i32
    %select_n3A_22 = arith.select %eq3A_20, %jit3A_21, %jit3A_19 : i32
    %rem3A_23 = arith.remsi %add3A, %select_n3A_22 : i32
    %ne3A_24 = arith.constant 0 : i32
    %ne3A_25 = arith.cmpi ne, %rem3A_23, %ne3A_24 : i32
    %lt3A = arith.constant 0 : i32
    %lt3A_26 = arith.cmpi slt, %rem3A_23, %lt3A : i32
    %lt3A_27 = arith.constant 0 : i32
    %lt3A_28 = arith.cmpi slt, %select_n3A_22, %lt3A_27 : i32
    %ne3A_29 = arith.xori %lt3A_26, %lt3A_28 : i1
    %and3A_30 = arith.andi %ne3A_29, %ne3A_25 : i1
    %add3A_31 = arith.addi %rem3A_23, %select_n3A_22 : i32
    %select_n3A_32 = arith.select %and3A_30, %add3A_31, %rem3A_23 : i32
    %mul3A_33 = arith.constant 2048 : i32
    %mul3A_34 = arith.muli %select_n3A_32, %mul3A_33 : i32
    %mul3A_35 = arith.constant 3 : i32
    %mul3A_36 = arith.muli %mul3A_2, %mul3A_35 : i32
    "tpu.region"() ({
      %run_scoped3A = tpu.sem_alloc : memref<!tpu.dma_semaphore, #tpu.memory_space<semaphore_mem>>
      %dma_start3A = arith.constant 0 : i32
      %dma_start3A_53 = tpu.memref_slice %arg5[%dma_start3A] : memref<6160xi32, #tpu.memory_space<vmem>> -> memref<6144xi32, #tpu.memory_space<vmem>>
      %dma_start3A_54 = tpu.memref_slice %arg2[%mul3A_36] : memref<196608xi32, #tpu.memory_space<hbm>> -> memref<6144xi32, #tpu.memory_space<hbm>>
      %dma_start3A_55 = arith.constant 0 : i32
      %dma_start3A_56 = tpu.memref_slice %arg5[%dma_start3A_55] : memref<6160xi32, #tpu.memory_space<vmem>> -> memref<6144xi32, #tpu.memory_space<vmem>>
      %dma_start3A_57 = tpu.memref_slice %arg2[%mul3A_36] : memref<196608xi32, #tpu.memory_space<hbm>> -> memref<6144xi32, #tpu.memory_space<hbm>>
      tpu.enqueue_dma source(%dma_start3A_57 : memref<6144xi32, #tpu.memory_space<hbm>>) target(%dma_start3A_56 : memref<6144xi32, #tpu.memory_space<vmem>>) target_semaphore(%run_scoped3A : memref<!tpu.dma_semaphore, #tpu.memory_space<semaphore_mem>>)
      %dma_wait3A_58 = arith.constant 0 : i32
      %dma_wait3A_59 = tpu.memref_slice %arg5[%dma_wait3A_58] : memref<6160xi32, #tpu.memory_space<vmem>> -> memref<6144xi32, #tpu.memory_space<vmem>>
      %dma_wait3A_60 = tpu.memref_slice %arg2[%mul3A_36] : memref<196608xi32, #tpu.memory_space<hbm>> -> memref<6144xi32, #tpu.memory_space<hbm>>
      %dma_wait3A_61 = arith.constant 0 : i32
      %dma_wait3A_62 = tpu.memref_slice %arg5[%dma_wait3A_61] : memref<6160xi32, #tpu.memory_space<vmem>> -> memref<6144xi32, #tpu.memory_space<vmem>>
      %dma_wait3A_63 = tpu.memref_slice %arg2[%mul3A_36] : memref<196608xi32, #tpu.memory_space<hbm>> -> memref<6144xi32, #tpu.memory_space<hbm>>
      tpu.wait_dma2 semaphore(%run_scoped3A : memref<!tpu.dma_semaphore, #tpu.memory_space<semaphore_mem>>) src(%dma_wait3A_63 : memref<6144xi32, #tpu.memory_space<hbm>>) dst(%dma_wait3A_62 : memref<6144xi32, #tpu.memory_space<vmem>>)
      tpu.yield
    }) : () -> ()
    "tpu.region"() ({
      %run_scoped3A = tpu.sem_alloc : memref<!tpu.dma_semaphore, #tpu.memory_space<semaphore_mem>>
      tpu.enqueue_dma source(%arg3 : memref<36864xi32, #tpu.memory_space<hbm>>) target(%arg6 : memref<36864xi32, #tpu.memory_space<vmem>>) target_semaphore(%run_scoped3A : memref<!tpu.dma_semaphore, #tpu.memory_space<semaphore_mem>>)
      tpu.wait_dma2 semaphore(%run_scoped3A : memref<!tpu.dma_semaphore, #tpu.memory_space<semaphore_mem>>) src(%arg3 : memref<36864xi32, #tpu.memory_space<hbm>>) dst(%arg6 : memref<36864xi32, #tpu.memory_space<vmem>>)
      tpu.yield
    }) : () -> ()
    %iota3A = tpu.iota {dimensions = array<i32: 0>} : vector<16xi32>
    %scan3A = arith.constant 0 : i32
    %scan3A_37 = arith.constant 0 : i32
    %scan3A_38 = arith.constant 16 : i32
    %scan3A_39 = arith.addi %scan3A_37, %scan3A_38 : i32
    %scan3A_40 = arith.constant 1 : i32
    scf.for %scan3A_53 = %scan3A_37 to %scan3A_39 step %scan3A_40  : i32 {
      %mul3A_54 = arith.constant 2 : i32
      %mul3A_55 = arith.muli %scan3A_53, %mul3A_54 : i32
      %add3A_56 = arith.constant 0 : i32
      %add3A_57 = arith.addi %mul3A_55, %add3A_56 : i32
      %gt3A = arith.constant 0 : i32
      %gt3A_58 = arith.cmpi sgt, %scan3A_53, %gt3A : i32
      %convert_element_type3A = arith.extui %gt3A_58 : i1 to i32
      %cond3A = arith.constant 0 : i32
      %cond3A_59 = arith.cmpi ne, %convert_element_type3A, %cond3A : i32
      scf.if %cond3A_59 {
        %dma_wait3A_333 = arith.constant 0 : i32
        %dma_wait3A_334 = tpu.memref_slice %arg4[%select_n3A, %mul3A_34, %dma_wait3A_333] : memref<4x16384x384xf32, #tpu.memory_space<hbm>> -> memref<1x64x384xf32, #tpu.memory_space<hbm>>
        %dma_wait3A_335 = tpu.memref_squeeze %dma_wait3A_334 : memref<1x64x384xf32, #tpu.memory_space<hbm>> -> memref<64x384xf32, #tpu.memory_space<hbm>>
        %dma_wait3A_336 = arith.constant 0 : i32
        %dma_wait3A_337 = tpu.memref_slice %arg4[%select_n3A, %mul3A_34, %dma_wait3A_336] : memref<4x16384x384xf32, #tpu.memory_space<hbm>> -> memref<1x64x384xf32, #tpu.memory_space<hbm>>
        %dma_wait3A_338 = tpu.memref_squeeze %dma_wait3A_337 : memref<1x64x384xf32, #tpu.memory_space<hbm>> -> memref<64x384xf32, #tpu.memory_space<hbm>>
        tpu.wait_dma2 semaphore(%arg9 : memref<!tpu.dma_semaphore, #tpu.memory_space<semaphore_mem>>) src(%arg7 : memref<64x384xf32, #tpu.memory_space<vmem>>) dst(%dma_wait3A_338 : memref<64x384xf32, #tpu.memory_space<hbm>>)
      } else {
      }
      %mul3A_60 = arith.constant 64 : i32
      %mul3A_61 = arith.muli %add3A_57, %mul3A_60 : i32
      %add3A_62 = arith.constant 0 : i32
      %add3A_63 = arith.addi %mul3A_61, %add3A_62 : i32
      %mul3A_64 = arith.constant 3 : i32
      %mul3A_65 = arith.muli %add3A_63, %mul3A_64 : i32
      %get3A = arith.index_cast %mul3A_65 : i32 to index
      %get3A_66 = tpu.vector_load %arg5[%get3A] {strides = array<i32>} : memref<6160xi32, #tpu.memory_space<vmem>>, vector<16xi32>,
      %slice3A = vector.extract_strided_slice %get3A_66 {offsets = [0], sizes = [1], strides = [1]} : vector<16xi32> to vector<1xi32>
      %squeeze3A = vector.extract %slice3A[0] : i32 from vector<1xi32>
      %jit3A_67 = arith.constant 0 : i32
      %jit3A_68 = arith.constant 63 : i32
      %max3A = arith.maxsi %jit3A_67, %squeeze3A : i32
      %min3A = arith.minsi %jit3A_68, %max3A : i32
      %mul3A_69 = arith.constant 192 : i32
      %mul3A_70 = arith.muli %min3A, %mul3A_69 : i32
      %slice3A_71 = vector.extract_strided_slice %get3A_66 {offsets = [1], sizes = [1], strides = [1]} : vector<16xi32> to vector<1xi32>
      %squeeze3A_72 = vector.extract %slice3A_71[0] : i32 from vector<1xi32>
      %jit3A_73 = arith.constant 0 : i32
      %jit3A_74 = arith.constant 63 : i32
      %max3A_75 = arith.maxsi %jit3A_73, %squeeze3A_72 : i32
      %min3A_76 = arith.minsi %jit3A_74, %max3A_75 : i32
      %add3A_77 = arith.constant 64 : i32
      %add3A_78 = arith.addi %min3A_76, %add3A_77 : i32
      %mul3A_79 = arith.constant 192 : i32
      %mul3A_80 = arith.muli %add3A_78, %mul3A_79 : i32
      %slice3A_81 = vector.extract_strided_slice %get3A_66 {offsets = [2], sizes = [1], strides = [1]} : vector<16xi32> to vector<1xi32>
      %squeeze3A_82 = vector.extract %slice3A_81[0] : i32 from vector<1xi32>
      %jit3A_83 = arith.constant 0 : i32
      %jit3A_84 = arith.constant 63 : i32
      %max3A_85 = arith.maxsi %jit3A_83, %squeeze3A_82 : i32
      %min3A_86 = arith.minsi %jit3A_84, %max3A_85 : i32
      %add3A_87 = arith.constant 128 : i32
      %add3A_88 = arith.addi %min3A_86, %add3A_87 : i32
      %mul3A_89 = arith.constant 192 : i32
      %mul3A_90 = arith.muli %add3A_88, %mul3A_89 : i32
      %slice3A_91 = vector.extract_strided_slice %get3A_66 {offsets = [3], sizes = [1], strides = [1]} : vector<16xi32> to vector<1xi32>
      %squeeze3A_92 = vector.extract %slice3A_91[0] : i32 from vector<1xi32>
      %jit3A_93 = arith.constant 0 : i32
      %jit3A_94 = arith.constant 63 : i32
      %max3A_95 = arith.maxsi %jit3A_93, %squeeze3A_92 : i32
      %min3A_96 = arith.minsi %jit3A_94, %max3A_95 : i32
      %mul3A_97 = arith.constant 192 : i32
      %mul3A_98 = arith.muli %min3A_96, %mul3A_97 : i32
      %slice3A_99 = vector.extract_strided_slice %get3A_66 {offsets = [4], sizes = [1], strides = [1]} : vector<16xi32> to vector<1xi32>
      %squeeze3A_100 = vector.extract %slice3A_99[0] : i32 from vector<1xi32>
      %jit3A_101 = arith.constant 0 : i32
      %jit3A_102 = arith.constant 63 : i32
      %max3A_103 = arith.maxsi %jit3A_101, %squeeze3A_100 : i32
      %min3A_104 = arith.minsi %jit3A_102, %max3A_103 : i32
      %add3A_105 = arith.constant 64 : i32
      %add3A_106 = arith.addi %min3A_104, %add3A_105 : i32
      %mul3A_107 = arith.constant 192 : i32
      %mul3A_108 = arith.muli %add3A_106, %mul3A_107 : i32
      %slice3A_109 = vector.extract_strided_slice %get3A_66 {offsets = [5], sizes = [1], strides = [1]} : vector<16xi32> to vector<1xi32>
      %squeeze3A_110 = vector.extract %slice3A_109[0] : i32 from vector<1xi32>
      %jit3A_111 = arith.constant 0 : i32
      %jit3A_112 = arith.constant 63 : i32
      %max3A_113 = arith.maxsi %jit3A_111, %squeeze3A_110 : i32
      %min3A_114 = arith.minsi %jit3A_112, %max3A_113 : i32
      %add3A_115 = arith.constant 128 : i32
      %add3A_116 = arith.addi %min3A_114, %add3A_115 : i32
      %mul3A_117 = arith.constant 192 : i32
      %mul3A_118 = arith.muli %add3A_116, %mul3A_117 : i32
      %slice3A_119 = vector.extract_strided_slice %get3A_66 {offsets = [6], sizes = [1], strides = [1]} : vector<16xi32> to vector<1xi32>
      %squeeze3A_120 = vector.extract %slice3A_119[0] : i32 from vector<1xi32>
      %jit3A_121 = arith.constant 0 : i32
      %jit3A_122 = arith.constant 63 : i32
      %max3A_123 = arith.maxsi %jit3A_121, %squeeze3A_120 : i32
      %min3A_124 = arith.minsi %jit3A_122, %max3A_123 : i32
      %mul3A_125 = arith.constant 192 : i32
      %mul3A_126 = arith.muli %min3A_124, %mul3A_125 : i32
      %slice3A_127 = vector.extract_strided_slice %get3A_66 {offsets = [7], sizes = [1], strides = [1]} : vector<16xi32> to vector<1xi32>
      %squeeze3A_128 = vector.extract %slice3A_127[0] : i32 from vector<1xi32>
      %jit3A_129 = arith.constant 0 : i32
      %jit3A_130 = arith.constant 63 : i32
      %max3A_131 = arith.maxsi %jit3A_129, %squeeze3A_128 : i32
      %min3A_132 = arith.minsi %jit3A_130, %max3A_131 : i32
      %add3A_133 = arith.constant 64 : i32
      %add3A_134 = arith.addi %min3A_132, %add3A_133 : i32
      %mul3A_135 = arith.constant 192 : i32
      %mul3A_136 = arith.muli %add3A_134, %mul3A_135 : i32
      %slice3A_137 = vector.extract_strided_slice %get3A_66 {offsets = [8], sizes = [1], strides = [1]} : vector<16xi32> to vector<1xi32>
      %squeeze3A_138 = vector.extract %slice3A_137[0] : i32 from vector<1xi32>
      %jit3A_139 = arith.constant 0 : i32
      %jit3A_140 = arith.constant 63 : i32
      %max3A_141 = arith.maxsi %jit3A_139, %squeeze3A_138 : i32
      %min3A_142 = arith.minsi %jit3A_140, %max3A_141 : i32
      %add3A_143 = arith.constant 128 : i32
      %add3A_144 = arith.addi %min3A_142, %add3A_143 : i32
      %mul3A_145 = arith.constant 192 : i32
      %mul3A_146 = arith.muli %add3A_144, %mul3A_145 : i32
      %slice3A_147 = vector.extract_strided_slice %get3A_66 {offsets = [9], sizes = [1], strides = [1]} : vector<16xi32> to vector<1xi32>
      %squeeze3A_148 = vector.extract %slice3A_147[0] : i32 from vector<1xi32>
      %jit3A_149 = arith.constant 0 : i32
      %jit3A_150 = arith.constant 63 : i32
      %max3A_151 = arith.maxsi %jit3A_149, %squeeze3A_148 : i32
      %min3A_152 = arith.minsi %jit3A_150, %max3A_151 : i32
      %mul3A_153 = arith.constant 192 : i32
      %mul3A_154 = arith.muli %min3A_152, %mul3A_153 : i32
      %slice3A_155 = vector.extract_strided_slice %get3A_66 {offsets = [10], sizes = [1], strides = [1]} : vector<16xi32> to vector<1xi32>
      %squeeze3A_156 = vector.extract %slice3A_155[0] : i32 from vector<1xi32>
      %jit3A_157 = arith.constant 0 : i32
      %jit3A_158 = arith.constant 63 : i32
      %max3A_159 = arith.maxsi %jit3A_157, %squeeze3A_156 : i32
      %min3A_160 = arith.minsi %jit3A_158, %max3A_159 : i32
      %add3A_161 = arith.constant 64 : i32
      %add3A_162 = arith.addi %min3A_160, %add3A_161 : i32
      %mul3A_163 = arith.constant 192 : i32
      %mul3A_164 = arith.muli %add3A_162, %mul3A_163 : i32
      %slice3A_165 = vector.extract_strided_slice %get3A_66 {offsets = [11], sizes = [1], strides = [1]} : vector<16xi32> to vector<1xi32>
      %squeeze3A_166 = vector.extract %slice3A_165[0] : i32 from vector<1xi32>
      %jit3A_167 = arith.constant 0 : i32
      %jit3A_168 = arith.constant 63 : i32
      %max3A_169 = arith.maxsi %jit3A_167, %squeeze3A_166 : i32
      %min3A_170 = arith.minsi %jit3A_168, %max3A_169 : i32
      %add3A_171 = arith.constant 128 : i32
      %add3A_172 = arith.addi %min3A_170, %add3A_171 : i32
      %mul3A_173 = arith.constant 192 : i32
      %mul3A_174 = arith.muli %add3A_172, %mul3A_173 : i32
      %scan3A_175 = arith.constant 0 : i32
      %scan3A_176 = arith.constant 16 : i32
      %scan3A_177 = arith.addi %scan3A_175, %scan3A_176 : i32
      %scan3A_178 = arith.constant 1 : i32
      %scan3A_179:12 = scf.for %scan3A_333 = %scan3A_175 to %scan3A_177 step %scan3A_178 iter_args(%scan3A_334 = %mul3A_70, %scan3A_335 = %mul3A_80, %scan3A_336 = %mul3A_90, %scan3A_337 = %mul3A_98, %scan3A_338 = %mul3A_108, %scan3A_339 = %mul3A_118, %scan3A_340 = %mul3A_126, %scan3A_341 = %mul3A_136, %scan3A_342 = %mul3A_146, %scan3A_343 = %mul3A_154, %scan3A_344 = %mul3A_164, %scan3A_345 = %mul3A_174) -> (i32, i32, i32, i32, i32, i32, i32, i32, i32, i32, i32, i32)  : i32 {
        %add3A_346 = arith.constant 1 : i32
        %add3A_347 = arith.addi %scan3A_333, %add3A_346 : i32
        %mul3A_348 = arith.constant 64 : i32
        %mul3A_349 = arith.muli %add3A_57, %mul3A_348 : i32
        %mul3A_350 = arith.constant 4 : i32
        %mul3A_351 = arith.muli %mul3A_350, %add3A_347 : i32
        %add3A_352 = arith.addi %mul3A_349, %mul3A_351 : i32
        %mul3A_353 = arith.constant 3 : i32
        %mul3A_354 = arith.muli %add3A_352, %mul3A_353 : i32
        %get3A_355 = arith.index_cast %mul3A_354 : i32 to index
        %get3A_356 = tpu.vector_load %arg5[%get3A_355] {strides = array<i32>} : memref<6160xi32, #tpu.memory_space<vmem>>, vector<16xi32>,
        %slice3A_357 = vector.extract_strided_slice %get3A_356 {offsets = [0], sizes = [1], strides = [1]} : vector<16xi32> to vector<1xi32>
        %squeeze3A_358 = vector.extract %slice3A_357[0] : i32 from vector<1xi32>
        %jit3A_359 = arith.constant 0 : i32
        %jit3A_360 = arith.constant 63 : i32
        %max3A_361 = arith.maxsi %jit3A_359, %squeeze3A_358 : i32
        %min3A_362 = arith.minsi %jit3A_360, %max3A_361 : i32
        %mul3A_363 = arith.constant 192 : i32
        %mul3A_364 = arith.muli %min3A_362, %mul3A_363 : i32
        %slice3A_365 = vector.extract_strided_slice %get3A_356 {offsets = [1], sizes = [1], strides = [1]} : vector<16xi32> to vector<1xi32>
        %squeeze3A_366 = vector.extract %slice3A_365[0] : i32 from vector<1xi32>
        %jit3A_367 = arith.constant 0 : i32
        %jit3A_368 = arith.constant 63 : i32
        %max3A_369 = arith.maxsi %jit3A_367, %squeeze3A_366 : i32
        %min3A_370 = arith.minsi %jit3A_368, %max3A_369 : i32
        %add3A_371 = arith.constant 64 : i32
        %add3A_372 = arith.addi %min3A_370, %add3A_371 : i32
        %mul3A_373 = arith.constant 192 : i32
        %mul3A_374 = arith.muli %add3A_372, %mul3A_373 : i32
        %slice3A_375 = vector.extract_strided_slice %get3A_356 {offsets = [2], sizes = [1], strides = [1]} : vector<16xi32> to vector<1xi32>
        %squeeze3A_376 = vector.extract %slice3A_375[0] : i32 from vector<1xi32>
        %jit3A_377 = arith.constant 0 : i32
        %jit3A_378 = arith.constant 63 : i32
        %max3A_379 = arith.maxsi %jit3A_377, %squeeze3A_376 : i32
        %min3A_380 = arith.minsi %jit3A_378, %max3A_379 : i32
        %add3A_381 = arith.constant 128 : i32
        %add3A_382 = arith.addi %min3A_380, %add3A_381 : i32
        %mul3A_383 = arith.constant 192 : i32
        %mul3A_384 = arith.muli %add3A_382, %mul3A_383 : i32
        %slice3A_385 = vector.extract_strided_slice %get3A_356 {offsets = [3], sizes = [1], strides = [1]} : vector<16xi32> to vector<1xi32>
        %squeeze3A_386 = vector.extract %slice3A_385[0] : i32 from vector<1xi32>
        %jit3A_387 = arith.constant 0 : i32
        %jit3A_388 = arith.constant 63 : i32
        %max3A_389 = arith.maxsi %jit3A_387, %squeeze3A_386 : i32
        %min3A_390 = arith.minsi %jit3A_388, %max3A_389 : i32
        %mul3A_391 = arith.constant 192 : i32
        %mul3A_392 = arith.muli %min3A_390, %mul3A_391 : i32
        %slice3A_393 = vector.extract_strided_slice %get3A_356 {offsets = [4], sizes = [1], strides = [1]} : vector<16xi32> to vector<1xi32>
        %squeeze3A_394 = vector.extract %slice3A_393[0] : i32 from vector<1xi32>
        %jit3A_395 = arith.constant 0 : i32
        %jit3A_396 = arith.constant 63 : i32
        %max3A_397 = arith.maxsi %jit3A_395, %squeeze3A_394 : i32
        %min3A_398 = arith.minsi %jit3A_396, %max3A_397 : i32
        %add3A_399 = arith.constant 64 : i32
        %add3A_400 = arith.addi %min3A_398, %add3A_399 : i32
        %mul3A_401 = arith.constant 192 : i32
        %mul3A_402 = arith.muli %add3A_400, %mul3A_401 : i32
        %slice3A_403 = vector.extract_strided_slice %get3A_356 {offsets = [5], sizes = [1], strides = [1]} : vector<16xi32> to vector<1xi32>
        %squeeze3A_404 = vector.extract %slice3A_403[0] : i32 from vector<1xi32>
        %jit3A_405 = arith.constant 0 : i32
        %jit3A_406 = arith.constant 63 : i32
        %max3A_407 = arith.maxsi %jit3A_405, %squeeze3A_404 : i32
        %min3A_408 = arith.minsi %jit3A_406, %max3A_407 : i32
        %add3A_409 = arith.constant 128 : i32
        %add3A_410 = arith.addi %min3A_408, %add3A_409 : i32
        %mul3A_411 = arith.constant 192 : i32
        %mul3A_412 = arith.muli %add3A_410, %mul3A_411 : i32
        %slice3A_413 = vector.extract_strided_slice %get3A_356 {offsets = [6], sizes = [1], strides = [1]} : vector<16xi32> to vector<1xi32>
        %squeeze3A_414 = vector.extract %slice3A_413[0] : i32 from vector<1xi32>
        %jit3A_415 = arith.constant 0 : i32
        %jit3A_416 = arith.constant 63 : i32
        %max3A_417 = arith.maxsi %jit3A_415, %squeeze3A_414 : i32
        %min3A_418 = arith.minsi %jit3A_416, %max3A_417 : i32
        %mul3A_419 = arith.constant 192 : i32
        %mul3A_420 = arith.muli %min3A_418, %mul3A_419 : i32
        %slice3A_421 = vector.extract_strided_slice %get3A_356 {offsets = [7], sizes = [1], strides = [1]} : vector<16xi32> to vector<1xi32>
        %squeeze3A_422 = vector.extract %slice3A_421[0] : i32 from vector<1xi32>
        %jit3A_423 = arith.constant 0 : i32
        %jit3A_424 = arith.constant 63 : i32
        %max3A_425 = arith.maxsi %jit3A_423, %squeeze3A_422 : i32
        %min3A_426 = arith.minsi %jit3A_424, %max3A_425 : i32
        %add3A_427 = arith.constant 64 : i32
        %add3A_428 = arith.addi %min3A_426, %add3A_427 : i32
        %mul3A_429 = arith.constant 192 : i32
        %mul3A_430 = arith.muli %add3A_428, %mul3A_429 : i32
        %slice3A_431 = vector.extract_strided_slice %get3A_356 {offsets = [8], sizes = [1], strides = [1]} : vector<16xi32> to vector<1xi32>
        %squeeze3A_432 = vector.extract %slice3A_431[0] : i32 from vector<1xi32>
        %jit3A_433 = arith.constant 0 : i32
        %jit3A_434 = arith.constant 63 : i32
        %max3A_435 = arith.maxsi %jit3A_433, %squeeze3A_432 : i32
        %min3A_436 = arith.minsi %jit3A_434, %max3A_435 : i32
        %add3A_437 = arith.constant 128 : i32
        %add3A_438 = arith.addi %min3A_436, %add3A_437 : i32
        %mul3A_439 = arith.constant 192 : i32
        %mul3A_440 = arith.muli %add3A_438, %mul3A_439 : i32
        %slice3A_441 = vector.extract_strided_slice %get3A_356 {offsets = [9], sizes = [1], strides = [1]} : vector<16xi32> to vector<1xi32>
        %squeeze3A_442 = vector.extract %slice3A_441[0] : i32 from vector<1xi32>
        %jit3A_443 = arith.constant 0 : i32
        %jit3A_444 = arith.constant 63 : i32
        %max3A_445 = arith.maxsi %jit3A_443, %squeeze3A_442 : i32
        %min3A_446 = arith.minsi %jit3A_444, %max3A_445 : i32
        %mul3A_447 = arith.constant 192 : i32
        %mul3A_448 = arith.muli %min3A_446, %mul3A_447 : i32
        %slice3A_449 = vector.extract_strided_slice %get3A_356 {offsets = [10], sizes = [1], strides = [1]} : vector<16xi32> to vector<1xi32>
        %squeeze3A_450 = vector.extract %slice3A_449[0] : i32 from vector<1xi32>
        %jit3A_451 = arith.constant 0 : i32
        %jit3A_452 = arith.constant 63 : i32
        %max3A_453 = arith.maxsi %jit3A_451, %squeeze3A_450 : i32
        %min3A_454 = arith.minsi %jit3A_452, %max3A_453 : i32
        %add3A_455 = arith.constant 64 : i32
        %add3A_456 = arith.addi %min3A_454, %add3A_455 : i32
        %mul3A_457 = arith.constant 192 : i32
        %mul3A_458 = arith.muli %add3A_456, %mul3A_457 : i32
        %slice3A_459 = vector.extract_strided_slice %get3A_356 {offsets = [11], sizes = [1], strides = [1]} : vector<16xi32> to vector<1xi32>
        %squeeze3A_460 = vector.extract %slice3A_459[0] : i32 from vector<1xi32>
        %jit3A_461 = arith.constant 0 : i32
        %jit3A_462 = arith.constant 63 : i32
        %max3A_463 = arith.maxsi %jit3A_461, %squeeze3A_460 : i32
        %min3A_464 = arith.minsi %jit3A_462, %max3A_463 : i32
        %add3A_465 = arith.constant 128 : i32
        %add3A_466 = arith.addi %min3A_464, %add3A_465 : i32
        %mul3A_467 = arith.constant 192 : i32
        %mul3A_468 = arith.muli %add3A_466, %mul3A_467 : i32
        %mul3A_469 = arith.constant 4 : i32
        %mul3A_470 = arith.muli %mul3A_469, %scan3A_333 : i32
        %add3A_471 = arith.constant 0 : i32
        %add3A_472 = arith.addi %mul3A_470, %add3A_471 : i32
        %add3A_473 = arith.constant 0 : i32
        %add3A_474 = arith.addi %scan3A_334, %add3A_473 : i32
        %get3A_475 = arith.index_cast %add3A_474 : i32 to index
        %get3A_476 = tpu.vector_load %arg6[%get3A_475] {strides = array<i32>} : memref<36864xi32, #tpu.memory_space<vmem>>, vector<16xi32>,
        %add3A_477 = arith.constant 0 : i32
        %add3A_478 = arith.addi %scan3A_335, %add3A_477 : i32
        %get3A_479 = arith.index_cast %add3A_478 : i32 to index
        %get3A_480 = tpu.vector_load %arg6[%get3A_479] {strides = array<i32>} : memref<36864xi32, #tpu.memory_space<vmem>>, vector<16xi32>,
        %add3A_481 = arith.constant 0 : i32
        %add3A_482 = arith.addi %scan3A_336, %add3A_481 : i32
        %get3A_483 = arith.index_cast %add3A_482 : i32 to index
        %get3A_484 = tpu.vector_load %arg6[%get3A_483] {strides = array<i32>} : memref<36864xi32, #tpu.memory_space<vmem>>, vector<16xi32>,
        %add3A_485 = arith.constant 16 : i32
        %add3A_486 = arith.addi %scan3A_334, %add3A_485 : i32
        %get3A_487 = arith.index_cast %add3A_486 : i32 to index
        %get3A_488 = tpu.vector_load %arg6[%get3A_487] {strides = array<i32>} : memref<36864xi32, #tpu.memory_space<vmem>>, vector<16xi32>,
        %add3A_489 = arith.constant 16 : i32
        %add3A_490 = arith.addi %scan3A_335, %add3A_489 : i32
        %get3A_491 = arith.index_cast %add3A_490 : i32 to index
        %get3A_492 = tpu.vector_load %arg6[%get3A_491] {strides = array<i32>} : memref<36864xi32, #tpu.memory_space<vmem>>, vector<16xi32>,
        %add3A_493 = arith.constant 16 : i32
        %add3A_494 = arith.addi %scan3A_336, %add3A_493 : i32
        %get3A_495 = arith.index_cast %add3A_494 : i32 to index
        %get3A_496 = tpu.vector_load %arg6[%get3A_495] {strides = array<i32>} : memref<36864xi32, #tpu.memory_space<vmem>>, vector<16xi32>,
        %add3A_497 = arith.constant 32 : i32
        %add3A_498 = arith.addi %scan3A_334, %add3A_497 : i32
        %get3A_499 = arith.index_cast %add3A_498 : i32 to index
        %get3A_500 = tpu.vector_load %arg6[%get3A_499] {strides = array<i32>} : memref<36864xi32, #tpu.memory_space<vmem>>, vector<16xi32>,
        %add3A_501 = arith.constant 32 : i32
        %add3A_502 = arith.addi %scan3A_335, %add3A_501 : i32
        %get3A_503 = arith.index_cast %add3A_502 : i32 to index
        %get3A_504 = tpu.vector_load %arg6[%get3A_503] {strides = array<i32>} : memref<36864xi32, #tpu.memory_space<vmem>>, vector<16xi32>,
        %add3A_505 = arith.constant 32 : i32
        %add3A_506 = arith.addi %scan3A_336, %add3A_505 : i32
        %get3A_507 = arith.index_cast %add3A_506 : i32 to index
        %get3A_508 = tpu.vector_load %arg6[%get3A_507] {strides = array<i32>} : memref<36864xi32, #tpu.memory_space<vmem>>, vector<16xi32>,
        %bitcast3A = vector.bitcast %get3A_476 : vector<16xi32> to vector<32xbf16>
        %bitcast3A_509 = vector.bitcast %get3A_480 : vector<16xi32> to vector<32xbf16>
        %add3A_510 = arith.addf %bitcast3A, %bitcast3A_509 : vector<32xbf16>
        %bitcast3A_511 = vector.bitcast %get3A_484 : vector<16xi32> to vector<32xbf16>
        %add3A_512 = arith.addf %add3A_510, %bitcast3A_511 : vector<32xbf16>
        %unpack3A = tpu.unpack_subelements %add3A_512, 0 {pack_format = #tpu.pack_format<interleaved>} : vector<32xbf16> -> vector<16xf32>
        %unpack3A_513 = tpu.unpack_subelements %add3A_512, 1 {pack_format = #tpu.pack_format<interleaved>} : vector<32xbf16> -> vector<16xf32>
        %swap3A = arith.index_cast %add3A_472 : i32 to index
        %swap3A_514 = arith.constant 0 : index
        %swap3A_515 = tpu.vector_load %arg7[%swap3A, %swap3A_514] {strides = array<i32>} : memref<64x384xf32, #tpu.memory_space<vmem>>, vector<16xf32>,
        tpu.vector_store %arg7[%swap3A, %swap3A_514], %unpack3A {strides = array<i32>} : memref<64x384xf32, #tpu.memory_space<vmem>>, vector<16xf32>,
        %swap3A_516 = arith.index_cast %add3A_472 : i32 to index
        %swap3A_517 = arith.constant 16 : index
        %swap3A_518 = tpu.vector_load %arg7[%swap3A_516, %swap3A_517] {strides = array<i32>} : memref<64x384xf32, #tpu.memory_space<vmem>>, vector<16xf32>,
        tpu.vector_store %arg7[%swap3A_516, %swap3A_517], %unpack3A_513 {strides = array<i32>} : memref<64x384xf32, #tpu.memory_space<vmem>>, vector<16xf32>,
        %add3A_519 = arith.constant 48 : i32
        %add3A_520 = arith.addi %scan3A_334, %add3A_519 : i32
        %get3A_521 = arith.index_cast %add3A_520 : i32 to index
        %get3A_522 = tpu.vector_load %arg6[%get3A_521] {strides = array<i32>} : memref<36864xi32, #tpu.memory_space<vmem>>, vector<16xi32>,
        %add3A_523 = arith.constant 48 : i32
        %add3A_524 = arith.addi %scan3A_335, %add3A_523 : i32
        %get3A_525 = arith.index_cast %add3A_524 : i32 to index
        %get3A_526 = tpu.vector_load %arg6[%get3A_525] {strides = array<i32>} : memref<36864xi32, #tpu.memory_space<vmem>>, vector<16xi32>,
        %add3A_527 = arith.constant 48 : i32
        %add3A_528 = arith.addi %scan3A_336, %add3A_527 : i32
        %get3A_529 = arith.index_cast %add3A_528 : i32 to index
        %get3A_530 = tpu.vector_load %arg6[%get3A_529] {strides = array<i32>} : memref<36864xi32, #tpu.memory_space<vmem>>, vector<16xi32>,
        %bitcast3A_531 = vector.bitcast %get3A_488 : vector<16xi32> to vector<32xbf16>
        %bitcast3A_532 = vector.bitcast %get3A_492 : vector<16xi32> to vector<32xbf16>
        %add3A_533 = arith.addf %bitcast3A_531, %bitcast3A_532 : vector<32xbf16>
        %bitcast3A_534 = vector.bitcast %get3A_496 : vector<16xi32> to vector<32xbf16>
        %add3A_535 = arith.addf %add3A_533, %bitcast3A_534 : vector<32xbf16>
        %unpack3A_536 = tpu.unpack_subelements %add3A_535, 0 {pack_format = #tpu.pack_format<interleaved>} : vector<32xbf16> -> vector<16xf32>
        %unpack3A_537 = tpu.unpack_subelements %add3A_535, 1 {pack_format = #tpu.pack_format<interleaved>} : vector<32xbf16> -> vector<16xf32>
        %swap3A_538 = arith.index_cast %add3A_472 : i32 to index
        %swap3A_539 = arith.constant 32 : index
        %swap3A_540 = tpu.vector_load %arg7[%swap3A_538, %swap3A_539] {strides = array<i32>} : memref<64x384xf32, #tpu.memory_space<vmem>>, vector<16xf32>,
        tpu.vector_store %arg7[%swap3A_538, %swap3A_539], %unpack3A_536 {strides = array<i32>} : memref<64x384xf32, #tpu.memory_space<vmem>>, vector<16xf32>,
        %swap3A_541 = arith.index_cast %add3A_472 : i32 to index
        %swap3A_542 = arith.constant 48 : index
        %swap3A_543 = tpu.vector_load %arg7[%swap3A_541, %swap3A_542] {strides = array<i32>} : memref<64x384xf32, #tpu.memory_space<vmem>>, vector<16xf32>,
        tpu.vector_store %arg7[%swap3A_541, %swap3A_542], %unpack3A_537 {strides = array<i32>} : memref<64x384xf32, #tpu.memory_space<vmem>>, vector<16xf32>,
        %add3A_544 = arith.constant 64 : i32
        %add3A_545 = arith.addi %scan3A_334, %add3A_544 : i32
        %get3A_546 = arith.index_cast %add3A_545 : i32 to index
        %get3A_547 = tpu.vector_load %arg6[%get3A_546] {strides = array<i32>} : memref<36864xi32, #tpu.memory_space<vmem>>, vector<16xi32>,
        %add3A_548 = arith.constant 64 : i32
        %add3A_549 = arith.addi %scan3A_335, %add3A_548 : i32
        %get3A_550 = arith.index_cast %add3A_549 : i32 to index
        %get3A_551 = tpu.vector_load %arg6[%get3A_550] {strides = array<i32>} : memref<36864xi32, #tpu.memory_space<vmem>>, vector<16xi32>,
        %add3A_552 = arith.constant 64 : i32
        %add3A_553 = arith.addi %scan3A_336, %add3A_552 : i32
        %get3A_554 = arith.index_cast %add3A_553 : i32 to index
        %get3A_555 = tpu.vector_load %arg6[%get3A_554] {strides = array<i32>} : memref<36864xi32, #tpu.memory_space<vmem>>, vector<16xi32>,
        %bitcast3A_556 = vector.bitcast %get3A_500 : vector<16xi32> to vector<32xbf16>
        %bitcast3A_557 = vector.bitcast %get3A_504 : vector<16xi32> to vector<32xbf16>
        %add3A_558 = arith.addf %bitcast3A_556, %bitcast3A_557 : vector<32xbf16>
        %bitcast3A_559 = vector.bitcast %get3A_508 : vector<16xi32> to vector<32xbf16>
        %add3A_560 = arith.addf %add3A_558, %bitcast3A_559 : vector<32xbf16>
        %unpack3A_561 = tpu.unpack_subelements %add3A_560, 0 {pack_format = #tpu.pack_format<interleaved>} : vector<32xbf16> -> vector<16xf32>
        %unpack3A_562 = tpu.unpack_subelements %add3A_560, 1 {pack_format = #tpu.pack_format<interleaved>} : vector<32xbf16> -> vector<16xf32>
        %swap3A_563 = arith.index_cast %add3A_472 : i32 to index
        %swap3A_564 = arith.constant 64 : index
        %swap3A_565 = tpu.vector_load %arg7[%swap3A_563, %swap3A_564] {strides = array<i32>} : memref<64x384xf32, #tpu.memory_space<vmem>>, vector<16xf32>,
        tpu.vector_store %arg7[%swap3A_563, %swap3A_564], %unpack3A_561 {strides = array<i32>} : memref<64x384xf32, #tpu.memory_space<vmem>>, vector<16xf32>,
        %swap3A_566 = arith.index_cast %add3A_472 : i32 to index
        %swap3A_567 = arith.constant 80 : index
        %swap3A_568 = tpu.vector_load %arg7[%swap3A_566, %swap3A_567] {strides = array<i32>} : memref<64x384xf32, #tpu.memory_space<vmem>>, vector<16xf32>,
        tpu.vector_store %arg7[%swap3A_566, %swap3A_567], %unpack3A_562 {strides = array<i32>} : memref<64x384xf32, #tpu.memory_space<vmem>>, vector<16xf32>,
        %add3A_569 = arith.constant 80 : i32
        %add3A_570 = arith.addi %scan3A_334, %add3A_569 : i32
        %get3A_571 = arith.index_cast %add3A_570 : i32 to index
        %get3A_572 = tpu.vector_load %arg6[%get3A_571] {strides = array<i32>} : memref<36864xi32, #tpu.memory_space<vmem>>, vector<16xi32>,
        %add3A_573 = arith.constant 80 : i32
        %add3A_574 = arith.addi %scan3A_335, %add3A_573 : i32
        %get3A_575 = arith.index_cast %add3A_574 : i32 to index
        %get3A_576 = tpu.vector_load %arg6[%get3A_575] {strides = array<i32>} : memref<36864xi32, #tpu.memory_space<vmem>>, vector<16xi32>,
        %add3A_577 = arith.constant 80 : i32
        %add3A_578 = arith.addi %scan3A_336, %add3A_577 : i32
        %get3A_579 = arith.index_cast %add3A_578 : i32 to index
        %get3A_580 = tpu.vector_load %arg6[%get3A_579] {strides = array<i32>} : memref<36864xi32, #tpu.memory_space<vmem>>, vector<16xi32>,
        %bitcast3A_581 = vector.bitcast %get3A_522 : vector<16xi32> to vector<32xbf16>
        %bitcast3A_582 = vector.bitcast %get3A_526 : vector<16xi32> to vector<32xbf16>
        %add3A_583 = arith.addf %bitcast3A_581, %bitcast3A_582 : vector<32xbf16>
        %bitcast3A_584 = vector.bitcast %get3A_530 : vector<16xi32> to vector<32xbf16>
        %add3A_585 = arith.addf %add3A_583, %bitcast3A_584 : vector<32xbf16>
        %unpack3A_586 = tpu.unpack_subelements %add3A_585, 0 {pack_format = #tpu.pack_format<interleaved>} : vector<32xbf16> -> vector<16xf32>
        %unpack3A_587 = tpu.unpack_subelements %add3A_585, 1 {pack_format = #tpu.pack_format<interleaved>} : vector<32xbf16> -> vector<16xf32>
        %swap3A_588 = arith.index_cast %add3A_472 : i32 to index
        %swap3A_589 = arith.constant 96 : index
        %swap3A_590 = tpu.vector_load %arg7[%swap3A_588, %swap3A_589] {strides = array<i32>} : memref<64x384xf32, #tpu.memory_space<vmem>>, vector<16xf32>,
        tpu.vector_store %arg7[%swap3A_588, %swap3A_589], %unpack3A_586 {strides = array<i32>} : memref<64x384xf32, #tpu.memory_space<vmem>>, vector<16xf32>,
        %swap3A_591 = arith.index_cast %add3A_472 : i32 to index
        %swap3A_592 = arith.constant 112 : index
        %swap3A_593 = tpu.vector_load %arg7[%swap3A_591, %swap3A_592] {strides = array<i32>} : memref<64x384xf32, #tpu.memory_space<vmem>>, vector<16xf32>,
        tpu.vector_store %arg7[%swap3A_591, %swap3A_592], %unpack3A_587 {strides = array<i32>} : memref<64x384xf32, #tpu.memory_space<vmem>>, vector<16xf32>,
        %add3A_594 = arith.constant 96 : i32
        %add3A_595 = arith.addi %scan3A_334, %add3A_594 : i32
        %get3A_596 = arith.index_cast %add3A_595 : i32 to index
        %get3A_597 = tpu.vector_load %arg6[%get3A_596] {strides = array<i32>} : memref<36864xi32, #tpu.memory_space<vmem>>, vector<16xi32>,
        %add3A_598 = arith.constant 96 : i32
        %add3A_599 = arith.addi %scan3A_335, %add3A_598 : i32
        %get3A_600 = arith.index_cast %add3A_599 : i32 to index
        %get3A_601 = tpu.vector_load %arg6[%get3A_600] {strides = array<i32>} : memref<36864xi32, #tpu.memory_space<vmem>>, vector<16xi32>,
        %add3A_602 = arith.constant 96 : i32
        %add3A_603 = arith.addi %scan3A_336, %add3A_602 : i32
        %get3A_604 = arith.index_cast %add3A_603 : i32 to index
        %get3A_605 = tpu.vector_load %arg6[%get3A_604] {strides = array<i32>} : memref<36864xi32, #tpu.memory_space<vmem>>, vector<16xi32>,
        %bitcast3A_606 = vector.bitcast %get3A_547 : vector<16xi32> to vector<32xbf16>
        %bitcast3A_607 = vector.bitcast %get3A_551 : vector<16xi32> to vector<32xbf16>
        %add3A_608 = arith.addf %bitcast3A_606, %bitcast3A_607 : vector<32xbf16>
        %bitcast3A_609 = vector.bitcast %get3A_555 : vector<16xi32> to vector<32xbf16>
        %add3A_610 = arith.addf %add3A_608, %bitcast3A_609 : vector<32xbf16>
        %unpack3A_611 = tpu.unpack_subelements %add3A_610, 0 {pack_format = #tpu.pack_format<interleaved>} : vector<32xbf16> -> vector<16xf32>
        %unpack3A_612 = tpu.unpack_subelements %add3A_610, 1 {pack_format = #tpu.pack_format<interleaved>} : vector<32xbf16> -> vector<16xf32>
        %swap3A_613 = arith.index_cast %add3A_472 : i32 to index
        %swap3A_614 = arith.constant 128 : index
        %swap3A_615 = tpu.vector_load %arg7[%swap3A_613, %swap3A_614] {strides = array<i32>} : memref<64x384xf32, #tpu.memory_space<vmem>>, vector<16xf32>,
        tpu.vector_store %arg7[%swap3A_613, %swap3A_614], %unpack3A_611 {strides = array<i32>} : memref<64x384xf32, #tpu.memory_space<vmem>>, vector<16xf32>,
        %swap3A_616 = arith.index_cast %add3A_472 : i32 to index
        %swap3A_617 = arith.constant 144 : index
        %swap3A_618 = tpu.vector_load %arg7[%swap3A_616, %swap3A_617] {strides = array<i32>} : memref<64x384xf32, #tpu.memory_space<vmem>>, vector<16xf32>,
        tpu.vector_store %arg7[%swap3A_616, %swap3A_617], %unpack3A_612 {strides = array<i32>} : memref<64x384xf32, #tpu.memory_space<vmem>>, vector<16xf32>,
        %add3A_619 = arith.constant 112 : i32
        %add3A_620 = arith.addi %scan3A_334, %add3A_619 : i32
        %get3A_621 = arith.index_cast %add3A_620 : i32 to index
        %get3A_622 = tpu.vector_load %arg6[%get3A_621] {strides = array<i32>} : memref<36864xi32, #tpu.memory_space<vmem>>, vector<16xi32>,
        %add3A_623 = arith.constant 112 : i32
        %add3A_624 = arith.addi %scan3A_335, %add3A_623 : i32
        %get3A_625 = arith.index_cast %add3A_624 : i32 to index
        %get3A_626 = tpu.vector_load %arg6[%get3A_625] {strides = array<i32>} : memref<36864xi32, #tpu.memory_space<vmem>>, vector<16xi32>,
        %add3A_627 = arith.constant 112 : i32
        %add3A_628 = arith.addi %scan3A_336, %add3A_627 : i32
        %get3A_629 = arith.index_cast %add3A_628 : i32 to index
        %get3A_630 = tpu.vector_load %arg6[%get3A_629] {strides = array<i32>} : memref<36864xi32, #tpu.memory_space<vmem>>, vector<16xi32>,
        %bitcast3A_631 = vector.bitcast %get3A_572 : vector<16xi32> to vector<32xbf16>
        %bitcast3A_632 = vector.bitcast %get3A_576 : vector<16xi32> to vector<32xbf16>
        %add3A_633 = arith.addf %bitcast3A_631, %bitcast3A_632 : vector<32xbf16>
        %bitcast3A_634 = vector.bitcast %get3A_580 : vector<16xi32> to vector<32xbf16>
        %add3A_635 = arith.addf %add3A_633, %bitcast3A_634 : vector<32xbf16>
        %unpack3A_636 = tpu.unpack_subelements %add3A_635, 0 {pack_format = #tpu.pack_format<interleaved>} : vector<32xbf16> -> vector<16xf32>
        %unpack3A_637 = tpu.unpack_subelements %add3A_635, 1 {pack_format = #tpu.pack_format<interleaved>} : vector<32xbf16> -> vector<16xf32>
        %swap3A_638 = arith.index_cast %add3A_472 : i32 to index
        %swap3A_639 = arith.constant 160 : index
        %swap3A_640 = tpu.vector_load %arg7[%swap3A_638, %swap3A_639] {strides = array<i32>} : memref<64x384xf32, #tpu.memory_space<vmem>>, vector<16xf32>,
        tpu.vector_store %arg7[%swap3A_638, %swap3A_639], %unpack3A_636 {strides = array<i32>} : memref<64x384xf32, #tpu.memory_space<vmem>>, vector<16xf32>,
        %swap3A_641 = arith.index_cast %add3A_472 : i32 to index
        %swap3A_642 = arith.constant 176 : index
        %swap3A_643 = tpu.vector_load %arg7[%swap3A_641, %swap3A_642] {strides = array<i32>} : memref<64x384xf32, #tpu.memory_space<vmem>>, vector<16xf32>,
        tpu.vector_store %arg7[%swap3A_641, %swap3A_642], %unpack3A_637 {strides = array<i32>} : memref<64x384xf32, #tpu.memory_space<vmem>>, vector<16xf32>,
        %add3A_644 = arith.constant 128 : i32
        %add3A_645 = arith.addi %scan3A_334, %add3A_644 : i32
        %get3A_646 = arith.index_cast %add3A_645 : i32 to index
        %get3A_647 = tpu.vector_load %arg6[%get3A_646] {strides = array<i32>} : memref<36864xi32, #tpu.memory_space<vmem>>, vector<16xi32>,
        %add3A_648 = arith.constant 128 : i32
        %add3A_649 = arith.addi %scan3A_335, %add3A_648 : i32
        %get3A_650 = arith.index_cast %add3A_649 : i32 to index
        %get3A_651 = tpu.vector_load %arg6[%get3A_650] {strides = array<i32>} : memref<36864xi32, #tpu.memory_space<vmem>>, vector<16xi32>,
        %add3A_652 = arith.constant 128 : i32
        %add3A_653 = arith.addi %scan3A_336, %add3A_652 : i32
        %get3A_654 = arith.index_cast %add3A_653 : i32 to index
        %get3A_655 = tpu.vector_load %arg6[%get3A_654] {strides = array<i32>} : memref<36864xi32, #tpu.memory_space<vmem>>, vector<16xi32>,
        %bitcast3A_656 = vector.bitcast %get3A_597 : vector<16xi32> to vector<32xbf16>
        %bitcast3A_657 = vector.bitcast %get3A_601 : vector<16xi32> to vector<32xbf16>
        %add3A_658 = arith.addf %bitcast3A_656, %bitcast3A_657 : vector<32xbf16>
        %bitcast3A_659 = vector.bitcast %get3A_605 : vector<16xi32> to vector<32xbf16>
        %add3A_660 = arith.addf %add3A_658, %bitcast3A_659 : vector<32xbf16>
        %unpack3A_661 = tpu.unpack_subelements %add3A_660, 0 {pack_format = #tpu.pack_format<interleaved>} : vector<32xbf16> -> vector<16xf32>
        %unpack3A_662 = tpu.unpack_subelements %add3A_660, 1 {pack_format = #tpu.pack_format<interleaved>} : vector<32xbf16> -> vector<16xf32>
        %swap3A_663 = arith.index_cast %add3A_472 : i32 to index
        %swap3A_664 = arith.constant 192 : index
        %swap3A_665 = tpu.vector_load %arg7[%swap3A_663, %swap3A_664] {strides = array<i32>} : memref<64x384xf32, #tpu.memory_space<vmem>>, vector<16xf32>,
        tpu.vector_store %arg7[%swap3A_663, %swap3A_664], %unpack3A_661 {strides = array<i32>} : memref<64x384xf32, #tpu.memory_space<vmem>>, vector<16xf32>,
        %swap3A_666 = arith.index_cast %add3A_472 : i32 to index
        %swap3A_667 = arith.constant 208 : index
        %swap3A_668 = tpu.vector_load %arg7[%swap3A_666, %swap3A_667] {strides = array<i32>} : memref<64x384xf32, #tpu.memory_space<vmem>>, vector<16xf32>,
        tpu.vector_store %arg7[%swap3A_666, %swap3A_667], %unpack3A_662 {strides = array<i32>} : memref<64x384xf32, #tpu.memory_space<vmem>>, vector<16xf32>,
        %add3A_669 = arith.constant 144 : i32
        %add3A_670 = arith.addi %scan3A_334, %add3A_669 : i32
        %get3A_671 = arith.index_cast %add3A_670 : i32 to index
        %get3A_672 = tpu.vector_load %arg6[%get3A_671] {strides = array<i32>} : memref<36864xi32, #tpu.memory_space<vmem>>, vector<16xi32>,
        %add3A_673 = arith.constant 144 : i32
        %add3A_674 = arith.addi %scan3A_335, %add3A_673 : i32
        %get3A_675 = arith.index_cast %add3A_674 : i32 to index
        %get3A_676 = tpu.vector_load %arg6[%get3A_675] {strides = array<i32>} : memref<36864xi32, #tpu.memory_space<vmem>>, vector<16xi32>,
        %add3A_677 = arith.constant 144 : i32
        %add3A_678 = arith.addi %scan3A_336, %add3A_677 : i32
        %get3A_679 = arith.index_cast %add3A_678 : i32 to index
        %get3A_680 = tpu.vector_load %arg6[%get3A_679] {strides = array<i32>} : memref<36864xi32, #tpu.memory_space<vmem>>, vector<16xi32>,
        %bitcast3A_681 = vector.bitcast %get3A_622 : vector<16xi32> to vector<32xbf16>
        %bitcast3A_682 = vector.bitcast %get3A_626 : vector<16xi32> to vector<32xbf16>
        %add3A_683 = arith.addf %bitcast3A_681, %bitcast3A_682 : vector<32xbf16>
        %bitcast3A_684 = vector.bitcast %get3A_630 : vector<16xi32> to vector<32xbf16>
        %add3A_685 = arith.addf %add3A_683, %bitcast3A_684 : vector<32xbf16>
        %unpack3A_686 = tpu.unpack_subelements %add3A_685, 0 {pack_format = #tpu.pack_format<interleaved>} : vector<32xbf16> -> vector<16xf32>
        %unpack3A_687 = tpu.unpack_subelements %add3A_685, 1 {pack_format = #tpu.pack_format<interleaved>} : vector<32xbf16> -> vector<16xf32>
        %swap3A_688 = arith.index_cast %add3A_472 : i32 to index
        %swap3A_689 = arith.constant 224 : index
        %swap3A_690 = tpu.vector_load %arg7[%swap3A_688, %swap3A_689] {strides = array<i32>} : memref<64x384xf32, #tpu.memory_space<vmem>>, vector<16xf32>,
        tpu.vector_store %arg7[%swap3A_688, %swap3A_689], %unpack3A_686 {strides = array<i32>} : memref<64x384xf32, #tpu.memory_space<vmem>>, vector<16xf32>,
        %swap3A_691 = arith.index_cast %add3A_472 : i32 to index
        %swap3A_692 = arith.constant 240 : index
        %swap3A_693 = tpu.vector_load %arg7[%swap3A_691, %swap3A_692] {strides = array<i32>} : memref<64x384xf32, #tpu.memory_space<vmem>>, vector<16xf32>,
        tpu.vector_store %arg7[%swap3A_691, %swap3A_692], %unpack3A_687 {strides = array<i32>} : memref<64x384xf32, #tpu.memory_space<vmem>>, vector<16xf32>,
        %add3A_694 = arith.constant 160 : i32
        %add3A_695 = arith.addi %scan3A_334, %add3A_694 : i32
        %get3A_696 = arith.index_cast %add3A_695 : i32 to index
        %get3A_697 = tpu.vector_load %arg6[%get3A_696] {strides = array<i32>} : memref<36864xi32, #tpu.memory_space<vmem>>, vector<16xi32>,
        %add3A_698 = arith.constant 160 : i32
        %add3A_699 = arith.addi %scan3A_335, %add3A_698 : i32
        %get3A_700 = arith.index_cast %add3A_699 : i32 to index
        %get3A_701 = tpu.vector_load %arg6[%get3A_700] {strides = array<i32>} : memref<36864xi32, #tpu.memory_space<vmem>>, vector<16xi32>,
        %add3A_702 = arith.constant 160 : i32
        %add3A_703 = arith.addi %scan3A_336, %add3A_702 : i32
        %get3A_704 = arith.index_cast %add3A_703 : i32 to index
        %get3A_705 = tpu.vector_load %arg6[%get3A_704] {strides = array<i32>} : memref<36864xi32, #tpu.memory_space<vmem>>, vector<16xi32>,
        %bitcast3A_706 = vector.bitcast %get3A_647 : vector<16xi32> to vector<32xbf16>
        %bitcast3A_707 = vector.bitcast %get3A_651 : vector<16xi32> to vector<32xbf16>
        %add3A_708 = arith.addf %bitcast3A_706, %bitcast3A_707 : vector<32xbf16>
        %bitcast3A_709 = vector.bitcast %get3A_655 : vector<16xi32> to vector<32xbf16>
        %add3A_710 = arith.addf %add3A_708, %bitcast3A_709 : vector<32xbf16>
        %unpack3A_711 = tpu.unpack_subelements %add3A_710, 0 {pack_format = #tpu.pack_format<interleaved>} : vector<32xbf16> -> vector<16xf32>
        %unpack3A_712 = tpu.unpack_subelements %add3A_710, 1 {pack_format = #tpu.pack_format<interleaved>} : vector<32xbf16> -> vector<16xf32>
        %swap3A_713 = arith.index_cast %add3A_472 : i32 to index
        %swap3A_714 = arith.constant 256 : index
        %swap3A_715 = tpu.vector_load %arg7[%swap3A_713, %swap3A_714] {strides = array<i32>} : memref<64x384xf32, #tpu.memory_space<vmem>>, vector<16xf32>,
        tpu.vector_store %arg7[%swap3A_713, %swap3A_714], %unpack3A_711 {strides = array<i32>} : memref<64x384xf32, #tpu.memory_space<vmem>>, vector<16xf32>,
        %swap3A_716 = arith.index_cast %add3A_472 : i32 to index
        %swap3A_717 = arith.constant 272 : index
        %swap3A_718 = tpu.vector_load %arg7[%swap3A_716, %swap3A_717] {strides = array<i32>} : memref<64x384xf32, #tpu.memory_space<vmem>>, vector<16xf32>,
        tpu.vector_store %arg7[%swap3A_716, %swap3A_717], %unpack3A_712 {strides = array<i32>} : memref<64x384xf32, #tpu.memory_space<vmem>>, vector<16xf32>,
        %add3A_719 = arith.constant 176 : i32
        %add3A_720 = arith.addi %scan3A_334, %add3A_719 : i32
        %get3A_721 = arith.index_cast %add3A_720 : i32 to index
        %get3A_722 = tpu.vector_load %arg6[%get3A_721] {strides = array<i32>} : memref<36864xi32, #tpu.memory_space<vmem>>, vector<16xi32>,
        %add3A_723 = arith.constant 176 : i32
        %add3A_724 = arith.addi %scan3A_335, %add3A_723 : i32
        %get3A_725 = arith.index_cast %add3A_724 : i32 to index
        %get3A_726 = tpu.vector_load %arg6[%get3A_725] {strides = array<i32>} : memref<36864xi32, #tpu.memory_space<vmem>>, vector<16xi32>,
        %add3A_727 = arith.constant 176 : i32
        %add3A_728 = arith.addi %scan3A_336, %add3A_727 : i32
        %get3A_729 = arith.index_cast %add3A_728 : i32 to index
        %get3A_730 = tpu.vector_load %arg6[%get3A_729] {strides = array<i32>} : memref<36864xi32, #tpu.memory_space<vmem>>, vector<16xi32>,
        %bitcast3A_731 = vector.bitcast %get3A_672 : vector<16xi32> to vector<32xbf16>
        %bitcast3A_732 = vector.bitcast %get3A_676 : vector<16xi32> to vector<32xbf16>
        %add3A_733 = arith.addf %bitcast3A_731, %bitcast3A_732 : vector<32xbf16>
        %bitcast3A_734 = vector.bitcast %get3A_680 : vector<16xi32> to vector<32xbf16>
        %add3A_735 = arith.addf %add3A_733, %bitcast3A_734 : vector<32xbf16>
        %unpack3A_736 = tpu.unpack_subelements %add3A_735, 0 {pack_format = #tpu.pack_format<interleaved>} : vector<32xbf16> -> vector<16xf32>
        %unpack3A_737 = tpu.unpack_subelements %add3A_735, 1 {pack_format = #tpu.pack_format<interleaved>} : vector<32xbf16> -> vector<16xf32>
        %swap3A_738 = arith.index_cast %add3A_472 : i32 to index
        %swap3A_739 = arith.constant 288 : index
        %swap3A_740 = tpu.vector_load %arg7[%swap3A_738, %swap3A_739] {strides = array<i32>} : memref<64x384xf32, #tpu.memory_space<vmem>>, vector<16xf32>,
        tpu.vector_store %arg7[%swap3A_738, %swap3A_739], %unpack3A_736 {strides = array<i32>} : memref<64x384xf32, #tpu.memory_space<vmem>>, vector<16xf32>,
        %swap3A_741 = arith.index_cast %add3A_472 : i32 to index
        %swap3A_742 = arith.constant 304 : index
        %swap3A_743 = tpu.vector_load %arg7[%swap3A_741, %swap3A_742] {strides = array<i32>} : memref<64x384xf32, #tpu.memory_space<vmem>>, vector<16xf32>,
        tpu.vector_store %arg7[%swap3A_741, %swap3A_742], %unpack3A_737 {strides = array<i32>} : memref<64x384xf32, #tpu.memory_space<vmem>>, vector<16xf32>,
        %mul3A_744 = arith.constant 4 : i32
        %mul3A_745 = arith.muli %mul3A_744, %scan3A_333 : i32
        %add3A_746 = arith.constant 1 : i32
        %add3A_747 = arith.addi %mul3A_745, %add3A_746 : i32
        %add3A_748 = arith.constant 0 : i32
        %add3A_749 = arith.addi %scan3A_337, %add3A_748 : i32
        %get3A_750 = arith.index_cast %add3A_749 : i32 to index
        %get3A_751 = tpu.vector_load %arg6[%get3A_750] {strides = array<i32>} : memref<36864xi32, #tpu.memory_space<vmem>>, vector<16xi32>,
        %add3A_752 = arith.constant 0 : i32
        %add3A_753 = arith.addi %scan3A_338, %add3A_752 : i32
        %get3A_754 = arith.index_cast %add3A_753 : i32 to index
        %get3A_755 = tpu.vector_load %arg6[%get3A_754] {strides = array<i32>} : memref<36864xi32, #tpu.memory_space<vmem>>, vector<16xi32>,
        %add3A_756 = arith.constant 0 : i32
        %add3A_757 = arith.addi %scan3A_339, %add3A_756 : i32
        %get3A_758 = arith.index_cast %add3A_757 : i32 to index
        %get3A_759 = tpu.vector_load %arg6[%get3A_758] {strides = array<i32>} : memref<36864xi32, #tpu.memory_space<vmem>>, vector<16xi32>,
        %bitcast3A_760 = vector.bitcast %get3A_697 : vector<16xi32> to vector<32xbf16>
        %bitcast3A_761 = vector.bitcast %get3A_701 : vector<16xi32> to vector<32xbf16>
        %add3A_762 = arith.addf %bitcast3A_760, %bitcast3A_761 : vector<32xbf16>
        %bitcast3A_763 = vector.bitcast %get3A_705 : vector<16xi32> to vector<32xbf16>
        %add3A_764 = arith.addf %add3A_762, %bitcast3A_763 : vector<32xbf16>
        %unpack3A_765 = tpu.unpack_subelements %add3A_764, 0 {pack_format = #tpu.pack_format<interleaved>} : vector<32xbf16> -> vector<16xf32>
        %unpack3A_766 = tpu.unpack_subelements %add3A_764, 1 {pack_format = #tpu.pack_format<interleaved>} : vector<32xbf16> -> vector<16xf32>
        %swap3A_767 = arith.index_cast %add3A_472 : i32 to index
        %swap3A_768 = arith.constant 320 : index
        %swap3A_769 = tpu.vector_load %arg7[%swap3A_767, %swap3A_768] {strides = array<i32>} : memref<64x384xf32, #tpu.memory_space<vmem>>, vector<16xf32>,
        tpu.vector_store %arg7[%swap3A_767, %swap3A_768], %unpack3A_765 {strides = array<i32>} : memref<64x384xf32, #tpu.memory_space<vmem>>, vector<16xf32>,
        %swap3A_770 = arith.index_cast %add3A_472 : i32 to index
        %swap3A_771 = arith.constant 336 : index
        %swap3A_772 = tpu.vector_load %arg7[%swap3A_770, %swap3A_771] {strides = array<i32>} : memref<64x384xf32, #tpu.memory_space<vmem>>, vector<16xf32>,
        tpu.vector_store %arg7[%swap3A_770, %swap3A_771], %unpack3A_766 {strides = array<i32>} : memref<64x384xf32, #tpu.memory_space<vmem>>, vector<16xf32>,
        %add3A_773 = arith.constant 16 : i32
        %add3A_774 = arith.addi %scan3A_337, %add3A_773 : i32
        %get3A_775 = arith.index_cast %add3A_774 : i32 to index
        %get3A_776 = tpu.vector_load %arg6[%get3A_775] {strides = array<i32>} : memref<36864xi32, #tpu.memory_space<vmem>>, vector<16xi32>,
        %add3A_777 = arith.constant 16 : i32
        %add3A_778 = arith.addi %scan3A_338, %add3A_777 : i32
        %get3A_779 = arith.index_cast %add3A_778 : i32 to index
        %get3A_780 = tpu.vector_load %arg6[%get3A_779] {strides = array<i32>} : memref<36864xi32, #tpu.memory_space<vmem>>, vector<16xi32>,
        %add3A_781 = arith.constant 16 : i32
        %add3A_782 = arith.addi %scan3A_339, %add3A_781 : i32
        %get3A_783 = arith.index_cast %add3A_782 : i32 to index
        %get3A_784 = tpu.vector_load %arg6[%get3A_783] {strides = array<i32>} : memref<36864xi32, #tpu.memory_space<vmem>>, vector<16xi32>,
        %bitcast3A_785 = vector.bitcast %get3A_722 : vector<16xi32> to vector<32xbf16>
        %bitcast3A_786 = vector.bitcast %get3A_726 : vector<16xi32> to vector<32xbf16>
        %add3A_787 = arith.addf %bitcast3A_785, %bitcast3A_786 : vector<32xbf16>
        %bitcast3A_788 = vector.bitcast %get3A_730 : vector<16xi32> to vector<32xbf16>
        %add3A_789 = arith.addf %add3A_787, %bitcast3A_788 : vector<32xbf16>
        %unpack3A_790 = tpu.unpack_subelements %add3A_789, 0 {pack_format = #tpu.pack_format<interleaved>} : vector<32xbf16> -> vector<16xf32>
        %unpack3A_791 = tpu.unpack_subelements %add3A_789, 1 {pack_format = #tpu.pack_format<interleaved>} : vector<32xbf16> -> vector<16xf32>
        %swap3A_792 = arith.index_cast %add3A_472 : i32 to index
        %swap3A_793 = arith.constant 352 : index
        %swap3A_794 = tpu.vector_load %arg7[%swap3A_792, %swap3A_793] {strides = array<i32>} : memref<64x384xf32, #tpu.memory_space<vmem>>, vector<16xf32>,
        tpu.vector_store %arg7[%swap3A_792, %swap3A_793], %unpack3A_790 {strides = array<i32>} : memref<64x384xf32, #tpu.memory_space<vmem>>, vector<16xf32>,
        %swap3A_795 = arith.index_cast %add3A_472 : i32 to index
        %swap3A_796 = arith.constant 368 : index
        %swap3A_797 = tpu.vector_load %arg7[%swap3A_795, %swap3A_796] {strides = array<i32>} : memref<64x384xf32, #tpu.memory_space<vmem>>, vector<16xf32>,
        tpu.vector_store %arg7[%swap3A_795, %swap3A_796], %unpack3A_791 {strides = array<i32>} : memref<64x384xf32, #tpu.memory_space<vmem>>, vector<16xf32>,
        %add3A_798 = arith.constant 32 : i32
        %add3A_799 = arith.addi %scan3A_337, %add3A_798 : i32
        %get3A_800 = arith.index_cast %add3A_799 : i32 to index
        %get3A_801 = tpu.vector_load %arg6[%get3A_800] {strides = array<i32>} : memref<36864xi32, #tpu.memory_space<vmem>>, vector<16xi32>,
        %add3A_802 = arith.constant 32 : i32
        %add3A_803 = arith.addi %scan3A_338, %add3A_802 : i32
        %get3A_804 = arith.index_cast %add3A_803 : i32 to index
        %get3A_805 = tpu.vector_load %arg6[%get3A_804] {strides = array<i32>} : memref<36864xi32, #tpu.memory_space<vmem>>, vector<16xi32>,
        %add3A_806 = arith.constant 32 : i32
        %add3A_807 = arith.addi %scan3A_339, %add3A_806 : i32
        %get3A_808 = arith.index_cast %add3A_807 : i32 to index
        %get3A_809 = tpu.vector_load %arg6[%get3A_808] {strides = array<i32>} : memref<36864xi32, #tpu.memory_space<vmem>>, vector<16xi32>,
        %bitcast3A_810 = vector.bitcast %get3A_751 : vector<16xi32> to vector<32xbf16>
        %bitcast3A_811 = vector.bitcast %get3A_755 : vector<16xi32> to vector<32xbf16>
        %add3A_812 = arith.addf %bitcast3A_810, %bitcast3A_811 : vector<32xbf16>
        %bitcast3A_813 = vector.bitcast %get3A_759 : vector<16xi32> to vector<32xbf16>
        %add3A_814 = arith.addf %add3A_812, %bitcast3A_813 : vector<32xbf16>
        %unpack3A_815 = tpu.unpack_subelements %add3A_814, 0 {pack_format = #tpu.pack_format<interleaved>} : vector<32xbf16> -> vector<16xf32>
        %unpack3A_816 = tpu.unpack_subelements %add3A_814, 1 {pack_format = #tpu.pack_format<interleaved>} : vector<32xbf16> -> vector<16xf32>
        %swap3A_817 = arith.index_cast %add3A_747 : i32 to index
        %swap3A_818 = arith.constant 0 : index
        %swap3A_819 = tpu.vector_load %arg7[%swap3A_817, %swap3A_818] {strides = array<i32>} : memref<64x384xf32, #tpu.memory_space<vmem>>, vector<16xf32>,
        tpu.vector_store %arg7[%swap3A_817, %swap3A_818], %unpack3A_815 {strides = array<i32>} : memref<64x384xf32, #tpu.memory_space<vmem>>, vector<16xf32>,
        %swap3A_820 = arith.index_cast %add3A_747 : i32 to index
        %swap3A_821 = arith.constant 16 : index
        %swap3A_822 = tpu.vector_load %arg7[%swap3A_820, %swap3A_821] {strides = array<i32>} : memref<64x384xf32, #tpu.memory_space<vmem>>, vector<16xf32>,
        tpu.vector_store %arg7[%swap3A_820, %swap3A_821], %unpack3A_816 {strides = array<i32>} : memref<64x384xf32, #tpu.memory_space<vmem>>, vector<16xf32>,
        %add3A_823 = arith.constant 48 : i32
        %add3A_824 = arith.addi %scan3A_337, %add3A_823 : i32
        %get3A_825 = arith.index_cast %add3A_824 : i32 to index
        %get3A_826 = tpu.vector_load %arg6[%get3A_825] {strides = array<i32>} : memref<36864xi32, #tpu.memory_space<vmem>>, vector<16xi32>,
        %add3A_827 = arith.constant 48 : i32
        %add3A_828 = arith.addi %scan3A_338, %add3A_827 : i32
        %get3A_829 = arith.index_cast %add3A_828 : i32 to index
        %get3A_830 = tpu.vector_load %arg6[%get3A_829] {strides = array<i32>} : memref<36864xi32, #tpu.memory_space<vmem>>, vector<16xi32>,
        %add3A_831 = arith.constant 48 : i32
        %add3A_832 = arith.addi %scan3A_339, %add3A_831 : i32
        %get3A_833 = arith.index_cast %add3A_832 : i32 to index
        %get3A_834 = tpu.vector_load %arg6[%get3A_833] {strides = array<i32>} : memref<36864xi32, #tpu.memory_space<vmem>>, vector<16xi32>,
        %bitcast3A_835 = vector.bitcast %get3A_776 : vector<16xi32> to vector<32xbf16>
        %bitcast3A_836 = vector.bitcast %get3A_780 : vector<16xi32> to vector<32xbf16>
        %add3A_837 = arith.addf %bitcast3A_835, %bitcast3A_836 : vector<32xbf16>
        %bitcast3A_838 = vector.bitcast %get3A_784 : vector<16xi32> to vector<32xbf16>
        %add3A_839 = arith.addf %add3A_837, %bitcast3A_838 : vector<32xbf16>
        %unpack3A_840 = tpu.unpack_subelements %add3A_839, 0 {pack_format = #tpu.pack_format<interleaved>} : vector<32xbf16> -> vector<16xf32>
        %unpack3A_841 = tpu.unpack_subelements %add3A_839, 1 {pack_format = #tpu.pack_format<interleaved>} : vector<32xbf16> -> vector<16xf32>
        %swap3A_842 = arith.index_cast %add3A_747 : i32 to index
        %swap3A_843 = arith.constant 32 : index
        %swap3A_844 = tpu.vector_load %arg7[%swap3A_842, %swap3A_843] {strides = array<i32>} : memref<64x384xf32, #tpu.memory_space<vmem>>, vector<16xf32>,
        tpu.vector_store %arg7[%swap3A_842, %swap3A_843], %unpack3A_840 {strides = array<i32>} : memref<64x384xf32, #tpu.memory_space<vmem>>, vector<16xf32>,
        %swap3A_845 = arith.index_cast %add3A_747 : i32 to index
        %swap3A_846 = arith.constant 48 : index
        %swap3A_847 = tpu.vector_load %arg7[%swap3A_845, %swap3A_846] {strides = array<i32>} : memref<64x384xf32, #tpu.memory_space<vmem>>, vector<16xf32>,
        tpu.vector_store %arg7[%swap3A_845, %swap3A_846], %unpack3A_841 {strides = array<i32>} : memref<64x384xf32, #tpu.memory_space<vmem>>, vector<16xf32>,
        %add3A_848 = arith.constant 64 : i32
        %add3A_849 = arith.addi %scan3A_337, %add3A_848 : i32
        %get3A_850 = arith.index_cast %add3A_849 : i32 to index
        %get3A_851 = tpu.vector_load %arg6[%get3A_850] {strides = array<i32>} : memref<36864xi32, #tpu.memory_space<vmem>>, vector<16xi32>,
        %add3A_852 = arith.constant 64 : i32
        %add3A_853 = arith.addi %scan3A_338, %add3A_852 : i32
        %get3A_854 = arith.index_cast %add3A_853 : i32 to index
        %get3A_855 = tpu.vector_load %arg6[%get3A_854] {strides = array<i32>} : memref<36864xi32, #tpu.memory_space<vmem>>, vector<16xi32>,
        %add3A_856 = arith.constant 64 : i32
        %add3A_857 = arith.addi %scan3A_339, %add3A_856 : i32
        %get3A_858 = arith.index_cast %add3A_857 : i32 to index
        %get3A_859 = tpu.vector_load %arg6[%get3A_858] {strides = array<i32>} : memref<36864xi32, #tpu.memory_space<vmem>>, vector<16xi32>,
        %bitcast3A_860 = vector.bitcast %get3A_801 : vector<16xi32> to vector<32xbf16>
        %bitcast3A_861 = vector.bitcast %get3A_805 : vector<16xi32> to vector<32xbf16>
        %add3A_862 = arith.addf %bitcast3A_860, %bitcast3A_861 : vector<32xbf16>
        %bitcast3A_863 = vector.bitcast %get3A_809 : vector<16xi32> to vector<32xbf16>
        %add3A_864 = arith.addf %add3A_862, %bitcast3A_863 : vector<32xbf16>
        %unpack3A_865 = tpu.unpack_subelements %add3A_864, 0 {pack_format = #tpu.pack_format<interleaved>} : vector<32xbf16> -> vector<16xf32>
        %unpack3A_866 = tpu.unpack_subelements %add3A_864, 1 {pack_format = #tpu.pack_format<interleaved>} : vector<32xbf16> -> vector<16xf32>
        %swap3A_867 = arith.index_cast %add3A_747 : i32 to index
        %swap3A_868 = arith.constant 64 : index
        %swap3A_869 = tpu.vector_load %arg7[%swap3A_867, %swap3A_868] {strides = array<i32>} : memref<64x384xf32, #tpu.memory_space<vmem>>, vector<16xf32>,
        tpu.vector_store %arg7[%swap3A_867, %swap3A_868], %unpack3A_865 {strides = array<i32>} : memref<64x384xf32, #tpu.memory_space<vmem>>, vector<16xf32>,
        %swap3A_870 = arith.index_cast %add3A_747 : i32 to index
        %swap3A_871 = arith.constant 80 : index
        %swap3A_872 = tpu.vector_load %arg7[%swap3A_870, %swap3A_871] {strides = array<i32>} : memref<64x384xf32, #tpu.memory_space<vmem>>, vector<16xf32>,
        tpu.vector_store %arg7[%swap3A_870, %swap3A_871], %unpack3A_866 {strides = array<i32>} : memref<64x384xf32, #tpu.memory_space<vmem>>, vector<16xf32>,
        %add3A_873 = arith.constant 80 : i32
        %add3A_874 = arith.addi %scan3A_337, %add3A_873 : i32
        %get3A_875 = arith.index_cast %add3A_874 : i32 to index
        %get3A_876 = tpu.vector_load %arg6[%get3A_875] {strides = array<i32>} : memref<36864xi32, #tpu.memory_space<vmem>>, vector<16xi32>,
        %add3A_877 = arith.constant 80 : i32
        %add3A_878 = arith.addi %scan3A_338, %add3A_877 : i32
        %get3A_879 = arith.index_cast %add3A_878 : i32 to index
        %get3A_880 = tpu.vector_load %arg6[%get3A_879] {strides = array<i32>} : memref<36864xi32, #tpu.memory_space<vmem>>, vector<16xi32>,
        %add3A_881 = arith.constant 80 : i32
        %add3A_882 = arith.addi %scan3A_339, %add3A_881 : i32
        %get3A_883 = arith.index_cast %add3A_882 : i32 to index
        %get3A_884 = tpu.vector_load %arg6[%get3A_883] {strides = array<i32>} : memref<36864xi32, #tpu.memory_space<vmem>>, vector<16xi32>,
        %bitcast3A_885 = vector.bitcast %get3A_826 : vector<16xi32> to vector<32xbf16>
        %bitcast3A_886 = vector.bitcast %get3A_830 : vector<16xi32> to vector<32xbf16>
        %add3A_887 = arith.addf %bitcast3A_885, %bitcast3A_886 : vector<32xbf16>
        %bitcast3A_888 = vector.bitcast %get3A_834 : vector<16xi32> to vector<32xbf16>
        %add3A_889 = arith.addf %add3A_887, %bitcast3A_888 : vector<32xbf16>
        %unpack3A_890 = tpu.unpack_subelements %add3A_889, 0 {pack_format = #tpu.pack_format<interleaved>} : vector<32xbf16> -> vector<16xf32>
        %unpack3A_891 = tpu.unpack_subelements %add3A_889, 1 {pack_format = #tpu.pack_format<interleaved>} : vector<32xbf16> -> vector<16xf32>
        %swap3A_892 = arith.index_cast %add3A_747 : i32 to index
        %swap3A_893 = arith.constant 96 : index
        %swap3A_894 = tpu.vector_load %arg7[%swap3A_892, %swap3A_893] {strides = array<i32>} : memref<64x384xf32, #tpu.memory_space<vmem>>, vector<16xf32>,
        tpu.vector_store %arg7[%swap3A_892, %swap3A_893], %unpack3A_890 {strides = array<i32>} : memref<64x384xf32, #tpu.memory_space<vmem>>, vector<16xf32>,
        %swap3A_895 = arith.index_cast %add3A_747 : i32 to index
        %swap3A_896 = arith.constant 112 : index
        %swap3A_897 = tpu.vector_load %arg7[%swap3A_895, %swap3A_896] {strides = array<i32>} : memref<64x384xf32, #tpu.memory_space<vmem>>, vector<16xf32>,
        tpu.vector_store %arg7[%swap3A_895, %swap3A_896], %unpack3A_891 {strides = array<i32>} : memref<64x384xf32, #tpu.memory_space<vmem>>, vector<16xf32>,
        %add3A_898 = arith.constant 96 : i32
        %add3A_899 = arith.addi %scan3A_337, %add3A_898 : i32
        %get3A_900 = arith.index_cast %add3A_899 : i32 to index
        %get3A_901 = tpu.vector_load %arg6[%get3A_900] {strides = array<i32>} : memref<36864xi32, #tpu.memory_space<vmem>>, vector<16xi32>,
        %add3A_902 = arith.constant 96 : i32
        %add3A_903 = arith.addi %scan3A_338, %add3A_902 : i32
        %get3A_904 = arith.index_cast %add3A_903 : i32 to index
        %get3A_905 = tpu.vector_load %arg6[%get3A_904] {strides = array<i32>} : memref<36864xi32, #tpu.memory_space<vmem>>, vector<16xi32>,
        %add3A_906 = arith.constant 96 : i32
        %add3A_907 = arith.addi %scan3A_339, %add3A_906 : i32
        %get3A_908 = arith.index_cast %add3A_907 : i32 to index
        %get3A_909 = tpu.vector_load %arg6[%get3A_908] {strides = array<i32>} : memref<36864xi32, #tpu.memory_space<vmem>>, vector<16xi32>,
        %bitcast3A_910 = vector.bitcast %get3A_851 : vector<16xi32> to vector<32xbf16>
        %bitcast3A_911 = vector.bitcast %get3A_855 : vector<16xi32> to vector<32xbf16>
        %add3A_912 = arith.addf %bitcast3A_910, %bitcast3A_911 : vector<32xbf16>
        %bitcast3A_913 = vector.bitcast %get3A_859 : vector<16xi32> to vector<32xbf16>
        %add3A_914 = arith.addf %add3A_912, %bitcast3A_913 : vector<32xbf16>
        %unpack3A_915 = tpu.unpack_subelements %add3A_914, 0 {pack_format = #tpu.pack_format<interleaved>} : vector<32xbf16> -> vector<16xf32>
        %unpack3A_916 = tpu.unpack_subelements %add3A_914, 1 {pack_format = #tpu.pack_format<interleaved>} : vector<32xbf16> -> vector<16xf32>
        %swap3A_917 = arith.index_cast %add3A_747 : i32 to index
        %swap3A_918 = arith.constant 128 : index
        %swap3A_919 = tpu.vector_load %arg7[%swap3A_917, %swap3A_918] {strides = array<i32>} : memref<64x384xf32, #tpu.memory_space<vmem>>, vector<16xf32>,
        tpu.vector_store %arg7[%swap3A_917, %swap3A_918], %unpack3A_915 {strides = array<i32>} : memref<64x384xf32, #tpu.memory_space<vmem>>, vector<16xf32>,
        %swap3A_920 = arith.index_cast %add3A_747 : i32 to index
        %swap3A_921 = arith.constant 144 : index
        %swap3A_922 = tpu.vector_load %arg7[%swap3A_920, %swap3A_921] {strides = array<i32>} : memref<64x384xf32, #tpu.memory_space<vmem>>, vector<16xf32>,
        tpu.vector_store %arg7[%swap3A_920, %swap3A_921], %unpack3A_916 {strides = array<i32>} : memref<64x384xf32, #tpu.memory_space<vmem>>, vector<16xf32>,
        %add3A_923 = arith.constant 112 : i32
        %add3A_924 = arith.addi %scan3A_337, %add3A_923 : i32
        %get3A_925 = arith.index_cast %add3A_924 : i32 to index
        %get3A_926 = tpu.vector_load %arg6[%get3A_925] {strides = array<i32>} : memref<36864xi32, #tpu.memory_space<vmem>>, vector<16xi32>,
        %add3A_927 = arith.constant 112 : i32
        %add3A_928 = arith.addi %scan3A_338, %add3A_927 : i32
        %get3A_929 = arith.index_cast %add3A_928 : i32 to index
        %get3A_930 = tpu.vector_load %arg6[%get3A_929] {strides = array<i32>} : memref<36864xi32, #tpu.memory_space<vmem>>, vector<16xi32>,
        %add3A_931 = arith.constant 112 : i32
        %add3A_932 = arith.addi %scan3A_339, %add3A_931 : i32
        %get3A_933 = arith.index_cast %add3A_932 : i32 to index
        %get3A_934 = tpu.vector_load %arg6[%get3A_933] {strides = array<i32>} : memref<36864xi32, #tpu.memory_space<vmem>>, vector<16xi32>,
        %bitcast3A_935 = vector.bitcast %get3A_876 : vector<16xi32> to vector<32xbf16>
        %bitcast3A_936 = vector.bitcast %get3A_880 : vector<16xi32> to vector<32xbf16>
        %add3A_937 = arith.addf %bitcast3A_935, %bitcast3A_936 : vector<32xbf16>
        %bitcast3A_938 = vector.bitcast %get3A_884 : vector<16xi32> to vector<32xbf16>
        %add3A_939 = arith.addf %add3A_937, %bitcast3A_938 : vector<32xbf16>
        %unpack3A_940 = tpu.unpack_subelements %add3A_939, 0 {pack_format = #tpu.pack_format<interleaved>} : vector<32xbf16> -> vector<16xf32>
        %unpack3A_941 = tpu.unpack_subelements %add3A_939, 1 {pack_format = #tpu.pack_format<interleaved>} : vector<32xbf16> -> vector<16xf32>
        %swap3A_942 = arith.index_cast %add3A_747 : i32 to index
        %swap3A_943 = arith.constant 160 : index
        %swap3A_944 = tpu.vector_load %arg7[%swap3A_942, %swap3A_943] {strides = array<i32>} : memref<64x384xf32, #tpu.memory_space<vmem>>, vector<16xf32>,
        tpu.vector_store %arg7[%swap3A_942, %swap3A_943], %unpack3A_940 {strides = array<i32>} : memref<64x384xf32, #tpu.memory_space<vmem>>, vector<16xf32>,
        %swap3A_945 = arith.index_cast %add3A_747 : i32 to index
        %swap3A_946 = arith.constant 176 : index
        %swap3A_947 = tpu.vector_load %arg7[%swap3A_945, %swap3A_946] {strides = array<i32>} : memref<64x384xf32, #tpu.memory_space<vmem>>, vector<16xf32>,
        tpu.vector_store %arg7[%swap3A_945, %swap3A_946], %unpack3A_941 {strides = array<i32>} : memref<64x384xf32, #tpu.memory_space<vmem>>, vector<16xf32>,
        %add3A_948 = arith.constant 128 : i32
        %add3A_949 = arith.addi %scan3A_337, %add3A_948 : i32
        %get3A_950 = arith.index_cast %add3A_949 : i32 to index
        %get3A_951 = tpu.vector_load %arg6[%get3A_950] {strides = array<i32>} : memref<36864xi32, #tpu.memory_space<vmem>>, vector<16xi32>,
        %add3A_952 = arith.constant 128 : i32
        %add3A_953 = arith.addi %scan3A_338, %add3A_952 : i32
        %get3A_954 = arith.index_cast %add3A_953 : i32 to index
        %get3A_955 = tpu.vector_load %arg6[%get3A_954] {strides = array<i32>} : memref<36864xi32, #tpu.memory_space<vmem>>, vector<16xi32>,
        %add3A_956 = arith.constant 128 : i32
        %add3A_957 = arith.addi %scan3A_339, %add3A_956 : i32
        %get3A_958 = arith.index_cast %add3A_957 : i32 to index
        %get3A_959 = tpu.vector_load %arg6[%get3A_958] {strides = array<i32>} : memref<36864xi32, #tpu.memory_space<vmem>>, vector<16xi32>,
        %bitcast3A_960 = vector.bitcast %get3A_901 : vector<16xi32> to vector<32xbf16>
        %bitcast3A_961 = vector.bitcast %get3A_905 : vector<16xi32> to vector<32xbf16>
        %add3A_962 = arith.addf %bitcast3A_960, %bitcast3A_961 : vector<32xbf16>
        %bitcast3A_963 = vector.bitcast %get3A_909 : vector<16xi32> to vector<32xbf16>
        %add3A_964 = arith.addf %add3A_962, %bitcast3A_963 : vector<32xbf16>
        %unpack3A_965 = tpu.unpack_subelements %add3A_964, 0 {pack_format = #tpu.pack_format<interleaved>} : vector<32xbf16> -> vector<16xf32>
        %unpack3A_966 = tpu.unpack_subelements %add3A_964, 1 {pack_format = #tpu.pack_format<interleaved>} : vector<32xbf16> -> vector<16xf32>
        %swap3A_967 = arith.index_cast %add3A_747 : i32 to index
        %swap3A_968 = arith.constant 192 : index
        %swap3A_969 = tpu.vector_load %arg7[%swap3A_967, %swap3A_968] {strides = array<i32>} : memref<64x384xf32, #tpu.memory_space<vmem>>, vector<16xf32>,
        tpu.vector_store %arg7[%swap3A_967, %swap3A_968], %unpack3A_965 {strides = array<i32>} : memref<64x384xf32, #tpu.memory_space<vmem>>, vector<16xf32>,
        %swap3A_970 = arith.index_cast %add3A_747 : i32 to index
        %swap3A_971 = arith.constant 208 : index
        %swap3A_972 = tpu.vector_load %arg7[%swap3A_970, %swap3A_971] {strides = array<i32>} : memref<64x384xf32, #tpu.memory_space<vmem>>, vector<16xf32>,
        tpu.vector_store %arg7[%swap3A_970, %swap3A_971], %unpack3A_966 {strides = array<i32>} : memref<64x384xf32, #tpu.memory_space<vmem>>, vector<16xf32>,
        %add3A_973 = arith.constant 144 : i32
        %add3A_974 = arith.addi %scan3A_337, %add3A_973 : i32
        %get3A_975 = arith.index_cast %add3A_974 : i32 to index
        %get3A_976 = tpu.vector_load %arg6[%get3A_975] {strides = array<i32>} : memref<36864xi32, #tpu.memory_space<vmem>>, vector<16xi32>,
        %add3A_977 = arith.constant 144 : i32
        %add3A_978 = arith.addi %scan3A_338, %add3A_977 : i32
        %get3A_979 = arith.index_cast %add3A_978 : i32 to index
        %get3A_980 = tpu.vector_load %arg6[%get3A_979] {strides = array<i32>} : memref<36864xi32, #tpu.memory_space<vmem>>, vector<16xi32>,
        %add3A_981 = arith.constant 144 : i32
        %add3A_982 = arith.addi %scan3A_339, %add3A_981 : i32
        %get3A_983 = arith.index_cast %add3A_982 : i32 to index
        %get3A_984 = tpu.vector_load %arg6[%get3A_983] {strides = array<i32>} : memref<36864xi32, #tpu.memory_space<vmem>>, vector<16xi32>,
        %bitcast3A_985 = vector.bitcast %get3A_926 : vector<16xi32> to vector<32xbf16>
        %bitcast3A_986 = vector.bitcast %get3A_930 : vector<16xi32> to vector<32xbf16>
        %add3A_987 = arith.addf %bitcast3A_985, %bitcast3A_986 : vector<32xbf16>
        %bitcast3A_988 = vector.bitcast %get3A_934 : vector<16xi32> to vector<32xbf16>
        %add3A_989 = arith.addf %add3A_987, %bitcast3A_988 : vector<32xbf16>
        %unpack3A_990 = tpu.unpack_subelements %add3A_989, 0 {pack_format = #tpu.pack_format<interleaved>} : vector<32xbf16> -> vector<16xf32>
        %unpack3A_991 = tpu.unpack_subelements %add3A_989, 1 {pack_format = #tpu.pack_format<interleaved>} : vector<32xbf16> -> vector<16xf32>
        %swap3A_992 = arith.index_cast %add3A_747 : i32 to index
        %swap3A_993 = arith.constant 224 : index
        %swap3A_994 = tpu.vector_load %arg7[%swap3A_992, %swap3A_993] {strides = array<i32>} : memref<64x384xf32, #tpu.memory_space<vmem>>, vector<16xf32>,
        tpu.vector_store %arg7[%swap3A_992, %swap3A_993], %unpack3A_990 {strides = array<i32>} : memref<64x384xf32, #tpu.memory_space<vmem>>, vector<16xf32>,
        %swap3A_995 = arith.index_cast %add3A_747 : i32 to index
        %swap3A_996 = arith.constant 240 : index
        %swap3A_997 = tpu.vector_load %arg7[%swap3A_995, %swap3A_996] {strides = array<i32>} : memref<64x384xf32, #tpu.memory_space<vmem>>, vector<16xf32>,
        tpu.vector_store %arg7[%swap3A_995, %swap3A_996], %unpack3A_991 {strides = array<i32>} : memref<64x384xf32, #tpu.memory_space<vmem>>, vector<16xf32>,
        %add3A_998 = arith.constant 160 : i32
        %add3A_999 = arith.addi %scan3A_337, %add3A_998 : i32
        %get3A_1000 = arith.index_cast %add3A_999 : i32 to index
        %get3A_1001 = tpu.vector_load %arg6[%get3A_1000] {strides = array<i32>} : memref<36864xi32, #tpu.memory_space<vmem>>, vector<16xi32>,
        %add3A_1002 = arith.constant 160 : i32
        %add3A_1003 = arith.addi %scan3A_338, %add3A_1002 : i32
        %get3A_1004 = arith.index_cast %add3A_1003 : i32 to index
        %get3A_1005 = tpu.vector_load %arg6[%get3A_1004] {strides = array<i32>} : memref<36864xi32, #tpu.memory_space<vmem>>, vector<16xi32>,
        %add3A_1006 = arith.constant 160 : i32
        %add3A_1007 = arith.addi %scan3A_339, %add3A_1006 : i32
        %get3A_1008 = arith.index_cast %add3A_1007 : i32 to index
        %get3A_1009 = tpu.vector_load %arg6[%get3A_1008] {strides = array<i32>} : memref<36864xi32, #tpu.memory_space<vmem>>, vector<16xi32>,
        %bitcast3A_1010 = vector.bitcast %get3A_951 : vector<16xi32> to vector<32xbf16>
        %bitcast3A_1011 = vector.bitcast %get3A_955 : vector<16xi32> to vector<32xbf16>
        %add3A_1012 = arith.addf %bitcast3A_1010, %bitcast3A_1011 : vector<32xbf16>
        %bitcast3A_1013 = vector.bitcast %get3A_959 : vector<16xi32> to vector<32xbf16>
        %add3A_1014 = arith.addf %add3A_1012, %bitcast3A_1013 : vector<32xbf16>
        %unpack3A_1015 = tpu.unpack_subelements %add3A_1014, 0 {pack_format = #tpu.pack_format<interleaved>} : vector<32xbf16> -> vector<16xf32>
        %unpack3A_1016 = tpu.unpack_subelements %add3A_1014, 1 {pack_format = #tpu.pack_format<interleaved>} : vector<32xbf16> -> vector<16xf32>
        %swap3A_1017 = arith.index_cast %add3A_747 : i32 to index
        %swap3A_1018 = arith.constant 256 : index
        %swap3A_1019 = tpu.vector_load %arg7[%swap3A_1017, %swap3A_1018] {strides = array<i32>} : memref<64x384xf32, #tpu.memory_space<vmem>>, vector<16xf32>,
        tpu.vector_store %arg7[%swap3A_1017, %swap3A_1018], %unpack3A_1015 {strides = array<i32>} : memref<64x384xf32, #tpu.memory_space<vmem>>, vector<16xf32>,
        %swap3A_1020 = arith.index_cast %add3A_747 : i32 to index
        %swap3A_1021 = arith.constant 272 : index
        %swap3A_1022 = tpu.vector_load %arg7[%swap3A_1020, %swap3A_1021] {strides = array<i32>} : memref<64x384xf32, #tpu.memory_space<vmem>>, vector<16xf32>,
        tpu.vector_store %arg7[%swap3A_1020, %swap3A_1021], %unpack3A_1016 {strides = array<i32>} : memref<64x384xf32, #tpu.memory_space<vmem>>, vector<16xf32>,
        %add3A_1023 = arith.constant 176 : i32
        %add3A_1024 = arith.addi %scan3A_337, %add3A_1023 : i32
        %get3A_1025 = arith.index_cast %add3A_1024 : i32 to index
        %get3A_1026 = tpu.vector_load %arg6[%get3A_1025] {strides = array<i32>} : memref<36864xi32, #tpu.memory_space<vmem>>, vector<16xi32>,
        %add3A_1027 = arith.constant 176 : i32
        %add3A_1028 = arith.addi %scan3A_338, %add3A_1027 : i32
        %get3A_1029 = arith.index_cast %add3A_1028 : i32 to index
        %get3A_1030 = tpu.vector_load %arg6[%get3A_1029] {strides = array<i32>} : memref<36864xi32, #tpu.memory_space<vmem>>, vector<16xi32>,
        %add3A_1031 = arith.constant 176 : i32
        %add3A_1032 = arith.addi %scan3A_339, %add3A_1031 : i32
        %get3A_1033 = arith.index_cast %add3A_1032 : i32 to index
        %get3A_1034 = tpu.vector_load %arg6[%get3A_1033] {strides = array<i32>} : memref<36864xi32, #tpu.memory_space<vmem>>, vector<16xi32>,
        %bitcast3A_1035 = vector.bitcast %get3A_976 : vector<16xi32> to vector<32xbf16>
        %bitcast3A_1036 = vector.bitcast %get3A_980 : vector<16xi32> to vector<32xbf16>
        %add3A_1037 = arith.addf %bitcast3A_1035, %bitcast3A_1036 : vector<32xbf16>
        %bitcast3A_1038 = vector.bitcast %get3A_984 : vector<16xi32> to vector<32xbf16>
        %add3A_1039 = arith.addf %add3A_1037, %bitcast3A_1038 : vector<32xbf16>
        %unpack3A_1040 = tpu.unpack_subelements %add3A_1039, 0 {pack_format = #tpu.pack_format<interleaved>} : vector<32xbf16> -> vector<16xf32>
        %unpack3A_1041 = tpu.unpack_subelements %add3A_1039, 1 {pack_format = #tpu.pack_format<interleaved>} : vector<32xbf16> -> vector<16xf32>
        %swap3A_1042 = arith.index_cast %add3A_747 : i32 to index
        %swap3A_1043 = arith.constant 288 : index
        %swap3A_1044 = tpu.vector_load %arg7[%swap3A_1042, %swap3A_1043] {strides = array<i32>} : memref<64x384xf32, #tpu.memory_space<vmem>>, vector<16xf32>,
        tpu.vector_store %arg7[%swap3A_1042, %swap3A_1043], %unpack3A_1040 {strides = array<i32>} : memref<64x384xf32, #tpu.memory_space<vmem>>, vector<16xf32>,
        %swap3A_1045 = arith.index_cast %add3A_747 : i32 to index
        %swap3A_1046 = arith.constant 304 : index
        %swap3A_1047 = tpu.vector_load %arg7[%swap3A_1045, %swap3A_1046] {strides = array<i32>} : memref<64x384xf32, #tpu.memory_space<vmem>>, vector<16xf32>,
        tpu.vector_store %arg7[%swap3A_1045, %swap3A_1046], %unpack3A_1041 {strides = array<i32>} : memref<64x384xf32, #tpu.memory_space<vmem>>, vector<16xf32>,
        %mul3A_1048 = arith.constant 4 : i32
        %mul3A_1049 = arith.muli %mul3A_1048, %scan3A_333 : i32
        %add3A_1050 = arith.constant 2 : i32
        %add3A_1051 = arith.addi %mul3A_1049, %add3A_1050 : i32
        %add3A_1052 = arith.constant 0 : i32
        %add3A_1053 = arith.addi %scan3A_340, %add3A_1052 : i32
        %get3A_1054 = arith.index_cast %add3A_1053 : i32 to index
        %get3A_1055 = tpu.vector_load %arg6[%get3A_1054] {strides = array<i32>} : memref<36864xi32, #tpu.memory_space<vmem>>, vector<16xi32>,
        %add3A_1056 = arith.constant 0 : i32
        %add3A_1057 = arith.addi %scan3A_341, %add3A_1056 : i32
        %get3A_1058 = arith.index_cast %add3A_1057 : i32 to index
        %get3A_1059 = tpu.vector_load %arg6[%get3A_1058] {strides = array<i32>} : memref<36864xi32, #tpu.memory_space<vmem>>, vector<16xi32>,
        %add3A_1060 = arith.constant 0 : i32
        %add3A_1061 = arith.addi %scan3A_342, %add3A_1060 : i32
        %get3A_1062 = arith.index_cast %add3A_1061 : i32 to index
        %get3A_1063 = tpu.vector_load %arg6[%get3A_1062] {strides = array<i32>} : memref<36864xi32, #tpu.memory_space<vmem>>, vector<16xi32>,
        %bitcast3A_1064 = vector.bitcast %get3A_1001 : vector<16xi32> to vector<32xbf16>
        %bitcast3A_1065 = vector.bitcast %get3A_1005 : vector<16xi32> to vector<32xbf16>
        %add3A_1066 = arith.addf %bitcast3A_1064, %bitcast3A_1065 : vector<32xbf16>
        %bitcast3A_1067 = vector.bitcast %get3A_1009 : vector<16xi32> to vector<32xbf16>
        %add3A_1068 = arith.addf %add3A_1066, %bitcast3A_1067 : vector<32xbf16>
        %unpack3A_1069 = tpu.unpack_subelements %add3A_1068, 0 {pack_format = #tpu.pack_format<interleaved>} : vector<32xbf16> -> vector<16xf32>
        %unpack3A_1070 = tpu.unpack_subelements %add3A_1068, 1 {pack_format = #tpu.pack_format<interleaved>} : vector<32xbf16> -> vector<16xf32>
        %swap3A_1071 = arith.index_cast %add3A_747 : i32 to index
        %swap3A_1072 = arith.constant 320 : index
        %swap3A_1073 = tpu.vector_load %arg7[%swap3A_1071, %swap3A_1072] {strides = array<i32>} : memref<64x384xf32, #tpu.memory_space<vmem>>, vector<16xf32>,
        tpu.vector_store %arg7[%swap3A_1071, %swap3A_1072], %unpack3A_1069 {strides = array<i32>} : memref<64x384xf32, #tpu.memory_space<vmem>>, vector<16xf32>,
        %swap3A_1074 = arith.index_cast %add3A_747 : i32 to index
        %swap3A_1075 = arith.constant 336 : index
        %swap3A_1076 = tpu.vector_load %arg7[%swap3A_1074, %swap3A_1075] {strides = array<i32>} : memref<64x384xf32, #tpu.memory_space<vmem>>, vector<16xf32>,
        tpu.vector_store %arg7[%swap3A_1074, %swap3A_1075], %unpack3A_1070 {strides = array<i32>} : memref<64x384xf32, #tpu.memory_space<vmem>>, vector<16xf32>,
        %add3A_1077 = arith.constant 16 : i32
        %add3A_1078 = arith.addi %scan3A_340, %add3A_1077 : i32
        %get3A_1079 = arith.index_cast %add3A_1078 : i32 to index
        %get3A_1080 = tpu.vector_load %arg6[%get3A_1079] {strides = array<i32>} : memref<36864xi32, #tpu.memory_space<vmem>>, vector<16xi32>,
        %add3A_1081 = arith.constant 16 : i32
        %add3A_1082 = arith.addi %scan3A_341, %add3A_1081 : i32
        %get3A_1083 = arith.index_cast %add3A_1082 : i32 to index
        %get3A_1084 = tpu.vector_load %arg6[%get3A_1083] {strides = array<i32>} : memref<36864xi32, #tpu.memory_space<vmem>>, vector<16xi32>,
        %add3A_1085 = arith.constant 16 : i32
        %add3A_1086 = arith.addi %scan3A_342, %add3A_1085 : i32
        %get3A_1087 = arith.index_cast %add3A_1086 : i32 to index
        %get3A_1088 = tpu.vector_load %arg6[%get3A_1087] {strides = array<i32>} : memref<36864xi32, #tpu.memory_space<vmem>>, vector<16xi32>,
        %bitcast3A_1089 = vector.bitcast %get3A_1026 : vector<16xi32> to vector<32xbf16>
        %bitcast3A_1090 = vector.bitcast %get3A_1030 : vector<16xi32> to vector<32xbf16>
        %add3A_1091 = arith.addf %bitcast3A_1089, %bitcast3A_1090 : vector<32xbf16>
        %bitcast3A_1092 = vector.bitcast %get3A_1034 : vector<16xi32> to vector<32xbf16>
        %add3A_1093 = arith.addf %add3A_1091, %bitcast3A_1092 : vector<32xbf16>
        %unpack3A_1094 = tpu.unpack_subelements %add3A_1093, 0 {pack_format = #tpu.pack_format<interleaved>} : vector<32xbf16> -> vector<16xf32>
        %unpack3A_1095 = tpu.unpack_subelements %add3A_1093, 1 {pack_format = #tpu.pack_format<interleaved>} : vector<32xbf16> -> vector<16xf32>
        %swap3A_1096 = arith.index_cast %add3A_747 : i32 to index
        %swap3A_1097 = arith.constant 352 : index
        %swap3A_1098 = tpu.vector_load %arg7[%swap3A_1096, %swap3A_1097] {strides = array<i32>} : memref<64x384xf32, #tpu.memory_space<vmem>>, vector<16xf32>,
        tpu.vector_store %arg7[%swap3A_1096, %swap3A_1097], %unpack3A_1094 {strides = array<i32>} : memref<64x384xf32, #tpu.memory_space<vmem>>, vector<16xf32>,
        %swap3A_1099 = arith.index_cast %add3A_747 : i32 to index
        %swap3A_1100 = arith.constant 368 : index
        %swap3A_1101 = tpu.vector_load %arg7[%swap3A_1099, %swap3A_1100] {strides = array<i32>} : memref<64x384xf32, #tpu.memory_space<vmem>>, vector<16xf32>,
        tpu.vector_store %arg7[%swap3A_1099, %swap3A_1100], %unpack3A_1095 {strides = array<i32>} : memref<64x384xf32, #tpu.memory_space<vmem>>, vector<16xf32>,
        %add3A_1102 = arith.constant 32 : i32
        %add3A_1103 = arith.addi %scan3A_340, %add3A_1102 : i32
        %get3A_1104 = arith.index_cast %add3A_1103 : i32 to index
        %get3A_1105 = tpu.vector_load %arg6[%get3A_1104] {strides = array<i32>} : memref<36864xi32, #tpu.memory_space<vmem>>, vector<16xi32>,
        %add3A_1106 = arith.constant 32 : i32
        %add3A_1107 = arith.addi %scan3A_341, %add3A_1106 : i32
        %get3A_1108 = arith.index_cast %add3A_1107 : i32 to index
        %get3A_1109 = tpu.vector_load %arg6[%get3A_1108] {strides = array<i32>} : memref<36864xi32, #tpu.memory_space<vmem>>, vector<16xi32>,
        %add3A_1110 = arith.constant 32 : i32
        %add3A_1111 = arith.addi %scan3A_342, %add3A_1110 : i32
        %get3A_1112 = arith.index_cast %add3A_1111 : i32 to index
        %get3A_1113 = tpu.vector_load %arg6[%get3A_1112] {strides = array<i32>} : memref<36864xi32, #tpu.memory_space<vmem>>, vector<16xi32>,
        %bitcast3A_1114 = vector.bitcast %get3A_1055 : vector<16xi32> to vector<32xbf16>
        %bitcast3A_1115 = vector.bitcast %get3A_1059 : vector<16xi32> to vector<32xbf16>
        %add3A_1116 = arith.addf %bitcast3A_1114, %bitcast3A_1115 : vector<32xbf16>
        %bitcast3A_1117 = vector.bitcast %get3A_1063 : vector<16xi32> to vector<32xbf16>
        %add3A_1118 = arith.addf %add3A_1116, %bitcast3A_1117 : vector<32xbf16>
        %unpack3A_1119 = tpu.unpack_subelements %add3A_1118, 0 {pack_format = #tpu.pack_format<interleaved>} : vector<32xbf16> -> vector<16xf32>
        %unpack3A_1120 = tpu.unpack_subelements %add3A_1118, 1 {pack_format = #tpu.pack_format<interleaved>} : vector<32xbf16> -> vector<16xf32>
        %swap3A_1121 = arith.index_cast %add3A_1051 : i32 to index
        %swap3A_1122 = arith.constant 0 : index
        %swap3A_1123 = tpu.vector_load %arg7[%swap3A_1121, %swap3A_1122] {strides = array<i32>} : memref<64x384xf32, #tpu.memory_space<vmem>>, vector<16xf32>,
        tpu.vector_store %arg7[%swap3A_1121, %swap3A_1122], %unpack3A_1119 {strides = array<i32>} : memref<64x384xf32, #tpu.memory_space<vmem>>, vector<16xf32>,
        %swap3A_1124 = arith.index_cast %add3A_1051 : i32 to index
        %swap3A_1125 = arith.constant 16 : index
        %swap3A_1126 = tpu.vector_load %arg7[%swap3A_1124, %swap3A_1125] {strides = array<i32>} : memref<64x384xf32, #tpu.memory_space<vmem>>, vector<16xf32>,
        tpu.vector_store %arg7[%swap3A_1124, %swap3A_1125], %unpack3A_1120 {strides = array<i32>} : memref<64x384xf32, #tpu.memory_space<vmem>>, vector<16xf32>,
        %add3A_1127 = arith.constant 48 : i32
        %add3A_1128 = arith.addi %scan3A_340, %add3A_1127 : i32
        %get3A_1129 = arith.index_cast %add3A_1128 : i32 to index
        %get3A_1130 = tpu.vector_load %arg6[%get3A_1129] {strides = array<i32>} : memref<36864xi32, #tpu.memory_space<vmem>>, vector<16xi32>,
        %add3A_1131 = arith.constant 48 : i32
        %add3A_1132 = arith.addi %scan3A_341, %add3A_1131 : i32
        %get3A_1133 = arith.index_cast %add3A_1132 : i32 to index
        %get3A_1134 = tpu.vector_load %arg6[%get3A_1133] {strides = array<i32>} : memref<36864xi32, #tpu.memory_space<vmem>>, vector<16xi32>,
        %add3A_1135 = arith.constant 48 : i32
        %add3A_1136 = arith.addi %scan3A_342, %add3A_1135 : i32
        %get3A_1137 = arith.index_cast %add3A_1136 : i32 to index
        %get3A_1138 = tpu.vector_load %arg6[%get3A_1137] {strides = array<i32>} : memref<36864xi32, #tpu.memory_space<vmem>>, vector<16xi32>,
        %bitcast3A_1139 = vector.bitcast %get3A_1080 : vector<16xi32> to vector<32xbf16>
        %bitcast3A_1140 = vector.bitcast %get3A_1084 : vector<16xi32> to vector<32xbf16>
        %add3A_1141 = arith.addf %bitcast3A_1139, %bitcast3A_1140 : vector<32xbf16>
        %bitcast3A_1142 = vector.bitcast %get3A_1088 : vector<16xi32> to vector<32xbf16>
        %add3A_1143 = arith.addf %add3A_1141, %bitcast3A_1142 : vector<32xbf16>
        %unpack3A_1144 = tpu.unpack_subelements %add3A_1143, 0 {pack_format = #tpu.pack_format<interleaved>} : vector<32xbf16> -> vector<16xf32>
        %unpack3A_1145 = tpu.unpack_subelements %add3A_1143, 1 {pack_format = #tpu.pack_format<interleaved>} : vector<32xbf16> -> vector<16xf32>
        %swap3A_1146 = arith.index_cast %add3A_1051 : i32 to index
        %swap3A_1147 = arith.constant 32 : index
        %swap3A_1148 = tpu.vector_load %arg7[%swap3A_1146, %swap3A_1147] {strides = array<i32>} : memref<64x384xf32, #tpu.memory_space<vmem>>, vector<16xf32>,
        tpu.vector_store %arg7[%swap3A_1146, %swap3A_1147], %unpack3A_1144 {strides = array<i32>} : memref<64x384xf32, #tpu.memory_space<vmem>>, vector<16xf32>,
        %swap3A_1149 = arith.index_cast %add3A_1051 : i32 to index
        %swap3A_1150 = arith.constant 48 : index
        %swap3A_1151 = tpu.vector_load %arg7[%swap3A_1149, %swap3A_1150] {strides = array<i32>} : memref<64x384xf32, #tpu.memory_space<vmem>>, vector<16xf32>,
        tpu.vector_store %arg7[%swap3A_1149, %swap3A_1150], %unpack3A_1145 {strides = array<i32>} : memref<64x384xf32, #tpu.memory_space<vmem>>, vector<16xf32>,
        %add3A_1152 = arith.constant 64 : i32
        %add3A_1153 = arith.addi %scan3A_340, %add3A_1152 : i32
        %get3A_1154 = arith.index_cast %add3A_1153 : i32 to index
        %get3A_1155 = tpu.vector_load %arg6[%get3A_1154] {strides = array<i32>} : memref<36864xi32, #tpu.memory_space<vmem>>, vector<16xi32>,
        %add3A_1156 = arith.constant 64 : i32
        %add3A_1157 = arith.addi %scan3A_341, %add3A_1156 : i32
        %get3A_1158 = arith.index_cast %add3A_1157 : i32 to index
        %get3A_1159 = tpu.vector_load %arg6[%get3A_1158] {strides = array<i32>} : memref<36864xi32, #tpu.memory_space<vmem>>, vector<16xi32>,
        %add3A_1160 = arith.constant 64 : i32
        %add3A_1161 = arith.addi %scan3A_342, %add3A_1160 : i32
        %get3A_1162 = arith.index_cast %add3A_1161 : i32 to index
        %get3A_1163 = tpu.vector_load %arg6[%get3A_1162] {strides = array<i32>} : memref<36864xi32, #tpu.memory_space<vmem>>, vector<16xi32>,
        %bitcast3A_1164 = vector.bitcast %get3A_1105 : vector<16xi32> to vector<32xbf16>
        %bitcast3A_1165 = vector.bitcast %get3A_1109 : vector<16xi32> to vector<32xbf16>
        %add3A_1166 = arith.addf %bitcast3A_1164, %bitcast3A_1165 : vector<32xbf16>
        %bitcast3A_1167 = vector.bitcast %get3A_1113 : vector<16xi32> to vector<32xbf16>
        %add3A_1168 = arith.addf %add3A_1166, %bitcast3A_1167 : vector<32xbf16>
        %unpack3A_1169 = tpu.unpack_subelements %add3A_1168, 0 {pack_format = #tpu.pack_format<interleaved>} : vector<32xbf16> -> vector<16xf32>
        %unpack3A_1170 = tpu.unpack_subelements %add3A_1168, 1 {pack_format = #tpu.pack_format<interleaved>} : vector<32xbf16> -> vector<16xf32>
        %swap3A_1171 = arith.index_cast %add3A_1051 : i32 to index
        %swap3A_1172 = arith.constant 64 : index
        %swap3A_1173 = tpu.vector_load %arg7[%swap3A_1171, %swap3A_1172] {strides = array<i32>} : memref<64x384xf32, #tpu.memory_space<vmem>>, vector<16xf32>,
        tpu.vector_store %arg7[%swap3A_1171, %swap3A_1172], %unpack3A_1169 {strides = array<i32>} : memref<64x384xf32, #tpu.memory_space<vmem>>, vector<16xf32>,
        %swap3A_1174 = arith.index_cast %add3A_1051 : i32 to index
        %swap3A_1175 = arith.constant 80 : index
        %swap3A_1176 = tpu.vector_load %arg7[%swap3A_1174, %swap3A_1175] {strides = array<i32>} : memref<64x384xf32, #tpu.memory_space<vmem>>, vector<16xf32>,
        tpu.vector_store %arg7[%swap3A_1174, %swap3A_1175], %unpack3A_1170 {strides = array<i32>} : memref<64x384xf32, #tpu.memory_space<vmem>>, vector<16xf32>,
        %add3A_1177 = arith.constant 80 : i32
        %add3A_1178 = arith.addi %scan3A_340, %add3A_1177 : i32
        %get3A_1179 = arith.index_cast %add3A_1178 : i32 to index
        %get3A_1180 = tpu.vector_load %arg6[%get3A_1179] {strides = array<i32>} : memref<36864xi32, #tpu.memory_space<vmem>>, vector<16xi32>,
        %add3A_1181 = arith.constant 80 : i32
        %add3A_1182 = arith.addi %scan3A_341, %add3A_1181 : i32
        %get3A_1183 = arith.index_cast %add3A_1182 : i32 to index
        %get3A_1184 = tpu.vector_load %arg6[%get3A_1183] {strides = array<i32>} : memref<36864xi32, #tpu.memory_space<vmem>>, vector<16xi32>,
        %add3A_1185 = arith.constant 80 : i32
        %add3A_1186 = arith.addi %scan3A_342, %add3A_1185 : i32
        %get3A_1187 = arith.index_cast %add3A_1186 : i32 to index
        %get3A_1188 = tpu.vector_load %arg6[%get3A_1187] {strides = array<i32>} : memref<36864xi32, #tpu.memory_space<vmem>>, vector<16xi32>,
        %bitcast3A_1189 = vector.bitcast %get3A_1130 : vector<16xi32> to vector<32xbf16>
        %bitcast3A_1190 = vector.bitcast %get3A_1134 : vector<16xi32> to vector<32xbf16>
        %add3A_1191 = arith.addf %bitcast3A_1189, %bitcast3A_1190 : vector<32xbf16>
        %bitcast3A_1192 = vector.bitcast %get3A_1138 : vector<16xi32> to vector<32xbf16>
        %add3A_1193 = arith.addf %add3A_1191, %bitcast3A_1192 : vector<32xbf16>
        %unpack3A_1194 = tpu.unpack_subelements %add3A_1193, 0 {pack_format = #tpu.pack_format<interleaved>} : vector<32xbf16> -> vector<16xf32>
        %unpack3A_1195 = tpu.unpack_subelements %add3A_1193, 1 {pack_format = #tpu.pack_format<interleaved>} : vector<32xbf16> -> vector<16xf32>
        %swap3A_1196 = arith.index_cast %add3A_1051 : i32 to index
        %swap3A_1197 = arith.constant 96 : index
        %swap3A_1198 = tpu.vector_load %arg7[%swap3A_1196, %swap3A_1197] {strides = array<i32>} : memref<64x384xf32, #tpu.memory_space<vmem>>, vector<16xf32>,
        tpu.vector_store %arg7[%swap3A_1196, %swap3A_1197], %unpack3A_1194 {strides = array<i32>} : memref<64x384xf32, #tpu.memory_space<vmem>>, vector<16xf32>,
        %swap3A_1199 = arith.index_cast %add3A_1051 : i32 to index
        %swap3A_1200 = arith.constant 112 : index
        %swap3A_1201 = tpu.vector_load %arg7[%swap3A_1199, %swap3A_1200] {strides = array<i32>} : memref<64x384xf32, #tpu.memory_space<vmem>>, vector<16xf32>,
        tpu.vector_store %arg7[%swap3A_1199, %swap3A_1200], %unpack3A_1195 {strides = array<i32>} : memref<64x384xf32, #tpu.memory_space<vmem>>, vector<16xf32>,
        %add3A_1202 = arith.constant 96 : i32
        %add3A_1203 = arith.addi %scan3A_340, %add3A_1202 : i32
        %get3A_1204 = arith.index_cast %add3A_1203 : i32 to index
        %get3A_1205 = tpu.vector_load %arg6[%get3A_1204] {strides = array<i32>} : memref<36864xi32, #tpu.memory_space<vmem>>, vector<16xi32>,
        %add3A_1206 = arith.constant 96 : i32
        %add3A_1207 = arith.addi %scan3A_341, %add3A_1206 : i32
        %get3A_1208 = arith.index_cast %add3A_1207 : i32 to index
        %get3A_1209 = tpu.vector_load %arg6[%get3A_1208] {strides = array<i32>} : memref<36864xi32, #tpu.memory_space<vmem>>, vector<16xi32>,
        %add3A_1210 = arith.constant 96 : i32
        %add3A_1211 = arith.addi %scan3A_342, %add3A_1210 : i32
        %get3A_1212 = arith.index_cast %add3A_1211 : i32 to index
        %get3A_1213 = tpu.vector_load %arg6[%get3A_1212] {strides = array<i32>} : memref<36864xi32, #tpu.memory_space<vmem>>, vector<16xi32>,
        %bitcast3A_1214 = vector.bitcast %get3A_1155 : vector<16xi32> to vector<32xbf16>
        %bitcast3A_1215 = vector.bitcast %get3A_1159 : vector<16xi32> to vector<32xbf16>
        %add3A_1216 = arith.addf %bitcast3A_1214, %bitcast3A_1215 : vector<32xbf16>
        %bitcast3A_1217 = vector.bitcast %get3A_1163 : vector<16xi32> to vector<32xbf16>
        %add3A_1218 = arith.addf %add3A_1216, %bitcast3A_1217 : vector<32xbf16>
        %unpack3A_1219 = tpu.unpack_subelements %add3A_1218, 0 {pack_format = #tpu.pack_format<interleaved>} : vector<32xbf16> -> vector<16xf32>
        %unpack3A_1220 = tpu.unpack_subelements %add3A_1218, 1 {pack_format = #tpu.pack_format<interleaved>} : vector<32xbf16> -> vector<16xf32>
        %swap3A_1221 = arith.index_cast %add3A_1051 : i32 to index
        %swap3A_1222 = arith.constant 128 : index
        %swap3A_1223 = tpu.vector_load %arg7[%swap3A_1221, %swap3A_1222] {strides = array<i32>} : memref<64x384xf32, #tpu.memory_space<vmem>>, vector<16xf32>,
        tpu.vector_store %arg7[%swap3A_1221, %swap3A_1222], %unpack3A_1219 {strides = array<i32>} : memref<64x384xf32, #tpu.memory_space<vmem>>, vector<16xf32>,
        %swap3A_1224 = arith.index_cast %add3A_1051 : i32 to index
        %swap3A_1225 = arith.constant 144 : index
        %swap3A_1226 = tpu.vector_load %arg7[%swap3A_1224, %swap3A_1225] {strides = array<i32>} : memref<64x384xf32, #tpu.memory_space<vmem>>, vector<16xf32>,
        tpu.vector_store %arg7[%swap3A_1224, %swap3A_1225], %unpack3A_1220 {strides = array<i32>} : memref<64x384xf32, #tpu.memory_space<vmem>>, vector<16xf32>,
        %add3A_1227 = arith.constant 112 : i32
        %add3A_1228 = arith.addi %scan3A_340, %add3A_1227 : i32
        %get3A_1229 = arith.index_cast %add3A_1228 : i32 to index
        %get3A_1230 = tpu.vector_load %arg6[%get3A_1229] {strides = array<i32>} : memref<36864xi32, #tpu.memory_space<vmem>>, vector<16xi32>,
        %add3A_1231 = arith.constant 112 : i32
        %add3A_1232 = arith.addi %scan3A_341, %add3A_1231 : i32
        %get3A_1233 = arith.index_cast %add3A_1232 : i32 to index
        %get3A_1234 = tpu.vector_load %arg6[%get3A_1233] {strides = array<i32>} : memref<36864xi32, #tpu.memory_space<vmem>>, vector<16xi32>,
        %add3A_1235 = arith.constant 112 : i32
        %add3A_1236 = arith.addi %scan3A_342, %add3A_1235 : i32
        %get3A_1237 = arith.index_cast %add3A_1236 : i32 to index
        %get3A_1238 = tpu.vector_load %arg6[%get3A_1237] {strides = array<i32>} : memref<36864xi32, #tpu.memory_space<vmem>>, vector<16xi32>,
        %bitcast3A_1239 = vector.bitcast %get3A_1180 : vector<16xi32> to vector<32xbf16>
        %bitcast3A_1240 = vector.bitcast %get3A_1184 : vector<16xi32> to vector<32xbf16>
        %add3A_1241 = arith.addf %bitcast3A_1239, %bitcast3A_1240 : vector<32xbf16>
        %bitcast3A_1242 = vector.bitcast %get3A_1188 : vector<16xi32> to vector<32xbf16>
        %add3A_1243 = arith.addf %add3A_1241, %bitcast3A_1242 : vector<32xbf16>
        %unpack3A_1244 = tpu.unpack_subelements %add3A_1243, 0 {pack_format = #tpu.pack_format<interleaved>} : vector<32xbf16> -> vector<16xf32>
        %unpack3A_1245 = tpu.unpack_subelements %add3A_1243, 1 {pack_format = #tpu.pack_format<interleaved>} : vector<32xbf16> -> vector<16xf32>
        %swap3A_1246 = arith.index_cast %add3A_1051 : i32 to index
        %swap3A_1247 = arith.constant 160 : index
        %swap3A_1248 = tpu.vector_load %arg7[%swap3A_1246, %swap3A_1247] {strides = array<i32>} : memref<64x384xf32, #tpu.memory_space<vmem>>, vector<16xf32>,
        tpu.vector_store %arg7[%swap3A_1246, %swap3A_1247], %unpack3A_1244 {strides = array<i32>} : memref<64x384xf32, #tpu.memory_space<vmem>>, vector<16xf32>,
        %swap3A_1249 = arith.index_cast %add3A_1051 : i32 to index
        %swap3A_1250 = arith.constant 176 : index
        %swap3A_1251 = tpu.vector_load %arg7[%swap3A_1249, %swap3A_1250] {strides = array<i32>} : memref<64x384xf32, #tpu.memory_space<vmem>>, vector<16xf32>,
        tpu.vector_store %arg7[%swap3A_1249, %swap3A_1250], %unpack3A_1245 {strides = array<i32>} : memref<64x384xf32, #tpu.memory_space<vmem>>, vector<16xf32>,
        %add3A_1252 = arith.constant 128 : i32
        %add3A_1253 = arith.addi %scan3A_340, %add3A_1252 : i32
        %get3A_1254 = arith.index_cast %add3A_1253 : i32 to index
        %get3A_1255 = tpu.vector_load %arg6[%get3A_1254] {strides = array<i32>} : memref<36864xi32, #tpu.memory_space<vmem>>, vector<16xi32>,
        %add3A_1256 = arith.constant 128 : i32
        %add3A_1257 = arith.addi %scan3A_341, %add3A_1256 : i32
        %get3A_1258 = arith.index_cast %add3A_1257 : i32 to index
        %get3A_1259 = tpu.vector_load %arg6[%get3A_1258] {strides = array<i32>} : memref<36864xi32, #tpu.memory_space<vmem>>, vector<16xi32>,
        %add3A_1260 = arith.constant 128 : i32
        %add3A_1261 = arith.addi %scan3A_342, %add3A_1260 : i32
        %get3A_1262 = arith.index_cast %add3A_1261 : i32 to index
        %get3A_1263 = tpu.vector_load %arg6[%get3A_1262] {strides = array<i32>} : memref<36864xi32, #tpu.memory_space<vmem>>, vector<16xi32>,
        %bitcast3A_1264 = vector.bitcast %get3A_1205 : vector<16xi32> to vector<32xbf16>
        %bitcast3A_1265 = vector.bitcast %get3A_1209 : vector<16xi32> to vector<32xbf16>
        %add3A_1266 = arith.addf %bitcast3A_1264, %bitcast3A_1265 : vector<32xbf16>
        %bitcast3A_1267 = vector.bitcast %get3A_1213 : vector<16xi32> to vector<32xbf16>
        %add3A_1268 = arith.addf %add3A_1266, %bitcast3A_1267 : vector<32xbf16>
        %unpack3A_1269 = tpu.unpack_subelements %add3A_1268, 0 {pack_format = #tpu.pack_format<interleaved>} : vector<32xbf16> -> vector<16xf32>
        %unpack3A_1270 = tpu.unpack_subelements %add3A_1268, 1 {pack_format = #tpu.pack_format<interleaved>} : vector<32xbf16> -> vector<16xf32>
        %swap3A_1271 = arith.index_cast %add3A_1051 : i32 to index
        %swap3A_1272 = arith.constant 192 : index
        %swap3A_1273 = tpu.vector_load %arg7[%swap3A_1271, %swap3A_1272] {strides = array<i32>} : memref<64x384xf32, #tpu.memory_space<vmem>>, vector<16xf32>,
        tpu.vector_store %arg7[%swap3A_1271, %swap3A_1272], %unpack3A_1269 {strides = array<i32>} : memref<64x384xf32, #tpu.memory_space<vmem>>, vector<16xf32>,
        %swap3A_1274 = arith.index_cast %add3A_1051 : i32 to index
        %swap3A_1275 = arith.constant 208 : index
        %swap3A_1276 = tpu.vector_load %arg7[%swap3A_1274, %swap3A_1275] {strides = array<i32>} : memref<64x384xf32, #tpu.memory_space<vmem>>, vector<16xf32>,
        tpu.vector_store %arg7[%swap3A_1274, %swap3A_1275], %unpack3A_1270 {strides = array<i32>} : memref<64x384xf32, #tpu.memory_space<vmem>>, vector<16xf32>,
        %add3A_1277 = arith.constant 144 : i32
        %add3A_1278 = arith.addi %scan3A_340, %add3A_1277 : i32
        %get3A_1279 = arith.index_cast %add3A_1278 : i32 to index
        %get3A_1280 = tpu.vector_load %arg6[%get3A_1279] {strides = array<i32>} : memref<36864xi32, #tpu.memory_space<vmem>>, vector<16xi32>,
        %add3A_1281 = arith.constant 144 : i32
        %add3A_1282 = arith.addi %scan3A_341, %add3A_1281 : i32
        %get3A_1283 = arith.index_cast %add3A_1282 : i32 to index
        %get3A_1284 = tpu.vector_load %arg6[%get3A_1283] {strides = array<i32>} : memref<36864xi32, #tpu.memory_space<vmem>>, vector<16xi32>,
        %add3A_1285 = arith.constant 144 : i32
        %add3A_1286 = arith.addi %scan3A_342, %add3A_1285 : i32
        %get3A_1287 = arith.index_cast %add3A_1286 : i32 to index
        %get3A_1288 = tpu.vector_load %arg6[%get3A_1287] {strides = array<i32>} : memref<36864xi32, #tpu.memory_space<vmem>>, vector<16xi32>,
        %bitcast3A_1289 = vector.bitcast %get3A_1230 : vector<16xi32> to vector<32xbf16>
        %bitcast3A_1290 = vector.bitcast %get3A_1234 : vector<16xi32> to vector<32xbf16>
        %add3A_1291 = arith.addf %bitcast3A_1289, %bitcast3A_1290 : vector<32xbf16>
        %bitcast3A_1292 = vector.bitcast %get3A_1238 : vector<16xi32> to vector<32xbf16>
        %add3A_1293 = arith.addf %add3A_1291, %bitcast3A_1292 : vector<32xbf16>
        %unpack3A_1294 = tpu.unpack_subelements %add3A_1293, 0 {pack_format = #tpu.pack_format<interleaved>} : vector<32xbf16> -> vector<16xf32>
        %unpack3A_1295 = tpu.unpack_subelements %add3A_1293, 1 {pack_format = #tpu.pack_format<interleaved>} : vector<32xbf16> -> vector<16xf32>
        %swap3A_1296 = arith.index_cast %add3A_1051 : i32 to index
        %swap3A_1297 = arith.constant 224 : index
        %swap3A_1298 = tpu.vector_load %arg7[%swap3A_1296, %swap3A_1297] {strides = array<i32>} : memref<64x384xf32, #tpu.memory_space<vmem>>, vector<16xf32>,
        tpu.vector_store %arg7[%swap3A_1296, %swap3A_1297], %unpack3A_1294 {strides = array<i32>} : memref<64x384xf32, #tpu.memory_space<vmem>>, vector<16xf32>,
        %swap3A_1299 = arith.index_cast %add3A_1051 : i32 to index
        %swap3A_1300 = arith.constant 240 : index
        %swap3A_1301 = tpu.vector_load %arg7[%swap3A_1299, %swap3A_1300] {strides = array<i32>} : memref<64x384xf32, #tpu.memory_space<vmem>>, vector<16xf32>,
        tpu.vector_store %arg7[%swap3A_1299, %swap3A_1300], %unpack3A_1295 {strides = array<i32>} : memref<64x384xf32, #tpu.memory_space<vmem>>, vector<16xf32>,
        %add3A_1302 = arith.constant 160 : i32
        %add3A_1303 = arith.addi %scan3A_340, %add3A_1302 : i32
        %get3A_1304 = arith.index_cast %add3A_1303 : i32 to index
        %get3A_1305 = tpu.vector_load %arg6[%get3A_1304] {strides = array<i32>} : memref<36864xi32, #tpu.memory_space<vmem>>, vector<16xi32>,
        %add3A_1306 = arith.constant 160 : i32
        %add3A_1307 = arith.addi %scan3A_341, %add3A_1306 : i32
        %get3A_1308 = arith.index_cast %add3A_1307 : i32 to index
        %get3A_1309 = tpu.vector_load %arg6[%get3A_1308] {strides = array<i32>} : memref<36864xi32, #tpu.memory_space<vmem>>, vector<16xi32>,
        %add3A_1310 = arith.constant 160 : i32
        %add3A_1311 = arith.addi %scan3A_342, %add3A_1310 : i32
        %get3A_1312 = arith.index_cast %add3A_1311 : i32 to index
        %get3A_1313 = tpu.vector_load %arg6[%get3A_1312] {strides = array<i32>} : memref<36864xi32, #tpu.memory_space<vmem>>, vector<16xi32>,
        %bitcast3A_1314 = vector.bitcast %get3A_1255 : vector<16xi32> to vector<32xbf16>
        %bitcast3A_1315 = vector.bitcast %get3A_1259 : vector<16xi32> to vector<32xbf16>
        %add3A_1316 = arith.addf %bitcast3A_1314, %bitcast3A_1315 : vector<32xbf16>
        %bitcast3A_1317 = vector.bitcast %get3A_1263 : vector<16xi32> to vector<32xbf16>
        %add3A_1318 = arith.addf %add3A_1316, %bitcast3A_1317 : vector<32xbf16>
        %unpack3A_1319 = tpu.unpack_subelements %add3A_1318, 0 {pack_format = #tpu.pack_format<interleaved>} : vector<32xbf16> -> vector<16xf32>
        %unpack3A_1320 = tpu.unpack_subelements %add3A_1318, 1 {pack_format = #tpu.pack_format<interleaved>} : vector<32xbf16> -> vector<16xf32>
        %swap3A_1321 = arith.index_cast %add3A_1051 : i32 to index
        %swap3A_1322 = arith.constant 256 : index
        %swap3A_1323 = tpu.vector_load %arg7[%swap3A_1321, %swap3A_1322] {strides = array<i32>} : memref<64x384xf32, #tpu.memory_space<vmem>>, vector<16xf32>,
        tpu.vector_store %arg7[%swap3A_1321, %swap3A_1322], %unpack3A_1319 {strides = array<i32>} : memref<64x384xf32, #tpu.memory_space<vmem>>, vector<16xf32>,
        %swap3A_1324 = arith.index_cast %add3A_1051 : i32 to index
        %swap3A_1325 = arith.constant 272 : index
        %swap3A_1326 = tpu.vector_load %arg7[%swap3A_1324, %swap3A_1325] {strides = array<i32>} : memref<64x384xf32, #tpu.memory_space<vmem>>, vector<16xf32>,
        tpu.vector_store %arg7[%swap3A_1324, %swap3A_1325], %unpack3A_1320 {strides = array<i32>} : memref<64x384xf32, #tpu.memory_space<vmem>>, vector<16xf32>,
        %add3A_1327 = arith.constant 176 : i32
        %add3A_1328 = arith.addi %scan3A_340, %add3A_1327 : i32
        %get3A_1329 = arith.index_cast %add3A_1328 : i32 to index
        %get3A_1330 = tpu.vector_load %arg6[%get3A_1329] {strides = array<i32>} : memref<36864xi32, #tpu.memory_space<vmem>>, vector<16xi32>,
        %add3A_1331 = arith.constant 176 : i32
        %add3A_1332 = arith.addi %scan3A_341, %add3A_1331 : i32
        %get3A_1333 = arith.index_cast %add3A_1332 : i32 to index
        %get3A_1334 = tpu.vector_load %arg6[%get3A_1333] {strides = array<i32>} : memref<36864xi32, #tpu.memory_space<vmem>>, vector<16xi32>,
        %add3A_1335 = arith.constant 176 : i32
        %add3A_1336 = arith.addi %scan3A_342, %add3A_1335 : i32
        %get3A_1337 = arith.index_cast %add3A_1336 : i32 to index
        %get3A_1338 = tpu.vector_load %arg6[%get3A_1337] {strides = array<i32>} : memref<36864xi32, #tpu.memory_space<vmem>>, vector<16xi32>,
        %bitcast3A_1339 = vector.bitcast %get3A_1280 : vector<16xi32> to vector<32xbf16>
        %bitcast3A_1340 = vector.bitcast %get3A_1284 : vector<16xi32> to vector<32xbf16>
        %add3A_1341 = arith.addf %bitcast3A_1339, %bitcast3A_1340 : vector<32xbf16>
        %bitcast3A_1342 = vector.bitcast %get3A_1288 : vector<16xi32> to vector<32xbf16>
        %add3A_1343 = arith.addf %add3A_1341, %bitcast3A_1342 : vector<32xbf16>
        %unpack3A_1344 = tpu.unpack_subelements %add3A_1343, 0 {pack_format = #tpu.pack_format<interleaved>} : vector<32xbf16> -> vector<16xf32>
        %unpack3A_1345 = tpu.unpack_subelements %add3A_1343, 1 {pack_format = #tpu.pack_format<interleaved>} : vector<32xbf16> -> vector<16xf32>
        %swap3A_1346 = arith.index_cast %add3A_1051 : i32 to index
        %swap3A_1347 = arith.constant 288 : index
        %swap3A_1348 = tpu.vector_load %arg7[%swap3A_1346, %swap3A_1347] {strides = array<i32>} : memref<64x384xf32, #tpu.memory_space<vmem>>, vector<16xf32>,
        tpu.vector_store %arg7[%swap3A_1346, %swap3A_1347], %unpack3A_1344 {strides = array<i32>} : memref<64x384xf32, #tpu.memory_space<vmem>>, vector<16xf32>,
        %swap3A_1349 = arith.index_cast %add3A_1051 : i32 to index
        %swap3A_1350 = arith.constant 304 : index
        %swap3A_1351 = tpu.vector_load %arg7[%swap3A_1349, %swap3A_1350] {strides = array<i32>} : memref<64x384xf32, #tpu.memory_space<vmem>>, vector<16xf32>,
        tpu.vector_store %arg7[%swap3A_1349, %swap3A_1350], %unpack3A_1345 {strides = array<i32>} : memref<64x384xf32, #tpu.memory_space<vmem>>, vector<16xf32>,
        %mul3A_1352 = arith.constant 4 : i32
        %mul3A_1353 = arith.muli %mul3A_1352, %scan3A_333 : i32
        %add3A_1354 = arith.constant 3 : i32
        %add3A_1355 = arith.addi %mul3A_1353, %add3A_1354 : i32
        %add3A_1356 = arith.constant 0 : i32
        %add3A_1357 = arith.addi %scan3A_343, %add3A_1356 : i32
        %get3A_1358 = arith.index_cast %add3A_1357 : i32 to index
        %get3A_1359 = tpu.vector_load %arg6[%get3A_1358] {strides = array<i32>} : memref<36864xi32, #tpu.memory_space<vmem>>, vector<16xi32>,
        %add3A_1360 = arith.constant 0 : i32
        %add3A_1361 = arith.addi %scan3A_344, %add3A_1360 : i32
        %get3A_1362 = arith.index_cast %add3A_1361 : i32 to index
        %get3A_1363 = tpu.vector_load %arg6[%get3A_1362] {strides = array<i32>} : memref<36864xi32, #tpu.memory_space<vmem>>, vector<16xi32>,
        %add3A_1364 = arith.constant 0 : i32
        %add3A_1365 = arith.addi %scan3A_345, %add3A_1364 : i32
        %get3A_1366 = arith.index_cast %add3A_1365 : i32 to index
        %get3A_1367 = tpu.vector_load %arg6[%get3A_1366] {strides = array<i32>} : memref<36864xi32, #tpu.memory_space<vmem>>, vector<16xi32>,
        %bitcast3A_1368 = vector.bitcast %get3A_1305 : vector<16xi32> to vector<32xbf16>
        %bitcast3A_1369 = vector.bitcast %get3A_1309 : vector<16xi32> to vector<32xbf16>
        %add3A_1370 = arith.addf %bitcast3A_1368, %bitcast3A_1369 : vector<32xbf16>
        %bitcast3A_1371 = vector.bitcast %get3A_1313 : vector<16xi32> to vector<32xbf16>
        %add3A_1372 = arith.addf %add3A_1370, %bitcast3A_1371 : vector<32xbf16>
        %unpack3A_1373 = tpu.unpack_subelements %add3A_1372, 0 {pack_format = #tpu.pack_format<interleaved>} : vector<32xbf16> -> vector<16xf32>
        %unpack3A_1374 = tpu.unpack_subelements %add3A_1372, 1 {pack_format = #tpu.pack_format<interleaved>} : vector<32xbf16> -> vector<16xf32>
        %swap3A_1375 = arith.index_cast %add3A_1051 : i32 to index
        %swap3A_1376 = arith.constant 320 : index
        %swap3A_1377 = tpu.vector_load %arg7[%swap3A_1375, %swap3A_1376] {strides = array<i32>} : memref<64x384xf32, #tpu.memory_space<vmem>>, vector<16xf32>,
        tpu.vector_store %arg7[%swap3A_1375, %swap3A_1376], %unpack3A_1373 {strides = array<i32>} : memref<64x384xf32, #tpu.memory_space<vmem>>, vector<16xf32>,
        %swap3A_1378 = arith.index_cast %add3A_1051 : i32 to index
        %swap3A_1379 = arith.constant 336 : index
        %swap3A_1380 = tpu.vector_load %arg7[%swap3A_1378, %swap3A_1379] {strides = array<i32>} : memref<64x384xf32, #tpu.memory_space<vmem>>, vector<16xf32>,
        tpu.vector_store %arg7[%swap3A_1378, %swap3A_1379], %unpack3A_1374 {strides = array<i32>} : memref<64x384xf32, #tpu.memory_space<vmem>>, vector<16xf32>,
        %add3A_1381 = arith.constant 16 : i32
        %add3A_1382 = arith.addi %scan3A_343, %add3A_1381 : i32
        %get3A_1383 = arith.index_cast %add3A_1382 : i32 to index
        %get3A_1384 = tpu.vector_load %arg6[%get3A_1383] {strides = array<i32>} : memref<36864xi32, #tpu.memory_space<vmem>>, vector<16xi32>,
        %add3A_1385 = arith.constant 16 : i32
        %add3A_1386 = arith.addi %scan3A_344, %add3A_1385 : i32
        %get3A_1387 = arith.index_cast %add3A_1386 : i32 to index
        %get3A_1388 = tpu.vector_load %arg6[%get3A_1387] {strides = array<i32>} : memref<36864xi32, #tpu.memory_space<vmem>>, vector<16xi32>,
        %add3A_1389 = arith.constant 16 : i32
        %add3A_1390 = arith.addi %scan3A_345, %add3A_1389 : i32
        %get3A_1391 = arith.index_cast %add3A_1390 : i32 to index
        %get3A_1392 = tpu.vector_load %arg6[%get3A_1391] {strides = array<i32>} : memref<36864xi32, #tpu.memory_space<vmem>>, vector<16xi32>,
        %bitcast3A_1393 = vector.bitcast %get3A_1330 : vector<16xi32> to vector<32xbf16>
        %bitcast3A_1394 = vector.bitcast %get3A_1334 : vector<16xi32> to vector<32xbf16>
        %add3A_1395 = arith.addf %bitcast3A_1393, %bitcast3A_1394 : vector<32xbf16>
        %bitcast3A_1396 = vector.bitcast %get3A_1338 : vector<16xi32> to vector<32xbf16>
        %add3A_1397 = arith.addf %add3A_1395, %bitcast3A_1396 : vector<32xbf16>
        %unpack3A_1398 = tpu.unpack_subelements %add3A_1397, 0 {pack_format = #tpu.pack_format<interleaved>} : vector<32xbf16> -> vector<16xf32>
        %unpack3A_1399 = tpu.unpack_subelements %add3A_1397, 1 {pack_format = #tpu.pack_format<interleaved>} : vector<32xbf16> -> vector<16xf32>
        %swap3A_1400 = arith.index_cast %add3A_1051 : i32 to index
        %swap3A_1401 = arith.constant 352 : index
        %swap3A_1402 = tpu.vector_load %arg7[%swap3A_1400, %swap3A_1401] {strides = array<i32>} : memref<64x384xf32, #tpu.memory_space<vmem>>, vector<16xf32>,
        tpu.vector_store %arg7[%swap3A_1400, %swap3A_1401], %unpack3A_1398 {strides = array<i32>} : memref<64x384xf32, #tpu.memory_space<vmem>>, vector<16xf32>,
        %swap3A_1403 = arith.index_cast %add3A_1051 : i32 to index
        %swap3A_1404 = arith.constant 368 : index
        %swap3A_1405 = tpu.vector_load %arg7[%swap3A_1403, %swap3A_1404] {strides = array<i32>} : memref<64x384xf32, #tpu.memory_space<vmem>>, vector<16xf32>,
        tpu.vector_store %arg7[%swap3A_1403, %swap3A_1404], %unpack3A_1399 {strides = array<i32>} : memref<64x384xf32, #tpu.memory_space<vmem>>, vector<16xf32>,
        %add3A_1406 = arith.constant 32 : i32
        %add3A_1407 = arith.addi %scan3A_343, %add3A_1406 : i32
        %get3A_1408 = arith.index_cast %add3A_1407 : i32 to index
        %get3A_1409 = tpu.vector_load %arg6[%get3A_1408] {strides = array<i32>} : memref<36864xi32, #tpu.memory_space<vmem>>, vector<16xi32>,
        %add3A_1410 = arith.constant 32 : i32
        %add3A_1411 = arith.addi %scan3A_344, %add3A_1410 : i32
        %get3A_1412 = arith.index_cast %add3A_1411 : i32 to index
        %get3A_1413 = tpu.vector_load %arg6[%get3A_1412] {strides = array<i32>} : memref<36864xi32, #tpu.memory_space<vmem>>, vector<16xi32>,
        %add3A_1414 = arith.constant 32 : i32
        %add3A_1415 = arith.addi %scan3A_345, %add3A_1414 : i32
        %get3A_1416 = arith.index_cast %add3A_1415 : i32 to index
        %get3A_1417 = tpu.vector_load %arg6[%get3A_1416] {strides = array<i32>} : memref<36864xi32, #tpu.memory_space<vmem>>, vector<16xi32>,
        %bitcast3A_1418 = vector.bitcast %get3A_1359 : vector<16xi32> to vector<32xbf16>
        %bitcast3A_1419 = vector.bitcast %get3A_1363 : vector<16xi32> to vector<32xbf16>
        %add3A_1420 = arith.addf %bitcast3A_1418, %bitcast3A_1419 : vector<32xbf16>
        %bitcast3A_1421 = vector.bitcast %get3A_1367 : vector<16xi32> to vector<32xbf16>
        %add3A_1422 = arith.addf %add3A_1420, %bitcast3A_1421 : vector<32xbf16>
        %unpack3A_1423 = tpu.unpack_subelements %add3A_1422, 0 {pack_format = #tpu.pack_format<interleaved>} : vector<32xbf16> -> vector<16xf32>
        %unpack3A_1424 = tpu.unpack_subelements %add3A_1422, 1 {pack_format = #tpu.pack_format<interleaved>} : vector<32xbf16> -> vector<16xf32>
        %swap3A_1425 = arith.index_cast %add3A_1355 : i32 to index
        %swap3A_1426 = arith.constant 0 : index
        %swap3A_1427 = tpu.vector_load %arg7[%swap3A_1425, %swap3A_1426] {strides = array<i32>} : memref<64x384xf32, #tpu.memory_space<vmem>>, vector<16xf32>,
        tpu.vector_store %arg7[%swap3A_1425, %swap3A_1426], %unpack3A_1423 {strides = array<i32>} : memref<64x384xf32, #tpu.memory_space<vmem>>, vector<16xf32>,
        %swap3A_1428 = arith.index_cast %add3A_1355 : i32 to index
        %swap3A_1429 = arith.constant 16 : index
        %swap3A_1430 = tpu.vector_load %arg7[%swap3A_1428, %swap3A_1429] {strides = array<i32>} : memref<64x384xf32, #tpu.memory_space<vmem>>, vector<16xf32>,
        tpu.vector_store %arg7[%swap3A_1428, %swap3A_1429], %unpack3A_1424 {strides = array<i32>} : memref<64x384xf32, #tpu.memory_space<vmem>>, vector<16xf32>,
        %add3A_1431 = arith.constant 48 : i32
        %add3A_1432 = arith.addi %scan3A_343, %add3A_1431 : i32
        %get3A_1433 = arith.index_cast %add3A_1432 : i32 to index
        %get3A_1434 = tpu.vector_load %arg6[%get3A_1433] {strides = array<i32>} : memref<36864xi32, #tpu.memory_space<vmem>>, vector<16xi32>,
        %add3A_1435 = arith.constant 48 : i32
        %add3A_1436 = arith.addi %scan3A_344, %add3A_1435 : i32
        %get3A_1437 = arith.index_cast %add3A_1436 : i32 to index
        %get3A_1438 = tpu.vector_load %arg6[%get3A_1437] {strides = array<i32>} : memref<36864xi32, #tpu.memory_space<vmem>>, vector<16xi32>,
        %add3A_1439 = arith.constant 48 : i32
        %add3A_1440 = arith.addi %scan3A_345, %add3A_1439 : i32
        %get3A_1441 = arith.index_cast %add3A_1440 : i32 to index
        %get3A_1442 = tpu.vector_load %arg6[%get3A_1441] {strides = array<i32>} : memref<36864xi32, #tpu.memory_space<vmem>>, vector<16xi32>,
        %bitcast3A_1443 = vector.bitcast %get3A_1384 : vector<16xi32> to vector<32xbf16>
        %bitcast3A_1444 = vector.bitcast %get3A_1388 : vector<16xi32> to vector<32xbf16>
        %add3A_1445 = arith.addf %bitcast3A_1443, %bitcast3A_1444 : vector<32xbf16>
        %bitcast3A_1446 = vector.bitcast %get3A_1392 : vector<16xi32> to vector<32xbf16>
        %add3A_1447 = arith.addf %add3A_1445, %bitcast3A_1446 : vector<32xbf16>
        %unpack3A_1448 = tpu.unpack_subelements %add3A_1447, 0 {pack_format = #tpu.pack_format<interleaved>} : vector<32xbf16> -> vector<16xf32>
        %unpack3A_1449 = tpu.unpack_subelements %add3A_1447, 1 {pack_format = #tpu.pack_format<interleaved>} : vector<32xbf16> -> vector<16xf32>
        %swap3A_1450 = arith.index_cast %add3A_1355 : i32 to index
        %swap3A_1451 = arith.constant 32 : index
        %swap3A_1452 = tpu.vector_load %arg7[%swap3A_1450, %swap3A_1451] {strides = array<i32>} : memref<64x384xf32, #tpu.memory_space<vmem>>, vector<16xf32>,
        tpu.vector_store %arg7[%swap3A_1450, %swap3A_1451], %unpack3A_1448 {strides = array<i32>} : memref<64x384xf32, #tpu.memory_space<vmem>>, vector<16xf32>,
        %swap3A_1453 = arith.index_cast %add3A_1355 : i32 to index
        %swap3A_1454 = arith.constant 48 : index
        %swap3A_1455 = tpu.vector_load %arg7[%swap3A_1453, %swap3A_1454] {strides = array<i32>} : memref<64x384xf32, #tpu.memory_space<vmem>>, vector<16xf32>,
        tpu.vector_store %arg7[%swap3A_1453, %swap3A_1454], %unpack3A_1449 {strides = array<i32>} : memref<64x384xf32, #tpu.memory_space<vmem>>, vector<16xf32>,
        %add3A_1456 = arith.constant 64 : i32
        %add3A_1457 = arith.addi %scan3A_343, %add3A_1456 : i32
        %get3A_1458 = arith.index_cast %add3A_1457 : i32 to index
        %get3A_1459 = tpu.vector_load %arg6[%get3A_1458] {strides = array<i32>} : memref<36864xi32, #tpu.memory_space<vmem>>, vector<16xi32>,
        %add3A_1460 = arith.constant 64 : i32
        %add3A_1461 = arith.addi %scan3A_344, %add3A_1460 : i32
        %get3A_1462 = arith.index_cast %add3A_1461 : i32 to index
        %get3A_1463 = tpu.vector_load %arg6[%get3A_1462] {strides = array<i32>} : memref<36864xi32, #tpu.memory_space<vmem>>, vector<16xi32>,
        %add3A_1464 = arith.constant 64 : i32
        %add3A_1465 = arith.addi %scan3A_345, %add3A_1464 : i32
        %get3A_1466 = arith.index_cast %add3A_1465 : i32 to index
        %get3A_1467 = tpu.vector_load %arg6[%get3A_1466] {strides = array<i32>} : memref<36864xi32, #tpu.memory_space<vmem>>, vector<16xi32>,
        %bitcast3A_1468 = vector.bitcast %get3A_1409 : vector<16xi32> to vector<32xbf16>
        %bitcast3A_1469 = vector.bitcast %get3A_1413 : vector<16xi32> to vector<32xbf16>
        %add3A_1470 = arith.addf %bitcast3A_1468, %bitcast3A_1469 : vector<32xbf16>
        %bitcast3A_1471 = vector.bitcast %get3A_1417 : vector<16xi32> to vector<32xbf16>
        %add3A_1472 = arith.addf %add3A_1470, %bitcast3A_1471 : vector<32xbf16>
        %unpack3A_1473 = tpu.unpack_subelements %add3A_1472, 0 {pack_format = #tpu.pack_format<interleaved>} : vector<32xbf16> -> vector<16xf32>
        %unpack3A_1474 = tpu.unpack_subelements %add3A_1472, 1 {pack_format = #tpu.pack_format<interleaved>} : vector<32xbf16> -> vector<16xf32>
        %swap3A_1475 = arith.index_cast %add3A_1355 : i32 to index
        %swap3A_1476 = arith.constant 64 : index
        %swap3A_1477 = tpu.vector_load %arg7[%swap3A_1475, %swap3A_1476] {strides = array<i32>} : memref<64x384xf32, #tpu.memory_space<vmem>>, vector<16xf32>,
        tpu.vector_store %arg7[%swap3A_1475, %swap3A_1476], %unpack3A_1473 {strides = array<i32>} : memref<64x384xf32, #tpu.memory_space<vmem>>, vector<16xf32>,
        %swap3A_1478 = arith.index_cast %add3A_1355 : i32 to index
        %swap3A_1479 = arith.constant 80 : index
        %swap3A_1480 = tpu.vector_load %arg7[%swap3A_1478, %swap3A_1479] {strides = array<i32>} : memref<64x384xf32, #tpu.memory_space<vmem>>, vector<16xf32>,
        tpu.vector_store %arg7[%swap3A_1478, %swap3A_1479], %unpack3A_1474 {strides = array<i32>} : memref<64x384xf32, #tpu.memory_space<vmem>>, vector<16xf32>,
        %add3A_1481 = arith.constant 80 : i32
        %add3A_1482 = arith.addi %scan3A_343, %add3A_1481 : i32
        %get3A_1483 = arith.index_cast %add3A_1482 : i32 to index
        %get3A_1484 = tpu.vector_load %arg6[%get3A_1483] {strides = array<i32>} : memref<36864xi32, #tpu.memory_space<vmem>>, vector<16xi32>,
        %add3A_1485 = arith.constant 80 : i32
        %add3A_1486 = arith.addi %scan3A_344, %add3A_1485 : i32
        %get3A_1487 = arith.index_cast %add3A_1486 : i32 to index
        %get3A_1488 = tpu.vector_load %arg6[%get3A_1487] {strides = array<i32>} : memref<36864xi32, #tpu.memory_space<vmem>>, vector<16xi32>,
        %add3A_1489 = arith.constant 80 : i32
        %add3A_1490 = arith.addi %scan3A_345, %add3A_1489 : i32
        %get3A_1491 = arith.index_cast %add3A_1490 : i32 to index
        %get3A_1492 = tpu.vector_load %arg6[%get3A_1491] {strides = array<i32>} : memref<36864xi32, #tpu.memory_space<vmem>>, vector<16xi32>,
        %bitcast3A_1493 = vector.bitcast %get3A_1434 : vector<16xi32> to vector<32xbf16>
        %bitcast3A_1494 = vector.bitcast %get3A_1438 : vector<16xi32> to vector<32xbf16>
        %add3A_1495 = arith.addf %bitcast3A_1493, %bitcast3A_1494 : vector<32xbf16>
        %bitcast3A_1496 = vector.bitcast %get3A_1442 : vector<16xi32> to vector<32xbf16>
        %add3A_1497 = arith.addf %add3A_1495, %bitcast3A_1496 : vector<32xbf16>
        %unpack3A_1498 = tpu.unpack_subelements %add3A_1497, 0 {pack_format = #tpu.pack_format<interleaved>} : vector<32xbf16> -> vector<16xf32>
        %unpack3A_1499 = tpu.unpack_subelements %add3A_1497, 1 {pack_format = #tpu.pack_format<interleaved>} : vector<32xbf16> -> vector<16xf32>
        %swap3A_1500 = arith.index_cast %add3A_1355 : i32 to index
        %swap3A_1501 = arith.constant 96 : index
        %swap3A_1502 = tpu.vector_load %arg7[%swap3A_1500, %swap3A_1501] {strides = array<i32>} : memref<64x384xf32, #tpu.memory_space<vmem>>, vector<16xf32>,
        tpu.vector_store %arg7[%swap3A_1500, %swap3A_1501], %unpack3A_1498 {strides = array<i32>} : memref<64x384xf32, #tpu.memory_space<vmem>>, vector<16xf32>,
        %swap3A_1503 = arith.index_cast %add3A_1355 : i32 to index
        %swap3A_1504 = arith.constant 112 : index
        %swap3A_1505 = tpu.vector_load %arg7[%swap3A_1503, %swap3A_1504] {strides = array<i32>} : memref<64x384xf32, #tpu.memory_space<vmem>>, vector<16xf32>,
        tpu.vector_store %arg7[%swap3A_1503, %swap3A_1504], %unpack3A_1499 {strides = array<i32>} : memref<64x384xf32, #tpu.memory_space<vmem>>, vector<16xf32>,
        %add3A_1506 = arith.constant 96 : i32
        %add3A_1507 = arith.addi %scan3A_343, %add3A_1506 : i32
        %get3A_1508 = arith.index_cast %add3A_1507 : i32 to index
        %get3A_1509 = tpu.vector_load %arg6[%get3A_1508] {strides = array<i32>} : memref<36864xi32, #tpu.memory_space<vmem>>, vector<16xi32>,
        %add3A_1510 = arith.constant 96 : i32
        %add3A_1511 = arith.addi %scan3A_344, %add3A_1510 : i32
        %get3A_1512 = arith.index_cast %add3A_1511 : i32 to index
        %get3A_1513 = tpu.vector_load %arg6[%get3A_1512] {strides = array<i32>} : memref<36864xi32, #tpu.memory_space<vmem>>, vector<16xi32>,
        %add3A_1514 = arith.constant 96 : i32
        %add3A_1515 = arith.addi %scan3A_345, %add3A_1514 : i32
        %get3A_1516 = arith.index_cast %add3A_1515 : i32 to index
        %get3A_1517 = tpu.vector_load %arg6[%get3A_1516] {strides = array<i32>} : memref<36864xi32, #tpu.memory_space<vmem>>, vector<16xi32>,
        %bitcast3A_1518 = vector.bitcast %get3A_1459 : vector<16xi32> to vector<32xbf16>
        %bitcast3A_1519 = vector.bitcast %get3A_1463 : vector<16xi32> to vector<32xbf16>
        %add3A_1520 = arith.addf %bitcast3A_1518, %bitcast3A_1519 : vector<32xbf16>
        %bitcast3A_1521 = vector.bitcast %get3A_1467 : vector<16xi32> to vector<32xbf16>
        %add3A_1522 = arith.addf %add3A_1520, %bitcast3A_1521 : vector<32xbf16>
        %unpack3A_1523 = tpu.unpack_subelements %add3A_1522, 0 {pack_format = #tpu.pack_format<interleaved>} : vector<32xbf16> -> vector<16xf32>
        %unpack3A_1524 = tpu.unpack_subelements %add3A_1522, 1 {pack_format = #tpu.pack_format<interleaved>} : vector<32xbf16> -> vector<16xf32>
        %swap3A_1525 = arith.index_cast %add3A_1355 : i32 to index
        %swap3A_1526 = arith.constant 128 : index
        %swap3A_1527 = tpu.vector_load %arg7[%swap3A_1525, %swap3A_1526] {strides = array<i32>} : memref<64x384xf32, #tpu.memory_space<vmem>>, vector<16xf32>,
        tpu.vector_store %arg7[%swap3A_1525, %swap3A_1526], %unpack3A_1523 {strides = array<i32>} : memref<64x384xf32, #tpu.memory_space<vmem>>, vector<16xf32>,
        %swap3A_1528 = arith.index_cast %add3A_1355 : i32 to index
        %swap3A_1529 = arith.constant 144 : index
        %swap3A_1530 = tpu.vector_load %arg7[%swap3A_1528, %swap3A_1529] {strides = array<i32>} : memref<64x384xf32, #tpu.memory_space<vmem>>, vector<16xf32>,
        tpu.vector_store %arg7[%swap3A_1528, %swap3A_1529], %unpack3A_1524 {strides = array<i32>} : memref<64x384xf32, #tpu.memory_space<vmem>>, vector<16xf32>,
        %add3A_1531 = arith.constant 112 : i32
        %add3A_1532 = arith.addi %scan3A_343, %add3A_1531 : i32
        %get3A_1533 = arith.index_cast %add3A_1532 : i32 to index
        %get3A_1534 = tpu.vector_load %arg6[%get3A_1533] {strides = array<i32>} : memref<36864xi32, #tpu.memory_space<vmem>>, vector<16xi32>,
        %add3A_1535 = arith.constant 112 : i32
        %add3A_1536 = arith.addi %scan3A_344, %add3A_1535 : i32
        %get3A_1537 = arith.index_cast %add3A_1536 : i32 to index
        %get3A_1538 = tpu.vector_load %arg6[%get3A_1537] {strides = array<i32>} : memref<36864xi32, #tpu.memory_space<vmem>>, vector<16xi32>,
        %add3A_1539 = arith.constant 112 : i32
        %add3A_1540 = arith.addi %scan3A_345, %add3A_1539 : i32
        %get3A_1541 = arith.index_cast %add3A_1540 : i32 to index
        %get3A_1542 = tpu.vector_load %arg6[%get3A_1541] {strides = array<i32>} : memref<36864xi32, #tpu.memory_space<vmem>>, vector<16xi32>,
        %bitcast3A_1543 = vector.bitcast %get3A_1484 : vector<16xi32> to vector<32xbf16>
        %bitcast3A_1544 = vector.bitcast %get3A_1488 : vector<16xi32> to vector<32xbf16>
        %add3A_1545 = arith.addf %bitcast3A_1543, %bitcast3A_1544 : vector<32xbf16>
        %bitcast3A_1546 = vector.bitcast %get3A_1492 : vector<16xi32> to vector<32xbf16>
        %add3A_1547 = arith.addf %add3A_1545, %bitcast3A_1546 : vector<32xbf16>
        %unpack3A_1548 = tpu.unpack_subelements %add3A_1547, 0 {pack_format = #tpu.pack_format<interleaved>} : vector<32xbf16> -> vector<16xf32>
        %unpack3A_1549 = tpu.unpack_subelements %add3A_1547, 1 {pack_format = #tpu.pack_format<interleaved>} : vector<32xbf16> -> vector<16xf32>
        %swap3A_1550 = arith.index_cast %add3A_1355 : i32 to index
        %swap3A_1551 = arith.constant 160 : index
        %swap3A_1552 = tpu.vector_load %arg7[%swap3A_1550, %swap3A_1551] {strides = array<i32>} : memref<64x384xf32, #tpu.memory_space<vmem>>, vector<16xf32>,
        tpu.vector_store %arg7[%swap3A_1550, %swap3A_1551], %unpack3A_1548 {strides = array<i32>} : memref<64x384xf32, #tpu.memory_space<vmem>>, vector<16xf32>,
        %swap3A_1553 = arith.index_cast %add3A_1355 : i32 to index
        %swap3A_1554 = arith.constant 176 : index
        %swap3A_1555 = tpu.vector_load %arg7[%swap3A_1553, %swap3A_1554] {strides = array<i32>} : memref<64x384xf32, #tpu.memory_space<vmem>>, vector<16xf32>,
        tpu.vector_store %arg7[%swap3A_1553, %swap3A_1554], %unpack3A_1549 {strides = array<i32>} : memref<64x384xf32, #tpu.memory_space<vmem>>, vector<16xf32>,
        %add3A_1556 = arith.constant 128 : i32
        %add3A_1557 = arith.addi %scan3A_343, %add3A_1556 : i32
        %get3A_1558 = arith.index_cast %add3A_1557 : i32 to index
        %get3A_1559 = tpu.vector_load %arg6[%get3A_1558] {strides = array<i32>} : memref<36864xi32, #tpu.memory_space<vmem>>, vector<16xi32>,
        %add3A_1560 = arith.constant 128 : i32
        %add3A_1561 = arith.addi %scan3A_344, %add3A_1560 : i32
        %get3A_1562 = arith.index_cast %add3A_1561 : i32 to index
        %get3A_1563 = tpu.vector_load %arg6[%get3A_1562] {strides = array<i32>} : memref<36864xi32, #tpu.memory_space<vmem>>, vector<16xi32>,
        %add3A_1564 = arith.constant 128 : i32
        %add3A_1565 = arith.addi %scan3A_345, %add3A_1564 : i32
        %get3A_1566 = arith.index_cast %add3A_1565 : i32 to index
        %get3A_1567 = tpu.vector_load %arg6[%get3A_1566] {strides = array<i32>} : memref<36864xi32, #tpu.memory_space<vmem>>, vector<16xi32>,
        %bitcast3A_1568 = vector.bitcast %get3A_1509 : vector<16xi32> to vector<32xbf16>
        %bitcast3A_1569 = vector.bitcast %get3A_1513 : vector<16xi32> to vector<32xbf16>
        %add3A_1570 = arith.addf %bitcast3A_1568, %bitcast3A_1569 : vector<32xbf16>
        %bitcast3A_1571 = vector.bitcast %get3A_1517 : vector<16xi32> to vector<32xbf16>
        %add3A_1572 = arith.addf %add3A_1570, %bitcast3A_1571 : vector<32xbf16>
        %unpack3A_1573 = tpu.unpack_subelements %add3A_1572, 0 {pack_format = #tpu.pack_format<interleaved>} : vector<32xbf16> -> vector<16xf32>
        %unpack3A_1574 = tpu.unpack_subelements %add3A_1572, 1 {pack_format = #tpu.pack_format<interleaved>} : vector<32xbf16> -> vector<16xf32>
        %swap3A_1575 = arith.index_cast %add3A_1355 : i32 to index
        %swap3A_1576 = arith.constant 192 : index
        %swap3A_1577 = tpu.vector_load %arg7[%swap3A_1575, %swap3A_1576] {strides = array<i32>} : memref<64x384xf32, #tpu.memory_space<vmem>>, vector<16xf32>,
        tpu.vector_store %arg7[%swap3A_1575, %swap3A_1576], %unpack3A_1573 {strides = array<i32>} : memref<64x384xf32, #tpu.memory_space<vmem>>, vector<16xf32>,
        %swap3A_1578 = arith.index_cast %add3A_1355 : i32 to index
        %swap3A_1579 = arith.constant 208 : index
        %swap3A_1580 = tpu.vector_load %arg7[%swap3A_1578, %swap3A_1579] {strides = array<i32>} : memref<64x384xf32, #tpu.memory_space<vmem>>, vector<16xf32>,
        tpu.vector_store %arg7[%swap3A_1578, %swap3A_1579], %unpack3A_1574 {strides = array<i32>} : memref<64x384xf32, #tpu.memory_space<vmem>>, vector<16xf32>,
        %add3A_1581 = arith.constant 144 : i32
        %add3A_1582 = arith.addi %scan3A_343, %add3A_1581 : i32
        %get3A_1583 = arith.index_cast %add3A_1582 : i32 to index
        %get3A_1584 = tpu.vector_load %arg6[%get3A_1583] {strides = array<i32>} : memref<36864xi32, #tpu.memory_space<vmem>>, vector<16xi32>,
        %add3A_1585 = arith.constant 144 : i32
        %add3A_1586 = arith.addi %scan3A_344, %add3A_1585 : i32
        %get3A_1587 = arith.index_cast %add3A_1586 : i32 to index
        %get3A_1588 = tpu.vector_load %arg6[%get3A_1587] {strides = array<i32>} : memref<36864xi32, #tpu.memory_space<vmem>>, vector<16xi32>,
        %add3A_1589 = arith.constant 144 : i32
        %add3A_1590 = arith.addi %scan3A_345, %add3A_1589 : i32
        %get3A_1591 = arith.index_cast %add3A_1590 : i32 to index
        %get3A_1592 = tpu.vector_load %arg6[%get3A_1591] {strides = array<i32>} : memref<36864xi32, #tpu.memory_space<vmem>>, vector<16xi32>,
        %bitcast3A_1593 = vector.bitcast %get3A_1534 : vector<16xi32> to vector<32xbf16>
        %bitcast3A_1594 = vector.bitcast %get3A_1538 : vector<16xi32> to vector<32xbf16>
        %add3A_1595 = arith.addf %bitcast3A_1593, %bitcast3A_1594 : vector<32xbf16>
        %bitcast3A_1596 = vector.bitcast %get3A_1542 : vector<16xi32> to vector<32xbf16>
        %add3A_1597 = arith.addf %add3A_1595, %bitcast3A_1596 : vector<32xbf16>
        %unpack3A_1598 = tpu.unpack_subelements %add3A_1597, 0 {pack_format = #tpu.pack_format<interleaved>} : vector<32xbf16> -> vector<16xf32>
        %unpack3A_1599 = tpu.unpack_subelements %add3A_1597, 1 {pack_format = #tpu.pack_format<interleaved>} : vector<32xbf16> -> vector<16xf32>
        %swap3A_1600 = arith.index_cast %add3A_1355 : i32 to index
        %swap3A_1601 = arith.constant 224 : index
        %swap3A_1602 = tpu.vector_load %arg7[%swap3A_1600, %swap3A_1601] {strides = array<i32>} : memref<64x384xf32, #tpu.memory_space<vmem>>, vector<16xf32>,
        tpu.vector_store %arg7[%swap3A_1600, %swap3A_1601], %unpack3A_1598 {strides = array<i32>} : memref<64x384xf32, #tpu.memory_space<vmem>>, vector<16xf32>,
        %swap3A_1603 = arith.index_cast %add3A_1355 : i32 to index
        %swap3A_1604 = arith.constant 240 : index
        %swap3A_1605 = tpu.vector_load %arg7[%swap3A_1603, %swap3A_1604] {strides = array<i32>} : memref<64x384xf32, #tpu.memory_space<vmem>>, vector<16xf32>,
        tpu.vector_store %arg7[%swap3A_1603, %swap3A_1604], %unpack3A_1599 {strides = array<i32>} : memref<64x384xf32, #tpu.memory_space<vmem>>, vector<16xf32>,
        %add3A_1606 = arith.constant 160 : i32
        %add3A_1607 = arith.addi %scan3A_343, %add3A_1606 : i32
        %get3A_1608 = arith.index_cast %add3A_1607 : i32 to index
        %get3A_1609 = tpu.vector_load %arg6[%get3A_1608] {strides = array<i32>} : memref<36864xi32, #tpu.memory_space<vmem>>, vector<16xi32>,
        %add3A_1610 = arith.constant 160 : i32
        %add3A_1611 = arith.addi %scan3A_344, %add3A_1610 : i32
        %get3A_1612 = arith.index_cast %add3A_1611 : i32 to index
        %get3A_1613 = tpu.vector_load %arg6[%get3A_1612] {strides = array<i32>} : memref<36864xi32, #tpu.memory_space<vmem>>, vector<16xi32>,
        %add3A_1614 = arith.constant 160 : i32
        %add3A_1615 = arith.addi %scan3A_345, %add3A_1614 : i32
        %get3A_1616 = arith.index_cast %add3A_1615 : i32 to index
        %get3A_1617 = tpu.vector_load %arg6[%get3A_1616] {strides = array<i32>} : memref<36864xi32, #tpu.memory_space<vmem>>, vector<16xi32>,
        %bitcast3A_1618 = vector.bitcast %get3A_1559 : vector<16xi32> to vector<32xbf16>
        %bitcast3A_1619 = vector.bitcast %get3A_1563 : vector<16xi32> to vector<32xbf16>
        %add3A_1620 = arith.addf %bitcast3A_1618, %bitcast3A_1619 : vector<32xbf16>
        %bitcast3A_1621 = vector.bitcast %get3A_1567 : vector<16xi32> to vector<32xbf16>
        %add3A_1622 = arith.addf %add3A_1620, %bitcast3A_1621 : vector<32xbf16>
        %unpack3A_1623 = tpu.unpack_subelements %add3A_1622, 0 {pack_format = #tpu.pack_format<interleaved>} : vector<32xbf16> -> vector<16xf32>
        %unpack3A_1624 = tpu.unpack_subelements %add3A_1622, 1 {pack_format = #tpu.pack_format<interleaved>} : vector<32xbf16> -> vector<16xf32>
        %swap3A_1625 = arith.index_cast %add3A_1355 : i32 to index
        %swap3A_1626 = arith.constant 256 : index
        %swap3A_1627 = tpu.vector_load %arg7[%swap3A_1625, %swap3A_1626] {strides = array<i32>} : memref<64x384xf32, #tpu.memory_space<vmem>>, vector<16xf32>,
        tpu.vector_store %arg7[%swap3A_1625, %swap3A_1626], %unpack3A_1623 {strides = array<i32>} : memref<64x384xf32, #tpu.memory_space<vmem>>, vector<16xf32>,
        %swap3A_1628 = arith.index_cast %add3A_1355 : i32 to index
        %swap3A_1629 = arith.constant 272 : index
        %swap3A_1630 = tpu.vector_load %arg7[%swap3A_1628, %swap3A_1629] {strides = array<i32>} : memref<64x384xf32, #tpu.memory_space<vmem>>, vector<16xf32>,
        tpu.vector_store %arg7[%swap3A_1628, %swap3A_1629], %unpack3A_1624 {strides = array<i32>} : memref<64x384xf32, #tpu.memory_space<vmem>>, vector<16xf32>,
        %add3A_1631 = arith.constant 176 : i32
        %add3A_1632 = arith.addi %scan3A_343, %add3A_1631 : i32
        %get3A_1633 = arith.index_cast %add3A_1632 : i32 to index
        %get3A_1634 = tpu.vector_load %arg6[%get3A_1633] {strides = array<i32>} : memref<36864xi32, #tpu.memory_space<vmem>>, vector<16xi32>,
        %add3A_1635 = arith.constant 176 : i32
        %add3A_1636 = arith.addi %scan3A_344, %add3A_1635 : i32
        %get3A_1637 = arith.index_cast %add3A_1636 : i32 to index
        %get3A_1638 = tpu.vector_load %arg6[%get3A_1637] {strides = array<i32>} : memref<36864xi32, #tpu.memory_space<vmem>>, vector<16xi32>,
        %add3A_1639 = arith.constant 176 : i32
        %add3A_1640 = arith.addi %scan3A_345, %add3A_1639 : i32
        %get3A_1641 = arith.index_cast %add3A_1640 : i32 to index
        %get3A_1642 = tpu.vector_load %arg6[%get3A_1641] {strides = array<i32>} : memref<36864xi32, #tpu.memory_space<vmem>>, vector<16xi32>,
        %bitcast3A_1643 = vector.bitcast %get3A_1584 : vector<16xi32> to vector<32xbf16>
        %bitcast3A_1644 = vector.bitcast %get3A_1588 : vector<16xi32> to vector<32xbf16>
        %add3A_1645 = arith.addf %bitcast3A_1643, %bitcast3A_1644 : vector<32xbf16>
        %bitcast3A_1646 = vector.bitcast %get3A_1592 : vector<16xi32> to vector<32xbf16>
        %add3A_1647 = arith.addf %add3A_1645, %bitcast3A_1646 : vector<32xbf16>
        %unpack3A_1648 = tpu.unpack_subelements %add3A_1647, 0 {pack_format = #tpu.pack_format<interleaved>} : vector<32xbf16> -> vector<16xf32>
        %unpack3A_1649 = tpu.unpack_subelements %add3A_1647, 1 {pack_format = #tpu.pack_format<interleaved>} : vector<32xbf16> -> vector<16xf32>
        %swap3A_1650 = arith.index_cast %add3A_1355 : i32 to index
        %swap3A_1651 = arith.constant 288 : index
        %swap3A_1652 = tpu.vector_load %arg7[%swap3A_1650, %swap3A_1651] {strides = array<i32>} : memref<64x384xf32, #tpu.memory_space<vmem>>, vector<16xf32>,
        tpu.vector_store %arg7[%swap3A_1650, %swap3A_1651], %unpack3A_1648 {strides = array<i32>} : memref<64x384xf32, #tpu.memory_space<vmem>>, vector<16xf32>,
        %swap3A_1653 = arith.index_cast %add3A_1355 : i32 to index
        %swap3A_1654 = arith.constant 304 : index
        %swap3A_1655 = tpu.vector_load %arg7[%swap3A_1653, %swap3A_1654] {strides = array<i32>} : memref<64x384xf32, #tpu.memory_space<vmem>>, vector<16xf32>,
        tpu.vector_store %arg7[%swap3A_1653, %swap3A_1654], %unpack3A_1649 {strides = array<i32>} : memref<64x384xf32, #tpu.memory_space<vmem>>, vector<16xf32>,
        %bitcast3A_1656 = vector.bitcast %get3A_1609 : vector<16xi32> to vector<32xbf16>
        %bitcast3A_1657 = vector.bitcast %get3A_1613 : vector<16xi32> to vector<32xbf16>
        %add3A_1658 = arith.addf %bitcast3A_1656, %bitcast3A_1657 : vector<32xbf16>
        %bitcast3A_1659 = vector.bitcast %get3A_1617 : vector<16xi32> to vector<32xbf16>
        %add3A_1660 = arith.addf %add3A_1658, %bitcast3A_1659 : vector<32xbf16>
        %unpack3A_1661 = tpu.unpack_subelements %add3A_1660, 0 {pack_format = #tpu.pack_format<interleaved>} : vector<32xbf16> -> vector<16xf32>
        %unpack3A_1662 = tpu.unpack_subelements %add3A_1660, 1 {pack_format = #tpu.pack_format<interleaved>} : vector<32xbf16> -> vector<16xf32>
        %swap3A_1663 = arith.index_cast %add3A_1355 : i32 to index
        %swap3A_1664 = arith.constant 320 : index
        %swap3A_1665 = tpu.vector_load %arg7[%swap3A_1663, %swap3A_1664] {strides = array<i32>} : memref<64x384xf32, #tpu.memory_space<vmem>>, vector<16xf32>,
        tpu.vector_store %arg7[%swap3A_1663, %swap3A_1664], %unpack3A_1661 {strides = array<i32>} : memref<64x384xf32, #tpu.memory_space<vmem>>, vector<16xf32>,
        %swap3A_1666 = arith.index_cast %add3A_1355 : i32 to index
        %swap3A_1667 = arith.constant 336 : index
        %swap3A_1668 = tpu.vector_load %arg7[%swap3A_1666, %swap3A_1667] {strides = array<i32>} : memref<64x384xf32, #tpu.memory_space<vmem>>, vector<16xf32>,
        tpu.vector_store %arg7[%swap3A_1666, %swap3A_1667], %unpack3A_1662 {strides = array<i32>} : memref<64x384xf32, #tpu.memory_space<vmem>>, vector<16xf32>,
        %bitcast3A_1669 = vector.bitcast %get3A_1634 : vector<16xi32> to vector<32xbf16>
        %bitcast3A_1670 = vector.bitcast %get3A_1638 : vector<16xi32> to vector<32xbf16>
        %add3A_1671 = arith.addf %bitcast3A_1669, %bitcast3A_1670 : vector<32xbf16>
        %bitcast3A_1672 = vector.bitcast %get3A_1642 : vector<16xi32> to vector<32xbf16>
        %add3A_1673 = arith.addf %add3A_1671, %bitcast3A_1672 : vector<32xbf16>
        %unpack3A_1674 = tpu.unpack_subelements %add3A_1673, 0 {pack_format = #tpu.pack_format<interleaved>} : vector<32xbf16> -> vector<16xf32>
        %unpack3A_1675 = tpu.unpack_subelements %add3A_1673, 1 {pack_format = #tpu.pack_format<interleaved>} : vector<32xbf16> -> vector<16xf32>
        %swap3A_1676 = arith.index_cast %add3A_1355 : i32 to index
        %swap3A_1677 = arith.constant 352 : index
        %swap3A_1678 = tpu.vector_load %arg7[%swap3A_1676, %swap3A_1677] {strides = array<i32>} : memref<64x384xf32, #tpu.memory_space<vmem>>, vector<16xf32>,
        tpu.vector_store %arg7[%swap3A_1676, %swap3A_1677], %unpack3A_1674 {strides = array<i32>} : memref<64x384xf32, #tpu.memory_space<vmem>>, vector<16xf32>,
        %swap3A_1679 = arith.index_cast %add3A_1355 : i32 to index
        %swap3A_1680 = arith.constant 368 : index
        %swap3A_1681 = tpu.vector_load %arg7[%swap3A_1679, %swap3A_1680] {strides = array<i32>} : memref<64x384xf32, #tpu.memory_space<vmem>>, vector<16xf32>,
        tpu.vector_store %arg7[%swap3A_1679, %swap3A_1680], %unpack3A_1675 {strides = array<i32>} : memref<64x384xf32, #tpu.memory_space<vmem>>, vector<16xf32>,
        scf.yield %mul3A_364, %mul3A_374, %mul3A_384, %mul3A_392, %mul3A_402, %mul3A_412, %mul3A_420, %mul3A_430, %mul3A_440, %mul3A_448, %mul3A_458, %mul3A_468 : i32, i32, i32, i32, i32, i32, i32, i32, i32, i32, i32, i32
      }
      %scan3A_180 = arith.constant 16 : i32
      %mul3A_181 = arith.constant 64 : i32
      %mul3A_182 = arith.muli %add3A_57, %mul3A_181 : i32
      %add3A_183 = arith.addi %mul3A_34, %mul3A_182 : i32
      %dma_start3A = arith.constant 0 : i32
      %dma_start3A_184 = tpu.memref_slice %arg4[%select_n3A, %add3A_183, %dma_start3A] : memref<4x16384x384xf32, #tpu.memory_space<hbm>> -> memref<1x64x384xf32, #tpu.memory_space<hbm>>
      %dma_start3A_185 = tpu.memref_squeeze %dma_start3A_184 : memref<1x64x384xf32, #tpu.memory_space<hbm>> -> memref<64x384xf32, #tpu.memory_space<hbm>>
      %dma_start3A_186 = arith.constant 0 : i32
      %dma_start3A_187 = tpu.memref_slice %arg4[%select_n3A, %add3A_183, %dma_start3A_186] : memref<4x16384x384xf32, #tpu.memory_space<hbm>> -> memref<1x64x384xf32, #tpu.memory_space<hbm>>
      %dma_start3A_188 = tpu.memref_squeeze %dma_start3A_187 : memref<1x64x384xf32, #tpu.memory_space<hbm>> -> memref<64x384xf32, #tpu.memory_space<hbm>>
      tpu.enqueue_dma source(%arg7 : memref<64x384xf32, #tpu.memory_space<vmem>>) target(%dma_start3A_188 : memref<64x384xf32, #tpu.memory_space<hbm>>) target_semaphore(%arg9 : memref<!tpu.dma_semaphore, #tpu.memory_space<semaphore_mem>>)
      %mul3A_189 = arith.constant 2 : i32
      %mul3A_190 = arith.muli %scan3A_53, %mul3A_189 : i32
      %add3A_191 = arith.constant 1 : i32
      %add3A_192 = arith.addi %mul3A_190, %add3A_191 : i32
      %gt3A_193 = arith.constant 0 : i32
      %gt3A_194 = arith.cmpi sgt, %scan3A_53, %gt3A_193 : i32
      %convert_element_type3A_195 = arith.extui %gt3A_194 : i1 to i32
      %cond3A_196 = arith.constant 0 : i32
      %cond3A_197 = arith.cmpi ne, %convert_element_type3A_195, %cond3A_196 : i32
      scf.if %cond3A_197 {
        %dma_wait3A_333 = arith.constant 0 : i32
        %dma_wait3A_334 = tpu.memref_slice %arg4[%select_n3A, %mul3A_34, %dma_wait3A_333] : memref<4x16384x384xf32, #tpu.memory_space<hbm>> -> memref<1x64x384xf32, #tpu.memory_space<hbm>>
        %dma_wait3A_335 = tpu.memref_squeeze %dma_wait3A_334 : memref<1x64x384xf32, #tpu.memory_space<hbm>> -> memref<64x384xf32, #tpu.memory_space<hbm>>
        %dma_wait3A_336 = arith.constant 0 : i32
        %dma_wait3A_337 = tpu.memref_slice %arg4[%select_n3A, %mul3A_34, %dma_wait3A_336] : memref<4x16384x384xf32, #tpu.memory_space<hbm>> -> memref<1x64x384xf32, #tpu.memory_space<hbm>>
        %dma_wait3A_338 = tpu.memref_squeeze %dma_wait3A_337 : memref<1x64x384xf32, #tpu.memory_space<hbm>> -> memref<64x384xf32, #tpu.memory_space<hbm>>
        tpu.wait_dma2 semaphore(%arg10 : memref<!tpu.dma_semaphore, #tpu.memory_space<semaphore_mem>>) src(%arg8 : memref<64x384xf32, #tpu.memory_space<vmem>>) dst(%dma_wait3A_338 : memref<64x384xf32, #tpu.memory_space<hbm>>)
      } else {
      }
      %mul3A_198 = arith.constant 64 : i32
      %mul3A_199 = arith.muli %add3A_192, %mul3A_198 : i32
      %add3A_200 = arith.constant 0 : i32
      %add3A_201 = arith.addi %mul3A_199, %add3A_200 : i32
      %mul3A_202 = arith.constant 3 : i32
      %mul3A_203 = arith.muli %add3A_201, %mul3A_202 : i32
      %get3A_204 = arith.index_cast %mul3A_203 : i32 to index
      %get3A_205 = tpu.vector_load %arg5[%get3A_204] {strides = array<i32>} : memref<6160xi32, #tpu.memory_space<vmem>>, vector<16xi32>,
      %slice3A_206 = vector.extract_strided_slice %get3A_205 {offsets = [0], sizes = [1], strides = [1]} : vector<16xi32> to vector<1xi32>
      %squeeze3A_207 = vector.extract %slice3A_206[0] : i32 from vector<1xi32>
      %jit3A_208 = arith.constant 0 : i32
      %jit3A_209 = arith.constant 63 : i32
      %max3A_210 = arith.maxsi %jit3A_208, %squeeze3A_207 : i32
      %min3A_211 = arith.minsi %jit3A_209, %max3A_210 : i32
      %mul3A_212 = arith.constant 192 : i32
      %mul3A_213 = arith.muli %min3A_211, %mul3A_212 : i32
      %slice3A_214 = vector.extract_strided_slice %get3A_205 {offsets = [1], sizes = [1], strides = [1]} : vector<16xi32> to vector<1xi32>
      %squeeze3A_215 = vector.extract %slice3A_214[0] : i32 from vector<1xi32>
      %jit3A_216 = arith.constant 0 : i32
      %jit3A_217 = arith.constant 63 : i32
      %max3A_218 = arith.maxsi %jit3A_216, %squeeze3A_215 : i32
      %min3A_219 = arith.minsi %jit3A_217, %max3A_218 : i32
      %add3A_220 = arith.constant 64 : i32
      %add3A_221 = arith.addi %min3A_219, %add3A_220 : i32
      %mul3A_222 = arith.constant 192 : i32
      %mul3A_223 = arith.muli %add3A_221, %mul3A_222 : i32
      %slice3A_224 = vector.extract_strided_slice %get3A_205 {offsets = [2], sizes = [1], strides = [1]} : vector<16xi32> to vector<1xi32>
      %squeeze3A_225 = vector.extract %slice3A_224[0] : i32 from vector<1xi32>
      %jit3A_226 = arith.constant 0 : i32
      %jit3A_227 = arith.constant 63 : i32
      %max3A_228 = arith.maxsi %jit3A_226, %squeeze3A_225 : i32
      %min3A_229 = arith.minsi %jit3A_227, %max3A_228 : i32
      %add3A_230 = arith.constant 128 : i32
      %add3A_231 = arith.addi %min3A_229, %add3A_230 : i32
      %mul3A_232 = arith.constant 192 : i32
      %mul3A_233 = arith.muli %add3A_231, %mul3A_232 : i32
      %slice3A_234 = vector.extract_strided_slice %get3A_205 {offsets = [3], sizes = [1], strides = [1]} : vector<16xi32> to vector<1xi32>
      %squeeze3A_235 = vector.extract %slice3A_234[0] : i32 from vector<1xi32>
      %jit3A_236 = arith.constant 0 : i32
      %jit3A_237 = arith.constant 63 : i32
      %max3A_238 = arith.maxsi %jit3A_236, %squeeze3A_235 : i32
      %min3A_239 = arith.minsi %jit3A_237, %max3A_238 : i32
      %mul3A_240 = arith.constant 192 : i32
      %mul3A_241 = arith.muli %min3A_239, %mul3A_240 : i32
      %slice3A_242 = vector.extract_strided_slice %get3A_205 {offsets = [4], sizes = [1], strides = [1]} : vector<16xi32> to vector<1xi32>
      %squeeze3A_243 = vector.extract %slice3A_242[0] : i32 from vector<1xi32>
      %jit3A_244 = arith.constant 0 : i32
      %jit3A_245 = arith.constant 63 : i32
      %max3A_246 = arith.maxsi %jit3A_244, %squeeze3A_243 : i32
      %min3A_247 = arith.minsi %jit3A_245, %max3A_246 : i32
      %add3A_248 = arith.constant 64 : i32
      %add3A_249 = arith.addi %min3A_247, %add3A_248 : i32
      %mul3A_250 = arith.constant 192 : i32
      %mul3A_251 = arith.muli %add3A_249, %mul3A_250 : i32
      %slice3A_252 = vector.extract_strided_slice %get3A_205 {offsets = [5], sizes = [1], strides = [1]} : vector<16xi32> to vector<1xi32>
      %squeeze3A_253 = vector.extract %slice3A_252[0] : i32 from vector<1xi32>
      %jit3A_254 = arith.constant 0 : i32
      %jit3A_255 = arith.constant 63 : i32
      %max3A_256 = arith.maxsi %jit3A_254, %squeeze3A_253 : i32
      %min3A_257 = arith.minsi %jit3A_255, %max3A_256 : i32
      %add3A_258 = arith.constant 128 : i32
      %add3A_259 = arith.addi %min3A_257, %add3A_258 : i32
      %mul3A_260 = arith.constant 192 : i32
      %mul3A_261 = arith.muli %add3A_259, %mul3A_260 : i32
      %slice3A_262 = vector.extract_strided_slice %get3A_205 {offsets = [6], sizes = [1], strides = [1]} : vector<16xi32> to vector<1xi32>
      %squeeze3A_263 = vector.extract %slice3A_262[0] : i32 from vector<1xi32>
      %jit3A_264 = arith.constant 0 : i32
      %jit3A_265 = arith.constant 63 : i32
      %max3A_266 = arith.maxsi %jit3A_264, %squeeze3A_263 : i32
      %min3A_267 = arith.minsi %jit3A_265, %max3A_266 : i32
      %mul3A_268 = arith.constant 192 : i32
      %mul3A_269 = arith.muli %min3A_267, %mul3A_268 : i32
      %slice3A_270 = vector.extract_strided_slice %get3A_205 {offsets = [7], sizes = [1], strides = [1]} : vector<16xi32> to vector<1xi32>
      %squeeze3A_271 = vector.extract %slice3A_270[0] : i32 from vector<1xi32>
      %jit3A_272 = arith.constant 0 : i32
      %jit3A_273 = arith.constant 63 : i32
      %max3A_274 = arith.maxsi %jit3A_272, %squeeze3A_271 : i32
      %min3A_275 = arith.minsi %jit3A_273, %max3A_274 : i32
      %add3A_276 = arith.constant 64 : i32
      %add3A_277 = arith.addi %min3A_275, %add3A_276 : i32
      %mul3A_278 = arith.constant 192 : i32
      %mul3A_279 = arith.muli %add3A_277, %mul3A_278 : i32
      %slice3A_280 = vector.extract_strided_slice %get3A_205 {offsets = [8], sizes = [1], strides = [1]} : vector<16xi32> to vector<1xi32>
      %squeeze3A_281 = vector.extract %slice3A_280[0] : i32 from vector<1xi32>
      %jit3A_282 = arith.constant 0 : i32
      %jit3A_283 = arith.constant 63 : i32
      %max3A_284 = arith.maxsi %jit3A_282, %squeeze3A_281 : i32
      %min3A_285 = arith.minsi %jit3A_283, %max3A_284 : i32
      %add3A_286 = arith.constant 128 : i32
      %add3A_287 = arith.addi %min3A_285, %add3A_286 : i32
      %mul3A_288 = arith.constant 192 : i32
      %mul3A_289 = arith.muli %add3A_287, %mul3A_288 : i32
      %slice3A_290 = vector.extract_strided_slice %get3A_205 {offsets = [9], sizes = [1], strides = [1]} : vector<16xi32> to vector<1xi32>
      %squeeze3A_291 = vector.extract %slice3A_290[0] : i32 from vector<1xi32>
      %jit3A_292 = arith.constant 0 : i32
      %jit3A_293 = arith.constant 63 : i32
      %max3A_294 = arith.maxsi %jit3A_292, %squeeze3A_291 : i32
      %min3A_295 = arith.minsi %jit3A_293, %max3A_294 : i32
      %mul3A_296 = arith.constant 192 : i32
      %mul3A_297 = arith.muli %min3A_295, %mul3A_296 : i32
      %slice3A_298 = vector.extract_strided_slice %get3A_205 {offsets = [10], sizes = [1], strides = [1]} : vector<16xi32> to vector<1xi32>
      %squeeze3A_299 = vector.extract %slice3A_298[0] : i32 from vector<1xi32>
      %jit3A_300 = arith.constant 0 : i32
      %jit3A_301 = arith.constant 63 : i32
      %max3A_302 = arith.maxsi %jit3A_300, %squeeze3A_299 : i32
      %min3A_303 = arith.minsi %jit3A_301, %max3A_302 : i32
      %add3A_304 = arith.constant 64 : i32
      %add3A_305 = arith.addi %min3A_303, %add3A_304 : i32
      %mul3A_306 = arith.constant 192 : i32
      %mul3A_307 = arith.muli %add3A_305, %mul3A_306 : i32
      %slice3A_308 = vector.extract_strided_slice %get3A_205 {offsets = [11], sizes = [1], strides = [1]} : vector<16xi32> to vector<1xi32>
      %squeeze3A_309 = vector.extract %slice3A_308[0] : i32 from vector<1xi32>
      %jit3A_310 = arith.constant 0 : i32
      %jit3A_311 = arith.constant 63 : i32
      %max3A_312 = arith.maxsi %jit3A_310, %squeeze3A_309 : i32
      %min3A_313 = arith.minsi %jit3A_311, %max3A_312 : i32
      %add3A_314 = arith.constant 128 : i32
      %add3A_315 = arith.addi %min3A_313, %add3A_314 : i32
      %mul3A_316 = arith.constant 192 : i32
      %mul3A_317 = arith.muli %add3A_315, %mul3A_316 : i32
      %scan3A_318 = arith.constant 0 : i32
      %scan3A_319 = arith.constant 16 : i32
      %scan3A_320 = arith.addi %scan3A_318, %scan3A_319 : i32
      %scan3A_321 = arith.constant 1 : i32
      %scan3A_322:12 = scf.for %scan3A_333 = %scan3A_318 to %scan3A_320 step %scan3A_321 iter_args(%scan3A_334 = %mul3A_213, %scan3A_335 = %mul3A_223, %scan3A_336 = %mul3A_233, %scan3A_337 = %mul3A_241, %scan3A_338 = %mul3A_251, %scan3A_339 = %mul3A_261, %scan3A_340 = %mul3A_269, %scan3A_341 = %mul3A_279, %scan3A_342 = %mul3A_289, %scan3A_343 = %mul3A_297, %scan3A_344 = %mul3A_307, %scan3A_345 = %mul3A_317) -> (i32, i32, i32, i32, i32, i32, i32, i32, i32, i32, i32, i32)  : i32 {
        %add3A_346 = arith.constant 1 : i32
        %add3A_347 = arith.addi %scan3A_333, %add3A_346 : i32
        %mul3A_348 = arith.constant 64 : i32
        %mul3A_349 = arith.muli %add3A_192, %mul3A_348 : i32
        %mul3A_350 = arith.constant 4 : i32
        %mul3A_351 = arith.muli %mul3A_350, %add3A_347 : i32
        %add3A_352 = arith.addi %mul3A_349, %mul3A_351 : i32
        %mul3A_353 = arith.constant 3 : i32
        %mul3A_354 = arith.muli %add3A_352, %mul3A_353 : i32
        %get3A_355 = arith.index_cast %mul3A_354 : i32 to index
        %get3A_356 = tpu.vector_load %arg5[%get3A_355] {strides = array<i32>} : memref<6160xi32, #tpu.memory_space<vmem>>, vector<16xi32>,
        %slice3A_357 = vector.extract_strided_slice %get3A_356 {offsets = [0], sizes = [1], strides = [1]} : vector<16xi32> to vector<1xi32>
        %squeeze3A_358 = vector.extract %slice3A_357[0] : i32 from vector<1xi32>
        %jit3A_359 = arith.constant 0 : i32
        %jit3A_360 = arith.constant 63 : i32
        %max3A_361 = arith.maxsi %jit3A_359, %squeeze3A_358 : i32
        %min3A_362 = arith.minsi %jit3A_360, %max3A_361 : i32
        %mul3A_363 = arith.constant 192 : i32
        %mul3A_364 = arith.muli %min3A_362, %mul3A_363 : i32
        %slice3A_365 = vector.extract_strided_slice %get3A_356 {offsets = [1], sizes = [1], strides = [1]} : vector<16xi32> to vector<1xi32>
        %squeeze3A_366 = vector.extract %slice3A_365[0] : i32 from vector<1xi32>
        %jit3A_367 = arith.constant 0 : i32
        %jit3A_368 = arith.constant 63 : i32
        %max3A_369 = arith.maxsi %jit3A_367, %squeeze3A_366 : i32
        %min3A_370 = arith.minsi %jit3A_368, %max3A_369 : i32
        %add3A_371 = arith.constant 64 : i32
        %add3A_372 = arith.addi %min3A_370, %add3A_371 : i32
        %mul3A_373 = arith.constant 192 : i32
        %mul3A_374 = arith.muli %add3A_372, %mul3A_373 : i32
        %slice3A_375 = vector.extract_strided_slice %get3A_356 {offsets = [2], sizes = [1], strides = [1]} : vector<16xi32> to vector<1xi32>
        %squeeze3A_376 = vector.extract %slice3A_375[0] : i32 from vector<1xi32>
        %jit3A_377 = arith.constant 0 : i32
        %jit3A_378 = arith.constant 63 : i32
        %max3A_379 = arith.maxsi %jit3A_377, %squeeze3A_376 : i32
        %min3A_380 = arith.minsi %jit3A_378, %max3A_379 : i32
        %add3A_381 = arith.constant 128 : i32
        %add3A_382 = arith.addi %min3A_380, %add3A_381 : i32
        %mul3A_383 = arith.constant 192 : i32
        %mul3A_384 = arith.muli %add3A_382, %mul3A_383 : i32
        %slice3A_385 = vector.extract_strided_slice %get3A_356 {offsets = [3], sizes = [1], strides = [1]} : vector<16xi32> to vector<1xi32>
        %squeeze3A_386 = vector.extract %slice3A_385[0] : i32 from vector<1xi32>
        %jit3A_387 = arith.constant 0 : i32
        %jit3A_388 = arith.constant 63 : i32
        %max3A_389 = arith.maxsi %jit3A_387, %squeeze3A_386 : i32
        %min3A_390 = arith.minsi %jit3A_388, %max3A_389 : i32
        %mul3A_391 = arith.constant 192 : i32
        %mul3A_392 = arith.muli %min3A_390, %mul3A_391 : i32
        %slice3A_393 = vector.extract_strided_slice %get3A_356 {offsets = [4], sizes = [1], strides = [1]} : vector<16xi32> to vector<1xi32>
        %squeeze3A_394 = vector.extract %slice3A_393[0] : i32 from vector<1xi32>
        %jit3A_395 = arith.constant 0 : i32
        %jit3A_396 = arith.constant 63 : i32
        %max3A_397 = arith.maxsi %jit3A_395, %squeeze3A_394 : i32
        %min3A_398 = arith.minsi %jit3A_396, %max3A_397 : i32
        %add3A_399 = arith.constant 64 : i32
        %add3A_400 = arith.addi %min3A_398, %add3A_399 : i32
        %mul3A_401 = arith.constant 192 : i32
        %mul3A_402 = arith.muli %add3A_400, %mul3A_401 : i32
        %slice3A_403 = vector.extract_strided_slice %get3A_356 {offsets = [5], sizes = [1], strides = [1]} : vector<16xi32> to vector<1xi32>
        %squeeze3A_404 = vector.extract %slice3A_403[0] : i32 from vector<1xi32>
        %jit3A_405 = arith.constant 0 : i32
        %jit3A_406 = arith.constant 63 : i32
        %max3A_407 = arith.maxsi %jit3A_405, %squeeze3A_404 : i32
        %min3A_408 = arith.minsi %jit3A_406, %max3A_407 : i32
        %add3A_409 = arith.constant 128 : i32
        %add3A_410 = arith.addi %min3A_408, %add3A_409 : i32
        %mul3A_411 = arith.constant 192 : i32
        %mul3A_412 = arith.muli %add3A_410, %mul3A_411 : i32
        %slice3A_413 = vector.extract_strided_slice %get3A_356 {offsets = [6], sizes = [1], strides = [1]} : vector<16xi32> to vector<1xi32>
        %squeeze3A_414 = vector.extract %slice3A_413[0] : i32 from vector<1xi32>
        %jit3A_415 = arith.constant 0 : i32
        %jit3A_416 = arith.constant 63 : i32
        %max3A_417 = arith.maxsi %jit3A_415, %squeeze3A_414 : i32
        %min3A_418 = arith.minsi %jit3A_416, %max3A_417 : i32
        %mul3A_419 = arith.constant 192 : i32
        %mul3A_420 = arith.muli %min3A_418, %mul3A_419 : i32
        %slice3A_421 = vector.extract_strided_slice %get3A_356 {offsets = [7], sizes = [1], strides = [1]} : vector<16xi32> to vector<1xi32>
        %squeeze3A_422 = vector.extract %slice3A_421[0] : i32 from vector<1xi32>
        %jit3A_423 = arith.constant 0 : i32
        %jit3A_424 = arith.constant 63 : i32
        %max3A_425 = arith.maxsi %jit3A_423, %squeeze3A_422 : i32
        %min3A_426 = arith.minsi %jit3A_424, %max3A_425 : i32
        %add3A_427 = arith.constant 64 : i32
        %add3A_428 = arith.addi %min3A_426, %add3A_427 : i32
        %mul3A_429 = arith.constant 192 : i32
        %mul3A_430 = arith.muli %add3A_428, %mul3A_429 : i32
        %slice3A_431 = vector.extract_strided_slice %get3A_356 {offsets = [8], sizes = [1], strides = [1]} : vector<16xi32> to vector<1xi32>
        %squeeze3A_432 = vector.extract %slice3A_431[0] : i32 from vector<1xi32>
        %jit3A_433 = arith.constant 0 : i32
        %jit3A_434 = arith.constant 63 : i32
        %max3A_435 = arith.maxsi %jit3A_433, %squeeze3A_432 : i32
        %min3A_436 = arith.minsi %jit3A_434, %max3A_435 : i32
        %add3A_437 = arith.constant 128 : i32
        %add3A_438 = arith.addi %min3A_436, %add3A_437 : i32
        %mul3A_439 = arith.constant 192 : i32
        %mul3A_440 = arith.muli %add3A_438, %mul3A_439 : i32
        %slice3A_441 = vector.extract_strided_slice %get3A_356 {offsets = [9], sizes = [1], strides = [1]} : vector<16xi32> to vector<1xi32>
        %squeeze3A_442 = vector.extract %slice3A_441[0] : i32 from vector<1xi32>
        %jit3A_443 = arith.constant 0 : i32
        %jit3A_444 = arith.constant 63 : i32
        %max3A_445 = arith.maxsi %jit3A_443, %squeeze3A_442 : i32
        %min3A_446 = arith.minsi %jit3A_444, %max3A_445 : i32
        %mul3A_447 = arith.constant 192 : i32
        %mul3A_448 = arith.muli %min3A_446, %mul3A_447 : i32
        %slice3A_449 = vector.extract_strided_slice %get3A_356 {offsets = [10], sizes = [1], strides = [1]} : vector<16xi32> to vector<1xi32>
        %squeeze3A_450 = vector.extract %slice3A_449[0] : i32 from vector<1xi32>
        %jit3A_451 = arith.constant 0 : i32
        %jit3A_452 = arith.constant 63 : i32
        %max3A_453 = arith.maxsi %jit3A_451, %squeeze3A_450 : i32
        %min3A_454 = arith.minsi %jit3A_452, %max3A_453 : i32
        %add3A_455 = arith.constant 64 : i32
        %add3A_456 = arith.addi %min3A_454, %add3A_455 : i32
        %mul3A_457 = arith.constant 192 : i32
        %mul3A_458 = arith.muli %add3A_456, %mul3A_457 : i32
        %slice3A_459 = vector.extract_strided_slice %get3A_356 {offsets = [11], sizes = [1], strides = [1]} : vector<16xi32> to vector<1xi32>
        %squeeze3A_460 = vector.extract %slice3A_459[0] : i32 from vector<1xi32>
        %jit3A_461 = arith.constant 0 : i32
        %jit3A_462 = arith.constant 63 : i32
        %max3A_463 = arith.maxsi %jit3A_461, %squeeze3A_460 : i32
        %min3A_464 = arith.minsi %jit3A_462, %max3A_463 : i32
        %add3A_465 = arith.constant 128 : i32
        %add3A_466 = arith.addi %min3A_464, %add3A_465 : i32
        %mul3A_467 = arith.constant 192 : i32
        %mul3A_468 = arith.muli %add3A_466, %mul3A_467 : i32
        %mul3A_469 = arith.constant 4 : i32
        %mul3A_470 = arith.muli %mul3A_469, %scan3A_333 : i32
        %add3A_471 = arith.constant 0 : i32
        %add3A_472 = arith.addi %mul3A_470, %add3A_471 : i32
        %add3A_473 = arith.constant 0 : i32
        %add3A_474 = arith.addi %scan3A_334, %add3A_473 : i32
        %get3A_475 = arith.index_cast %add3A_474 : i32 to index
        %get3A_476 = tpu.vector_load %arg6[%get3A_475] {strides = array<i32>} : memref<36864xi32, #tpu.memory_space<vmem>>, vector<16xi32>,
        %add3A_477 = arith.constant 0 : i32
        %add3A_478 = arith.addi %scan3A_335, %add3A_477 : i32
        %get3A_479 = arith.index_cast %add3A_478 : i32 to index
        %get3A_480 = tpu.vector_load %arg6[%get3A_479] {strides = array<i32>} : memref<36864xi32, #tpu.memory_space<vmem>>, vector<16xi32>,
        %add3A_481 = arith.constant 0 : i32
        %add3A_482 = arith.addi %scan3A_336, %add3A_481 : i32
        %get3A_483 = arith.index_cast %add3A_482 : i32 to index
        %get3A_484 = tpu.vector_load %arg6[%get3A_483] {strides = array<i32>} : memref<36864xi32, #tpu.memory_space<vmem>>, vector<16xi32>,
        %add3A_485 = arith.constant 16 : i32
        %add3A_486 = arith.addi %scan3A_334, %add3A_485 : i32
        %get3A_487 = arith.index_cast %add3A_486 : i32 to index
        %get3A_488 = tpu.vector_load %arg6[%get3A_487] {strides = array<i32>} : memref<36864xi32, #tpu.memory_space<vmem>>, vector<16xi32>,
        %add3A_489 = arith.constant 16 : i32
        %add3A_490 = arith.addi %scan3A_335, %add3A_489 : i32
        %get3A_491 = arith.index_cast %add3A_490 : i32 to index
        %get3A_492 = tpu.vector_load %arg6[%get3A_491] {strides = array<i32>} : memref<36864xi32, #tpu.memory_space<vmem>>, vector<16xi32>,
        %add3A_493 = arith.constant 16 : i32
        %add3A_494 = arith.addi %scan3A_336, %add3A_493 : i32
        %get3A_495 = arith.index_cast %add3A_494 : i32 to index
        %get3A_496 = tpu.vector_load %arg6[%get3A_495] {strides = array<i32>} : memref<36864xi32, #tpu.memory_space<vmem>>, vector<16xi32>,
        %add3A_497 = arith.constant 32 : i32
        %add3A_498 = arith.addi %scan3A_334, %add3A_497 : i32
        %get3A_499 = arith.index_cast %add3A_498 : i32 to index
        %get3A_500 = tpu.vector_load %arg6[%get3A_499] {strides = array<i32>} : memref<36864xi32, #tpu.memory_space<vmem>>, vector<16xi32>,
        %add3A_501 = arith.constant 32 : i32
        %add3A_502 = arith.addi %scan3A_335, %add3A_501 : i32
        %get3A_503 = arith.index_cast %add3A_502 : i32 to index
        %get3A_504 = tpu.vector_load %arg6[%get3A_503] {strides = array<i32>} : memref<36864xi32, #tpu.memory_space<vmem>>, vector<16xi32>,
        %add3A_505 = arith.constant 32 : i32
        %add3A_506 = arith.addi %scan3A_336, %add3A_505 : i32
        %get3A_507 = arith.index_cast %add3A_506 : i32 to index
        %get3A_508 = tpu.vector_load %arg6[%get3A_507] {strides = array<i32>} : memref<36864xi32, #tpu.memory_space<vmem>>, vector<16xi32>,
        %bitcast3A = vector.bitcast %get3A_476 : vector<16xi32> to vector<32xbf16>
        %bitcast3A_509 = vector.bitcast %get3A_480 : vector<16xi32> to vector<32xbf16>
        %add3A_510 = arith.addf %bitcast3A, %bitcast3A_509 : vector<32xbf16>
        %bitcast3A_511 = vector.bitcast %get3A_484 : vector<16xi32> to vector<32xbf16>
        %add3A_512 = arith.addf %add3A_510, %bitcast3A_511 : vector<32xbf16>
        %unpack3A = tpu.unpack_subelements %add3A_512, 0 {pack_format = #tpu.pack_format<interleaved>} : vector<32xbf16> -> vector<16xf32>
        %unpack3A_513 = tpu.unpack_subelements %add3A_512, 1 {pack_format = #tpu.pack_format<interleaved>} : vector<32xbf16> -> vector<16xf32>
        %swap3A = arith.index_cast %add3A_472 : i32 to index
        %swap3A_514 = arith.constant 0 : index
        %swap3A_515 = tpu.vector_load %arg8[%swap3A, %swap3A_514] {strides = array<i32>} : memref<64x384xf32, #tpu.memory_space<vmem>>, vector<16xf32>,
        tpu.vector_store %arg8[%swap3A, %swap3A_514], %unpack3A {strides = array<i32>} : memref<64x384xf32, #tpu.memory_space<vmem>>, vector<16xf32>,
        %swap3A_516 = arith.index_cast %add3A_472 : i32 to index
        %swap3A_517 = arith.constant 16 : index
        %swap3A_518 = tpu.vector_load %arg8[%swap3A_516, %swap3A_517] {strides = array<i32>} : memref<64x384xf32, #tpu.memory_space<vmem>>, vector<16xf32>,
        tpu.vector_store %arg8[%swap3A_516, %swap3A_517], %unpack3A_513 {strides = array<i32>} : memref<64x384xf32, #tpu.memory_space<vmem>>, vector<16xf32>,
        %add3A_519 = arith.constant 48 : i32
        %add3A_520 = arith.addi %scan3A_334, %add3A_519 : i32
        %get3A_521 = arith.index_cast %add3A_520 : i32 to index
        %get3A_522 = tpu.vector_load %arg6[%get3A_521] {strides = array<i32>} : memref<36864xi32, #tpu.memory_space<vmem>>, vector<16xi32>,
        %add3A_523 = arith.constant 48 : i32
        %add3A_524 = arith.addi %scan3A_335, %add3A_523 : i32
        %get3A_525 = arith.index_cast %add3A_524 : i32 to index
        %get3A_526 = tpu.vector_load %arg6[%get3A_525] {strides = array<i32>} : memref<36864xi32, #tpu.memory_space<vmem>>, vector<16xi32>,
        %add3A_527 = arith.constant 48 : i32
        %add3A_528 = arith.addi %scan3A_336, %add3A_527 : i32
        %get3A_529 = arith.index_cast %add3A_528 : i32 to index
        %get3A_530 = tpu.vector_load %arg6[%get3A_529] {strides = array<i32>} : memref<36864xi32, #tpu.memory_space<vmem>>, vector<16xi32>,
        %bitcast3A_531 = vector.bitcast %get3A_488 : vector<16xi32> to vector<32xbf16>
        %bitcast3A_532 = vector.bitcast %get3A_492 : vector<16xi32> to vector<32xbf16>
        %add3A_533 = arith.addf %bitcast3A_531, %bitcast3A_532 : vector<32xbf16>
        %bitcast3A_534 = vector.bitcast %get3A_496 : vector<16xi32> to vector<32xbf16>
        %add3A_535 = arith.addf %add3A_533, %bitcast3A_534 : vector<32xbf16>
        %unpack3A_536 = tpu.unpack_subelements %add3A_535, 0 {pack_format = #tpu.pack_format<interleaved>} : vector<32xbf16> -> vector<16xf32>
        %unpack3A_537 = tpu.unpack_subelements %add3A_535, 1 {pack_format = #tpu.pack_format<interleaved>} : vector<32xbf16> -> vector<16xf32>
        %swap3A_538 = arith.index_cast %add3A_472 : i32 to index
        %swap3A_539 = arith.constant 32 : index
        %swap3A_540 = tpu.vector_load %arg8[%swap3A_538, %swap3A_539] {strides = array<i32>} : memref<64x384xf32, #tpu.memory_space<vmem>>, vector<16xf32>,
        tpu.vector_store %arg8[%swap3A_538, %swap3A_539], %unpack3A_536 {strides = array<i32>} : memref<64x384xf32, #tpu.memory_space<vmem>>, vector<16xf32>,
        %swap3A_541 = arith.index_cast %add3A_472 : i32 to index
        %swap3A_542 = arith.constant 48 : index
        %swap3A_543 = tpu.vector_load %arg8[%swap3A_541, %swap3A_542] {strides = array<i32>} : memref<64x384xf32, #tpu.memory_space<vmem>>, vector<16xf32>,
        tpu.vector_store %arg8[%swap3A_541, %swap3A_542], %unpack3A_537 {strides = array<i32>} : memref<64x384xf32, #tpu.memory_space<vmem>>, vector<16xf32>,
        %add3A_544 = arith.constant 64 : i32
        %add3A_545 = arith.addi %scan3A_334, %add3A_544 : i32
        %get3A_546 = arith.index_cast %add3A_545 : i32 to index
        %get3A_547 = tpu.vector_load %arg6[%get3A_546] {strides = array<i32>} : memref<36864xi32, #tpu.memory_space<vmem>>, vector<16xi32>,
        %add3A_548 = arith.constant 64 : i32
        %add3A_549 = arith.addi %scan3A_335, %add3A_548 : i32
        %get3A_550 = arith.index_cast %add3A_549 : i32 to index
        %get3A_551 = tpu.vector_load %arg6[%get3A_550] {strides = array<i32>} : memref<36864xi32, #tpu.memory_space<vmem>>, vector<16xi32>,
        %add3A_552 = arith.constant 64 : i32
        %add3A_553 = arith.addi %scan3A_336, %add3A_552 : i32
        %get3A_554 = arith.index_cast %add3A_553 : i32 to index
        %get3A_555 = tpu.vector_load %arg6[%get3A_554] {strides = array<i32>} : memref<36864xi32, #tpu.memory_space<vmem>>, vector<16xi32>,
        %bitcast3A_556 = vector.bitcast %get3A_500 : vector<16xi32> to vector<32xbf16>
        %bitcast3A_557 = vector.bitcast %get3A_504 : vector<16xi32> to vector<32xbf16>
        %add3A_558 = arith.addf %bitcast3A_556, %bitcast3A_557 : vector<32xbf16>
        %bitcast3A_559 = vector.bitcast %get3A_508 : vector<16xi32> to vector<32xbf16>
        %add3A_560 = arith.addf %add3A_558, %bitcast3A_559 : vector<32xbf16>
        %unpack3A_561 = tpu.unpack_subelements %add3A_560, 0 {pack_format = #tpu.pack_format<interleaved>} : vector<32xbf16> -> vector<16xf32>
        %unpack3A_562 = tpu.unpack_subelements %add3A_560, 1 {pack_format = #tpu.pack_format<interleaved>} : vector<32xbf16> -> vector<16xf32>
        %swap3A_563 = arith.index_cast %add3A_472 : i32 to index
        %swap3A_564 = arith.constant 64 : index
        %swap3A_565 = tpu.vector_load %arg8[%swap3A_563, %swap3A_564] {strides = array<i32>} : memref<64x384xf32, #tpu.memory_space<vmem>>, vector<16xf32>,
        tpu.vector_store %arg8[%swap3A_563, %swap3A_564], %unpack3A_561 {strides = array<i32>} : memref<64x384xf32, #tpu.memory_space<vmem>>, vector<16xf32>,
        %swap3A_566 = arith.index_cast %add3A_472 : i32 to index
        %swap3A_567 = arith.constant 80 : index
        %swap3A_568 = tpu.vector_load %arg8[%swap3A_566, %swap3A_567] {strides = array<i32>} : memref<64x384xf32, #tpu.memory_space<vmem>>, vector<16xf32>,
        tpu.vector_store %arg8[%swap3A_566, %swap3A_567], %unpack3A_562 {strides = array<i32>} : memref<64x384xf32, #tpu.memory_space<vmem>>, vector<16xf32>,
        %add3A_569 = arith.constant 80 : i32
        %add3A_570 = arith.addi %scan3A_334, %add3A_569 : i32
        %get3A_571 = arith.index_cast %add3A_570 : i32 to index
        %get3A_572 = tpu.vector_load %arg6[%get3A_571] {strides = array<i32>} : memref<36864xi32, #tpu.memory_space<vmem>>, vector<16xi32>,
        %add3A_573 = arith.constant 80 : i32
        %add3A_574 = arith.addi %scan3A_335, %add3A_573 : i32
        %get3A_575 = arith.index_cast %add3A_574 : i32 to index
        %get3A_576 = tpu.vector_load %arg6[%get3A_575] {strides = array<i32>} : memref<36864xi32, #tpu.memory_space<vmem>>, vector<16xi32>,
        %add3A_577 = arith.constant 80 : i32
        %add3A_578 = arith.addi %scan3A_336, %add3A_577 : i32
        %get3A_579 = arith.index_cast %add3A_578 : i32 to index
        %get3A_580 = tpu.vector_load %arg6[%get3A_579] {strides = array<i32>} : memref<36864xi32, #tpu.memory_space<vmem>>, vector<16xi32>,
        %bitcast3A_581 = vector.bitcast %get3A_522 : vector<16xi32> to vector<32xbf16>
        %bitcast3A_582 = vector.bitcast %get3A_526 : vector<16xi32> to vector<32xbf16>
        %add3A_583 = arith.addf %bitcast3A_581, %bitcast3A_582 : vector<32xbf16>
        %bitcast3A_584 = vector.bitcast %get3A_530 : vector<16xi32> to vector<32xbf16>
        %add3A_585 = arith.addf %add3A_583, %bitcast3A_584 : vector<32xbf16>
        %unpack3A_586 = tpu.unpack_subelements %add3A_585, 0 {pack_format = #tpu.pack_format<interleaved>} : vector<32xbf16> -> vector<16xf32>
        %unpack3A_587 = tpu.unpack_subelements %add3A_585, 1 {pack_format = #tpu.pack_format<interleaved>} : vector<32xbf16> -> vector<16xf32>
        %swap3A_588 = arith.index_cast %add3A_472 : i32 to index
        %swap3A_589 = arith.constant 96 : index
        %swap3A_590 = tpu.vector_load %arg8[%swap3A_588, %swap3A_589] {strides = array<i32>} : memref<64x384xf32, #tpu.memory_space<vmem>>, vector<16xf32>,
        tpu.vector_store %arg8[%swap3A_588, %swap3A_589], %unpack3A_586 {strides = array<i32>} : memref<64x384xf32, #tpu.memory_space<vmem>>, vector<16xf32>,
        %swap3A_591 = arith.index_cast %add3A_472 : i32 to index
        %swap3A_592 = arith.constant 112 : index
        %swap3A_593 = tpu.vector_load %arg8[%swap3A_591, %swap3A_592] {strides = array<i32>} : memref<64x384xf32, #tpu.memory_space<vmem>>, vector<16xf32>,
        tpu.vector_store %arg8[%swap3A_591, %swap3A_592], %unpack3A_587 {strides = array<i32>} : memref<64x384xf32, #tpu.memory_space<vmem>>, vector<16xf32>,
        %add3A_594 = arith.constant 96 : i32
        %add3A_595 = arith.addi %scan3A_334, %add3A_594 : i32
        %get3A_596 = arith.index_cast %add3A_595 : i32 to index
        %get3A_597 = tpu.vector_load %arg6[%get3A_596] {strides = array<i32>} : memref<36864xi32, #tpu.memory_space<vmem>>, vector<16xi32>,
        %add3A_598 = arith.constant 96 : i32
        %add3A_599 = arith.addi %scan3A_335, %add3A_598 : i32
        %get3A_600 = arith.index_cast %add3A_599 : i32 to index
        %get3A_601 = tpu.vector_load %arg6[%get3A_600] {strides = array<i32>} : memref<36864xi32, #tpu.memory_space<vmem>>, vector<16xi32>,
        %add3A_602 = arith.constant 96 : i32
        %add3A_603 = arith.addi %scan3A_336, %add3A_602 : i32
        %get3A_604 = arith.index_cast %add3A_603 : i32 to index
        %get3A_605 = tpu.vector_load %arg6[%get3A_604] {strides = array<i32>} : memref<36864xi32, #tpu.memory_space<vmem>>, vector<16xi32>,
        %bitcast3A_606 = vector.bitcast %get3A_547 : vector<16xi32> to vector<32xbf16>
        %bitcast3A_607 = vector.bitcast %get3A_551 : vector<16xi32> to vector<32xbf16>
        %add3A_608 = arith.addf %bitcast3A_606, %bitcast3A_607 : vector<32xbf16>
        %bitcast3A_609 = vector.bitcast %get3A_555 : vector<16xi32> to vector<32xbf16>
        %add3A_610 = arith.addf %add3A_608, %bitcast3A_609 : vector<32xbf16>
        %unpack3A_611 = tpu.unpack_subelements %add3A_610, 0 {pack_format = #tpu.pack_format<interleaved>} : vector<32xbf16> -> vector<16xf32>
        %unpack3A_612 = tpu.unpack_subelements %add3A_610, 1 {pack_format = #tpu.pack_format<interleaved>} : vector<32xbf16> -> vector<16xf32>
        %swap3A_613 = arith.index_cast %add3A_472 : i32 to index
        %swap3A_614 = arith.constant 128 : index
        %swap3A_615 = tpu.vector_load %arg8[%swap3A_613, %swap3A_614] {strides = array<i32>} : memref<64x384xf32, #tpu.memory_space<vmem>>, vector<16xf32>,
        tpu.vector_store %arg8[%swap3A_613, %swap3A_614], %unpack3A_611 {strides = array<i32>} : memref<64x384xf32, #tpu.memory_space<vmem>>, vector<16xf32>,
        %swap3A_616 = arith.index_cast %add3A_472 : i32 to index
        %swap3A_617 = arith.constant 144 : index
        %swap3A_618 = tpu.vector_load %arg8[%swap3A_616, %swap3A_617] {strides = array<i32>} : memref<64x384xf32, #tpu.memory_space<vmem>>, vector<16xf32>,
        tpu.vector_store %arg8[%swap3A_616, %swap3A_617], %unpack3A_612 {strides = array<i32>} : memref<64x384xf32, #tpu.memory_space<vmem>>, vector<16xf32>,
        %add3A_619 = arith.constant 112 : i32
        %add3A_620 = arith.addi %scan3A_334, %add3A_619 : i32
        %get3A_621 = arith.index_cast %add3A_620 : i32 to index
        %get3A_622 = tpu.vector_load %arg6[%get3A_621] {strides = array<i32>} : memref<36864xi32, #tpu.memory_space<vmem>>, vector<16xi32>,
        %add3A_623 = arith.constant 112 : i32
        %add3A_624 = arith.addi %scan3A_335, %add3A_623 : i32
        %get3A_625 = arith.index_cast %add3A_624 : i32 to index
        %get3A_626 = tpu.vector_load %arg6[%get3A_625] {strides = array<i32>} : memref<36864xi32, #tpu.memory_space<vmem>>, vector<16xi32>,
        %add3A_627 = arith.constant 112 : i32
        %add3A_628 = arith.addi %scan3A_336, %add3A_627 : i32
        %get3A_629 = arith.index_cast %add3A_628 : i32 to index
        %get3A_630 = tpu.vector_load %arg6[%get3A_629] {strides = array<i32>} : memref<36864xi32, #tpu.memory_space<vmem>>, vector<16xi32>,
        %bitcast3A_631 = vector.bitcast %get3A_572 : vector<16xi32> to vector<32xbf16>
        %bitcast3A_632 = vector.bitcast %get3A_576 : vector<16xi32> to vector<32xbf16>
        %add3A_633 = arith.addf %bitcast3A_631, %bitcast3A_632 : vector<32xbf16>
        %bitcast3A_634 = vector.bitcast %get3A_580 : vector<16xi32> to vector<32xbf16>
        %add3A_635 = arith.addf %add3A_633, %bitcast3A_634 : vector<32xbf16>
        %unpack3A_636 = tpu.unpack_subelements %add3A_635, 0 {pack_format = #tpu.pack_format<interleaved>} : vector<32xbf16> -> vector<16xf32>
        %unpack3A_637 = tpu.unpack_subelements %add3A_635, 1 {pack_format = #tpu.pack_format<interleaved>} : vector<32xbf16> -> vector<16xf32>
        %swap3A_638 = arith.index_cast %add3A_472 : i32 to index
        %swap3A_639 = arith.constant 160 : index
        %swap3A_640 = tpu.vector_load %arg8[%swap3A_638, %swap3A_639] {strides = array<i32>} : memref<64x384xf32, #tpu.memory_space<vmem>>, vector<16xf32>,
        tpu.vector_store %arg8[%swap3A_638, %swap3A_639], %unpack3A_636 {strides = array<i32>} : memref<64x384xf32, #tpu.memory_space<vmem>>, vector<16xf32>,
        %swap3A_641 = arith.index_cast %add3A_472 : i32 to index
        %swap3A_642 = arith.constant 176 : index
        %swap3A_643 = tpu.vector_load %arg8[%swap3A_641, %swap3A_642] {strides = array<i32>} : memref<64x384xf32, #tpu.memory_space<vmem>>, vector<16xf32>,
        tpu.vector_store %arg8[%swap3A_641, %swap3A_642], %unpack3A_637 {strides = array<i32>} : memref<64x384xf32, #tpu.memory_space<vmem>>, vector<16xf32>,
        %add3A_644 = arith.constant 128 : i32
        %add3A_645 = arith.addi %scan3A_334, %add3A_644 : i32
        %get3A_646 = arith.index_cast %add3A_645 : i32 to index
        %get3A_647 = tpu.vector_load %arg6[%get3A_646] {strides = array<i32>} : memref<36864xi32, #tpu.memory_space<vmem>>, vector<16xi32>,
        %add3A_648 = arith.constant 128 : i32
        %add3A_649 = arith.addi %scan3A_335, %add3A_648 : i32
        %get3A_650 = arith.index_cast %add3A_649 : i32 to index
        %get3A_651 = tpu.vector_load %arg6[%get3A_650] {strides = array<i32>} : memref<36864xi32, #tpu.memory_space<vmem>>, vector<16xi32>,
        %add3A_652 = arith.constant 128 : i32
        %add3A_653 = arith.addi %scan3A_336, %add3A_652 : i32
        %get3A_654 = arith.index_cast %add3A_653 : i32 to index
        %get3A_655 = tpu.vector_load %arg6[%get3A_654] {strides = array<i32>} : memref<36864xi32, #tpu.memory_space<vmem>>, vector<16xi32>,
        %bitcast3A_656 = vector.bitcast %get3A_597 : vector<16xi32> to vector<32xbf16>
        %bitcast3A_657 = vector.bitcast %get3A_601 : vector<16xi32> to vector<32xbf16>
        %add3A_658 = arith.addf %bitcast3A_656, %bitcast3A_657 : vector<32xbf16>
        %bitcast3A_659 = vector.bitcast %get3A_605 : vector<16xi32> to vector<32xbf16>
        %add3A_660 = arith.addf %add3A_658, %bitcast3A_659 : vector<32xbf16>
        %unpack3A_661 = tpu.unpack_subelements %add3A_660, 0 {pack_format = #tpu.pack_format<interleaved>} : vector<32xbf16> -> vector<16xf32>
        %unpack3A_662 = tpu.unpack_subelements %add3A_660, 1 {pack_format = #tpu.pack_format<interleaved>} : vector<32xbf16> -> vector<16xf32>
        %swap3A_663 = arith.index_cast %add3A_472 : i32 to index
        %swap3A_664 = arith.constant 192 : index
        %swap3A_665 = tpu.vector_load %arg8[%swap3A_663, %swap3A_664] {strides = array<i32>} : memref<64x384xf32, #tpu.memory_space<vmem>>, vector<16xf32>,
        tpu.vector_store %arg8[%swap3A_663, %swap3A_664], %unpack3A_661 {strides = array<i32>} : memref<64x384xf32, #tpu.memory_space<vmem>>, vector<16xf32>,
        %swap3A_666 = arith.index_cast %add3A_472 : i32 to index
        %swap3A_667 = arith.constant 208 : index
        %swap3A_668 = tpu.vector_load %arg8[%swap3A_666, %swap3A_667] {strides = array<i32>} : memref<64x384xf32, #tpu.memory_space<vmem>>, vector<16xf32>,
        tpu.vector_store %arg8[%swap3A_666, %swap3A_667], %unpack3A_662 {strides = array<i32>} : memref<64x384xf32, #tpu.memory_space<vmem>>, vector<16xf32>,
        %add3A_669 = arith.constant 144 : i32
        %add3A_670 = arith.addi %scan3A_334, %add3A_669 : i32
        %get3A_671 = arith.index_cast %add3A_670 : i32 to index
        %get3A_672 = tpu.vector_load %arg6[%get3A_671] {strides = array<i32>} : memref<36864xi32, #tpu.memory_space<vmem>>, vector<16xi32>,
        %add3A_673 = arith.constant 144 : i32
        %add3A_674 = arith.addi %scan3A_335, %add3A_673 : i32
        %get3A_675 = arith.index_cast %add3A_674 : i32 to index
        %get3A_676 = tpu.vector_load %arg6[%get3A_675] {strides = array<i32>} : memref<36864xi32, #tpu.memory_space<vmem>>, vector<16xi32>,
        %add3A_677 = arith.constant 144 : i32
        %add3A_678 = arith.addi %scan3A_336, %add3A_677 : i32
        %get3A_679 = arith.index_cast %add3A_678 : i32 to index
        %get3A_680 = tpu.vector_load %arg6[%get3A_679] {strides = array<i32>} : memref<36864xi32, #tpu.memory_space<vmem>>, vector<16xi32>,
        %bitcast3A_681 = vector.bitcast %get3A_622 : vector<16xi32> to vector<32xbf16>
        %bitcast3A_682 = vector.bitcast %get3A_626 : vector<16xi32> to vector<32xbf16>
        %add3A_683 = arith.addf %bitcast3A_681, %bitcast3A_682 : vector<32xbf16>
        %bitcast3A_684 = vector.bitcast %get3A_630 : vector<16xi32> to vector<32xbf16>
        %add3A_685 = arith.addf %add3A_683, %bitcast3A_684 : vector<32xbf16>
        %unpack3A_686 = tpu.unpack_subelements %add3A_685, 0 {pack_format = #tpu.pack_format<interleaved>} : vector<32xbf16> -> vector<16xf32>
        %unpack3A_687 = tpu.unpack_subelements %add3A_685, 1 {pack_format = #tpu.pack_format<interleaved>} : vector<32xbf16> -> vector<16xf32>
        %swap3A_688 = arith.index_cast %add3A_472 : i32 to index
        %swap3A_689 = arith.constant 224 : index
        %swap3A_690 = tpu.vector_load %arg8[%swap3A_688, %swap3A_689] {strides = array<i32>} : memref<64x384xf32, #tpu.memory_space<vmem>>, vector<16xf32>,
        tpu.vector_store %arg8[%swap3A_688, %swap3A_689], %unpack3A_686 {strides = array<i32>} : memref<64x384xf32, #tpu.memory_space<vmem>>, vector<16xf32>,
        %swap3A_691 = arith.index_cast %add3A_472 : i32 to index
        %swap3A_692 = arith.constant 240 : index
        %swap3A_693 = tpu.vector_load %arg8[%swap3A_691, %swap3A_692] {strides = array<i32>} : memref<64x384xf32, #tpu.memory_space<vmem>>, vector<16xf32>,
        tpu.vector_store %arg8[%swap3A_691, %swap3A_692], %unpack3A_687 {strides = array<i32>} : memref<64x384xf32, #tpu.memory_space<vmem>>, vector<16xf32>,
        %add3A_694 = arith.constant 160 : i32
        %add3A_695 = arith.addi %scan3A_334, %add3A_694 : i32
        %get3A_696 = arith.index_cast %add3A_695 : i32 to index
        %get3A_697 = tpu.vector_load %arg6[%get3A_696] {strides = array<i32>} : memref<36864xi32, #tpu.memory_space<vmem>>, vector<16xi32>,
        %add3A_698 = arith.constant 160 : i32
        %add3A_699 = arith.addi %scan3A_335, %add3A_698 : i32
        %get3A_700 = arith.index_cast %add3A_699 : i32 to index
        %get3A_701 = tpu.vector_load %arg6[%get3A_700] {strides = array<i32>} : memref<36864xi32, #tpu.memory_space<vmem>>, vector<16xi32>,
        %add3A_702 = arith.constant 160 : i32
        %add3A_703 = arith.addi %scan3A_336, %add3A_702 : i32
        %get3A_704 = arith.index_cast %add3A_703 : i32 to index
        %get3A_705 = tpu.vector_load %arg6[%get3A_704] {strides = array<i32>} : memref<36864xi32, #tpu.memory_space<vmem>>, vector<16xi32>,
        %bitcast3A_706 = vector.bitcast %get3A_647 : vector<16xi32> to vector<32xbf16>
        %bitcast3A_707 = vector.bitcast %get3A_651 : vector<16xi32> to vector<32xbf16>
        %add3A_708 = arith.addf %bitcast3A_706, %bitcast3A_707 : vector<32xbf16>
        %bitcast3A_709 = vector.bitcast %get3A_655 : vector<16xi32> to vector<32xbf16>
        %add3A_710 = arith.addf %add3A_708, %bitcast3A_709 : vector<32xbf16>
        %unpack3A_711 = tpu.unpack_subelements %add3A_710, 0 {pack_format = #tpu.pack_format<interleaved>} : vector<32xbf16> -> vector<16xf32>
        %unpack3A_712 = tpu.unpack_subelements %add3A_710, 1 {pack_format = #tpu.pack_format<interleaved>} : vector<32xbf16> -> vector<16xf32>
        %swap3A_713 = arith.index_cast %add3A_472 : i32 to index
        %swap3A_714 = arith.constant 256 : index
        %swap3A_715 = tpu.vector_load %arg8[%swap3A_713, %swap3A_714] {strides = array<i32>} : memref<64x384xf32, #tpu.memory_space<vmem>>, vector<16xf32>,
        tpu.vector_store %arg8[%swap3A_713, %swap3A_714], %unpack3A_711 {strides = array<i32>} : memref<64x384xf32, #tpu.memory_space<vmem>>, vector<16xf32>,
        %swap3A_716 = arith.index_cast %add3A_472 : i32 to index
        %swap3A_717 = arith.constant 272 : index
        %swap3A_718 = tpu.vector_load %arg8[%swap3A_716, %swap3A_717] {strides = array<i32>} : memref<64x384xf32, #tpu.memory_space<vmem>>, vector<16xf32>,
        tpu.vector_store %arg8[%swap3A_716, %swap3A_717], %unpack3A_712 {strides = array<i32>} : memref<64x384xf32, #tpu.memory_space<vmem>>, vector<16xf32>,
        %add3A_719 = arith.constant 176 : i32
        %add3A_720 = arith.addi %scan3A_334, %add3A_719 : i32
        %get3A_721 = arith.index_cast %add3A_720 : i32 to index
        %get3A_722 = tpu.vector_load %arg6[%get3A_721] {strides = array<i32>} : memref<36864xi32, #tpu.memory_space<vmem>>, vector<16xi32>,
        %add3A_723 = arith.constant 176 : i32
        %add3A_724 = arith.addi %scan3A_335, %add3A_723 : i32
        %get3A_725 = arith.index_cast %add3A_724 : i32 to index
        %get3A_726 = tpu.vector_load %arg6[%get3A_725] {strides = array<i32>} : memref<36864xi32, #tpu.memory_space<vmem>>, vector<16xi32>,
        %add3A_727 = arith.constant 176 : i32
        %add3A_728 = arith.addi %scan3A_336, %add3A_727 : i32
        %get3A_729 = arith.index_cast %add3A_728 : i32 to index
        %get3A_730 = tpu.vector_load %arg6[%get3A_729] {strides = array<i32>} : memref<36864xi32, #tpu.memory_space<vmem>>, vector<16xi32>,
        %bitcast3A_731 = vector.bitcast %get3A_672 : vector<16xi32> to vector<32xbf16>
        %bitcast3A_732 = vector.bitcast %get3A_676 : vector<16xi32> to vector<32xbf16>
        %add3A_733 = arith.addf %bitcast3A_731, %bitcast3A_732 : vector<32xbf16>
        %bitcast3A_734 = vector.bitcast %get3A_680 : vector<16xi32> to vector<32xbf16>
        %add3A_735 = arith.addf %add3A_733, %bitcast3A_734 : vector<32xbf16>
        %unpack3A_736 = tpu.unpack_subelements %add3A_735, 0 {pack_format = #tpu.pack_format<interleaved>} : vector<32xbf16> -> vector<16xf32>
        %unpack3A_737 = tpu.unpack_subelements %add3A_735, 1 {pack_format = #tpu.pack_format<interleaved>} : vector<32xbf16> -> vector<16xf32>
        %swap3A_738 = arith.index_cast %add3A_472 : i32 to index
        %swap3A_739 = arith.constant 288 : index
        %swap3A_740 = tpu.vector_load %arg8[%swap3A_738, %swap3A_739] {strides = array<i32>} : memref<64x384xf32, #tpu.memory_space<vmem>>, vector<16xf32>,
        tpu.vector_store %arg8[%swap3A_738, %swap3A_739], %unpack3A_736 {strides = array<i32>} : memref<64x384xf32, #tpu.memory_space<vmem>>, vector<16xf32>,
        %swap3A_741 = arith.index_cast %add3A_472 : i32 to index
        %swap3A_742 = arith.constant 304 : index
        %swap3A_743 = tpu.vector_load %arg8[%swap3A_741, %swap3A_742] {strides = array<i32>} : memref<64x384xf32, #tpu.memory_space<vmem>>, vector<16xf32>,
        tpu.vector_store %arg8[%swap3A_741, %swap3A_742], %unpack3A_737 {strides = array<i32>} : memref<64x384xf32, #tpu.memory_space<vmem>>, vector<16xf32>,
        %mul3A_744 = arith.constant 4 : i32
        %mul3A_745 = arith.muli %mul3A_744, %scan3A_333 : i32
        %add3A_746 = arith.constant 1 : i32
        %add3A_747 = arith.addi %mul3A_745, %add3A_746 : i32
        %add3A_748 = arith.constant 0 : i32
        %add3A_749 = arith.addi %scan3A_337, %add3A_748 : i32
        %get3A_750 = arith.index_cast %add3A_749 : i32 to index
        %get3A_751 = tpu.vector_load %arg6[%get3A_750] {strides = array<i32>} : memref<36864xi32, #tpu.memory_space<vmem>>, vector<16xi32>,
        %add3A_752 = arith.constant 0 : i32
        %add3A_753 = arith.addi %scan3A_338, %add3A_752 : i32
        %get3A_754 = arith.index_cast %add3A_753 : i32 to index
        %get3A_755 = tpu.vector_load %arg6[%get3A_754] {strides = array<i32>} : memref<36864xi32, #tpu.memory_space<vmem>>, vector<16xi32>,
        %add3A_756 = arith.constant 0 : i32
        %add3A_757 = arith.addi %scan3A_339, %add3A_756 : i32
        %get3A_758 = arith.index_cast %add3A_757 : i32 to index
        %get3A_759 = tpu.vector_load %arg6[%get3A_758] {strides = array<i32>} : memref<36864xi32, #tpu.memory_space<vmem>>, vector<16xi32>,
        %bitcast3A_760 = vector.bitcast %get3A_697 : vector<16xi32> to vector<32xbf16>
        %bitcast3A_761 = vector.bitcast %get3A_701 : vector<16xi32> to vector<32xbf16>
        %add3A_762 = arith.addf %bitcast3A_760, %bitcast3A_761 : vector<32xbf16>
        %bitcast3A_763 = vector.bitcast %get3A_705 : vector<16xi32> to vector<32xbf16>
        %add3A_764 = arith.addf %add3A_762, %bitcast3A_763 : vector<32xbf16>
        %unpack3A_765 = tpu.unpack_subelements %add3A_764, 0 {pack_format = #tpu.pack_format<interleaved>} : vector<32xbf16> -> vector<16xf32>
        %unpack3A_766 = tpu.unpack_subelements %add3A_764, 1 {pack_format = #tpu.pack_format<interleaved>} : vector<32xbf16> -> vector<16xf32>
        %swap3A_767 = arith.index_cast %add3A_472 : i32 to index
        %swap3A_768 = arith.constant 320 : index
        %swap3A_769 = tpu.vector_load %arg8[%swap3A_767, %swap3A_768] {strides = array<i32>} : memref<64x384xf32, #tpu.memory_space<vmem>>, vector<16xf32>,
        tpu.vector_store %arg8[%swap3A_767, %swap3A_768], %unpack3A_765 {strides = array<i32>} : memref<64x384xf32, #tpu.memory_space<vmem>>, vector<16xf32>,
        %swap3A_770 = arith.index_cast %add3A_472 : i32 to index
        %swap3A_771 = arith.constant 336 : index
        %swap3A_772 = tpu.vector_load %arg8[%swap3A_770, %swap3A_771] {strides = array<i32>} : memref<64x384xf32, #tpu.memory_space<vmem>>, vector<16xf32>,
        tpu.vector_store %arg8[%swap3A_770, %swap3A_771], %unpack3A_766 {strides = array<i32>} : memref<64x384xf32, #tpu.memory_space<vmem>>, vector<16xf32>,
        %add3A_773 = arith.constant 16 : i32
        %add3A_774 = arith.addi %scan3A_337, %add3A_773 : i32
        %get3A_775 = arith.index_cast %add3A_774 : i32 to index
        %get3A_776 = tpu.vector_load %arg6[%get3A_775] {strides = array<i32>} : memref<36864xi32, #tpu.memory_space<vmem>>, vector<16xi32>,
        %add3A_777 = arith.constant 16 : i32
        %add3A_778 = arith.addi %scan3A_338, %add3A_777 : i32
        %get3A_779 = arith.index_cast %add3A_778 : i32 to index
        %get3A_780 = tpu.vector_load %arg6[%get3A_779] {strides = array<i32>} : memref<36864xi32, #tpu.memory_space<vmem>>, vector<16xi32>,
        %add3A_781 = arith.constant 16 : i32
        %add3A_782 = arith.addi %scan3A_339, %add3A_781 : i32
        %get3A_783 = arith.index_cast %add3A_782 : i32 to index
        %get3A_784 = tpu.vector_load %arg6[%get3A_783] {strides = array<i32>} : memref<36864xi32, #tpu.memory_space<vmem>>, vector<16xi32>,
        %bitcast3A_785 = vector.bitcast %get3A_722 : vector<16xi32> to vector<32xbf16>
        %bitcast3A_786 = vector.bitcast %get3A_726 : vector<16xi32> to vector<32xbf16>
        %add3A_787 = arith.addf %bitcast3A_785, %bitcast3A_786 : vector<32xbf16>
        %bitcast3A_788 = vector.bitcast %get3A_730 : vector<16xi32> to vector<32xbf16>
        %add3A_789 = arith.addf %add3A_787, %bitcast3A_788 : vector<32xbf16>
        %unpack3A_790 = tpu.unpack_subelements %add3A_789, 0 {pack_format = #tpu.pack_format<interleaved>} : vector<32xbf16> -> vector<16xf32>
        %unpack3A_791 = tpu.unpack_subelements %add3A_789, 1 {pack_format = #tpu.pack_format<interleaved>} : vector<32xbf16> -> vector<16xf32>
        %swap3A_792 = arith.index_cast %add3A_472 : i32 to index
        %swap3A_793 = arith.constant 352 : index
        %swap3A_794 = tpu.vector_load %arg8[%swap3A_792, %swap3A_793] {strides = array<i32>} : memref<64x384xf32, #tpu.memory_space<vmem>>, vector<16xf32>,
        tpu.vector_store %arg8[%swap3A_792, %swap3A_793], %unpack3A_790 {strides = array<i32>} : memref<64x384xf32, #tpu.memory_space<vmem>>, vector<16xf32>,
        %swap3A_795 = arith.index_cast %add3A_472 : i32 to index
        %swap3A_796 = arith.constant 368 : index
        %swap3A_797 = tpu.vector_load %arg8[%swap3A_795, %swap3A_796] {strides = array<i32>} : memref<64x384xf32, #tpu.memory_space<vmem>>, vector<16xf32>,
        tpu.vector_store %arg8[%swap3A_795, %swap3A_796], %unpack3A_791 {strides = array<i32>} : memref<64x384xf32, #tpu.memory_space<vmem>>, vector<16xf32>,
        %add3A_798 = arith.constant 32 : i32
        %add3A_799 = arith.addi %scan3A_337, %add3A_798 : i32
        %get3A_800 = arith.index_cast %add3A_799 : i32 to index
        %get3A_801 = tpu.vector_load %arg6[%get3A_800] {strides = array<i32>} : memref<36864xi32, #tpu.memory_space<vmem>>, vector<16xi32>,
        %add3A_802 = arith.constant 32 : i32
        %add3A_803 = arith.addi %scan3A_338, %add3A_802 : i32
        %get3A_804 = arith.index_cast %add3A_803 : i32 to index
        %get3A_805 = tpu.vector_load %arg6[%get3A_804] {strides = array<i32>} : memref<36864xi32, #tpu.memory_space<vmem>>, vector<16xi32>,
        %add3A_806 = arith.constant 32 : i32
        %add3A_807 = arith.addi %scan3A_339, %add3A_806 : i32
        %get3A_808 = arith.index_cast %add3A_807 : i32 to index
        %get3A_809 = tpu.vector_load %arg6[%get3A_808] {strides = array<i32>} : memref<36864xi32, #tpu.memory_space<vmem>>, vector<16xi32>,
        %bitcast3A_810 = vector.bitcast %get3A_751 : vector<16xi32> to vector<32xbf16>
        %bitcast3A_811 = vector.bitcast %get3A_755 : vector<16xi32> to vector<32xbf16>
        %add3A_812 = arith.addf %bitcast3A_810, %bitcast3A_811 : vector<32xbf16>
        %bitcast3A_813 = vector.bitcast %get3A_759 : vector<16xi32> to vector<32xbf16>
        %add3A_814 = arith.addf %add3A_812, %bitcast3A_813 : vector<32xbf16>
        %unpack3A_815 = tpu.unpack_subelements %add3A_814, 0 {pack_format = #tpu.pack_format<interleaved>} : vector<32xbf16> -> vector<16xf32>
        %unpack3A_816 = tpu.unpack_subelements %add3A_814, 1 {pack_format = #tpu.pack_format<interleaved>} : vector<32xbf16> -> vector<16xf32>
        %swap3A_817 = arith.index_cast %add3A_747 : i32 to index
        %swap3A_818 = arith.constant 0 : index
        %swap3A_819 = tpu.vector_load %arg8[%swap3A_817, %swap3A_818] {strides = array<i32>} : memref<64x384xf32, #tpu.memory_space<vmem>>, vector<16xf32>,
        tpu.vector_store %arg8[%swap3A_817, %swap3A_818], %unpack3A_815 {strides = array<i32>} : memref<64x384xf32, #tpu.memory_space<vmem>>, vector<16xf32>,
        %swap3A_820 = arith.index_cast %add3A_747 : i32 to index
        %swap3A_821 = arith.constant 16 : index
        %swap3A_822 = tpu.vector_load %arg8[%swap3A_820, %swap3A_821] {strides = array<i32>} : memref<64x384xf32, #tpu.memory_space<vmem>>, vector<16xf32>,
        tpu.vector_store %arg8[%swap3A_820, %swap3A_821], %unpack3A_816 {strides = array<i32>} : memref<64x384xf32, #tpu.memory_space<vmem>>, vector<16xf32>,
        %add3A_823 = arith.constant 48 : i32
        %add3A_824 = arith.addi %scan3A_337, %add3A_823 : i32
        %get3A_825 = arith.index_cast %add3A_824 : i32 to index
        %get3A_826 = tpu.vector_load %arg6[%get3A_825] {strides = array<i32>} : memref<36864xi32, #tpu.memory_space<vmem>>, vector<16xi32>,
        %add3A_827 = arith.constant 48 : i32
        %add3A_828 = arith.addi %scan3A_338, %add3A_827 : i32
        %get3A_829 = arith.index_cast %add3A_828 : i32 to index
        %get3A_830 = tpu.vector_load %arg6[%get3A_829] {strides = array<i32>} : memref<36864xi32, #tpu.memory_space<vmem>>, vector<16xi32>,
        %add3A_831 = arith.constant 48 : i32
        %add3A_832 = arith.addi %scan3A_339, %add3A_831 : i32
        %get3A_833 = arith.index_cast %add3A_832 : i32 to index
        %get3A_834 = tpu.vector_load %arg6[%get3A_833] {strides = array<i32>} : memref<36864xi32, #tpu.memory_space<vmem>>, vector<16xi32>,
        %bitcast3A_835 = vector.bitcast %get3A_776 : vector<16xi32> to vector<32xbf16>
        %bitcast3A_836 = vector.bitcast %get3A_780 : vector<16xi32> to vector<32xbf16>
        %add3A_837 = arith.addf %bitcast3A_835, %bitcast3A_836 : vector<32xbf16>
        %bitcast3A_838 = vector.bitcast %get3A_784 : vector<16xi32> to vector<32xbf16>
        %add3A_839 = arith.addf %add3A_837, %bitcast3A_838 : vector<32xbf16>
        %unpack3A_840 = tpu.unpack_subelements %add3A_839, 0 {pack_format = #tpu.pack_format<interleaved>} : vector<32xbf16> -> vector<16xf32>
        %unpack3A_841 = tpu.unpack_subelements %add3A_839, 1 {pack_format = #tpu.pack_format<interleaved>} : vector<32xbf16> -> vector<16xf32>
        %swap3A_842 = arith.index_cast %add3A_747 : i32 to index
        %swap3A_843 = arith.constant 32 : index
        %swap3A_844 = tpu.vector_load %arg8[%swap3A_842, %swap3A_843] {strides = array<i32>} : memref<64x384xf32, #tpu.memory_space<vmem>>, vector<16xf32>,
        tpu.vector_store %arg8[%swap3A_842, %swap3A_843], %unpack3A_840 {strides = array<i32>} : memref<64x384xf32, #tpu.memory_space<vmem>>, vector<16xf32>,
        %swap3A_845 = arith.index_cast %add3A_747 : i32 to index
        %swap3A_846 = arith.constant 48 : index
        %swap3A_847 = tpu.vector_load %arg8[%swap3A_845, %swap3A_846] {strides = array<i32>} : memref<64x384xf32, #tpu.memory_space<vmem>>, vector<16xf32>,
        tpu.vector_store %arg8[%swap3A_845, %swap3A_846], %unpack3A_841 {strides = array<i32>} : memref<64x384xf32, #tpu.memory_space<vmem>>, vector<16xf32>,
        %add3A_848 = arith.constant 64 : i32
        %add3A_849 = arith.addi %scan3A_337, %add3A_848 : i32
        %get3A_850 = arith.index_cast %add3A_849 : i32 to index
        %get3A_851 = tpu.vector_load %arg6[%get3A_850] {strides = array<i32>} : memref<36864xi32, #tpu.memory_space<vmem>>, vector<16xi32>,
        %add3A_852 = arith.constant 64 : i32
        %add3A_853 = arith.addi %scan3A_338, %add3A_852 : i32
        %get3A_854 = arith.index_cast %add3A_853 : i32 to index
        %get3A_855 = tpu.vector_load %arg6[%get3A_854] {strides = array<i32>} : memref<36864xi32, #tpu.memory_space<vmem>>, vector<16xi32>,
        %add3A_856 = arith.constant 64 : i32
        %add3A_857 = arith.addi %scan3A_339, %add3A_856 : i32
        %get3A_858 = arith.index_cast %add3A_857 : i32 to index
        %get3A_859 = tpu.vector_load %arg6[%get3A_858] {strides = array<i32>} : memref<36864xi32, #tpu.memory_space<vmem>>, vector<16xi32>,
        %bitcast3A_860 = vector.bitcast %get3A_801 : vector<16xi32> to vector<32xbf16>
        %bitcast3A_861 = vector.bitcast %get3A_805 : vector<16xi32> to vector<32xbf16>
        %add3A_862 = arith.addf %bitcast3A_860, %bitcast3A_861 : vector<32xbf16>
        %bitcast3A_863 = vector.bitcast %get3A_809 : vector<16xi32> to vector<32xbf16>
        %add3A_864 = arith.addf %add3A_862, %bitcast3A_863 : vector<32xbf16>
        %unpack3A_865 = tpu.unpack_subelements %add3A_864, 0 {pack_format = #tpu.pack_format<interleaved>} : vector<32xbf16> -> vector<16xf32>
        %unpack3A_866 = tpu.unpack_subelements %add3A_864, 1 {pack_format = #tpu.pack_format<interleaved>} : vector<32xbf16> -> vector<16xf32>
        %swap3A_867 = arith.index_cast %add3A_747 : i32 to index
        %swap3A_868 = arith.constant 64 : index
        %swap3A_869 = tpu.vector_load %arg8[%swap3A_867, %swap3A_868] {strides = array<i32>} : memref<64x384xf32, #tpu.memory_space<vmem>>, vector<16xf32>,
        tpu.vector_store %arg8[%swap3A_867, %swap3A_868], %unpack3A_865 {strides = array<i32>} : memref<64x384xf32, #tpu.memory_space<vmem>>, vector<16xf32>,
        %swap3A_870 = arith.index_cast %add3A_747 : i32 to index
        %swap3A_871 = arith.constant 80 : index
        %swap3A_872 = tpu.vector_load %arg8[%swap3A_870, %swap3A_871] {strides = array<i32>} : memref<64x384xf32, #tpu.memory_space<vmem>>, vector<16xf32>,
        tpu.vector_store %arg8[%swap3A_870, %swap3A_871], %unpack3A_866 {strides = array<i32>} : memref<64x384xf32, #tpu.memory_space<vmem>>, vector<16xf32>,
        %add3A_873 = arith.constant 80 : i32
        %add3A_874 = arith.addi %scan3A_337, %add3A_873 : i32
        %get3A_875 = arith.index_cast %add3A_874 : i32 to index
        %get3A_876 = tpu.vector_load %arg6[%get3A_875] {strides = array<i32>} : memref<36864xi32, #tpu.memory_space<vmem>>, vector<16xi32>,
        %add3A_877 = arith.constant 80 : i32
        %add3A_878 = arith.addi %scan3A_338, %add3A_877 : i32
        %get3A_879 = arith.index_cast %add3A_878 : i32 to index
        %get3A_880 = tpu.vector_load %arg6[%get3A_879] {strides = array<i32>} : memref<36864xi32, #tpu.memory_space<vmem>>, vector<16xi32>,
        %add3A_881 = arith.constant 80 : i32
        %add3A_882 = arith.addi %scan3A_339, %add3A_881 : i32
        %get3A_883 = arith.index_cast %add3A_882 : i32 to index
        %get3A_884 = tpu.vector_load %arg6[%get3A_883] {strides = array<i32>} : memref<36864xi32, #tpu.memory_space<vmem>>, vector<16xi32>,
        %bitcast3A_885 = vector.bitcast %get3A_826 : vector<16xi32> to vector<32xbf16>
        %bitcast3A_886 = vector.bitcast %get3A_830 : vector<16xi32> to vector<32xbf16>
        %add3A_887 = arith.addf %bitcast3A_885, %bitcast3A_886 : vector<32xbf16>
        %bitcast3A_888 = vector.bitcast %get3A_834 : vector<16xi32> to vector<32xbf16>
        %add3A_889 = arith.addf %add3A_887, %bitcast3A_888 : vector<32xbf16>
        %unpack3A_890 = tpu.unpack_subelements %add3A_889, 0 {pack_format = #tpu.pack_format<interleaved>} : vector<32xbf16> -> vector<16xf32>
        %unpack3A_891 = tpu.unpack_subelements %add3A_889, 1 {pack_format = #tpu.pack_format<interleaved>} : vector<32xbf16> -> vector<16xf32>
        %swap3A_892 = arith.index_cast %add3A_747 : i32 to index
        %swap3A_893 = arith.constant 96 : index
        %swap3A_894 = tpu.vector_load %arg8[%swap3A_892, %swap3A_893] {strides = array<i32>} : memref<64x384xf32, #tpu.memory_space<vmem>>, vector<16xf32>,
        tpu.vector_store %arg8[%swap3A_892, %swap3A_893], %unpack3A_890 {strides = array<i32>} : memref<64x384xf32, #tpu.memory_space<vmem>>, vector<16xf32>,
        %swap3A_895 = arith.index_cast %add3A_747 : i32 to index
        %swap3A_896 = arith.constant 112 : index
        %swap3A_897 = tpu.vector_load %arg8[%swap3A_895, %swap3A_896] {strides = array<i32>} : memref<64x384xf32, #tpu.memory_space<vmem>>, vector<16xf32>,
        tpu.vector_store %arg8[%swap3A_895, %swap3A_896], %unpack3A_891 {strides = array<i32>} : memref<64x384xf32, #tpu.memory_space<vmem>>, vector<16xf32>,
        %add3A_898 = arith.constant 96 : i32
        %add3A_899 = arith.addi %scan3A_337, %add3A_898 : i32
        %get3A_900 = arith.index_cast %add3A_899 : i32 to index
        %get3A_901 = tpu.vector_load %arg6[%get3A_900] {strides = array<i32>} : memref<36864xi32, #tpu.memory_space<vmem>>, vector<16xi32>,
        %add3A_902 = arith.constant 96 : i32
        %add3A_903 = arith.addi %scan3A_338, %add3A_902 : i32
        %get3A_904 = arith.index_cast %add3A_903 : i32 to index
        %get3A_905 = tpu.vector_load %arg6[%get3A_904] {strides = array<i32>} : memref<36864xi32, #tpu.memory_space<vmem>>, vector<16xi32>,
        %add3A_906 = arith.constant 96 : i32
        %add3A_907 = arith.addi %scan3A_339, %add3A_906 : i32
        %get3A_908 = arith.index_cast %add3A_907 : i32 to index
        %get3A_909 = tpu.vector_load %arg6[%get3A_908] {strides = array<i32>} : memref<36864xi32, #tpu.memory_space<vmem>>, vector<16xi32>,
        %bitcast3A_910 = vector.bitcast %get3A_851 : vector<16xi32> to vector<32xbf16>
        %bitcast3A_911 = vector.bitcast %get3A_855 : vector<16xi32> to vector<32xbf16>
        %add3A_912 = arith.addf %bitcast3A_910, %bitcast3A_911 : vector<32xbf16>
        %bitcast3A_913 = vector.bitcast %get3A_859 : vector<16xi32> to vector<32xbf16>
        %add3A_914 = arith.addf %add3A_912, %bitcast3A_913 : vector<32xbf16>
        %unpack3A_915 = tpu.unpack_subelements %add3A_914, 0 {pack_format = #tpu.pack_format<interleaved>} : vector<32xbf16> -> vector<16xf32>
        %unpack3A_916 = tpu.unpack_subelements %add3A_914, 1 {pack_format = #tpu.pack_format<interleaved>} : vector<32xbf16> -> vector<16xf32>
        %swap3A_917 = arith.index_cast %add3A_747 : i32 to index
        %swap3A_918 = arith.constant 128 : index
        %swap3A_919 = tpu.vector_load %arg8[%swap3A_917, %swap3A_918] {strides = array<i32>} : memref<64x384xf32, #tpu.memory_space<vmem>>, vector<16xf32>,
        tpu.vector_store %arg8[%swap3A_917, %swap3A_918], %unpack3A_915 {strides = array<i32>} : memref<64x384xf32, #tpu.memory_space<vmem>>, vector<16xf32>,
        %swap3A_920 = arith.index_cast %add3A_747 : i32 to index
        %swap3A_921 = arith.constant 144 : index
        %swap3A_922 = tpu.vector_load %arg8[%swap3A_920, %swap3A_921] {strides = array<i32>} : memref<64x384xf32, #tpu.memory_space<vmem>>, vector<16xf32>,
        tpu.vector_store %arg8[%swap3A_920, %swap3A_921], %unpack3A_916 {strides = array<i32>} : memref<64x384xf32, #tpu.memory_space<vmem>>, vector<16xf32>,
        %add3A_923 = arith.constant 112 : i32
        %add3A_924 = arith.addi %scan3A_337, %add3A_923 : i32
        %get3A_925 = arith.index_cast %add3A_924 : i32 to index
        %get3A_926 = tpu.vector_load %arg6[%get3A_925] {strides = array<i32>} : memref<36864xi32, #tpu.memory_space<vmem>>, vector<16xi32>,
        %add3A_927 = arith.constant 112 : i32
        %add3A_928 = arith.addi %scan3A_338, %add3A_927 : i32
        %get3A_929 = arith.index_cast %add3A_928 : i32 to index
        %get3A_930 = tpu.vector_load %arg6[%get3A_929] {strides = array<i32>} : memref<36864xi32, #tpu.memory_space<vmem>>, vector<16xi32>,
        %add3A_931 = arith.constant 112 : i32
        %add3A_932 = arith.addi %scan3A_339, %add3A_931 : i32
        %get3A_933 = arith.index_cast %add3A_932 : i32 to index
        %get3A_934 = tpu.vector_load %arg6[%get3A_933] {strides = array<i32>} : memref<36864xi32, #tpu.memory_space<vmem>>, vector<16xi32>,
        %bitcast3A_935 = vector.bitcast %get3A_876 : vector<16xi32> to vector<32xbf16>
        %bitcast3A_936 = vector.bitcast %get3A_880 : vector<16xi32> to vector<32xbf16>
        %add3A_937 = arith.addf %bitcast3A_935, %bitcast3A_936 : vector<32xbf16>
        %bitcast3A_938 = vector.bitcast %get3A_884 : vector<16xi32> to vector<32xbf16>
        %add3A_939 = arith.addf %add3A_937, %bitcast3A_938 : vector<32xbf16>
        %unpack3A_940 = tpu.unpack_subelements %add3A_939, 0 {pack_format = #tpu.pack_format<interleaved>} : vector<32xbf16> -> vector<16xf32>
        %unpack3A_941 = tpu.unpack_subelements %add3A_939, 1 {pack_format = #tpu.pack_format<interleaved>} : vector<32xbf16> -> vector<16xf32>
        %swap3A_942 = arith.index_cast %add3A_747 : i32 to index
        %swap3A_943 = arith.constant 160 : index
        %swap3A_944 = tpu.vector_load %arg8[%swap3A_942, %swap3A_943] {strides = array<i32>} : memref<64x384xf32, #tpu.memory_space<vmem>>, vector<16xf32>,
        tpu.vector_store %arg8[%swap3A_942, %swap3A_943], %unpack3A_940 {strides = array<i32>} : memref<64x384xf32, #tpu.memory_space<vmem>>, vector<16xf32>,
        %swap3A_945 = arith.index_cast %add3A_747 : i32 to index
        %swap3A_946 = arith.constant 176 : index
        %swap3A_947 = tpu.vector_load %arg8[%swap3A_945, %swap3A_946] {strides = array<i32>} : memref<64x384xf32, #tpu.memory_space<vmem>>, vector<16xf32>,
        tpu.vector_store %arg8[%swap3A_945, %swap3A_946], %unpack3A_941 {strides = array<i32>} : memref<64x384xf32, #tpu.memory_space<vmem>>, vector<16xf32>,
        %add3A_948 = arith.constant 128 : i32
        %add3A_949 = arith.addi %scan3A_337, %add3A_948 : i32
        %get3A_950 = arith.index_cast %add3A_949 : i32 to index
        %get3A_951 = tpu.vector_load %arg6[%get3A_950] {strides = array<i32>} : memref<36864xi32, #tpu.memory_space<vmem>>, vector<16xi32>,
        %add3A_952 = arith.constant 128 : i32
        %add3A_953 = arith.addi %scan3A_338, %add3A_952 : i32
        %get3A_954 = arith.index_cast %add3A_953 : i32 to index
        %get3A_955 = tpu.vector_load %arg6[%get3A_954] {strides = array<i32>} : memref<36864xi32, #tpu.memory_space<vmem>>, vector<16xi32>,
        %add3A_956 = arith.constant 128 : i32
        %add3A_957 = arith.addi %scan3A_339, %add3A_956 : i32
        %get3A_958 = arith.index_cast %add3A_957 : i32 to index
        %get3A_959 = tpu.vector_load %arg6[%get3A_958] {strides = array<i32>} : memref<36864xi32, #tpu.memory_space<vmem>>, vector<16xi32>,
        %bitcast3A_960 = vector.bitcast %get3A_901 : vector<16xi32> to vector<32xbf16>
        %bitcast3A_961 = vector.bitcast %get3A_905 : vector<16xi32> to vector<32xbf16>
        %add3A_962 = arith.addf %bitcast3A_960, %bitcast3A_961 : vector<32xbf16>
        %bitcast3A_963 = vector.bitcast %get3A_909 : vector<16xi32> to vector<32xbf16>
        %add3A_964 = arith.addf %add3A_962, %bitcast3A_963 : vector<32xbf16>
        %unpack3A_965 = tpu.unpack_subelements %add3A_964, 0 {pack_format = #tpu.pack_format<interleaved>} : vector<32xbf16> -> vector<16xf32>
        %unpack3A_966 = tpu.unpack_subelements %add3A_964, 1 {pack_format = #tpu.pack_format<interleaved>} : vector<32xbf16> -> vector<16xf32>
        %swap3A_967 = arith.index_cast %add3A_747 : i32 to index
        %swap3A_968 = arith.constant 192 : index
        %swap3A_969 = tpu.vector_load %arg8[%swap3A_967, %swap3A_968] {strides = array<i32>} : memref<64x384xf32, #tpu.memory_space<vmem>>, vector<16xf32>,
        tpu.vector_store %arg8[%swap3A_967, %swap3A_968], %unpack3A_965 {strides = array<i32>} : memref<64x384xf32, #tpu.memory_space<vmem>>, vector<16xf32>,
        %swap3A_970 = arith.index_cast %add3A_747 : i32 to index
        %swap3A_971 = arith.constant 208 : index
        %swap3A_972 = tpu.vector_load %arg8[%swap3A_970, %swap3A_971] {strides = array<i32>} : memref<64x384xf32, #tpu.memory_space<vmem>>, vector<16xf32>,
        tpu.vector_store %arg8[%swap3A_970, %swap3A_971], %unpack3A_966 {strides = array<i32>} : memref<64x384xf32, #tpu.memory_space<vmem>>, vector<16xf32>,
        %add3A_973 = arith.constant 144 : i32
        %add3A_974 = arith.addi %scan3A_337, %add3A_973 : i32
        %get3A_975 = arith.index_cast %add3A_974 : i32 to index
        %get3A_976 = tpu.vector_load %arg6[%get3A_975] {strides = array<i32>} : memref<36864xi32, #tpu.memory_space<vmem>>, vector<16xi32>,
        %add3A_977 = arith.constant 144 : i32
        %add3A_978 = arith.addi %scan3A_338, %add3A_977 : i32
        %get3A_979 = arith.index_cast %add3A_978 : i32 to index
        %get3A_980 = tpu.vector_load %arg6[%get3A_979] {strides = array<i32>} : memref<36864xi32, #tpu.memory_space<vmem>>, vector<16xi32>,
        %add3A_981 = arith.constant 144 : i32
        %add3A_982 = arith.addi %scan3A_339, %add3A_981 : i32
        %get3A_983 = arith.index_cast %add3A_982 : i32 to index
        %get3A_984 = tpu.vector_load %arg6[%get3A_983] {strides = array<i32>} : memref<36864xi32, #tpu.memory_space<vmem>>, vector<16xi32>,
        %bitcast3A_985 = vector.bitcast %get3A_926 : vector<16xi32> to vector<32xbf16>
        %bitcast3A_986 = vector.bitcast %get3A_930 : vector<16xi32> to vector<32xbf16>
        %add3A_987 = arith.addf %bitcast3A_985, %bitcast3A_986 : vector<32xbf16>
        %bitcast3A_988 = vector.bitcast %get3A_934 : vector<16xi32> to vector<32xbf16>
        %add3A_989 = arith.addf %add3A_987, %bitcast3A_988 : vector<32xbf16>
        %unpack3A_990 = tpu.unpack_subelements %add3A_989, 0 {pack_format = #tpu.pack_format<interleaved>} : vector<32xbf16> -> vector<16xf32>
        %unpack3A_991 = tpu.unpack_subelements %add3A_989, 1 {pack_format = #tpu.pack_format<interleaved>} : vector<32xbf16> -> vector<16xf32>
        %swap3A_992 = arith.index_cast %add3A_747 : i32 to index
        %swap3A_993 = arith.constant 224 : index
        %swap3A_994 = tpu.vector_load %arg8[%swap3A_992, %swap3A_993] {strides = array<i32>} : memref<64x384xf32, #tpu.memory_space<vmem>>, vector<16xf32>,
        tpu.vector_store %arg8[%swap3A_992, %swap3A_993], %unpack3A_990 {strides = array<i32>} : memref<64x384xf32, #tpu.memory_space<vmem>>, vector<16xf32>,
        %swap3A_995 = arith.index_cast %add3A_747 : i32 to index
        %swap3A_996 = arith.constant 240 : index
        %swap3A_997 = tpu.vector_load %arg8[%swap3A_995, %swap3A_996] {strides = array<i32>} : memref<64x384xf32, #tpu.memory_space<vmem>>, vector<16xf32>,
        tpu.vector_store %arg8[%swap3A_995, %swap3A_996], %unpack3A_991 {strides = array<i32>} : memref<64x384xf32, #tpu.memory_space<vmem>>, vector<16xf32>,
        %add3A_998 = arith.constant 160 : i32
        %add3A_999 = arith.addi %scan3A_337, %add3A_998 : i32
        %get3A_1000 = arith.index_cast %add3A_999 : i32 to index
        %get3A_1001 = tpu.vector_load %arg6[%get3A_1000] {strides = array<i32>} : memref<36864xi32, #tpu.memory_space<vmem>>, vector<16xi32>,
        %add3A_1002 = arith.constant 160 : i32
        %add3A_1003 = arith.addi %scan3A_338, %add3A_1002 : i32
        %get3A_1004 = arith.index_cast %add3A_1003 : i32 to index
        %get3A_1005 = tpu.vector_load %arg6[%get3A_1004] {strides = array<i32>} : memref<36864xi32, #tpu.memory_space<vmem>>, vector<16xi32>,
        %add3A_1006 = arith.constant 160 : i32
        %add3A_1007 = arith.addi %scan3A_339, %add3A_1006 : i32
        %get3A_1008 = arith.index_cast %add3A_1007 : i32 to index
        %get3A_1009 = tpu.vector_load %arg6[%get3A_1008] {strides = array<i32>} : memref<36864xi32, #tpu.memory_space<vmem>>, vector<16xi32>,
        %bitcast3A_1010 = vector.bitcast %get3A_951 : vector<16xi32> to vector<32xbf16>
        %bitcast3A_1011 = vector.bitcast %get3A_955 : vector<16xi32> to vector<32xbf16>
        %add3A_1012 = arith.addf %bitcast3A_1010, %bitcast3A_1011 : vector<32xbf16>
        %bitcast3A_1013 = vector.bitcast %get3A_959 : vector<16xi32> to vector<32xbf16>
        %add3A_1014 = arith.addf %add3A_1012, %bitcast3A_1013 : vector<32xbf16>
        %unpack3A_1015 = tpu.unpack_subelements %add3A_1014, 0 {pack_format = #tpu.pack_format<interleaved>} : vector<32xbf16> -> vector<16xf32>
        %unpack3A_1016 = tpu.unpack_subelements %add3A_1014, 1 {pack_format = #tpu.pack_format<interleaved>} : vector<32xbf16> -> vector<16xf32>
        %swap3A_1017 = arith.index_cast %add3A_747 : i32 to index
        %swap3A_1018 = arith.constant 256 : index
        %swap3A_1019 = tpu.vector_load %arg8[%swap3A_1017, %swap3A_1018] {strides = array<i32>} : memref<64x384xf32, #tpu.memory_space<vmem>>, vector<16xf32>,
        tpu.vector_store %arg8[%swap3A_1017, %swap3A_1018], %unpack3A_1015 {strides = array<i32>} : memref<64x384xf32, #tpu.memory_space<vmem>>, vector<16xf32>,
        %swap3A_1020 = arith.index_cast %add3A_747 : i32 to index
        %swap3A_1021 = arith.constant 272 : index
        %swap3A_1022 = tpu.vector_load %arg8[%swap3A_1020, %swap3A_1021] {strides = array<i32>} : memref<64x384xf32, #tpu.memory_space<vmem>>, vector<16xf32>,
        tpu.vector_store %arg8[%swap3A_1020, %swap3A_1021], %unpack3A_1016 {strides = array<i32>} : memref<64x384xf32, #tpu.memory_space<vmem>>, vector<16xf32>,
        %add3A_1023 = arith.constant 176 : i32
        %add3A_1024 = arith.addi %scan3A_337, %add3A_1023 : i32
        %get3A_1025 = arith.index_cast %add3A_1024 : i32 to index
        %get3A_1026 = tpu.vector_load %arg6[%get3A_1025] {strides = array<i32>} : memref<36864xi32, #tpu.memory_space<vmem>>, vector<16xi32>,
        %add3A_1027 = arith.constant 176 : i32
        %add3A_1028 = arith.addi %scan3A_338, %add3A_1027 : i32
        %get3A_1029 = arith.index_cast %add3A_1028 : i32 to index
        %get3A_1030 = tpu.vector_load %arg6[%get3A_1029] {strides = array<i32>} : memref<36864xi32, #tpu.memory_space<vmem>>, vector<16xi32>,
        %add3A_1031 = arith.constant 176 : i32
        %add3A_1032 = arith.addi %scan3A_339, %add3A_1031 : i32
        %get3A_1033 = arith.index_cast %add3A_1032 : i32 to index
        %get3A_1034 = tpu.vector_load %arg6[%get3A_1033] {strides = array<i32>} : memref<36864xi32, #tpu.memory_space<vmem>>, vector<16xi32>,
        %bitcast3A_1035 = vector.bitcast %get3A_976 : vector<16xi32> to vector<32xbf16>
        %bitcast3A_1036 = vector.bitcast %get3A_980 : vector<16xi32> to vector<32xbf16>
        %add3A_1037 = arith.addf %bitcast3A_1035, %bitcast3A_1036 : vector<32xbf16>
        %bitcast3A_1038 = vector.bitcast %get3A_984 : vector<16xi32> to vector<32xbf16>
        %add3A_1039 = arith.addf %add3A_1037, %bitcast3A_1038 : vector<32xbf16>
        %unpack3A_1040 = tpu.unpack_subelements %add3A_1039, 0 {pack_format = #tpu.pack_format<interleaved>} : vector<32xbf16> -> vector<16xf32>
        %unpack3A_1041 = tpu.unpack_subelements %add3A_1039, 1 {pack_format = #tpu.pack_format<interleaved>} : vector<32xbf16> -> vector<16xf32>
        %swap3A_1042 = arith.index_cast %add3A_747 : i32 to index
        %swap3A_1043 = arith.constant 288 : index
        %swap3A_1044 = tpu.vector_load %arg8[%swap3A_1042, %swap3A_1043] {strides = array<i32>} : memref<64x384xf32, #tpu.memory_space<vmem>>, vector<16xf32>,
        tpu.vector_store %arg8[%swap3A_1042, %swap3A_1043], %unpack3A_1040 {strides = array<i32>} : memref<64x384xf32, #tpu.memory_space<vmem>>, vector<16xf32>,
        %swap3A_1045 = arith.index_cast %add3A_747 : i32 to index
        %swap3A_1046 = arith.constant 304 : index
        %swap3A_1047 = tpu.vector_load %arg8[%swap3A_1045, %swap3A_1046] {strides = array<i32>} : memref<64x384xf32, #tpu.memory_space<vmem>>, vector<16xf32>,
        tpu.vector_store %arg8[%swap3A_1045, %swap3A_1046], %unpack3A_1041 {strides = array<i32>} : memref<64x384xf32, #tpu.memory_space<vmem>>, vector<16xf32>,
        %mul3A_1048 = arith.constant 4 : i32
        %mul3A_1049 = arith.muli %mul3A_1048, %scan3A_333 : i32
        %add3A_1050 = arith.constant 2 : i32
        %add3A_1051 = arith.addi %mul3A_1049, %add3A_1050 : i32
        %add3A_1052 = arith.constant 0 : i32
        %add3A_1053 = arith.addi %scan3A_340, %add3A_1052 : i32
        %get3A_1054 = arith.index_cast %add3A_1053 : i32 to index
        %get3A_1055 = tpu.vector_load %arg6[%get3A_1054] {strides = array<i32>} : memref<36864xi32, #tpu.memory_space<vmem>>, vector<16xi32>,
        %add3A_1056 = arith.constant 0 : i32
        %add3A_1057 = arith.addi %scan3A_341, %add3A_1056 : i32
        %get3A_1058 = arith.index_cast %add3A_1057 : i32 to index
        %get3A_1059 = tpu.vector_load %arg6[%get3A_1058] {strides = array<i32>} : memref<36864xi32, #tpu.memory_space<vmem>>, vector<16xi32>,
        %add3A_1060 = arith.constant 0 : i32
        %add3A_1061 = arith.addi %scan3A_342, %add3A_1060 : i32
        %get3A_1062 = arith.index_cast %add3A_1061 : i32 to index
        %get3A_1063 = tpu.vector_load %arg6[%get3A_1062] {strides = array<i32>} : memref<36864xi32, #tpu.memory_space<vmem>>, vector<16xi32>,
        %bitcast3A_1064 = vector.bitcast %get3A_1001 : vector<16xi32> to vector<32xbf16>
        %bitcast3A_1065 = vector.bitcast %get3A_1005 : vector<16xi32> to vector<32xbf16>
        %add3A_1066 = arith.addf %bitcast3A_1064, %bitcast3A_1065 : vector<32xbf16>
        %bitcast3A_1067 = vector.bitcast %get3A_1009 : vector<16xi32> to vector<32xbf16>
        %add3A_1068 = arith.addf %add3A_1066, %bitcast3A_1067 : vector<32xbf16>
        %unpack3A_1069 = tpu.unpack_subelements %add3A_1068, 0 {pack_format = #tpu.pack_format<interleaved>} : vector<32xbf16> -> vector<16xf32>
        %unpack3A_1070 = tpu.unpack_subelements %add3A_1068, 1 {pack_format = #tpu.pack_format<interleaved>} : vector<32xbf16> -> vector<16xf32>
        %swap3A_1071 = arith.index_cast %add3A_747 : i32 to index
        %swap3A_1072 = arith.constant 320 : index
        %swap3A_1073 = tpu.vector_load %arg8[%swap3A_1071, %swap3A_1072] {strides = array<i32>} : memref<64x384xf32, #tpu.memory_space<vmem>>, vector<16xf32>,
        tpu.vector_store %arg8[%swap3A_1071, %swap3A_1072], %unpack3A_1069 {strides = array<i32>} : memref<64x384xf32, #tpu.memory_space<vmem>>, vector<16xf32>,
        %swap3A_1074 = arith.index_cast %add3A_747 : i32 to index
        %swap3A_1075 = arith.constant 336 : index
        %swap3A_1076 = tpu.vector_load %arg8[%swap3A_1074, %swap3A_1075] {strides = array<i32>} : memref<64x384xf32, #tpu.memory_space<vmem>>, vector<16xf32>,
        tpu.vector_store %arg8[%swap3A_1074, %swap3A_1075], %unpack3A_1070 {strides = array<i32>} : memref<64x384xf32, #tpu.memory_space<vmem>>, vector<16xf32>,
        %add3A_1077 = arith.constant 16 : i32
        %add3A_1078 = arith.addi %scan3A_340, %add3A_1077 : i32
        %get3A_1079 = arith.index_cast %add3A_1078 : i32 to index
        %get3A_1080 = tpu.vector_load %arg6[%get3A_1079] {strides = array<i32>} : memref<36864xi32, #tpu.memory_space<vmem>>, vector<16xi32>,
        %add3A_1081 = arith.constant 16 : i32
        %add3A_1082 = arith.addi %scan3A_341, %add3A_1081 : i32
        %get3A_1083 = arith.index_cast %add3A_1082 : i32 to index
        %get3A_1084 = tpu.vector_load %arg6[%get3A_1083] {strides = array<i32>} : memref<36864xi32, #tpu.memory_space<vmem>>, vector<16xi32>,
        %add3A_1085 = arith.constant 16 : i32
        %add3A_1086 = arith.addi %scan3A_342, %add3A_1085 : i32
        %get3A_1087 = arith.index_cast %add3A_1086 : i32 to index
        %get3A_1088 = tpu.vector_load %arg6[%get3A_1087] {strides = array<i32>} : memref<36864xi32, #tpu.memory_space<vmem>>, vector<16xi32>,
        %bitcast3A_1089 = vector.bitcast %get3A_1026 : vector<16xi32> to vector<32xbf16>
        %bitcast3A_1090 = vector.bitcast %get3A_1030 : vector<16xi32> to vector<32xbf16>
        %add3A_1091 = arith.addf %bitcast3A_1089, %bitcast3A_1090 : vector<32xbf16>
        %bitcast3A_1092 = vector.bitcast %get3A_1034 : vector<16xi32> to vector<32xbf16>
        %add3A_1093 = arith.addf %add3A_1091, %bitcast3A_1092 : vector<32xbf16>
        %unpack3A_1094 = tpu.unpack_subelements %add3A_1093, 0 {pack_format = #tpu.pack_format<interleaved>} : vector<32xbf16> -> vector<16xf32>
        %unpack3A_1095 = tpu.unpack_subelements %add3A_1093, 1 {pack_format = #tpu.pack_format<interleaved>} : vector<32xbf16> -> vector<16xf32>
        %swap3A_1096 = arith.index_cast %add3A_747 : i32 to index
        %swap3A_1097 = arith.constant 352 : index
        %swap3A_1098 = tpu.vector_load %arg8[%swap3A_1096, %swap3A_1097] {strides = array<i32>} : memref<64x384xf32, #tpu.memory_space<vmem>>, vector<16xf32>,
        tpu.vector_store %arg8[%swap3A_1096, %swap3A_1097], %unpack3A_1094 {strides = array<i32>} : memref<64x384xf32, #tpu.memory_space<vmem>>, vector<16xf32>,
        %swap3A_1099 = arith.index_cast %add3A_747 : i32 to index
        %swap3A_1100 = arith.constant 368 : index
        %swap3A_1101 = tpu.vector_load %arg8[%swap3A_1099, %swap3A_1100] {strides = array<i32>} : memref<64x384xf32, #tpu.memory_space<vmem>>, vector<16xf32>,
        tpu.vector_store %arg8[%swap3A_1099, %swap3A_1100], %unpack3A_1095 {strides = array<i32>} : memref<64x384xf32, #tpu.memory_space<vmem>>, vector<16xf32>,
        %add3A_1102 = arith.constant 32 : i32
        %add3A_1103 = arith.addi %scan3A_340, %add3A_1102 : i32
        %get3A_1104 = arith.index_cast %add3A_1103 : i32 to index
        %get3A_1105 = tpu.vector_load %arg6[%get3A_1104] {strides = array<i32>} : memref<36864xi32, #tpu.memory_space<vmem>>, vector<16xi32>,
        %add3A_1106 = arith.constant 32 : i32
        %add3A_1107 = arith.addi %scan3A_341, %add3A_1106 : i32
        %get3A_1108 = arith.index_cast %add3A_1107 : i32 to index
        %get3A_1109 = tpu.vector_load %arg6[%get3A_1108] {strides = array<i32>} : memref<36864xi32, #tpu.memory_space<vmem>>, vector<16xi32>,
        %add3A_1110 = arith.constant 32 : i32
        %add3A_1111 = arith.addi %scan3A_342, %add3A_1110 : i32
        %get3A_1112 = arith.index_cast %add3A_1111 : i32 to index
        %get3A_1113 = tpu.vector_load %arg6[%get3A_1112] {strides = array<i32>} : memref<36864xi32, #tpu.memory_space<vmem>>, vector<16xi32>,
        %bitcast3A_1114 = vector.bitcast %get3A_1055 : vector<16xi32> to vector<32xbf16>
        %bitcast3A_1115 = vector.bitcast %get3A_1059 : vector<16xi32> to vector<32xbf16>
        %add3A_1116 = arith.addf %bitcast3A_1114, %bitcast3A_1115 : vector<32xbf16>
        %bitcast3A_1117 = vector.bitcast %get3A_1063 : vector<16xi32> to vector<32xbf16>
        %add3A_1118 = arith.addf %add3A_1116, %bitcast3A_1117 : vector<32xbf16>
        %unpack3A_1119 = tpu.unpack_subelements %add3A_1118, 0 {pack_format = #tpu.pack_format<interleaved>} : vector<32xbf16> -> vector<16xf32>
        %unpack3A_1120 = tpu.unpack_subelements %add3A_1118, 1 {pack_format = #tpu.pack_format<interleaved>} : vector<32xbf16> -> vector<16xf32>
        %swap3A_1121 = arith.index_cast %add3A_1051 : i32 to index
        %swap3A_1122 = arith.constant 0 : index
        %swap3A_1123 = tpu.vector_load %arg8[%swap3A_1121, %swap3A_1122] {strides = array<i32>} : memref<64x384xf32, #tpu.memory_space<vmem>>, vector<16xf32>,
        tpu.vector_store %arg8[%swap3A_1121, %swap3A_1122], %unpack3A_1119 {strides = array<i32>} : memref<64x384xf32, #tpu.memory_space<vmem>>, vector<16xf32>,
        %swap3A_1124 = arith.index_cast %add3A_1051 : i32 to index
        %swap3A_1125 = arith.constant 16 : index
        %swap3A_1126 = tpu.vector_load %arg8[%swap3A_1124, %swap3A_1125] {strides = array<i32>} : memref<64x384xf32, #tpu.memory_space<vmem>>, vector<16xf32>,
        tpu.vector_store %arg8[%swap3A_1124, %swap3A_1125], %unpack3A_1120 {strides = array<i32>} : memref<64x384xf32, #tpu.memory_space<vmem>>, vector<16xf32>,
        %add3A_1127 = arith.constant 48 : i32
        %add3A_1128 = arith.addi %scan3A_340, %add3A_1127 : i32
        %get3A_1129 = arith.index_cast %add3A_1128 : i32 to index
        %get3A_1130 = tpu.vector_load %arg6[%get3A_1129] {strides = array<i32>} : memref<36864xi32, #tpu.memory_space<vmem>>, vector<16xi32>,
        %add3A_1131 = arith.constant 48 : i32
        %add3A_1132 = arith.addi %scan3A_341, %add3A_1131 : i32
        %get3A_1133 = arith.index_cast %add3A_1132 : i32 to index
        %get3A_1134 = tpu.vector_load %arg6[%get3A_1133] {strides = array<i32>} : memref<36864xi32, #tpu.memory_space<vmem>>, vector<16xi32>,
        %add3A_1135 = arith.constant 48 : i32
        %add3A_1136 = arith.addi %scan3A_342, %add3A_1135 : i32
        %get3A_1137 = arith.index_cast %add3A_1136 : i32 to index
        %get3A_1138 = tpu.vector_load %arg6[%get3A_1137] {strides = array<i32>} : memref<36864xi32, #tpu.memory_space<vmem>>, vector<16xi32>,
        %bitcast3A_1139 = vector.bitcast %get3A_1080 : vector<16xi32> to vector<32xbf16>
        %bitcast3A_1140 = vector.bitcast %get3A_1084 : vector<16xi32> to vector<32xbf16>
        %add3A_1141 = arith.addf %bitcast3A_1139, %bitcast3A_1140 : vector<32xbf16>
        %bitcast3A_1142 = vector.bitcast %get3A_1088 : vector<16xi32> to vector<32xbf16>
        %add3A_1143 = arith.addf %add3A_1141, %bitcast3A_1142 : vector<32xbf16>
        %unpack3A_1144 = tpu.unpack_subelements %add3A_1143, 0 {pack_format = #tpu.pack_format<interleaved>} : vector<32xbf16> -> vector<16xf32>
        %unpack3A_1145 = tpu.unpack_subelements %add3A_1143, 1 {pack_format = #tpu.pack_format<interleaved>} : vector<32xbf16> -> vector<16xf32>
        %swap3A_1146 = arith.index_cast %add3A_1051 : i32 to index
        %swap3A_1147 = arith.constant 32 : index
        %swap3A_1148 = tpu.vector_load %arg8[%swap3A_1146, %swap3A_1147] {strides = array<i32>} : memref<64x384xf32, #tpu.memory_space<vmem>>, vector<16xf32>,
        tpu.vector_store %arg8[%swap3A_1146, %swap3A_1147], %unpack3A_1144 {strides = array<i32>} : memref<64x384xf32, #tpu.memory_space<vmem>>, vector<16xf32>,
        %swap3A_1149 = arith.index_cast %add3A_1051 : i32 to index
        %swap3A_1150 = arith.constant 48 : index
        %swap3A_1151 = tpu.vector_load %arg8[%swap3A_1149, %swap3A_1150] {strides = array<i32>} : memref<64x384xf32, #tpu.memory_space<vmem>>, vector<16xf32>,
        tpu.vector_store %arg8[%swap3A_1149, %swap3A_1150], %unpack3A_1145 {strides = array<i32>} : memref<64x384xf32, #tpu.memory_space<vmem>>, vector<16xf32>,
        %add3A_1152 = arith.constant 64 : i32
        %add3A_1153 = arith.addi %scan3A_340, %add3A_1152 : i32
        %get3A_1154 = arith.index_cast %add3A_1153 : i32 to index
        %get3A_1155 = tpu.vector_load %arg6[%get3A_1154] {strides = array<i32>} : memref<36864xi32, #tpu.memory_space<vmem>>, vector<16xi32>,
        %add3A_1156 = arith.constant 64 : i32
        %add3A_1157 = arith.addi %scan3A_341, %add3A_1156 : i32
        %get3A_1158 = arith.index_cast %add3A_1157 : i32 to index
        %get3A_1159 = tpu.vector_load %arg6[%get3A_1158] {strides = array<i32>} : memref<36864xi32, #tpu.memory_space<vmem>>, vector<16xi32>,
        %add3A_1160 = arith.constant 64 : i32
        %add3A_1161 = arith.addi %scan3A_342, %add3A_1160 : i32
        %get3A_1162 = arith.index_cast %add3A_1161 : i32 to index
        %get3A_1163 = tpu.vector_load %arg6[%get3A_1162] {strides = array<i32>} : memref<36864xi32, #tpu.memory_space<vmem>>, vector<16xi32>,
        %bitcast3A_1164 = vector.bitcast %get3A_1105 : vector<16xi32> to vector<32xbf16>
        %bitcast3A_1165 = vector.bitcast %get3A_1109 : vector<16xi32> to vector<32xbf16>
        %add3A_1166 = arith.addf %bitcast3A_1164, %bitcast3A_1165 : vector<32xbf16>
        %bitcast3A_1167 = vector.bitcast %get3A_1113 : vector<16xi32> to vector<32xbf16>
        %add3A_1168 = arith.addf %add3A_1166, %bitcast3A_1167 : vector<32xbf16>
        %unpack3A_1169 = tpu.unpack_subelements %add3A_1168, 0 {pack_format = #tpu.pack_format<interleaved>} : vector<32xbf16> -> vector<16xf32>
        %unpack3A_1170 = tpu.unpack_subelements %add3A_1168, 1 {pack_format = #tpu.pack_format<interleaved>} : vector<32xbf16> -> vector<16xf32>
        %swap3A_1171 = arith.index_cast %add3A_1051 : i32 to index
        %swap3A_1172 = arith.constant 64 : index
        %swap3A_1173 = tpu.vector_load %arg8[%swap3A_1171, %swap3A_1172] {strides = array<i32>} : memref<64x384xf32, #tpu.memory_space<vmem>>, vector<16xf32>,
        tpu.vector_store %arg8[%swap3A_1171, %swap3A_1172], %unpack3A_1169 {strides = array<i32>} : memref<64x384xf32, #tpu.memory_space<vmem>>, vector<16xf32>,
        %swap3A_1174 = arith.index_cast %add3A_1051 : i32 to index
        %swap3A_1175 = arith.constant 80 : index
        %swap3A_1176 = tpu.vector_load %arg8[%swap3A_1174, %swap3A_1175] {strides = array<i32>} : memref<64x384xf32, #tpu.memory_space<vmem>>, vector<16xf32>,
        tpu.vector_store %arg8[%swap3A_1174, %swap3A_1175], %unpack3A_1170 {strides = array<i32>} : memref<64x384xf32, #tpu.memory_space<vmem>>, vector<16xf32>,
        %add3A_1177 = arith.constant 80 : i32
        %add3A_1178 = arith.addi %scan3A_340, %add3A_1177 : i32
        %get3A_1179 = arith.index_cast %add3A_1178 : i32 to index
        %get3A_1180 = tpu.vector_load %arg6[%get3A_1179] {strides = array<i32>} : memref<36864xi32, #tpu.memory_space<vmem>>, vector<16xi32>,
        %add3A_1181 = arith.constant 80 : i32
        %add3A_1182 = arith.addi %scan3A_341, %add3A_1181 : i32
        %get3A_1183 = arith.index_cast %add3A_1182 : i32 to index
        %get3A_1184 = tpu.vector_load %arg6[%get3A_1183] {strides = array<i32>} : memref<36864xi32, #tpu.memory_space<vmem>>, vector<16xi32>,
        %add3A_1185 = arith.constant 80 : i32
        %add3A_1186 = arith.addi %scan3A_342, %add3A_1185 : i32
        %get3A_1187 = arith.index_cast %add3A_1186 : i32 to index
        %get3A_1188 = tpu.vector_load %arg6[%get3A_1187] {strides = array<i32>} : memref<36864xi32, #tpu.memory_space<vmem>>, vector<16xi32>,
        %bitcast3A_1189 = vector.bitcast %get3A_1130 : vector<16xi32> to vector<32xbf16>
        %bitcast3A_1190 = vector.bitcast %get3A_1134 : vector<16xi32> to vector<32xbf16>
        %add3A_1191 = arith.addf %bitcast3A_1189, %bitcast3A_1190 : vector<32xbf16>
        %bitcast3A_1192 = vector.bitcast %get3A_1138 : vector<16xi32> to vector<32xbf16>
        %add3A_1193 = arith.addf %add3A_1191, %bitcast3A_1192 : vector<32xbf16>
        %unpack3A_1194 = tpu.unpack_subelements %add3A_1193, 0 {pack_format = #tpu.pack_format<interleaved>} : vector<32xbf16> -> vector<16xf32>
        %unpack3A_1195 = tpu.unpack_subelements %add3A_1193, 1 {pack_format = #tpu.pack_format<interleaved>} : vector<32xbf16> -> vector<16xf32>
        %swap3A_1196 = arith.index_cast %add3A_1051 : i32 to index
        %swap3A_1197 = arith.constant 96 : index
        %swap3A_1198 = tpu.vector_load %arg8[%swap3A_1196, %swap3A_1197] {strides = array<i32>} : memref<64x384xf32, #tpu.memory_space<vmem>>, vector<16xf32>,
        tpu.vector_store %arg8[%swap3A_1196, %swap3A_1197], %unpack3A_1194 {strides = array<i32>} : memref<64x384xf32, #tpu.memory_space<vmem>>, vector<16xf32>,
        %swap3A_1199 = arith.index_cast %add3A_1051 : i32 to index
        %swap3A_1200 = arith.constant 112 : index
        %swap3A_1201 = tpu.vector_load %arg8[%swap3A_1199, %swap3A_1200] {strides = array<i32>} : memref<64x384xf32, #tpu.memory_space<vmem>>, vector<16xf32>,
        tpu.vector_store %arg8[%swap3A_1199, %swap3A_1200], %unpack3A_1195 {strides = array<i32>} : memref<64x384xf32, #tpu.memory_space<vmem>>, vector<16xf32>,
        %add3A_1202 = arith.constant 96 : i32
        %add3A_1203 = arith.addi %scan3A_340, %add3A_1202 : i32
        %get3A_1204 = arith.index_cast %add3A_1203 : i32 to index
        %get3A_1205 = tpu.vector_load %arg6[%get3A_1204] {strides = array<i32>} : memref<36864xi32, #tpu.memory_space<vmem>>, vector<16xi32>,
        %add3A_1206 = arith.constant 96 : i32
        %add3A_1207 = arith.addi %scan3A_341, %add3A_1206 : i32
        %get3A_1208 = arith.index_cast %add3A_1207 : i32 to index
        %get3A_1209 = tpu.vector_load %arg6[%get3A_1208] {strides = array<i32>} : memref<36864xi32, #tpu.memory_space<vmem>>, vector<16xi32>,
        %add3A_1210 = arith.constant 96 : i32
        %add3A_1211 = arith.addi %scan3A_342, %add3A_1210 : i32
        %get3A_1212 = arith.index_cast %add3A_1211 : i32 to index
        %get3A_1213 = tpu.vector_load %arg6[%get3A_1212] {strides = array<i32>} : memref<36864xi32, #tpu.memory_space<vmem>>, vector<16xi32>,
        %bitcast3A_1214 = vector.bitcast %get3A_1155 : vector<16xi32> to vector<32xbf16>
        %bitcast3A_1215 = vector.bitcast %get3A_1159 : vector<16xi32> to vector<32xbf16>
        %add3A_1216 = arith.addf %bitcast3A_1214, %bitcast3A_1215 : vector<32xbf16>
        %bitcast3A_1217 = vector.bitcast %get3A_1163 : vector<16xi32> to vector<32xbf16>
        %add3A_1218 = arith.addf %add3A_1216, %bitcast3A_1217 : vector<32xbf16>
        %unpack3A_1219 = tpu.unpack_subelements %add3A_1218, 0 {pack_format = #tpu.pack_format<interleaved>} : vector<32xbf16> -> vector<16xf32>
        %unpack3A_1220 = tpu.unpack_subelements %add3A_1218, 1 {pack_format = #tpu.pack_format<interleaved>} : vector<32xbf16> -> vector<16xf32>
        %swap3A_1221 = arith.index_cast %add3A_1051 : i32 to index
        %swap3A_1222 = arith.constant 128 : index
        %swap3A_1223 = tpu.vector_load %arg8[%swap3A_1221, %swap3A_1222] {strides = array<i32>} : memref<64x384xf32, #tpu.memory_space<vmem>>, vector<16xf32>,
        tpu.vector_store %arg8[%swap3A_1221, %swap3A_1222], %unpack3A_1219 {strides = array<i32>} : memref<64x384xf32, #tpu.memory_space<vmem>>, vector<16xf32>,
        %swap3A_1224 = arith.index_cast %add3A_1051 : i32 to index
        %swap3A_1225 = arith.constant 144 : index
        %swap3A_1226 = tpu.vector_load %arg8[%swap3A_1224, %swap3A_1225] {strides = array<i32>} : memref<64x384xf32, #tpu.memory_space<vmem>>, vector<16xf32>,
        tpu.vector_store %arg8[%swap3A_1224, %swap3A_1225], %unpack3A_1220 {strides = array<i32>} : memref<64x384xf32, #tpu.memory_space<vmem>>, vector<16xf32>,
        %add3A_1227 = arith.constant 112 : i32
        %add3A_1228 = arith.addi %scan3A_340, %add3A_1227 : i32
        %get3A_1229 = arith.index_cast %add3A_1228 : i32 to index
        %get3A_1230 = tpu.vector_load %arg6[%get3A_1229] {strides = array<i32>} : memref<36864xi32, #tpu.memory_space<vmem>>, vector<16xi32>,
        %add3A_1231 = arith.constant 112 : i32
        %add3A_1232 = arith.addi %scan3A_341, %add3A_1231 : i32
        %get3A_1233 = arith.index_cast %add3A_1232 : i32 to index
        %get3A_1234 = tpu.vector_load %arg6[%get3A_1233] {strides = array<i32>} : memref<36864xi32, #tpu.memory_space<vmem>>, vector<16xi32>,
        %add3A_1235 = arith.constant 112 : i32
        %add3A_1236 = arith.addi %scan3A_342, %add3A_1235 : i32
        %get3A_1237 = arith.index_cast %add3A_1236 : i32 to index
        %get3A_1238 = tpu.vector_load %arg6[%get3A_1237] {strides = array<i32>} : memref<36864xi32, #tpu.memory_space<vmem>>, vector<16xi32>,
        %bitcast3A_1239 = vector.bitcast %get3A_1180 : vector<16xi32> to vector<32xbf16>
        %bitcast3A_1240 = vector.bitcast %get3A_1184 : vector<16xi32> to vector<32xbf16>
        %add3A_1241 = arith.addf %bitcast3A_1239, %bitcast3A_1240 : vector<32xbf16>
        %bitcast3A_1242 = vector.bitcast %get3A_1188 : vector<16xi32> to vector<32xbf16>
        %add3A_1243 = arith.addf %add3A_1241, %bitcast3A_1242 : vector<32xbf16>
        %unpack3A_1244 = tpu.unpack_subelements %add3A_1243, 0 {pack_format = #tpu.pack_format<interleaved>} : vector<32xbf16> -> vector<16xf32>
        %unpack3A_1245 = tpu.unpack_subelements %add3A_1243, 1 {pack_format = #tpu.pack_format<interleaved>} : vector<32xbf16> -> vector<16xf32>
        %swap3A_1246 = arith.index_cast %add3A_1051 : i32 to index
        %swap3A_1247 = arith.constant 160 : index
        %swap3A_1248 = tpu.vector_load %arg8[%swap3A_1246, %swap3A_1247] {strides = array<i32>} : memref<64x384xf32, #tpu.memory_space<vmem>>, vector<16xf32>,
        tpu.vector_store %arg8[%swap3A_1246, %swap3A_1247], %unpack3A_1244 {strides = array<i32>} : memref<64x384xf32, #tpu.memory_space<vmem>>, vector<16xf32>,
        %swap3A_1249 = arith.index_cast %add3A_1051 : i32 to index
        %swap3A_1250 = arith.constant 176 : index
        %swap3A_1251 = tpu.vector_load %arg8[%swap3A_1249, %swap3A_1250] {strides = array<i32>} : memref<64x384xf32, #tpu.memory_space<vmem>>, vector<16xf32>,
        tpu.vector_store %arg8[%swap3A_1249, %swap3A_1250], %unpack3A_1245 {strides = array<i32>} : memref<64x384xf32, #tpu.memory_space<vmem>>, vector<16xf32>,
        %add3A_1252 = arith.constant 128 : i32
        %add3A_1253 = arith.addi %scan3A_340, %add3A_1252 : i32
        %get3A_1254 = arith.index_cast %add3A_1253 : i32 to index
        %get3A_1255 = tpu.vector_load %arg6[%get3A_1254] {strides = array<i32>} : memref<36864xi32, #tpu.memory_space<vmem>>, vector<16xi32>,
        %add3A_1256 = arith.constant 128 : i32
        %add3A_1257 = arith.addi %scan3A_341, %add3A_1256 : i32
        %get3A_1258 = arith.index_cast %add3A_1257 : i32 to index
        %get3A_1259 = tpu.vector_load %arg6[%get3A_1258] {strides = array<i32>} : memref<36864xi32, #tpu.memory_space<vmem>>, vector<16xi32>,
        %add3A_1260 = arith.constant 128 : i32
        %add3A_1261 = arith.addi %scan3A_342, %add3A_1260 : i32
        %get3A_1262 = arith.index_cast %add3A_1261 : i32 to index
        %get3A_1263 = tpu.vector_load %arg6[%get3A_1262] {strides = array<i32>} : memref<36864xi32, #tpu.memory_space<vmem>>, vector<16xi32>,
        %bitcast3A_1264 = vector.bitcast %get3A_1205 : vector<16xi32> to vector<32xbf16>
        %bitcast3A_1265 = vector.bitcast %get3A_1209 : vector<16xi32> to vector<32xbf16>
        %add3A_1266 = arith.addf %bitcast3A_1264, %bitcast3A_1265 : vector<32xbf16>
        %bitcast3A_1267 = vector.bitcast %get3A_1213 : vector<16xi32> to vector<32xbf16>
        %add3A_1268 = arith.addf %add3A_1266, %bitcast3A_1267 : vector<32xbf16>
        %unpack3A_1269 = tpu.unpack_subelements %add3A_1268, 0 {pack_format = #tpu.pack_format<interleaved>} : vector<32xbf16> -> vector<16xf32>
        %unpack3A_1270 = tpu.unpack_subelements %add3A_1268, 1 {pack_format = #tpu.pack_format<interleaved>} : vector<32xbf16> -> vector<16xf32>
        %swap3A_1271 = arith.index_cast %add3A_1051 : i32 to index
        %swap3A_1272 = arith.constant 192 : index
        %swap3A_1273 = tpu.vector_load %arg8[%swap3A_1271, %swap3A_1272] {strides = array<i32>} : memref<64x384xf32, #tpu.memory_space<vmem>>, vector<16xf32>,
        tpu.vector_store %arg8[%swap3A_1271, %swap3A_1272], %unpack3A_1269 {strides = array<i32>} : memref<64x384xf32, #tpu.memory_space<vmem>>, vector<16xf32>,
        %swap3A_1274 = arith.index_cast %add3A_1051 : i32 to index
        %swap3A_1275 = arith.constant 208 : index
        %swap3A_1276 = tpu.vector_load %arg8[%swap3A_1274, %swap3A_1275] {strides = array<i32>} : memref<64x384xf32, #tpu.memory_space<vmem>>, vector<16xf32>,
        tpu.vector_store %arg8[%swap3A_1274, %swap3A_1275], %unpack3A_1270 {strides = array<i32>} : memref<64x384xf32, #tpu.memory_space<vmem>>, vector<16xf32>,
        %add3A_1277 = arith.constant 144 : i32
        %add3A_1278 = arith.addi %scan3A_340, %add3A_1277 : i32
        %get3A_1279 = arith.index_cast %add3A_1278 : i32 to index
        %get3A_1280 = tpu.vector_load %arg6[%get3A_1279] {strides = array<i32>} : memref<36864xi32, #tpu.memory_space<vmem>>, vector<16xi32>,
        %add3A_1281 = arith.constant 144 : i32
        %add3A_1282 = arith.addi %scan3A_341, %add3A_1281 : i32
        %get3A_1283 = arith.index_cast %add3A_1282 : i32 to index
        %get3A_1284 = tpu.vector_load %arg6[%get3A_1283] {strides = array<i32>} : memref<36864xi32, #tpu.memory_space<vmem>>, vector<16xi32>,
        %add3A_1285 = arith.constant 144 : i32
        %add3A_1286 = arith.addi %scan3A_342, %add3A_1285 : i32
        %get3A_1287 = arith.index_cast %add3A_1286 : i32 to index
        %get3A_1288 = tpu.vector_load %arg6[%get3A_1287] {strides = array<i32>} : memref<36864xi32, #tpu.memory_space<vmem>>, vector<16xi32>,
        %bitcast3A_1289 = vector.bitcast %get3A_1230 : vector<16xi32> to vector<32xbf16>
        %bitcast3A_1290 = vector.bitcast %get3A_1234 : vector<16xi32> to vector<32xbf16>
        %add3A_1291 = arith.addf %bitcast3A_1289, %bitcast3A_1290 : vector<32xbf16>
        %bitcast3A_1292 = vector.bitcast %get3A_1238 : vector<16xi32> to vector<32xbf16>
        %add3A_1293 = arith.addf %add3A_1291, %bitcast3A_1292 : vector<32xbf16>
        %unpack3A_1294 = tpu.unpack_subelements %add3A_1293, 0 {pack_format = #tpu.pack_format<interleaved>} : vector<32xbf16> -> vector<16xf32>
        %unpack3A_1295 = tpu.unpack_subelements %add3A_1293, 1 {pack_format = #tpu.pack_format<interleaved>} : vector<32xbf16> -> vector<16xf32>
        %swap3A_1296 = arith.index_cast %add3A_1051 : i32 to index
        %swap3A_1297 = arith.constant 224 : index
        %swap3A_1298 = tpu.vector_load %arg8[%swap3A_1296, %swap3A_1297] {strides = array<i32>} : memref<64x384xf32, #tpu.memory_space<vmem>>, vector<16xf32>,
        tpu.vector_store %arg8[%swap3A_1296, %swap3A_1297], %unpack3A_1294 {strides = array<i32>} : memref<64x384xf32, #tpu.memory_space<vmem>>, vector<16xf32>,
        %swap3A_1299 = arith.index_cast %add3A_1051 : i32 to index
        %swap3A_1300 = arith.constant 240 : index
        %swap3A_1301 = tpu.vector_load %arg8[%swap3A_1299, %swap3A_1300] {strides = array<i32>} : memref<64x384xf32, #tpu.memory_space<vmem>>, vector<16xf32>,
        tpu.vector_store %arg8[%swap3A_1299, %swap3A_1300], %unpack3A_1295 {strides = array<i32>} : memref<64x384xf32, #tpu.memory_space<vmem>>, vector<16xf32>,
        %add3A_1302 = arith.constant 160 : i32
        %add3A_1303 = arith.addi %scan3A_340, %add3A_1302 : i32
        %get3A_1304 = arith.index_cast %add3A_1303 : i32 to index
        %get3A_1305 = tpu.vector_load %arg6[%get3A_1304] {strides = array<i32>} : memref<36864xi32, #tpu.memory_space<vmem>>, vector<16xi32>,
        %add3A_1306 = arith.constant 160 : i32
        %add3A_1307 = arith.addi %scan3A_341, %add3A_1306 : i32
        %get3A_1308 = arith.index_cast %add3A_1307 : i32 to index
        %get3A_1309 = tpu.vector_load %arg6[%get3A_1308] {strides = array<i32>} : memref<36864xi32, #tpu.memory_space<vmem>>, vector<16xi32>,
        %add3A_1310 = arith.constant 160 : i32
        %add3A_1311 = arith.addi %scan3A_342, %add3A_1310 : i32
        %get3A_1312 = arith.index_cast %add3A_1311 : i32 to index
        %get3A_1313 = tpu.vector_load %arg6[%get3A_1312] {strides = array<i32>} : memref<36864xi32, #tpu.memory_space<vmem>>, vector<16xi32>,
        %bitcast3A_1314 = vector.bitcast %get3A_1255 : vector<16xi32> to vector<32xbf16>
        %bitcast3A_1315 = vector.bitcast %get3A_1259 : vector<16xi32> to vector<32xbf16>
        %add3A_1316 = arith.addf %bitcast3A_1314, %bitcast3A_1315 : vector<32xbf16>
        %bitcast3A_1317 = vector.bitcast %get3A_1263 : vector<16xi32> to vector<32xbf16>
        %add3A_1318 = arith.addf %add3A_1316, %bitcast3A_1317 : vector<32xbf16>
        %unpack3A_1319 = tpu.unpack_subelements %add3A_1318, 0 {pack_format = #tpu.pack_format<interleaved>} : vector<32xbf16> -> vector<16xf32>
        %unpack3A_1320 = tpu.unpack_subelements %add3A_1318, 1 {pack_format = #tpu.pack_format<interleaved>} : vector<32xbf16> -> vector<16xf32>
        %swap3A_1321 = arith.index_cast %add3A_1051 : i32 to index
        %swap3A_1322 = arith.constant 256 : index
        %swap3A_1323 = tpu.vector_load %arg8[%swap3A_1321, %swap3A_1322] {strides = array<i32>} : memref<64x384xf32, #tpu.memory_space<vmem>>, vector<16xf32>,
        tpu.vector_store %arg8[%swap3A_1321, %swap3A_1322], %unpack3A_1319 {strides = array<i32>} : memref<64x384xf32, #tpu.memory_space<vmem>>, vector<16xf32>,
        %swap3A_1324 = arith.index_cast %add3A_1051 : i32 to index
        %swap3A_1325 = arith.constant 272 : index
        %swap3A_1326 = tpu.vector_load %arg8[%swap3A_1324, %swap3A_1325] {strides = array<i32>} : memref<64x384xf32, #tpu.memory_space<vmem>>, vector<16xf32>,
        tpu.vector_store %arg8[%swap3A_1324, %swap3A_1325], %unpack3A_1320 {strides = array<i32>} : memref<64x384xf32, #tpu.memory_space<vmem>>, vector<16xf32>,
        %add3A_1327 = arith.constant 176 : i32
        %add3A_1328 = arith.addi %scan3A_340, %add3A_1327 : i32
        %get3A_1329 = arith.index_cast %add3A_1328 : i32 to index
        %get3A_1330 = tpu.vector_load %arg6[%get3A_1329] {strides = array<i32>} : memref<36864xi32, #tpu.memory_space<vmem>>, vector<16xi32>,
        %add3A_1331 = arith.constant 176 : i32
        %add3A_1332 = arith.addi %scan3A_341, %add3A_1331 : i32
        %get3A_1333 = arith.index_cast %add3A_1332 : i32 to index
        %get3A_1334 = tpu.vector_load %arg6[%get3A_1333] {strides = array<i32>} : memref<36864xi32, #tpu.memory_space<vmem>>, vector<16xi32>,
        %add3A_1335 = arith.constant 176 : i32
        %add3A_1336 = arith.addi %scan3A_342, %add3A_1335 : i32
        %get3A_1337 = arith.index_cast %add3A_1336 : i32 to index
        %get3A_1338 = tpu.vector_load %arg6[%get3A_1337] {strides = array<i32>} : memref<36864xi32, #tpu.memory_space<vmem>>, vector<16xi32>,
        %bitcast3A_1339 = vector.bitcast %get3A_1280 : vector<16xi32> to vector<32xbf16>
        %bitcast3A_1340 = vector.bitcast %get3A_1284 : vector<16xi32> to vector<32xbf16>
        %add3A_1341 = arith.addf %bitcast3A_1339, %bitcast3A_1340 : vector<32xbf16>
        %bitcast3A_1342 = vector.bitcast %get3A_1288 : vector<16xi32> to vector<32xbf16>
        %add3A_1343 = arith.addf %add3A_1341, %bitcast3A_1342 : vector<32xbf16>
        %unpack3A_1344 = tpu.unpack_subelements %add3A_1343, 0 {pack_format = #tpu.pack_format<interleaved>} : vector<32xbf16> -> vector<16xf32>
        %unpack3A_1345 = tpu.unpack_subelements %add3A_1343, 1 {pack_format = #tpu.pack_format<interleaved>} : vector<32xbf16> -> vector<16xf32>
        %swap3A_1346 = arith.index_cast %add3A_1051 : i32 to index
        %swap3A_1347 = arith.constant 288 : index
        %swap3A_1348 = tpu.vector_load %arg8[%swap3A_1346, %swap3A_1347] {strides = array<i32>} : memref<64x384xf32, #tpu.memory_space<vmem>>, vector<16xf32>,
        tpu.vector_store %arg8[%swap3A_1346, %swap3A_1347], %unpack3A_1344 {strides = array<i32>} : memref<64x384xf32, #tpu.memory_space<vmem>>, vector<16xf32>,
        %swap3A_1349 = arith.index_cast %add3A_1051 : i32 to index
        %swap3A_1350 = arith.constant 304 : index
        %swap3A_1351 = tpu.vector_load %arg8[%swap3A_1349, %swap3A_1350] {strides = array<i32>} : memref<64x384xf32, #tpu.memory_space<vmem>>, vector<16xf32>,
        tpu.vector_store %arg8[%swap3A_1349, %swap3A_1350], %unpack3A_1345 {strides = array<i32>} : memref<64x384xf32, #tpu.memory_space<vmem>>, vector<16xf32>,
        %mul3A_1352 = arith.constant 4 : i32
        %mul3A_1353 = arith.muli %mul3A_1352, %scan3A_333 : i32
        %add3A_1354 = arith.constant 3 : i32
        %add3A_1355 = arith.addi %mul3A_1353, %add3A_1354 : i32
        %add3A_1356 = arith.constant 0 : i32
        %add3A_1357 = arith.addi %scan3A_343, %add3A_1356 : i32
        %get3A_1358 = arith.index_cast %add3A_1357 : i32 to index
        %get3A_1359 = tpu.vector_load %arg6[%get3A_1358] {strides = array<i32>} : memref<36864xi32, #tpu.memory_space<vmem>>, vector<16xi32>,
        %add3A_1360 = arith.constant 0 : i32
        %add3A_1361 = arith.addi %scan3A_344, %add3A_1360 : i32
        %get3A_1362 = arith.index_cast %add3A_1361 : i32 to index
        %get3A_1363 = tpu.vector_load %arg6[%get3A_1362] {strides = array<i32>} : memref<36864xi32, #tpu.memory_space<vmem>>, vector<16xi32>,
        %add3A_1364 = arith.constant 0 : i32
        %add3A_1365 = arith.addi %scan3A_345, %add3A_1364 : i32
        %get3A_1366 = arith.index_cast %add3A_1365 : i32 to index
        %get3A_1367 = tpu.vector_load %arg6[%get3A_1366] {strides = array<i32>} : memref<36864xi32, #tpu.memory_space<vmem>>, vector<16xi32>,
        %bitcast3A_1368 = vector.bitcast %get3A_1305 : vector<16xi32> to vector<32xbf16>
        %bitcast3A_1369 = vector.bitcast %get3A_1309 : vector<16xi32> to vector<32xbf16>
        %add3A_1370 = arith.addf %bitcast3A_1368, %bitcast3A_1369 : vector<32xbf16>
        %bitcast3A_1371 = vector.bitcast %get3A_1313 : vector<16xi32> to vector<32xbf16>
        %add3A_1372 = arith.addf %add3A_1370, %bitcast3A_1371 : vector<32xbf16>
        %unpack3A_1373 = tpu.unpack_subelements %add3A_1372, 0 {pack_format = #tpu.pack_format<interleaved>} : vector<32xbf16> -> vector<16xf32>
        %unpack3A_1374 = tpu.unpack_subelements %add3A_1372, 1 {pack_format = #tpu.pack_format<interleaved>} : vector<32xbf16> -> vector<16xf32>
        %swap3A_1375 = arith.index_cast %add3A_1051 : i32 to index
        %swap3A_1376 = arith.constant 320 : index
        %swap3A_1377 = tpu.vector_load %arg8[%swap3A_1375, %swap3A_1376] {strides = array<i32>} : memref<64x384xf32, #tpu.memory_space<vmem>>, vector<16xf32>,
        tpu.vector_store %arg8[%swap3A_1375, %swap3A_1376], %unpack3A_1373 {strides = array<i32>} : memref<64x384xf32, #tpu.memory_space<vmem>>, vector<16xf32>,
        %swap3A_1378 = arith.index_cast %add3A_1051 : i32 to index
        %swap3A_1379 = arith.constant 336 : index
        %swap3A_1380 = tpu.vector_load %arg8[%swap3A_1378, %swap3A_1379] {strides = array<i32>} : memref<64x384xf32, #tpu.memory_space<vmem>>, vector<16xf32>,
        tpu.vector_store %arg8[%swap3A_1378, %swap3A_1379], %unpack3A_1374 {strides = array<i32>} : memref<64x384xf32, #tpu.memory_space<vmem>>, vector<16xf32>,
        %add3A_1381 = arith.constant 16 : i32
        %add3A_1382 = arith.addi %scan3A_343, %add3A_1381 : i32
        %get3A_1383 = arith.index_cast %add3A_1382 : i32 to index
        %get3A_1384 = tpu.vector_load %arg6[%get3A_1383] {strides = array<i32>} : memref<36864xi32, #tpu.memory_space<vmem>>, vector<16xi32>,
        %add3A_1385 = arith.constant 16 : i32
        %add3A_1386 = arith.addi %scan3A_344, %add3A_1385 : i32
        %get3A_1387 = arith.index_cast %add3A_1386 : i32 to index
        %get3A_1388 = tpu.vector_load %arg6[%get3A_1387] {strides = array<i32>} : memref<36864xi32, #tpu.memory_space<vmem>>, vector<16xi32>,
        %add3A_1389 = arith.constant 16 : i32
        %add3A_1390 = arith.addi %scan3A_345, %add3A_1389 : i32
        %get3A_1391 = arith.index_cast %add3A_1390 : i32 to index
        %get3A_1392 = tpu.vector_load %arg6[%get3A_1391] {strides = array<i32>} : memref<36864xi32, #tpu.memory_space<vmem>>, vector<16xi32>,
        %bitcast3A_1393 = vector.bitcast %get3A_1330 : vector<16xi32> to vector<32xbf16>
        %bitcast3A_1394 = vector.bitcast %get3A_1334 : vector<16xi32> to vector<32xbf16>
        %add3A_1395 = arith.addf %bitcast3A_1393, %bitcast3A_1394 : vector<32xbf16>
        %bitcast3A_1396 = vector.bitcast %get3A_1338 : vector<16xi32> to vector<32xbf16>
        %add3A_1397 = arith.addf %add3A_1395, %bitcast3A_1396 : vector<32xbf16>
        %unpack3A_1398 = tpu.unpack_subelements %add3A_1397, 0 {pack_format = #tpu.pack_format<interleaved>} : vector<32xbf16> -> vector<16xf32>
        %unpack3A_1399 = tpu.unpack_subelements %add3A_1397, 1 {pack_format = #tpu.pack_format<interleaved>} : vector<32xbf16> -> vector<16xf32>
        %swap3A_1400 = arith.index_cast %add3A_1051 : i32 to index
        %swap3A_1401 = arith.constant 352 : index
        %swap3A_1402 = tpu.vector_load %arg8[%swap3A_1400, %swap3A_1401] {strides = array<i32>} : memref<64x384xf32, #tpu.memory_space<vmem>>, vector<16xf32>,
        tpu.vector_store %arg8[%swap3A_1400, %swap3A_1401], %unpack3A_1398 {strides = array<i32>} : memref<64x384xf32, #tpu.memory_space<vmem>>, vector<16xf32>,
        %swap3A_1403 = arith.index_cast %add3A_1051 : i32 to index
        %swap3A_1404 = arith.constant 368 : index
        %swap3A_1405 = tpu.vector_load %arg8[%swap3A_1403, %swap3A_1404] {strides = array<i32>} : memref<64x384xf32, #tpu.memory_space<vmem>>, vector<16xf32>,
        tpu.vector_store %arg8[%swap3A_1403, %swap3A_1404], %unpack3A_1399 {strides = array<i32>} : memref<64x384xf32, #tpu.memory_space<vmem>>, vector<16xf32>,
        %add3A_1406 = arith.constant 32 : i32
        %add3A_1407 = arith.addi %scan3A_343, %add3A_1406 : i32
        %get3A_1408 = arith.index_cast %add3A_1407 : i32 to index
        %get3A_1409 = tpu.vector_load %arg6[%get3A_1408] {strides = array<i32>} : memref<36864xi32, #tpu.memory_space<vmem>>, vector<16xi32>,
        %add3A_1410 = arith.constant 32 : i32
        %add3A_1411 = arith.addi %scan3A_344, %add3A_1410 : i32
        %get3A_1412 = arith.index_cast %add3A_1411 : i32 to index
        %get3A_1413 = tpu.vector_load %arg6[%get3A_1412] {strides = array<i32>} : memref<36864xi32, #tpu.memory_space<vmem>>, vector<16xi32>,
        %add3A_1414 = arith.constant 32 : i32
        %add3A_1415 = arith.addi %scan3A_345, %add3A_1414 : i32
        %get3A_1416 = arith.index_cast %add3A_1415 : i32 to index
        %get3A_1417 = tpu.vector_load %arg6[%get3A_1416] {strides = array<i32>} : memref<36864xi32, #tpu.memory_space<vmem>>, vector<16xi32>,
        %bitcast3A_1418 = vector.bitcast %get3A_1359 : vector<16xi32> to vector<32xbf16>
        %bitcast3A_1419 = vector.bitcast %get3A_1363 : vector<16xi32> to vector<32xbf16>
        %add3A_1420 = arith.addf %bitcast3A_1418, %bitcast3A_1419 : vector<32xbf16>
        %bitcast3A_1421 = vector.bitcast %get3A_1367 : vector<16xi32> to vector<32xbf16>
        %add3A_1422 = arith.addf %add3A_1420, %bitcast3A_1421 : vector<32xbf16>
        %unpack3A_1423 = tpu.unpack_subelements %add3A_1422, 0 {pack_format = #tpu.pack_format<interleaved>} : vector<32xbf16> -> vector<16xf32>
        %unpack3A_1424 = tpu.unpack_subelements %add3A_1422, 1 {pack_format = #tpu.pack_format<interleaved>} : vector<32xbf16> -> vector<16xf32>
        %swap3A_1425 = arith.index_cast %add3A_1355 : i32 to index
        %swap3A_1426 = arith.constant 0 : index
        %swap3A_1427 = tpu.vector_load %arg8[%swap3A_1425, %swap3A_1426] {strides = array<i32>} : memref<64x384xf32, #tpu.memory_space<vmem>>, vector<16xf32>,
        tpu.vector_store %arg8[%swap3A_1425, %swap3A_1426], %unpack3A_1423 {strides = array<i32>} : memref<64x384xf32, #tpu.memory_space<vmem>>, vector<16xf32>,
        %swap3A_1428 = arith.index_cast %add3A_1355 : i32 to index
        %swap3A_1429 = arith.constant 16 : index
        %swap3A_1430 = tpu.vector_load %arg8[%swap3A_1428, %swap3A_1429] {strides = array<i32>} : memref<64x384xf32, #tpu.memory_space<vmem>>, vector<16xf32>,
        tpu.vector_store %arg8[%swap3A_1428, %swap3A_1429], %unpack3A_1424 {strides = array<i32>} : memref<64x384xf32, #tpu.memory_space<vmem>>, vector<16xf32>,
        %add3A_1431 = arith.constant 48 : i32
        %add3A_1432 = arith.addi %scan3A_343, %add3A_1431 : i32
        %get3A_1433 = arith.index_cast %add3A_1432 : i32 to index
        %get3A_1434 = tpu.vector_load %arg6[%get3A_1433] {strides = array<i32>} : memref<36864xi32, #tpu.memory_space<vmem>>, vector<16xi32>,
        %add3A_1435 = arith.constant 48 : i32
        %add3A_1436 = arith.addi %scan3A_344, %add3A_1435 : i32
        %get3A_1437 = arith.index_cast %add3A_1436 : i32 to index
        %get3A_1438 = tpu.vector_load %arg6[%get3A_1437] {strides = array<i32>} : memref<36864xi32, #tpu.memory_space<vmem>>, vector<16xi32>,
        %add3A_1439 = arith.constant 48 : i32
        %add3A_1440 = arith.addi %scan3A_345, %add3A_1439 : i32
        %get3A_1441 = arith.index_cast %add3A_1440 : i32 to index
        %get3A_1442 = tpu.vector_load %arg6[%get3A_1441] {strides = array<i32>} : memref<36864xi32, #tpu.memory_space<vmem>>, vector<16xi32>,
        %bitcast3A_1443 = vector.bitcast %get3A_1384 : vector<16xi32> to vector<32xbf16>
        %bitcast3A_1444 = vector.bitcast %get3A_1388 : vector<16xi32> to vector<32xbf16>
        %add3A_1445 = arith.addf %bitcast3A_1443, %bitcast3A_1444 : vector<32xbf16>
        %bitcast3A_1446 = vector.bitcast %get3A_1392 : vector<16xi32> to vector<32xbf16>
        %add3A_1447 = arith.addf %add3A_1445, %bitcast3A_1446 : vector<32xbf16>
        %unpack3A_1448 = tpu.unpack_subelements %add3A_1447, 0 {pack_format = #tpu.pack_format<interleaved>} : vector<32xbf16> -> vector<16xf32>
        %unpack3A_1449 = tpu.unpack_subelements %add3A_1447, 1 {pack_format = #tpu.pack_format<interleaved>} : vector<32xbf16> -> vector<16xf32>
        %swap3A_1450 = arith.index_cast %add3A_1355 : i32 to index
        %swap3A_1451 = arith.constant 32 : index
        %swap3A_1452 = tpu.vector_load %arg8[%swap3A_1450, %swap3A_1451] {strides = array<i32>} : memref<64x384xf32, #tpu.memory_space<vmem>>, vector<16xf32>,
        tpu.vector_store %arg8[%swap3A_1450, %swap3A_1451], %unpack3A_1448 {strides = array<i32>} : memref<64x384xf32, #tpu.memory_space<vmem>>, vector<16xf32>,
        %swap3A_1453 = arith.index_cast %add3A_1355 : i32 to index
        %swap3A_1454 = arith.constant 48 : index
        %swap3A_1455 = tpu.vector_load %arg8[%swap3A_1453, %swap3A_1454] {strides = array<i32>} : memref<64x384xf32, #tpu.memory_space<vmem>>, vector<16xf32>,
        tpu.vector_store %arg8[%swap3A_1453, %swap3A_1454], %unpack3A_1449 {strides = array<i32>} : memref<64x384xf32, #tpu.memory_space<vmem>>, vector<16xf32>,
        %add3A_1456 = arith.constant 64 : i32
        %add3A_1457 = arith.addi %scan3A_343, %add3A_1456 : i32
        %get3A_1458 = arith.index_cast %add3A_1457 : i32 to index
        %get3A_1459 = tpu.vector_load %arg6[%get3A_1458] {strides = array<i32>} : memref<36864xi32, #tpu.memory_space<vmem>>, vector<16xi32>,
        %add3A_1460 = arith.constant 64 : i32
        %add3A_1461 = arith.addi %scan3A_344, %add3A_1460 : i32
        %get3A_1462 = arith.index_cast %add3A_1461 : i32 to index
        %get3A_1463 = tpu.vector_load %arg6[%get3A_1462] {strides = array<i32>} : memref<36864xi32, #tpu.memory_space<vmem>>, vector<16xi32>,
        %add3A_1464 = arith.constant 64 : i32
        %add3A_1465 = arith.addi %scan3A_345, %add3A_1464 : i32
        %get3A_1466 = arith.index_cast %add3A_1465 : i32 to index
        %get3A_1467 = tpu.vector_load %arg6[%get3A_1466] {strides = array<i32>} : memref<36864xi32, #tpu.memory_space<vmem>>, vector<16xi32>,
        %bitcast3A_1468 = vector.bitcast %get3A_1409 : vector<16xi32> to vector<32xbf16>
        %bitcast3A_1469 = vector.bitcast %get3A_1413 : vector<16xi32> to vector<32xbf16>
        %add3A_1470 = arith.addf %bitcast3A_1468, %bitcast3A_1469 : vector<32xbf16>
        %bitcast3A_1471 = vector.bitcast %get3A_1417 : vector<16xi32> to vector<32xbf16>
        %add3A_1472 = arith.addf %add3A_1470, %bitcast3A_1471 : vector<32xbf16>
        %unpack3A_1473 = tpu.unpack_subelements %add3A_1472, 0 {pack_format = #tpu.pack_format<interleaved>} : vector<32xbf16> -> vector<16xf32>
        %unpack3A_1474 = tpu.unpack_subelements %add3A_1472, 1 {pack_format = #tpu.pack_format<interleaved>} : vector<32xbf16> -> vector<16xf32>
        %swap3A_1475 = arith.index_cast %add3A_1355 : i32 to index
        %swap3A_1476 = arith.constant 64 : index
        %swap3A_1477 = tpu.vector_load %arg8[%swap3A_1475, %swap3A_1476] {strides = array<i32>} : memref<64x384xf32, #tpu.memory_space<vmem>>, vector<16xf32>,
        tpu.vector_store %arg8[%swap3A_1475, %swap3A_1476], %unpack3A_1473 {strides = array<i32>} : memref<64x384xf32, #tpu.memory_space<vmem>>, vector<16xf32>,
        %swap3A_1478 = arith.index_cast %add3A_1355 : i32 to index
        %swap3A_1479 = arith.constant 80 : index
        %swap3A_1480 = tpu.vector_load %arg8[%swap3A_1478, %swap3A_1479] {strides = array<i32>} : memref<64x384xf32, #tpu.memory_space<vmem>>, vector<16xf32>,
        tpu.vector_store %arg8[%swap3A_1478, %swap3A_1479], %unpack3A_1474 {strides = array<i32>} : memref<64x384xf32, #tpu.memory_space<vmem>>, vector<16xf32>,
        %add3A_1481 = arith.constant 80 : i32
        %add3A_1482 = arith.addi %scan3A_343, %add3A_1481 : i32
        %get3A_1483 = arith.index_cast %add3A_1482 : i32 to index
        %get3A_1484 = tpu.vector_load %arg6[%get3A_1483] {strides = array<i32>} : memref<36864xi32, #tpu.memory_space<vmem>>, vector<16xi32>,
        %add3A_1485 = arith.constant 80 : i32
        %add3A_1486 = arith.addi %scan3A_344, %add3A_1485 : i32
        %get3A_1487 = arith.index_cast %add3A_1486 : i32 to index
        %get3A_1488 = tpu.vector_load %arg6[%get3A_1487] {strides = array<i32>} : memref<36864xi32, #tpu.memory_space<vmem>>, vector<16xi32>,
        %add3A_1489 = arith.constant 80 : i32
        %add3A_1490 = arith.addi %scan3A_345, %add3A_1489 : i32
        %get3A_1491 = arith.index_cast %add3A_1490 : i32 to index
        %get3A_1492 = tpu.vector_load %arg6[%get3A_1491] {strides = array<i32>} : memref<36864xi32, #tpu.memory_space<vmem>>, vector<16xi32>,
        %bitcast3A_1493 = vector.bitcast %get3A_1434 : vector<16xi32> to vector<32xbf16>
        %bitcast3A_1494 = vector.bitcast %get3A_1438 : vector<16xi32> to vector<32xbf16>
        %add3A_1495 = arith.addf %bitcast3A_1493, %bitcast3A_1494 : vector<32xbf16>
        %bitcast3A_1496 = vector.bitcast %get3A_1442 : vector<16xi32> to vector<32xbf16>
        %add3A_1497 = arith.addf %add3A_1495, %bitcast3A_1496 : vector<32xbf16>
        %unpack3A_1498 = tpu.unpack_subelements %add3A_1497, 0 {pack_format = #tpu.pack_format<interleaved>} : vector<32xbf16> -> vector<16xf32>
        %unpack3A_1499 = tpu.unpack_subelements %add3A_1497, 1 {pack_format = #tpu.pack_format<interleaved>} : vector<32xbf16> -> vector<16xf32>
        %swap3A_1500 = arith.index_cast %add3A_1355 : i32 to index
        %swap3A_1501 = arith.constant 96 : index
        %swap3A_1502 = tpu.vector_load %arg8[%swap3A_1500, %swap3A_1501] {strides = array<i32>} : memref<64x384xf32, #tpu.memory_space<vmem>>, vector<16xf32>,
        tpu.vector_store %arg8[%swap3A_1500, %swap3A_1501], %unpack3A_1498 {strides = array<i32>} : memref<64x384xf32, #tpu.memory_space<vmem>>, vector<16xf32>,
        %swap3A_1503 = arith.index_cast %add3A_1355 : i32 to index
        %swap3A_1504 = arith.constant 112 : index
        %swap3A_1505 = tpu.vector_load %arg8[%swap3A_1503, %swap3A_1504] {strides = array<i32>} : memref<64x384xf32, #tpu.memory_space<vmem>>, vector<16xf32>,
        tpu.vector_store %arg8[%swap3A_1503, %swap3A_1504], %unpack3A_1499 {strides = array<i32>} : memref<64x384xf32, #tpu.memory_space<vmem>>, vector<16xf32>,
        %add3A_1506 = arith.constant 96 : i32
        %add3A_1507 = arith.addi %scan3A_343, %add3A_1506 : i32
        %get3A_1508 = arith.index_cast %add3A_1507 : i32 to index
        %get3A_1509 = tpu.vector_load %arg6[%get3A_1508] {strides = array<i32>} : memref<36864xi32, #tpu.memory_space<vmem>>, vector<16xi32>,
        %add3A_1510 = arith.constant 96 : i32
        %add3A_1511 = arith.addi %scan3A_344, %add3A_1510 : i32
        %get3A_1512 = arith.index_cast %add3A_1511 : i32 to index
        %get3A_1513 = tpu.vector_load %arg6[%get3A_1512] {strides = array<i32>} : memref<36864xi32, #tpu.memory_space<vmem>>, vector<16xi32>,
        %add3A_1514 = arith.constant 96 : i32
        %add3A_1515 = arith.addi %scan3A_345, %add3A_1514 : i32
        %get3A_1516 = arith.index_cast %add3A_1515 : i32 to index
        %get3A_1517 = tpu.vector_load %arg6[%get3A_1516] {strides = array<i32>} : memref<36864xi32, #tpu.memory_space<vmem>>, vector<16xi32>,
        %bitcast3A_1518 = vector.bitcast %get3A_1459 : vector<16xi32> to vector<32xbf16>
        %bitcast3A_1519 = vector.bitcast %get3A_1463 : vector<16xi32> to vector<32xbf16>
        %add3A_1520 = arith.addf %bitcast3A_1518, %bitcast3A_1519 : vector<32xbf16>
        %bitcast3A_1521 = vector.bitcast %get3A_1467 : vector<16xi32> to vector<32xbf16>
        %add3A_1522 = arith.addf %add3A_1520, %bitcast3A_1521 : vector<32xbf16>
        %unpack3A_1523 = tpu.unpack_subelements %add3A_1522, 0 {pack_format = #tpu.pack_format<interleaved>} : vector<32xbf16> -> vector<16xf32>
        %unpack3A_1524 = tpu.unpack_subelements %add3A_1522, 1 {pack_format = #tpu.pack_format<interleaved>} : vector<32xbf16> -> vector<16xf32>
        %swap3A_1525 = arith.index_cast %add3A_1355 : i32 to index
        %swap3A_1526 = arith.constant 128 : index
        %swap3A_1527 = tpu.vector_load %arg8[%swap3A_1525, %swap3A_1526] {strides = array<i32>} : memref<64x384xf32, #tpu.memory_space<vmem>>, vector<16xf32>,
        tpu.vector_store %arg8[%swap3A_1525, %swap3A_1526], %unpack3A_1523 {strides = array<i32>} : memref<64x384xf32, #tpu.memory_space<vmem>>, vector<16xf32>,
        %swap3A_1528 = arith.index_cast %add3A_1355 : i32 to index
        %swap3A_1529 = arith.constant 144 : index
        %swap3A_1530 = tpu.vector_load %arg8[%swap3A_1528, %swap3A_1529] {strides = array<i32>} : memref<64x384xf32, #tpu.memory_space<vmem>>, vector<16xf32>,
        tpu.vector_store %arg8[%swap3A_1528, %swap3A_1529], %unpack3A_1524 {strides = array<i32>} : memref<64x384xf32, #tpu.memory_space<vmem>>, vector<16xf32>,
        %add3A_1531 = arith.constant 112 : i32
        %add3A_1532 = arith.addi %scan3A_343, %add3A_1531 : i32
        %get3A_1533 = arith.index_cast %add3A_1532 : i32 to index
        %get3A_1534 = tpu.vector_load %arg6[%get3A_1533] {strides = array<i32>} : memref<36864xi32, #tpu.memory_space<vmem>>, vector<16xi32>,
        %add3A_1535 = arith.constant 112 : i32
        %add3A_1536 = arith.addi %scan3A_344, %add3A_1535 : i32
        %get3A_1537 = arith.index_cast %add3A_1536 : i32 to index
        %get3A_1538 = tpu.vector_load %arg6[%get3A_1537] {strides = array<i32>} : memref<36864xi32, #tpu.memory_space<vmem>>, vector<16xi32>,
        %add3A_1539 = arith.constant 112 : i32
        %add3A_1540 = arith.addi %scan3A_345, %add3A_1539 : i32
        %get3A_1541 = arith.index_cast %add3A_1540 : i32 to index
        %get3A_1542 = tpu.vector_load %arg6[%get3A_1541] {strides = array<i32>} : memref<36864xi32, #tpu.memory_space<vmem>>, vector<16xi32>,
        %bitcast3A_1543 = vector.bitcast %get3A_1484 : vector<16xi32> to vector<32xbf16>
        %bitcast3A_1544 = vector.bitcast %get3A_1488 : vector<16xi32> to vector<32xbf16>
        %add3A_1545 = arith.addf %bitcast3A_1543, %bitcast3A_1544 : vector<32xbf16>
        %bitcast3A_1546 = vector.bitcast %get3A_1492 : vector<16xi32> to vector<32xbf16>
        %add3A_1547 = arith.addf %add3A_1545, %bitcast3A_1546 : vector<32xbf16>
        %unpack3A_1548 = tpu.unpack_subelements %add3A_1547, 0 {pack_format = #tpu.pack_format<interleaved>} : vector<32xbf16> -> vector<16xf32>
        %unpack3A_1549 = tpu.unpack_subelements %add3A_1547, 1 {pack_format = #tpu.pack_format<interleaved>} : vector<32xbf16> -> vector<16xf32>
        %swap3A_1550 = arith.index_cast %add3A_1355 : i32 to index
        %swap3A_1551 = arith.constant 160 : index
        %swap3A_1552 = tpu.vector_load %arg8[%swap3A_1550, %swap3A_1551] {strides = array<i32>} : memref<64x384xf32, #tpu.memory_space<vmem>>, vector<16xf32>,
        tpu.vector_store %arg8[%swap3A_1550, %swap3A_1551], %unpack3A_1548 {strides = array<i32>} : memref<64x384xf32, #tpu.memory_space<vmem>>, vector<16xf32>,
        %swap3A_1553 = arith.index_cast %add3A_1355 : i32 to index
        %swap3A_1554 = arith.constant 176 : index
        %swap3A_1555 = tpu.vector_load %arg8[%swap3A_1553, %swap3A_1554] {strides = array<i32>} : memref<64x384xf32, #tpu.memory_space<vmem>>, vector<16xf32>,
        tpu.vector_store %arg8[%swap3A_1553, %swap3A_1554], %unpack3A_1549 {strides = array<i32>} : memref<64x384xf32, #tpu.memory_space<vmem>>, vector<16xf32>,
        %add3A_1556 = arith.constant 128 : i32
        %add3A_1557 = arith.addi %scan3A_343, %add3A_1556 : i32
        %get3A_1558 = arith.index_cast %add3A_1557 : i32 to index
        %get3A_1559 = tpu.vector_load %arg6[%get3A_1558] {strides = array<i32>} : memref<36864xi32, #tpu.memory_space<vmem>>, vector<16xi32>,
        %add3A_1560 = arith.constant 128 : i32
        %add3A_1561 = arith.addi %scan3A_344, %add3A_1560 : i32
        %get3A_1562 = arith.index_cast %add3A_1561 : i32 to index
        %get3A_1563 = tpu.vector_load %arg6[%get3A_1562] {strides = array<i32>} : memref<36864xi32, #tpu.memory_space<vmem>>, vector<16xi32>,
        %add3A_1564 = arith.constant 128 : i32
        %add3A_1565 = arith.addi %scan3A_345, %add3A_1564 : i32
        %get3A_1566 = arith.index_cast %add3A_1565 : i32 to index
        %get3A_1567 = tpu.vector_load %arg6[%get3A_1566] {strides = array<i32>} : memref<36864xi32, #tpu.memory_space<vmem>>, vector<16xi32>,
        %bitcast3A_1568 = vector.bitcast %get3A_1509 : vector<16xi32> to vector<32xbf16>
        %bitcast3A_1569 = vector.bitcast %get3A_1513 : vector<16xi32> to vector<32xbf16>
        %add3A_1570 = arith.addf %bitcast3A_1568, %bitcast3A_1569 : vector<32xbf16>
        %bitcast3A_1571 = vector.bitcast %get3A_1517 : vector<16xi32> to vector<32xbf16>
        %add3A_1572 = arith.addf %add3A_1570, %bitcast3A_1571 : vector<32xbf16>
        %unpack3A_1573 = tpu.unpack_subelements %add3A_1572, 0 {pack_format = #tpu.pack_format<interleaved>} : vector<32xbf16> -> vector<16xf32>
        %unpack3A_1574 = tpu.unpack_subelements %add3A_1572, 1 {pack_format = #tpu.pack_format<interleaved>} : vector<32xbf16> -> vector<16xf32>
        %swap3A_1575 = arith.index_cast %add3A_1355 : i32 to index
        %swap3A_1576 = arith.constant 192 : index
        %swap3A_1577 = tpu.vector_load %arg8[%swap3A_1575, %swap3A_1576] {strides = array<i32>} : memref<64x384xf32, #tpu.memory_space<vmem>>, vector<16xf32>,
        tpu.vector_store %arg8[%swap3A_1575, %swap3A_1576], %unpack3A_1573 {strides = array<i32>} : memref<64x384xf32, #tpu.memory_space<vmem>>, vector<16xf32>,
        %swap3A_1578 = arith.index_cast %add3A_1355 : i32 to index
        %swap3A_1579 = arith.constant 208 : index
        %swap3A_1580 = tpu.vector_load %arg8[%swap3A_1578, %swap3A_1579] {strides = array<i32>} : memref<64x384xf32, #tpu.memory_space<vmem>>, vector<16xf32>,
        tpu.vector_store %arg8[%swap3A_1578, %swap3A_1579], %unpack3A_1574 {strides = array<i32>} : memref<64x384xf32, #tpu.memory_space<vmem>>, vector<16xf32>,
        %add3A_1581 = arith.constant 144 : i32
        %add3A_1582 = arith.addi %scan3A_343, %add3A_1581 : i32
        %get3A_1583 = arith.index_cast %add3A_1582 : i32 to index
        %get3A_1584 = tpu.vector_load %arg6[%get3A_1583] {strides = array<i32>} : memref<36864xi32, #tpu.memory_space<vmem>>, vector<16xi32>,
        %add3A_1585 = arith.constant 144 : i32
        %add3A_1586 = arith.addi %scan3A_344, %add3A_1585 : i32
        %get3A_1587 = arith.index_cast %add3A_1586 : i32 to index
        %get3A_1588 = tpu.vector_load %arg6[%get3A_1587] {strides = array<i32>} : memref<36864xi32, #tpu.memory_space<vmem>>, vector<16xi32>,
        %add3A_1589 = arith.constant 144 : i32
        %add3A_1590 = arith.addi %scan3A_345, %add3A_1589 : i32
        %get3A_1591 = arith.index_cast %add3A_1590 : i32 to index
        %get3A_1592 = tpu.vector_load %arg6[%get3A_1591] {strides = array<i32>} : memref<36864xi32, #tpu.memory_space<vmem>>, vector<16xi32>,
        %bitcast3A_1593 = vector.bitcast %get3A_1534 : vector<16xi32> to vector<32xbf16>
        %bitcast3A_1594 = vector.bitcast %get3A_1538 : vector<16xi32> to vector<32xbf16>
        %add3A_1595 = arith.addf %bitcast3A_1593, %bitcast3A_1594 : vector<32xbf16>
        %bitcast3A_1596 = vector.bitcast %get3A_1542 : vector<16xi32> to vector<32xbf16>
        %add3A_1597 = arith.addf %add3A_1595, %bitcast3A_1596 : vector<32xbf16>
        %unpack3A_1598 = tpu.unpack_subelements %add3A_1597, 0 {pack_format = #tpu.pack_format<interleaved>} : vector<32xbf16> -> vector<16xf32>
        %unpack3A_1599 = tpu.unpack_subelements %add3A_1597, 1 {pack_format = #tpu.pack_format<interleaved>} : vector<32xbf16> -> vector<16xf32>
        %swap3A_1600 = arith.index_cast %add3A_1355 : i32 to index
        %swap3A_1601 = arith.constant 224 : index
        %swap3A_1602 = tpu.vector_load %arg8[%swap3A_1600, %swap3A_1601] {strides = array<i32>} : memref<64x384xf32, #tpu.memory_space<vmem>>, vector<16xf32>,
        tpu.vector_store %arg8[%swap3A_1600, %swap3A_1601], %unpack3A_1598 {strides = array<i32>} : memref<64x384xf32, #tpu.memory_space<vmem>>, vector<16xf32>,
        %swap3A_1603 = arith.index_cast %add3A_1355 : i32 to index
        %swap3A_1604 = arith.constant 240 : index
        %swap3A_1605 = tpu.vector_load %arg8[%swap3A_1603, %swap3A_1604] {strides = array<i32>} : memref<64x384xf32, #tpu.memory_space<vmem>>, vector<16xf32>,
        tpu.vector_store %arg8[%swap3A_1603, %swap3A_1604], %unpack3A_1599 {strides = array<i32>} : memref<64x384xf32, #tpu.memory_space<vmem>>, vector<16xf32>,
        %add3A_1606 = arith.constant 160 : i32
        %add3A_1607 = arith.addi %scan3A_343, %add3A_1606 : i32
        %get3A_1608 = arith.index_cast %add3A_1607 : i32 to index
        %get3A_1609 = tpu.vector_load %arg6[%get3A_1608] {strides = array<i32>} : memref<36864xi32, #tpu.memory_space<vmem>>, vector<16xi32>,
        %add3A_1610 = arith.constant 160 : i32
        %add3A_1611 = arith.addi %scan3A_344, %add3A_1610 : i32
        %get3A_1612 = arith.index_cast %add3A_1611 : i32 to index
        %get3A_1613 = tpu.vector_load %arg6[%get3A_1612] {strides = array<i32>} : memref<36864xi32, #tpu.memory_space<vmem>>, vector<16xi32>,
        %add3A_1614 = arith.constant 160 : i32
        %add3A_1615 = arith.addi %scan3A_345, %add3A_1614 : i32
        %get3A_1616 = arith.index_cast %add3A_1615 : i32 to index
        %get3A_1617 = tpu.vector_load %arg6[%get3A_1616] {strides = array<i32>} : memref<36864xi32, #tpu.memory_space<vmem>>, vector<16xi32>,
        %bitcast3A_1618 = vector.bitcast %get3A_1559 : vector<16xi32> to vector<32xbf16>
        %bitcast3A_1619 = vector.bitcast %get3A_1563 : vector<16xi32> to vector<32xbf16>
        %add3A_1620 = arith.addf %bitcast3A_1618, %bitcast3A_1619 : vector<32xbf16>
        %bitcast3A_1621 = vector.bitcast %get3A_1567 : vector<16xi32> to vector<32xbf16>
        %add3A_1622 = arith.addf %add3A_1620, %bitcast3A_1621 : vector<32xbf16>
        %unpack3A_1623 = tpu.unpack_subelements %add3A_1622, 0 {pack_format = #tpu.pack_format<interleaved>} : vector<32xbf16> -> vector<16xf32>
        %unpack3A_1624 = tpu.unpack_subelements %add3A_1622, 1 {pack_format = #tpu.pack_format<interleaved>} : vector<32xbf16> -> vector<16xf32>
        %swap3A_1625 = arith.index_cast %add3A_1355 : i32 to index
        %swap3A_1626 = arith.constant 256 : index
        %swap3A_1627 = tpu.vector_load %arg8[%swap3A_1625, %swap3A_1626] {strides = array<i32>} : memref<64x384xf32, #tpu.memory_space<vmem>>, vector<16xf32>,
        tpu.vector_store %arg8[%swap3A_1625, %swap3A_1626], %unpack3A_1623 {strides = array<i32>} : memref<64x384xf32, #tpu.memory_space<vmem>>, vector<16xf32>,
        %swap3A_1628 = arith.index_cast %add3A_1355 : i32 to index
        %swap3A_1629 = arith.constant 272 : index
        %swap3A_1630 = tpu.vector_load %arg8[%swap3A_1628, %swap3A_1629] {strides = array<i32>} : memref<64x384xf32, #tpu.memory_space<vmem>>, vector<16xf32>,
        tpu.vector_store %arg8[%swap3A_1628, %swap3A_1629], %unpack3A_1624 {strides = array<i32>} : memref<64x384xf32, #tpu.memory_space<vmem>>, vector<16xf32>,
        %add3A_1631 = arith.constant 176 : i32
        %add3A_1632 = arith.addi %scan3A_343, %add3A_1631 : i32
        %get3A_1633 = arith.index_cast %add3A_1632 : i32 to index
        %get3A_1634 = tpu.vector_load %arg6[%get3A_1633] {strides = array<i32>} : memref<36864xi32, #tpu.memory_space<vmem>>, vector<16xi32>,
        %add3A_1635 = arith.constant 176 : i32
        %add3A_1636 = arith.addi %scan3A_344, %add3A_1635 : i32
        %get3A_1637 = arith.index_cast %add3A_1636 : i32 to index
        %get3A_1638 = tpu.vector_load %arg6[%get3A_1637] {strides = array<i32>} : memref<36864xi32, #tpu.memory_space<vmem>>, vector<16xi32>,
        %add3A_1639 = arith.constant 176 : i32
        %add3A_1640 = arith.addi %scan3A_345, %add3A_1639 : i32
        %get3A_1641 = arith.index_cast %add3A_1640 : i32 to index
        %get3A_1642 = tpu.vector_load %arg6[%get3A_1641] {strides = array<i32>} : memref<36864xi32, #tpu.memory_space<vmem>>, vector<16xi32>,
        %bitcast3A_1643 = vector.bitcast %get3A_1584 : vector<16xi32> to vector<32xbf16>
        %bitcast3A_1644 = vector.bitcast %get3A_1588 : vector<16xi32> to vector<32xbf16>
        %add3A_1645 = arith.addf %bitcast3A_1643, %bitcast3A_1644 : vector<32xbf16>
        %bitcast3A_1646 = vector.bitcast %get3A_1592 : vector<16xi32> to vector<32xbf16>
        %add3A_1647 = arith.addf %add3A_1645, %bitcast3A_1646 : vector<32xbf16>
        %unpack3A_1648 = tpu.unpack_subelements %add3A_1647, 0 {pack_format = #tpu.pack_format<interleaved>} : vector<32xbf16> -> vector<16xf32>
        %unpack3A_1649 = tpu.unpack_subelements %add3A_1647, 1 {pack_format = #tpu.pack_format<interleaved>} : vector<32xbf16> -> vector<16xf32>
        %swap3A_1650 = arith.index_cast %add3A_1355 : i32 to index
        %swap3A_1651 = arith.constant 288 : index
        %swap3A_1652 = tpu.vector_load %arg8[%swap3A_1650, %swap3A_1651] {strides = array<i32>} : memref<64x384xf32, #tpu.memory_space<vmem>>, vector<16xf32>,
        tpu.vector_store %arg8[%swap3A_1650, %swap3A_1651], %unpack3A_1648 {strides = array<i32>} : memref<64x384xf32, #tpu.memory_space<vmem>>, vector<16xf32>,
        %swap3A_1653 = arith.index_cast %add3A_1355 : i32 to index
        %swap3A_1654 = arith.constant 304 : index
        %swap3A_1655 = tpu.vector_load %arg8[%swap3A_1653, %swap3A_1654] {strides = array<i32>} : memref<64x384xf32, #tpu.memory_space<vmem>>, vector<16xf32>,
        tpu.vector_store %arg8[%swap3A_1653, %swap3A_1654], %unpack3A_1649 {strides = array<i32>} : memref<64x384xf32, #tpu.memory_space<vmem>>, vector<16xf32>,
        %bitcast3A_1656 = vector.bitcast %get3A_1609 : vector<16xi32> to vector<32xbf16>
        %bitcast3A_1657 = vector.bitcast %get3A_1613 : vector<16xi32> to vector<32xbf16>
        %add3A_1658 = arith.addf %bitcast3A_1656, %bitcast3A_1657 : vector<32xbf16>
        %bitcast3A_1659 = vector.bitcast %get3A_1617 : vector<16xi32> to vector<32xbf16>
        %add3A_1660 = arith.addf %add3A_1658, %bitcast3A_1659 : vector<32xbf16>
        %unpack3A_1661 = tpu.unpack_subelements %add3A_1660, 0 {pack_format = #tpu.pack_format<interleaved>} : vector<32xbf16> -> vector<16xf32>
        %unpack3A_1662 = tpu.unpack_subelements %add3A_1660, 1 {pack_format = #tpu.pack_format<interleaved>} : vector<32xbf16> -> vector<16xf32>
        %swap3A_1663 = arith.index_cast %add3A_1355 : i32 to index
        %swap3A_1664 = arith.constant 320 : index
        %swap3A_1665 = tpu.vector_load %arg8[%swap3A_1663, %swap3A_1664] {strides = array<i32>} : memref<64x384xf32, #tpu.memory_space<vmem>>, vector<16xf32>,
        tpu.vector_store %arg8[%swap3A_1663, %swap3A_1664], %unpack3A_1661 {strides = array<i32>} : memref<64x384xf32, #tpu.memory_space<vmem>>, vector<16xf32>,
        %swap3A_1666 = arith.index_cast %add3A_1355 : i32 to index
        %swap3A_1667 = arith.constant 336 : index
        %swap3A_1668 = tpu.vector_load %arg8[%swap3A_1666, %swap3A_1667] {strides = array<i32>} : memref<64x384xf32, #tpu.memory_space<vmem>>, vector<16xf32>,
        tpu.vector_store %arg8[%swap3A_1666, %swap3A_1667], %unpack3A_1662 {strides = array<i32>} : memref<64x384xf32, #tpu.memory_space<vmem>>, vector<16xf32>,
        %bitcast3A_1669 = vector.bitcast %get3A_1634 : vector<16xi32> to vector<32xbf16>
        %bitcast3A_1670 = vector.bitcast %get3A_1638 : vector<16xi32> to vector<32xbf16>
        %add3A_1671 = arith.addf %bitcast3A_1669, %bitcast3A_1670 : vector<32xbf16>
        %bitcast3A_1672 = vector.bitcast %get3A_1642 : vector<16xi32> to vector<32xbf16>
        %add3A_1673 = arith.addf %add3A_1671, %bitcast3A_1672 : vector<32xbf16>
        %unpack3A_1674 = tpu.unpack_subelements %add3A_1673, 0 {pack_format = #tpu.pack_format<interleaved>} : vector<32xbf16> -> vector<16xf32>
        %unpack3A_1675 = tpu.unpack_subelements %add3A_1673, 1 {pack_format = #tpu.pack_format<interleaved>} : vector<32xbf16> -> vector<16xf32>
        %swap3A_1676 = arith.index_cast %add3A_1355 : i32 to index
        %swap3A_1677 = arith.constant 352 : index
        %swap3A_1678 = tpu.vector_load %arg8[%swap3A_1676, %swap3A_1677] {strides = array<i32>} : memref<64x384xf32, #tpu.memory_space<vmem>>, vector<16xf32>,
        tpu.vector_store %arg8[%swap3A_1676, %swap3A_1677], %unpack3A_1674 {strides = array<i32>} : memref<64x384xf32, #tpu.memory_space<vmem>>, vector<16xf32>,
        %swap3A_1679 = arith.index_cast %add3A_1355 : i32 to index
        %swap3A_1680 = arith.constant 368 : index
        %swap3A_1681 = tpu.vector_load %arg8[%swap3A_1679, %swap3A_1680] {strides = array<i32>} : memref<64x384xf32, #tpu.memory_space<vmem>>, vector<16xf32>,
        tpu.vector_store %arg8[%swap3A_1679, %swap3A_1680], %unpack3A_1675 {strides = array<i32>} : memref<64x384xf32, #tpu.memory_space<vmem>>, vector<16xf32>,
        scf.yield %mul3A_364, %mul3A_374, %mul3A_384, %mul3A_392, %mul3A_402, %mul3A_412, %mul3A_420, %mul3A_430, %mul3A_440, %mul3A_448, %mul3A_458, %mul3A_468 : i32, i32, i32, i32, i32, i32, i32, i32, i32, i32, i32, i32
      }
      %scan3A_323 = arith.constant 16 : i32
      %mul3A_324 = arith.constant 64 : i32
      %mul3A_325 = arith.muli %add3A_192, %mul3A_324 : i32
      %add3A_326 = arith.addi %mul3A_34, %mul3A_325 : i32
      %dma_start3A_327 = arith.constant 0 : i32
      %dma_start3A_328 = tpu.memref_slice %arg4[%select_n3A, %add3A_326, %dma_start3A_327] : memref<4x16384x384xf32, #tpu.memory_space<hbm>> -> memref<1x64x384xf32, #tpu.memory_space<hbm>>
      %dma_start3A_329 = tpu.memref_squeeze %dma_start3A_328 : memref<1x64x384xf32, #tpu.memory_space<hbm>> -> memref<64x384xf32, #tpu.memory_space<hbm>>
      %dma_start3A_330 = arith.constant 0 : i32
      %dma_start3A_331 = tpu.memref_slice %arg4[%select_n3A, %add3A_326, %dma_start3A_330] : memref<4x16384x384xf32, #tpu.memory_space<hbm>> -> memref<1x64x384xf32, #tpu.memory_space<hbm>>
      %dma_start3A_332 = tpu.memref_squeeze %dma_start3A_331 : memref<1x64x384xf32, #tpu.memory_space<hbm>> -> memref<64x384xf32, #tpu.memory_space<hbm>>
      tpu.enqueue_dma source(%arg8 : memref<64x384xf32, #tpu.memory_space<vmem>>) target(%dma_start3A_332 : memref<64x384xf32, #tpu.memory_space<hbm>>) target_semaphore(%arg10 : memref<!tpu.dma_semaphore, #tpu.memory_space<semaphore_mem>>)
    }
    %scan3A_41 = arith.constant 16 : i32
    %dma_wait3A = arith.constant 0 : i32
    %dma_wait3A_42 = tpu.memref_slice %arg4[%select_n3A, %mul3A_34, %dma_wait3A] : memref<4x16384x384xf32, #tpu.memory_space<hbm>> -> memref<1x64x384xf32, #tpu.memory_space<hbm>>
    %dma_wait3A_43 = tpu.memref_squeeze %dma_wait3A_42 : memref<1x64x384xf32, #tpu.memory_space<hbm>> -> memref<64x384xf32, #tpu.memory_space<hbm>>
    %dma_wait3A_44 = arith.constant 0 : i32
    %dma_wait3A_45 = tpu.memref_slice %arg4[%select_n3A, %mul3A_34, %dma_wait3A_44] : memref<4x16384x384xf32, #tpu.memory_space<hbm>> -> memref<1x64x384xf32, #tpu.memory_space<hbm>>
    %dma_wait3A_46 = tpu.memref_squeeze %dma_wait3A_45 : memref<1x64x384xf32, #tpu.memory_space<hbm>> -> memref<64x384xf32, #tpu.memory_space<hbm>>
    tpu.wait_dma2 semaphore(%arg9 : memref<!tpu.dma_semaphore, #tpu.memory_space<semaphore_mem>>) src(%arg7 : memref<64x384xf32, #tpu.memory_space<vmem>>) dst(%dma_wait3A_46 : memref<64x384xf32, #tpu.memory_space<hbm>>)
    %dma_wait3A_47 = arith.constant 0 : i32
    %dma_wait3A_48 = tpu.memref_slice %arg4[%select_n3A, %mul3A_34, %dma_wait3A_47] : memref<4x16384x384xf32, #tpu.memory_space<hbm>> -> memref<1x64x384xf32, #tpu.memory_space<hbm>>
    %dma_wait3A_49 = tpu.memref_squeeze %dma_wait3A_48 : memref<1x64x384xf32, #tpu.memory_space<hbm>> -> memref<64x384xf32, #tpu.memory_space<hbm>>
    %dma_wait3A_50 = arith.constant 0 : i32
    %dma_wait3A_51 = tpu.memref_slice %arg4[%select_n3A, %mul3A_34, %dma_wait3A_50] : memref<4x16384x384xf32, #tpu.memory_space<hbm>> -> memref<1x64x384xf32, #tpu.memory_space<hbm>>
    %dma_wait3A_52 = tpu.memref_squeeze %dma_wait3A_51 : memref<1x64x384xf32, #tpu.memory_space<hbm>> -> memref<64x384xf32, #tpu.memory_space<hbm>>
    tpu.wait_dma2 semaphore(%arg10 : memref<!tpu.dma_semaphore, #tpu.memory_space<semaphore_mem>>) src(%arg8 : memref<64x384xf32, #tpu.memory_space<vmem>>) dst(%dma_wait3A_52 : memref<64x384xf32, #tpu.memory_space<hbm>>)
    return
  }
}

module attributes {stable_mosaic.version = 14 : i64} {
  func.func @_project_tables_body(%arg0: memref<64x128xf32, #tpu.memory_space<vmem>>, %arg1: memref<64x128xf32, #tpu.memory_space<vmem>>, %arg2: memref<64x128xf32, #tpu.memory_space<vmem>>, %arg3: memref<384x384xf32, #tpu.memory_space<vmem>>, %arg4: memref<1x384xf32, #tpu.memory_space<vmem>>, %arg5: memref<192x384xf32, #tpu.memory_space<vmem>>) attributes {dimension_semantics = [], scalar_prefetch = 0 : i64, scratch_operands = 0 : i64, tpu.core_type = #tpu.core_type<tc>} {
    %get3A = arith.constant 0 : index
    %get3A_0 = arith.constant 0 : index
    %get3A_1 = vector.load %arg4[%get3A, %get3A_0] : memref<1x384xf32, #tpu.memory_space<vmem>>, vector<1x384xf32>
    %get3A_2 = vector.shape_cast %get3A_1 : vector<1x384xf32> to vector<384xf32>
    %get3A_3 = arith.constant 0 : index
    %get3A_4 = arith.constant 0 : index
    %get3A_5 = vector.load %arg0[%get3A_3, %get3A_4] : memref<64x128xf32, #tpu.memory_space<vmem>>, vector<64x128xf32>
    %get3A_6 = arith.constant 0 : index
    %get3A_7 = arith.constant 0 : index
    %get3A_8 = vector.load %arg3[%get3A_6, %get3A_7] : memref<384x384xf32, #tpu.memory_space<vmem>>, vector<128x384xf32>
    %dot_general3A = arith.constant dense<0.000000e+00> : vector<64x384xf32>
    %dot_general3A_9 = tpu.matmul %get3A_5, %get3A_8, %dot_general3A {dimension_numbers = #tpu.dot_dimension_numbers<[1], [0], [0], [1], [0, 0, 1, 1], [], []>, transpose_lhs_hint = false} : vector<64x128xf32>, vector<128x384xf32>, vector<64x384xf32> -> vector<64x384xf32>
    %get3A_10 = arith.constant 0 : index
    %get3A_11 = arith.constant 0 : index
    %get3A_12 = vector.load %arg1[%get3A_10, %get3A_11] : memref<64x128xf32, #tpu.memory_space<vmem>>, vector<64x128xf32>
    %get3A_13 = arith.constant 128 : index
    %get3A_14 = arith.constant 0 : index
    %get3A_15 = vector.load %arg3[%get3A_13, %get3A_14] : memref<384x384xf32, #tpu.memory_space<vmem>>, vector<128x384xf32>
    %dot_general3A_16 = arith.constant dense<0.000000e+00> : vector<64x384xf32>
    %dot_general3A_17 = tpu.matmul %get3A_12, %get3A_15, %dot_general3A_16 {dimension_numbers = #tpu.dot_dimension_numbers<[1], [0], [0], [1], [0, 0, 1, 1], [], []>, transpose_lhs_hint = false} : vector<64x128xf32>, vector<128x384xf32>, vector<64x384xf32> -> vector<64x384xf32>
    %get3A_18 = arith.constant 0 : index
    %get3A_19 = arith.constant 0 : index
    %get3A_20 = vector.load %arg2[%get3A_18, %get3A_19] : memref<64x128xf32, #tpu.memory_space<vmem>>, vector<64x128xf32>
    %get3A_21 = arith.constant 256 : index
    %get3A_22 = arith.constant 0 : index
    %get3A_23 = vector.load %arg3[%get3A_21, %get3A_22] : memref<384x384xf32, #tpu.memory_space<vmem>>, vector<128x384xf32>
    %dot_general3A_24 = arith.constant dense<0.000000e+00> : vector<64x384xf32>
    %dot_general3A_25 = tpu.matmul %get3A_20, %get3A_23, %dot_general3A_24 {dimension_numbers = #tpu.dot_dimension_numbers<[1], [0], [0], [1], [0, 0, 1, 1], [], []>, transpose_lhs_hint = false} : vector<64x128xf32>, vector<128x384xf32>, vector<64x384xf32> -> vector<64x384xf32>
    %broadcast_in_dim3A = vector.shape_cast %get3A_2 : vector<384xf32> to vector<1x384xf32>
    %add3A = vector.broadcast %broadcast_in_dim3A : vector<1x384xf32> to vector<64x384xf32>
    %add3A_26 = arith.addf %dot_general3A_9, %add3A : vector<64x384xf32>
    %swap3A = arith.constant 0 : index
    %swap3A_27 = arith.constant 0 : index
    %swap3A_28 = vector.load %arg5[%swap3A, %swap3A_27] : memref<192x384xf32, #tpu.memory_space<vmem>>, vector<64x384xf32>
    tpu.vector_store %arg5[%swap3A, %swap3A_27], %add3A_26 {strides = array<i32>} : memref<192x384xf32, #tpu.memory_space<vmem>>, vector<64x384xf32>,
    %swap3A_29 = arith.constant 64 : index
    %swap3A_30 = arith.constant 0 : index
    %swap3A_31 = vector.load %arg5[%swap3A_29, %swap3A_30] : memref<192x384xf32, #tpu.memory_space<vmem>>, vector<64x384xf32>
    tpu.vector_store %arg5[%swap3A_29, %swap3A_30], %dot_general3A_17 {strides = array<i32>} : memref<192x384xf32, #tpu.memory_space<vmem>>, vector<64x384xf32>,
    %swap3A_32 = arith.constant 128 : index
    %swap3A_33 = arith.constant 0 : index
    %swap3A_34 = vector.load %arg5[%swap3A_32, %swap3A_33] : memref<192x384xf32, #tpu.memory_space<vmem>>, vector<64x384xf32>
    tpu.vector_store %arg5[%swap3A_32, %swap3A_33], %dot_general3A_25 {strides = array<i32>} : memref<192x384xf32, #tpu.memory_space<vmem>>, vector<64x384xf32>,
    return
  }
}

</mosaic_0001>

<sc_bundles>
// kernel: kernel.4.cloned.1.call-start
scs
__scs_entry_jumppad:
0x0: {  	(pc) =	sbr.rel $0x88, $3  }
0x1: {  	(tag) =	ssettag $0x0;
	lr =	simm.s32 $0x1  }
0x2: {  	[smem:$0x3F9B] =	sst lr;
	_ =	strace $0xD0000000  }
0x3: {  	_ = 	snop  }
0x4: {  	_ = 	snop  }
0x5: {  	_ = 	snop  }
0x6: {  	_ = 	snop  }
0x7: {  	_ = 	snop  }
__scs_overlays_trampoline_lowered:
0x8: {  	[smem:$0x3FAA] =	sst s0  }
0x9: {  	[smem:$0x3FAB] =	sst s1  }
0xa: {  	[smem:$0x3FAC] =	sst s2  }
0xb: {  	[smem:$0x3FAD] =	sst s3  }
0xc: {  	[smem:$0x3FAE] =	sst s4  }
0xd: {  	[smem:$0x3FAF] =	sst s5  }
0xe: {  	[smem:$0x3FB0] =	sst s6  }
0xf: {  	[smem:$0x3FB1] =	sst s7  }
0x10: {  	[smem:$0x3FB2] =	sst s8  }
0x11: {  	[smem:$0x3FB3] =	sst s9;
	s0 =	simm.s32 @!p0 $0x0  }
0x12: {  	s1 =	sld [smem:$0x3F99];
	s0 =	simm.s32 @p0 $0x1  }
0x13: {  	[smem:$0x3FB4] =	sst s0;
	s0 =	simm.s32 @!p1 $0x0  }
0x14: {  	s2 =	sld [smem:$0x3F98];
	s0 =	simm.s32 @p1 $0x1  }
0x15: {  	[smem:$0x3FB5] =	sst s0;
	s0 =	simm.s32 @!p2 $0x0  }
0x16: {  	s3 =	sld [smem:$0x3FDB];
	s0 =	simm.s32 @p2 $0x1  }
0x17: {  	s4 =	simm.s32 $0x1BF5;
	[smem:$0x3FB7] =	sst s0  }
0x18: {  	s0 =	sld [smem:$0x3F9A];
	_ =	swait.ge [sflag:s4], $0x0  }
0x19: {  	s7 =	sld [smem:$0x3F9B]  }
0x1a: {  	s8 =	sadd.s32 $0xFFFFE003, lr  }
0x1b: {  	s9 =	sadd.s32 $0xFFFFFEF7, lr;
	s5 =	simm.s32 $0xFFFFFFFF;
	p2 =	slt.u32 s8, $0xFFFFF086  }
0x1c: {  	p1 =	slt.u32 s9, $0xF7A;
	s5 =	simm.s32 @!p2 $0x0  }
0x1d: {  	s5 =	simm.s32 @p1 $0x1;
	p0 =	seq.s32 s7, s2  }
0x1e: {  	s7 =	smul.u32 @!p0 $0xF7A, s2;
	p2 =	seq.s32 @!p0 s5, $0x0  }
0x1f: {  	s9 =	smul.u32 $0xF7A, s1;
	s8 =	simm.s32 @!p0 $0x1BF5;
	p2 =	por !p2, p0  }
0x20: {  	[sflag:s8] =	ssyncset.s32 @!p0 $0xFFFFF086;
	s6 =	sadd.s32 @!p0 s3, s7;
	s7 =	simm.s32 @!p0 $0x108  }
0x21: {  	s3 =	sadd.s32 s3, s9;
	s6 =	sadd.s32 @!p0 $0x88, s6;
	s7 =	simm.s32 @p2 $0x1082  }
0x22: {  	[simem:s7], [sflag:s8] =	dma.local @!p0 [hbm:s6], $0xF7A  }
0x23: {  	s9 =	sor.u32 $0xD0000000, s2;
	s6 =	simm.s32 $0x108;
	_ =	swait.ge @!p0 [sflag:s8], $0x0  }
0x24: {  	s3 =	sadd.s32 $0x88, s3;
	s6 =	simm.s32 @!p1 $0x1082;
	[sflag:s4] =	ssyncset.s32 $0xFFFFF086  }
0x25: {  	[simem:s6], [sflag:s4] =	dma.local [hbm:s3], $0xF7A  }
0x26: {  	[smem:$0x3F9B] =	sst s1;
	(tag) =	ssettag s2;
	_ =	strace s9  }
0x27: {  	s1 =	sld [smem:$0x3FAB]  }
0x28: {  	s2 =	sld [smem:$0x3FAC]  }
0x29: {  	s4 =	sld [smem:$0x3FAE]  }
0x2a: {  	p0 =	seq.s32 s5, $0x0;
	s5 =	sld [smem:$0x3FAF]  }
0x2b: {  	s6 =	sld [smem:$0x3FB0]  }
0x2c: {  	s7 =	sld [smem:$0x3FB1]  }
0x2d: {  	s3 =	simm.s32 $0x108;
	s8 =	sld [smem:$0x3FB2]  }
0x2e: {  	s3 =	simm.s32 @!p0 $0x1082;
	s9 =	sld [smem:$0x3FB3]  }
0x2f: {  	lr =	sadd.s32 s0, s3;
	s0 =	sld [smem:$0x3FAA]  }
0x30: {  	s3 =	sld [smem:$0x3FAD]  }
0x31: {  	[smem:$0x3FB6] =	sst s10  }
0x32: {  	s10 =	sld [smem:$0x3FB4];
	_ =	sdelay $0x3  }
0x33: {  	p0 =	seq.s32 s10, $0x1;
	s10 =	sld [smem:$0x3FB6];
	_ =	sdelay $0x3  }
0x34: {  	[smem:$0x3FB6] =	sst s10  }
0x35: {  	s10 =	sld [smem:$0x3FB5];
	_ =	sdelay $0x3  }
0x36: {  	p1 =	seq.s32 s10, $0x1;
	s10 =	sld [smem:$0x3FB6];
	_ =	sdelay $0x3  }
0x37: {  	[smem:$0x3FB6] =	sst s10  }
0x38: {  	s10 =	sld [smem:$0x3FB7]  }
0x39: {  	_ = 	snop;
	(pc) =	sbr.ind lr, $3  }
0x3a: {  	_ = 	snop  }
0x3b: {  	_ = 	snop  }
0x3c: {  	p2 =	seq.s32 s10, $0x1;
	s10 =	sld [smem:$0x3FB6]  }
0x3d: {  	_ =	shalt  }
0x3e: {  	_ =	shalt  }
0x3f: {  	_ =	shalt  }
0x40: {  	_ =	shalt  }
0x41: {  	_ =	shalt  }
0x42: {  	_ =	shalt  }
0x43: {  	_ =	shalt  }
0x44: {  	_ =	shalt  }
0x45: {  	_ =	shalt  }
0x46: {  	_ =	shalt  }
0x47: {  	_ =	shalt  }
0x48: {  	_ =	shalt  }
0x49: {  	_ =	shalt  }
0x4a: {  	_ =	shalt  }
0x4b: {  	_ =	shalt  }
0x4c: {  	_ =	shalt  }
0x4d: {  	_ =	shalt  }
0x4e: {  	_ =	shalt  }
0x4f: {  	_ =	shalt  }
0x50: {  	_ =	shalt  }
0x51: {  	_ =	shalt  }
0x52: {  	_ =	shalt  }
0x53: {  	_ =	shalt  }
0x54: {  	_ =	shalt  }
0x55: {  	_ =	shalt  }
0x56: {  	_ =	shalt  }
0x57: {  	_ =	shalt  }
0x58: {  	_ =	shalt  }
0x59: {  	_ =	shalt  }
0x5a: {  	_ =	shalt  }
0x5b: {  	_ =	shalt  }
0x5c: {  	_ =	shalt  }
0x5d: {  	_ =	shalt  }
0x5e: {  	_ =	shalt  }
0x5f: {  	_ =	shalt  }
0x60: {  	_ =	shalt  }
0x61: {  	_ =	shalt  }
0x62: {  	_ =	shalt  }
0x63: {  	_ =	shalt  }
0x64: {  	_ =	shalt  }
0x65: {  	_ =	shalt  }
0x66: {  	_ =	shalt  }
0x67: {  	_ =	shalt  }
0x68: {  	_ =	shalt  }
0x69: {  	_ =	shalt  }
0x6a: {  	_ =	shalt  }
0x6b: {  	_ =	shalt  }
0x6c: {  	_ =	shalt  }
0x6d: {  	_ =	shalt  }
0x6e: {  	_ =	shalt  }
0x6f: {  	_ =	shalt  }
0x70: {  	_ =	shalt  }
0x71: {  	_ =	shalt  }
0x72: {  	_ =	shalt  }
0x73: {  	_ =	shalt  }
0x74: {  	_ =	shalt  }
0x75: {  	_ =	shalt  }
0x76: {  	_ =	shalt  }
0x77: {  	_ =	shalt  }
0x78: {  	_ =	shalt  }
0x79: {  	_ =	shalt  }
0x7a: {  	_ =	shalt  }
0x7b: {  	_ =	shalt  }
0x7c: {  	_ =	shalt  }
0x7d: {  	_ =	shalt  }
0x7e: {  	_ =	shalt  }
0x7f: {  	_ =	shalt  }
0x80: {  	_ =	shalt  }
0x81: {  	_ =	shalt  }
0x82: {  	_ =	shalt  }
0x83: {  	_ =	shalt  }
0x84: {  	_ =	shalt  }
0x85: {  	_ =	shalt  }
0x86: {  	_ =	shalt  }
0x87: {  	_ =	shalt  }
.Lfunc_end0:
.L_simem_size_0:
called_computation_lowered:
.L_overlay_start_0:
0x88: {  	s2 =	sld [smem:$0x3FD9]  }
0x89: {  	s3 =	sld [smem:$0x3FFE];
	_ =	sdelay $0x1  }
0x8a: {  	s1 =	srdreg.scid  }
0x8b: {  	s0 =	sand.u32 $0x1, s1  }
0x8c: {  	s17 =	sshll.u32 s0, $0xA;
	s2 =	sadd.s32 s3, s2  }
0x8d: {  	s2 =	sadd.s32 s2, s17  }
0x8e: {  	[smem:$0x3FC2] =	sst s2  }
0x8f: {  	_ = 	snop  }
0x90: {  	s2 =	sld [smem:$0x3FD0];
	(tm) =	ssettm $0x1  }
0x91: {  	s18 =	sld [smem:$0x3FFB];
	_ =	sdelay $0x3  }
0x92: {  	_ =	strace s18  }
0x93: {  	s3 =	sld [smem:$0x3FFC];
	_ =	sdelay $0x3  }
0x94: {  	_ =	strace s3  }
0x95: {  	s3 =	sld [smem:$0x3FFD];
	_ =	sdelay $0x3  }
0x96: {  	_ =	strace s3  }
0x97: {  	_ =	strace $0x8FFFFFFF  }
0x98: {  	s19 =	sld [smem:$0x3FDB];
	_ =	sdelay $0x1  }
0x99: {  	s4 =	simm.s32 $_scs_section_size  }
0x9a: {  	s5 =	simm.s32 $_size__tile_overlayer_lowered;
	s6 =	simm.s32 $_tile_overlayer_lowered  }
0x9b: {  	s22 =	simm.s32 $0x1BFF;
	s21 =	sshll.u32 s6, $0x1;
	s3 =	sadd.s32 s4, s19  }
0x9c: {  	s7 =	simm.s32 $0x0;
	s20 =	sshll.u32 s5, $0x1;
	s5 =	sadd.s32 s21, s3  }
0x9d: {  	[timem:s7], [sflag:s22] =	dma.local [hbm:s5], s20  }
0x9e: {  	_ =	swait.ge [sflag:s22], s20  }
0x9f: {  	s4 =	ssub.s32 $0x0, s20;
	[sflag:s22] =	ssyncset.done $0x0  }
0xa0: {  	[sflag:s22] =	ssyncadd.s32 s4;
	_ =	sdelay $0x1  }
0xa1: {  	s23 =	simm.s32 $0x1B8B  }
0xa2: {  	_ =	swait.ge [sflag:s23], $0x1  }
0xa3: {  	[sflag:s23] =	ssyncset.done $0x0  }
0xa4: {  	s25 =	simm.s32 $0x1B8E;
	s24 =	sld [smem:$0x3FFE];
	[sflag:s23] =	ssyncadd.s32 $0xFFFFFFFF  }
0xa5: {  	s26 =	simm.s32 $execute0_lowered;
	[smem:$0x3FD2] =	sst s25  }
0xa6: {  	s5 =	sshll.u32 s26, $0x1;
	_ =	strace $0x80000046;
	[dreg:$0x1] =	wrdreg $0xFFFFFFFF  }
0xa7: {  	s28 =	simm.s32 $_size_execute0_lowered;
	s3 =	sadd.s32 s3, s5;
	[dreg:$0x0] =	wrdreg $0x0  }
0xa8: {  	s5 =	sshll.u32 s28, $0x1;
	[dreg:$0x2] =	wrdreg s3  }
0xa9: {  	[dreg:$0x3] =	wrdreg s5  }
0xaa: {  	[dreg:$0x4] =	wrdreg $0xC0  }
0xab: {  	_ =	task [dreg:s7], $0x5FFFF  }
0xac: {  	[dreg:$0x1] =	wrdreg $0xFFFFFFFF  }
0xad: {  	[dreg:$0x0] =	wrdreg $0x60  }
0xae: {  	[dreg:$0x2] =	wrdreg s24  }
0xaf: {  	[dreg:$0x3] =	wrdreg s2  }
0xb0: {  	[dreg:$0x4] =	wrdreg $0x9  }
0xb1: {  	_ =	task.clear_ibuf [dreg:s7], $0x5FFFF;
	_ =	strace $0x90000046  }
0xb2: {  	s29 =	simm.s32 $0x9;
	_ =	strace $0x80000048  }
0xb3: {  	_ =	swait.ge [sflag:s29], $0x1  }
0xb4: {  	[sflag:s29] =	ssyncadd.s32 $0xFFFFFFFF  }
0xb5: {  	_ =	strace $0x90000048  }
0xb6: {  	_ =	sfence  }
0xb7: {  	s30 =	sld [smem:$0x0];
	_ =	sdelay $0x2  }
0xb8: {  	s31 =	sshll.u32 s1, $0xD;
	s1 =	sshrl.u32 s1, $0x2  }
0xb9: {  	s3 =	sand.u32 $0x4000, s31;
	s1 =	sadd.s32 s1, s30  }
0xba: {  	s0 =	sor.u32 s3, s0;
	s1 =	sshll.u32 s1, $0x11  }
0xbb: {  	s0 =	sor.u32 s1, s0  }
0xbc: {  	s0 =	sadd.s32 $0x8F2B, s0  }
0xbd: {  	[sflag:s0] =	ssyncadd.remote.s32 $0x1  }
0xbe: {  	_ =	sfence.sel $0xFFFF  }
0xbf: {  	[dreg:$0x0] =	wrdreg $0xFFFFFFFF;
	(pc) =	sbr.abs _section_cstart, $3  }
0xc0: {  	[dreg:$0x1] =	wrdreg $0xFFFFFFFF  }
0xc1: {  	_ =	task.clear_ibuf [dreg:s7], $0x2FFFF;
	_ =	strace $0x9FFFFFFF  }
0xc2: {  	(tm) =	ssettm $0x7FFFFFFF  }
0xc3: {  	_ =	shalt  }
tec
execute0_lowered:
.L_overlay_start_1:
0x0: {  	(tag) =	ssettag $0x1  }
0x1: {  	s0 =	srdreg.scid;
	s2 =	stileid.u32  }
0x2: {  	s0 =	sand.u32 $0x1, s0;
	s3 =	sshll.u32 s2, $0x1  }
0x3: {  	s1 =	rddreg [dreg:$0x0];
	s26 =	simm.s32 $0x0;
	s4 =	sor.u32 s0, s3  }
0x4: {  	[smem:$0x7FF] =	sst s26;
	s0 =	ssub.s32 $0x2, s0;
	s5 =	smul.u32 $0x300, s4  }
0x5: {  	s30 =	sshrl.u32 s2, $0x2;
	s2 =	simm.s32 $0x0;
	s28 =	sshrl.u32 s0, $0x1  }
0x6: {  	s0 =	ssub.s32 s0, s28;
	s6 =	sadd.s32 s5, s1;
	s1 =	sadd.s32 $0x600, s1  }
0x7: {  	_ =	strace $0x80000047;
	s0 =	smax.u32 s0, $0x1;
	[dreg:$0x3] =	wrdreg s1  }
0x8: {  	s29 =	sshll.u32 s4, $0xB;
	s31 =	sadd.s32 $0x1800, s6;
	[dreg:$0x5] =	wrdreg s0  }
0x9: {  	s7 =	smul.u32 $0x600000, s30;
	s5 =	sand.u32 $0x3800, s29;
	[dreg:$0x4] =	wrdreg s31  }
.LBB2_1:
0xa: {  	[dreg:$0x6] =	wrdreg s2  }
0xb: {  	s0 =	simm.s32 $0x0;
	s1 =	rddreg [dreg:$0x4];
	s30 =	simm.s32 $0x3  }
0xc: {  	[tilespmem:s0], [sflag:$0x3] =	stream.linear.gather [hbm4b:s1+s0], $0x1800, $0x38;
	[tilespmem:$0x16880] =	vst v63  }
0xd: {  	_ =	swait.ge [sflag:s30], $0x1800  }
0xe: {  	[sflag:s30] =	ssyncset.done $0x0  }
0xf: {  	s3 =	simm.s32 $0x1880;
	s31 =	rddreg [dreg:$0x3];
	[sflag:s30] =	ssyncadd.s32 $0xFFFFE800  }
0x10: {  	[tilespmem:s3], [sflag:$0x3] =	stream.linear.gather [hbm4b:s31+s0], $0x9000, $0x38;
	[tilespmem:$0x16880] =	vst v63  }
0x11: {  	_ =	swait.ge [sflag:s30], $0x9000  }
0x12: {  	s16 =	simm.s32 $0xC;
	[sflag:s30] =	ssyncset.done $0x0  }
0x13: {  	s17 =	simm.s32 $0xCC;
	s18 =	simm.s32 $0x0;
	[sflag:s30] =	ssyncadd.s32 $0xFFFF7000  }
.LBB2_2:
0x14: {  	p0 =	seq.s32 s18, $0x0  }
0x15: {  	s0 =	simm.s32 @!p0 $0x1  }
0x16: {  	s1 =	smul.u32 $0x600, s18;
	_ =	swait.ge @!p0 [sflag:s0], $0x6000  }
0x17: {  	[sflag:s0] =	ssyncset.done @!p0 $0x0  }
0x18: {  	s29 =	sshra.s32 s1, $0x2;
	[sflag:s0] =	ssyncadd.s32 @!p0 $0xFFFFA000  }
0x19: {  	v0 =	vld [tilespmem:s29+$0x0];
	_ =	sdelay $0x4  }
0x1a: {  	(v2sf) =	vpush v0, $0x0  }
0x1b: {  	(v2sf) =	vpush v0, $0x1  }
0x1c: {  	(v2sf) =	vpush v0, $0x2  }
0x1d: {  	(v2sf) =	vpush v0, $0x3;
	_ =	sdelay $0x1  }
0x1e: {  	(v2sf) =	vpush v0, $0x4  }
0x1f: {  	(v2sf) =	vpush v0, $0x5  }
0x20: {  	(v2sf) =	vpush v0, $0x6;
	_ =	sdelay $0x1  }
0x21: {  	(v2sf) =	vpush v0, $0x7  }
0x22: {  	(v2sf) =	vpush v0, $0x8  }
0x23: {  	(v2sf) =	vpush v0, $0x9;
	_ =	sdelay $0x1  }
0x24: {  	(v2sf) =	vpush v0, $0xA;
	_ =	sdelay $0x1  }
0x25: {  	s0 =	spop (v2sf);
	(v2sf) =	vpush v0, $0xB  }
0x26: {  	s1 =	spop (v2sf)  }
0x27: {  	p1 =	sgt.s32 s0, $0x0;
	s4 =	spop (v2sf)  }
0x28: {  	s0 =	simm.s32 @!p1 $0x0;
	p1 =	sgt.s32 s1, $0x0;
	s6 =	spop (v2sf)  }
0x29: {  	s1 =	simm.s32 @!p1 $0x0;
	p1 =	sgt.s32 s4, $0x0;
	s14 =	smin.u32 s0, $0x3F  }
0x2a: {  	s13 =	spop (v2sf);
	s4 =	simm.s32 @!p1 $0x0;
	p1 =	sgt.s32 s6, $0x0  }
0x2b: {  	s8 =	smin.u32 s1, $0x3F;
	s15 =	spop (v2sf);
	s6 =	simm.s32 @!p1 $0x0  }
0x2c: {  	p1 =	sgt.s32 s13, $0x0;
	s9 =	smin.u32 s4, $0x3F;
	s19 =	spop (v2sf)  }
0x2d: {  	s13 =	simm.s32 @!p1 $0x0;
	p1 =	sgt.s32 s15, $0x0;
	s10 =	smin.u32 s6, $0x3F  }
0x2e: {  	s20 =	spop (v2sf);
	s15 =	simm.s32 @!p1 $0x0;
	p1 =	sgt.s32 s19, $0x0  }
0x2f: {  	s4 =	smin.u32 s13, $0x3F;
	s21 =	spop (v2sf);
	s19 =	simm.s32 @!p1 $0x0  }
0x30: {  	p1 =	sgt.s32 s20, $0x0;
	s6 =	smin.u32 s15, $0x3F;
	s22 =	spop (v2sf)  }
0x31: {  	s20 =	simm.s32 @!p1 $0x0;
	p1 =	sgt.s32 s21, $0x0;
	s31 =	smin.u32 s19, $0x3F  }
0x32: {  	s19 =	sshll.u32 s18, $0x7;
	s23 =	spop (v2sf);
	s21 =	simm.s32 @!p1 $0x0  }
0x33: {  	p1 =	sgt.s32 s22, $0x0;
	s0 =	smin.u32 s20, $0x3F;
	s20 =	smov.u32 s16  }
0x34: {  	s22 =	simm.s32 @!p1 $0x0;
	p1 =	sgt.s32 s23, $0x0;
	s13 =	spop (v2sf)  }
0x35: {  	s1 =	smin.u32 s21, $0x3F;
	s23 =	simm.s32 @!p1 $0x0;
	p1 =	sgt.s32 s13, $0x0  }
0x36: {  	s21 =	simm.s32 $0x0;
	s24 =	smin.u32 s22, $0x3F;
	s13 =	simm.s32 @!p1 $0x0  }
0x37: {  	s22 =	simm.s32 $0x0;
	s25 =	smin.u32 s23, $0x3F;
	s30 =	smin.u32 s13, $0x3F  }
.LBB2_3:
0x38: {  	s13 =	smul.u32 $0xC0, s8  }
0x39: {  	s8 =	smul.u32 $0xC0, s9  }
0x3a: {  	s14 =	smul.u32 $0xC0, s14;
	s2 =	sadd.s32 $0x3000, s13  }
0x3b: {  	s9 =	sand.u32 $0x40, s13;
	s15 =	sand.u32 $0x7F80, s2  }
0x3c: {  	s23 =	sadd.s32 $0x6000, s8;
	v1 =	vld [tilespmem:s14+$0x1880];
	s15 =	sor.u32 s9, s15  }
0x3d: {  	s23 =	sand.u32 $0xFF80, s23;
	v2 =	vld [tilespmem:s15+$0x1880];
	s15 =	sand.u32 $0x40, s8  }
0x3e: {  	s23 =	sor.u32 s15, s23  }
0x3f: {  	v3 =	vld [tilespmem:s23+$0x1880]  }
0x40: {  	v4 =	vld [tilespmem:s14+$0x1890]  }
0x41: {  	s3 =	sshrl.u32 s22, $0x1;
	v5 =	vld [tilespmem:s13+$0x4890]  }
0x42: {  	s23 =	smul.u32 $0x3000, s3;
	v1 =	vadd.bf16 v2, v1  }
0x43: {  	v28 =	vld [tilespmem:s8+$0x7890]  }
0x44: {  	v6 =	vld [tilespmem:s14+$0x18A0];
	s23 =	sshra.s32 s23, $0x2;
	v1 =	vadd.bf16 v3, v1  }
0x45: {  	s29 =	sand.u32 $0x200, s21;
	v29 =	vld [tilespmem:s13+$0x48A0];
	s28 =	sadd.s32 $0xA880, s23  }
0x46: {  	v0 =	vld [tilespmem:s20+$0x0];
	v4 =	vadd.bf16 v5, v4;
	s26 =	sor.u32 s29, s28;
	v8 =	vunpack.i.l.bf16.f32 v1  }
0x47: {  	v7 =	vld [tilespmem:s8+$0x78A0];
	v1 =	vunpack.i.u.bf16.f32 v1;
	[tilespmem:s26+$0x0] =	vst v8  }
0x48: {  	v2 =	vadd.bf16 v28, v4;
	[tilespmem:s26+$0x10] =	vst v1  }
0x49: {  	v1 =	vld [tilespmem:s14+$0x18B0]  }
0x4a: {  	v32 =	vunpack.i.l.bf16.f32 v2;
	v3 =	vadd.bf16 v29, v6;
	v30 =	vld [tilespmem:s13+$0x48B0]  }
0x4b: {  	v2 =	vunpack.i.u.bf16.f32 v2;
	v31 =	vld [tilespmem:s8+$0x78B0];
	[tilespmem:s26+$0x20] =	vst v32  }
0x4c: {  	v3 =	vadd.bf16 v7, v3;
	[tilespmem:s26+$0x30] =	vst v2  }
0x4d: {  	v2 =	vld [tilespmem:s14+$0x18C0]  }
0x4e: {  	v35 =	vunpack.i.l.bf16.f32 v3;
	v33 =	vld [tilespmem:s13+$0x48C0]  }
0x4f: {  	v3 =	vunpack.i.u.bf16.f32 v3;
	v34 =	vld [tilespmem:s8+$0x78C0];
	[tilespmem:s26+$0x40] =	vst v35;
	v1 =	vadd.bf16 v30, v1  }
0x50: {  	[tilespmem:s26+$0x50] =	vst v3  }
0x51: {  	v3 =	vld [tilespmem:s14+$0x18D0];
	v1 =	vadd.bf16 v31, v1  }
0x52: {  	v36 =	vld [tilespmem:s13+$0x48D0]  }
0x53: {  	v2 =	vadd.bf16 v33, v2;
	v38 =	vunpack.i.l.bf16.f32 v1  }
0x54: {  	v37 =	vld [tilespmem:s8+$0x78D0];
	v1 =	vunpack.i.u.bf16.f32 v1;
	[tilespmem:s26+$0x60] =	vst v38  }
0x55: {  	v2 =	vadd.bf16 v34, v2;
	[tilespmem:s26+$0x70] =	vst v1  }
0x56: {  	s26 =	sadd.s32 $0xAC80, s23;
	v1 =	vld [tilespmem:s14+$0x18E0]  }
0x57: {  	v3 =	vadd.bf16 v36, v3;
	v41 =	vunpack.i.l.bf16.f32 v2;
	v39 =	vld [tilespmem:s13+$0x48E0];
	s11 =	sor.u32 s29, s26  }
0x58: {  	v2 =	vunpack.i.u.bf16.f32 v2;
	v40 =	vld [tilespmem:s8+$0x78E0];
	[tilespmem:s11+$0x0] =	vst v41  }
0x59: {  	v3 =	vadd.bf16 v37, v3;
	[tilespmem:s11+$0x10] =	vst v2  }
0x5a: {  	v2 =	vld [tilespmem:s14+$0x18F0]  }
0x5b: {  	s12 =	sadd.s32 $0x80, s14;
	v44 =	vunpack.i.l.bf16.f32 v3;
	v42 =	vld [tilespmem:s13+$0x48F0]  }
0x5c: {  	s12 =	sand.u32 $0x7F80, s12;
	s2 =	sand.u32 $0x40, s14;
	s3 =	sadd.s32 $0x3080, s13;
	v3 =	vunpack.i.u.bf16.f32 v3;
	v43 =	vld [tilespmem:s8+$0x78F0];
	[tilespmem:s11+$0x20] =	vst v44;
	v1 =	vadd.bf16 v39, v1  }
0x5d: {  	s2 =	sor.u32 s2, s12;
	s3 =	sand.u32 $0x7F80, s3;
	[tilespmem:s11+$0x30] =	vst v3  }
0x5e: {  	s12 =	sadd.s32 $0x6080, s8;
	s9 =	sor.u32 s9, s3;
	v3 =	vld [tilespmem:s2+$0x1880];
	v1 =	vadd.bf16 v40, v1  }
0x5f: {  	s12 =	sand.u32 $0xFF80, s12;
	v45 =	vld [tilespmem:s9+$0x1880]  }
0x60: {  	s9 =	sor.u32 s15, s12;
	v2 =	vadd.bf16 v42, v2;
	v47 =	vunpack.i.l.bf16.f32 v1  }
0x61: {  	v46 =	vld [tilespmem:s9+$0x1880];
	v1 =	vunpack.i.u.bf16.f32 v1;
	[tilespmem:s11+$0x40] =	vst v47  }
0x62: {  	v2 =	vadd.bf16 v43, v2;
	[tilespmem:s11+$0x50] =	vst v1  }
0x63: {  	v1 =	vld [tilespmem:s14+$0x1910]  }
0x64: {  	v3 =	vadd.bf16 v45, v3;
	v48 =	vld [tilespmem:s13+$0x4910];
	v50 =	vunpack.i.l.bf16.f32 v2  }
0x65: {  	v49 =	vld [tilespmem:s8+$0x7910];
	v2 =	vunpack.i.u.bf16.f32 v2;
	[tilespmem:s11+$0x60] =	vst v50  }
0x66: {  	v3 =	vadd.bf16 v46, v3;
	[tilespmem:s11+$0x70] =	vst v2  }
0x67: {  	s23 =	sadd.s32 $0xB080, s23;
	v2 =	vld [tilespmem:s14+$0x1920]  }
0x68: {  	s12 =	sor.u32 s29, s23;
	v53 =	vunpack.i.l.bf16.f32 v3;
	v51 =	vld [tilespmem:s13+$0x4920]  }
0x69: {  	v3 =	vunpack.i.u.bf16.f32 v3;
	v52 =	vld [tilespmem:s8+$0x7920];
	[tilespmem:s12+$0x0] =	vst v53;
	v1 =	vadd.bf16 v48, v1  }
0x6a: {  	[tilespmem:s12+$0x10] =	vst v3  }
0x6b: {  	v3 =	vld [tilespmem:s14+$0x1930];
	v1 =	vadd.bf16 v49, v1  }
0x6c: {  	s4 =	smul.u32 $0xC0, s4;
	v54 =	vld [tilespmem:s13+$0x4930]  }
0x6d: {  	s6 =	smul.u32 $0xC0, s6;
	v2 =	vadd.bf16 v51, v2;
	v56 =	vunpack.i.l.bf16.f32 v1  }
0x6e: {  	v55 =	vld [tilespmem:s8+$0x7930];
	s13 =	sadd.s32 $0x3000, s4;
	s8 =	smul.u32 $0xC0, s10;
	v1 =	vunpack.i.u.bf16.f32 v1;
	[tilespmem:s12+$0x20] =	vst v56  }
0x6f: {  	s14 =	sadd.s32 $0x6000, s6;
	s10 =	sand.u32 $0x40, s4;
	s3 =	sand.u32 $0x7F80, s13;
	v2 =	vadd.bf16 v52, v2;
	[tilespmem:s12+$0x30] =	vst v1  }
0x70: {  	s9 =	sand.u32 $0xFF80, s14;
	s13 =	sand.u32 $0x40, s6;
	s3 =	sor.u32 s10, s3;
	v1 =	vld [tilespmem:s8+$0x1880]  }
0x71: {  	s15 =	sor.u32 s13, s9;
	v3 =	vadd.bf16 v54, v3;
	v57 =	vld [tilespmem:s3+$0x1880];
	v59 =	vunpack.i.l.bf16.f32 v2  }
0x72: {  	v58 =	vld [tilespmem:s15+$0x1880];
	v2 =	vunpack.i.u.bf16.f32 v2;
	[tilespmem:s12+$0x40] =	vst v59  }
0x73: {  	v3 =	vadd.bf16 v55, v3;
	[tilespmem:s12+$0x50] =	vst v2  }
0x74: {  	v2 =	vld [tilespmem:s8+$0x1890]  }
0x75: {  	v62 =	vunpack.i.l.bf16.f32 v3;
	v60 =	vld [tilespmem:s4+$0x4890]  }
0x76: {  	v3 =	vunpack.i.u.bf16.f32 v3;
	v61 =	vld [tilespmem:s6+$0x7890];
	[tilespmem:s12+$0x60] =	vst v62;
	v1 =	vadd.bf16 v57, v1  }
0x77: {  	[tilespmem:s12+$0x70] =	vst v3  }
0x78: {  	v3 =	vld [tilespmem:s8+$0x18A0];
	v1 =	vadd.bf16 v58, v1  }
0x79: {  	s14 =	sor.u32 $0x80, s29;
	v63 =	vld [tilespmem:s4+$0x48A0]  }
0x7a: {  	s9 =	sadd.s32 s14, s28;
	v2 =	vadd.bf16 v60, v2;
	v13 =	vunpack.i.l.bf16.f32 v1  }
0x7b: {  	v12 =	vld [tilespmem:s6+$0x78A0];
	v1 =	vunpack.i.u.bf16.f32 v1;
	[tilespmem:s9+$0x0] =	vst v13  }
0x7c: {  	v2 =	vadd.bf16 v61, v2;
	[tilespmem:s9+$0x10] =	vst v1  }
0x7d: {  	v1 =	vld [tilespmem:s8+$0x18B0]  }
0x7e: {  	v3 =	vadd.bf16 v63, v3;
	v14 =	vld [tilespmem:s4+$0x48B0];
	v16 =	vunpack.i.l.bf16.f32 v2  }
0x7f: {  	v15 =	vld [tilespmem:s6+$0x78B0];
	v2 =	vunpack.i.u.bf16.f32 v2;
	[tilespmem:s9+$0x20] =	vst v16  }
0x80: {  	v3 =	vadd.bf16 v12, v3;
	[tilespmem:s9+$0x30] =	vst v2  }
0x81: {  	v2 =	vld [tilespmem:s8+$0x18C0]  }
0x82: {  	v19 =	vunpack.i.l.bf16.f32 v3;
	v17 =	vld [tilespmem:s4+$0x48C0]  }
0x83: {  	v3 =	vunpack.i.u.bf16.f32 v3;
	v18 =	vld [tilespmem:s6+$0x78C0];
	[tilespmem:s9+$0x40] =	vst v19;
	v1 =	vadd.bf16 v14, v1  }
0x84: {  	[tilespmem:s9+$0x50] =	vst v3  }
0x85: {  	v3 =	vld [tilespmem:s8+$0x18D0];
	v1 =	vadd.bf16 v15, v1  }
0x86: {  	v20 =	vld [tilespmem:s4+$0x48D0]  }
0x87: {  	v2 =	vadd.bf16 v17, v2;
	v22 =	vunpack.i.l.bf16.f32 v1  }
0x88: {  	v21 =	vld [tilespmem:s6+$0x78D0];
	v1 =	vunpack.i.u.bf16.f32 v1;
	[tilespmem:s9+$0x60] =	vst v22  }
0x89: {  	v2 =	vadd.bf16 v18, v2;
	[tilespmem:s9+$0x70] =	vst v1  }
0x8a: {  	v1 =	vld [tilespmem:s8+$0x18E0]  }
0x8b: {  	s2 =	sadd.s32 s14, s26;
	v3 =	vadd.bf16 v20, v3;
	v23 =	vld [tilespmem:s4+$0x48E0];
	v25 =	vunpack.i.l.bf16.f32 v2  }
0x8c: {  	v24 =	vld [tilespmem:s6+$0x78E0];
	v2 =	vunpack.i.u.bf16.f32 v2;
	[tilespmem:s2+$0x0] =	vst v25  }
0x8d: {  	v3 =	vadd.bf16 v21, v3;
	[tilespmem:s2+$0x10] =	vst v2  }
0x8e: {  	v2 =	vld [tilespmem:s8+$0x18F0]  }
0x8f: {  	s11 =	sadd.s32 $0x80, s8;
	v28 =	vunpack.i.l.bf16.f32 v3;
	v26 =	vld [tilespmem:s4+$0x48F0]  }
0x90: {  	s3 =	sand.u32 $0x7F80, s11;
	s15 =	sadd.s32 $0x3080, s4;
	s12 =	sand.u32 $0x40, s8;
	v3 =	vunpack.i.u.bf16.f32 v3;
	v27 =	vld [tilespmem:s6+$0x78F0];
	[tilespmem:s2+$0x20] =	vst v28;
	v1 =	vadd.bf16 v23, v1  }
0x91: {  	s3 =	sor.u32 s12, s3;
	s12 =	sand.u32 $0x7F80, s15;
	[tilespmem:s2+$0x30] =	vst v3  }
0x92: {  	s15 =	sadd.s32 $0x6080, s6;
	s12 =	sor.u32 s10, s12;
	v3 =	vld [tilespmem:s3+$0x1880];
	v1 =	vadd.bf16 v24, v1  }
0x93: {  	s15 =	sand.u32 $0xFF80, s15;
	v29 =	vld [tilespmem:s12+$0x1880]  }
0x94: {  	s10 =	sor.u32 s13, s15;
	v2 =	vadd.bf16 v26, v2;
	v31 =	vunpack.i.l.bf16.f32 v1  }
0x95: {  	v30 =	vld [tilespmem:s10+$0x1880];
	v1 =	vunpack.i.u.bf16.f32 v1;
	[tilespmem:s2+$0x40] =	vst v31  }
0x96: {  	v2 =	vadd.bf16 v27, v2;
	[tilespmem:s2+$0x50] =	vst v1  }
0x97: {  	v1 =	vld [tilespmem:s8+$0x1910]  }
0x98: {  	v3 =	vadd.bf16 v29, v3;
	v32 =	vld [tilespmem:s4+$0x4910];
	v34 =	vunpack.i.l.bf16.f32 v2  }
0x99: {  	v33 =	vld [tilespmem:s6+$0x7910];
	v2 =	vunpack.i.u.bf16.f32 v2;
	[tilespmem:s2+$0x60] =	vst v34  }
0x9a: {  	v3 =	vadd.bf16 v30, v3;
	[tilespmem:s2+$0x70] =	vst v2  }
0x9b: {  	v2 =	vld [tilespmem:s8+$0x1920]  }
0x9c: {  	s11 =	sadd.s32 s14, s23;
	v37 =	vunpack.i.l.bf16.f32 v3;
	v35 =	vld [tilespmem:s4+$0x4920]  }
0x9d: {  	v3 =	vunpack.i.u.bf16.f32 v3;
	v36 =	vld [tilespmem:s6+$0x7920];
	[tilespmem:s11+$0x0] =	vst v37;
	v1 =	vadd.bf16 v32, v1  }
0x9e: {  	[tilespmem:s11+$0x10] =	vst v3  }
0x9f: {  	v3 =	vld [tilespmem:s8+$0x1930];
	v1 =	vadd.bf16 v33, v1  }
0xa0: {  	s0 =	smul.u32 $0xC0, s0;
	v38 =	vld [tilespmem:s4+$0x4930]  }
0xa1: {  	s4 =	smul.u32 $0xC0, s1;
	v2 =	vadd.bf16 v35, v2;
	v40 =	vunpack.i.l.bf16.f32 v1  }
0xa2: {  	s12 =	sadd.s32 $0x3000, s0;
	v39 =	vld [tilespmem:s6+$0x7930];
	s1 =	smul.u32 $0xC0, s31;
	v1 =	vunpack.i.u.bf16.f32 v1;
	[tilespmem:s11+$0x20] =	vst v40  }
0xa3: {  	s3 =	sand.u32 $0x7F80, s12;
	s6 =	sand.u32 $0x40, s0;
	s13 =	sadd.s32 $0x6000, s4;
	v2 =	vadd.bf16 v36, v2;
	[tilespmem:s11+$0x30] =	vst v1  }
0xa4: {  	s3 =	sor.u32 s6, s3;
	s8 =	sand.u32 $0x40, s4;
	s14 =	sand.u32 $0xFF80, s13;
	v1 =	vld [tilespmem:s1+$0x1880]  }
0xa5: {  	s15 =	sor.u32 s8, s14;
	v3 =	vadd.bf16 v38, v3;
	v41 =	vld [tilespmem:s3+$0x1880];
	v43 =	vunpack.i.l.bf16.f32 v2  }
0xa6: {  	v42 =	vld [tilespmem:s15+$0x1880];
	v2 =	vunpack.i.u.bf16.f32 v2;
	[tilespmem:s11+$0x40] =	vst v43  }
0xa7: {  	v3 =	vadd.bf16 v39, v3;
	[tilespmem:s11+$0x50] =	vst v2  }
0xa8: {  	v2 =	vld [tilespmem:s1+$0x1890]  }
0xa9: {  	v46 =	vunpack.i.l.bf16.f32 v3;
	v44 =	vld [tilespmem:s0+$0x4890]  }
0xaa: {  	v3 =	vunpack.i.u.bf16.f32 v3;
	v45 =	vld [tilespmem:s4+$0x7890];
	[tilespmem:s11+$0x60] =	vst v46;
	v1 =	vadd.bf16 v41, v1  }
0xab: {  	[tilespmem:s11+$0x70] =	vst v3  }
0xac: {  	v3 =	vld [tilespmem:s1+$0x18A0];
	v1 =	vadd.bf16 v42, v1  }
0xad: {  	s10 =	sor.u32 $0x100, s29;
	v47 =	vld [tilespmem:s0+$0x48A0]  }
0xae: {  	s9 =	sor.u32 s10, s28;
	v2 =	vadd.bf16 v44, v2;
	v49 =	vunpack.i.l.bf16.f32 v1  }
0xaf: {  	v48 =	vld [tilespmem:s4+$0x78A0];
	v1 =	vunpack.i.u.bf16.f32 v1;
	[tilespmem:s9+$0x0] =	vst v49  }
0xb0: {  	v2 =	vadd.bf16 v45, v2;
	[tilespmem:s9+$0x10] =	vst v1  }
0xb1: {  	v1 =	vld [tilespmem:s1+$0x18B0]  }
0xb2: {  	v3 =	vadd.bf16 v47, v3;
	v50 =	vld [tilespmem:s0+$0x48B0];
	v52 =	vunpack.i.l.bf16.f32 v2  }
0xb3: {  	v51 =	vld [tilespmem:s4+$0x78B0];
	v2 =	vunpack.i.u.bf16.f32 v2;
	[tilespmem:s9+$0x20] =	vst v52  }
0xb4: {  	v3 =	vadd.bf16 v48, v3;
	[tilespmem:s9+$0x30] =	vst v2  }
0xb5: {  	v2 =	vld [tilespmem:s1+$0x18C0]  }
0xb6: {  	v55 =	vunpack.i.l.bf16.f32 v3;
	v53 =	vld [tilespmem:s0+$0x48C0]  }
0xb7: {  	v3 =	vunpack.i.u.bf16.f32 v3;
	v54 =	vld [tilespmem:s4+$0x78C0];
	[tilespmem:s9+$0x40] =	vst v55;
	v1 =	vadd.bf16 v50, v1  }
0xb8: {  	[tilespmem:s9+$0x50] =	vst v3  }
0xb9: {  	v3 =	vld [tilespmem:s1+$0x18D0];
	v1 =	vadd.bf16 v51, v1  }
0xba: {  	v56 =	vld [tilespmem:s0+$0x48D0]  }
0xbb: {  	v2 =	vadd.bf16 v53, v2;
	v58 =	vunpack.i.l.bf16.f32 v1  }
0xbc: {  	v57 =	vld [tilespmem:s4+$0x78D0];
	v1 =	vunpack.i.u.bf16.f32 v1;
	[tilespmem:s9+$0x60] =	vst v58  }
0xbd: {  	v2 =	vadd.bf16 v54, v2;
	[tilespmem:s9+$0x70] =	vst v1  }
0xbe: {  	v1 =	vld [tilespmem:s1+$0x18E0]  }
0xbf: {  	s2 =	sor.u32 s10, s26;
	v3 =	vadd.bf16 v56, v3;
	v59 =	vld [tilespmem:s0+$0x48E0];
	v61 =	vunpack.i.l.bf16.f32 v2  }
0xc0: {  	v60 =	vld [tilespmem:s4+$0x78E0];
	v2 =	vunpack.i.u.bf16.f32 v2;
	[tilespmem:s2+$0x0] =	vst v61  }
0xc1: {  	v3 =	vadd.bf16 v57, v3;
	[tilespmem:s2+$0x10] =	vst v2  }
0xc2: {  	v2 =	vld [tilespmem:s1+$0x18F0]  }
0xc3: {  	s11 =	sadd.s32 $0x80, s1;
	v12 =	vunpack.i.l.bf16.f32 v3;
	v62 =	vld [tilespmem:s0+$0x48F0]  }
0xc4: {  	s12 =	sand.u32 $0x40, s1;
	s13 =	sadd.s32 $0x3080, s0;
	s3 =	sand.u32 $0x7F80, s11;
	v3 =	vunpack.i.u.bf16.f32 v3;
	v63 =	vld [tilespmem:s4+$0x78F0];
	[tilespmem:s2+$0x20] =	vst v12;
	v1 =	vadd.bf16 v59, v1  }
0xc5: {  	s14 =	sand.u32 $0x7F80, s13;
	s3 =	sor.u32 s12, s3;
	[tilespmem:s2+$0x30] =	vst v3  }
0xc6: {  	s15 =	sadd.s32 $0x6080, s4;
	s9 =	sor.u32 s6, s14;
	v3 =	vld [tilespmem:s3+$0x1880];
	v1 =	vadd.bf16 v60, v1  }
0xc7: {  	s12 =	sand.u32 $0xFF80, s15;
	v13 =	vld [tilespmem:s9+$0x1880]  }
0xc8: {  	s13 =	sor.u32 s8, s12;
	v2 =	vadd.bf16 v62, v2;
	v15 =	vunpack.i.l.bf16.f32 v1  }
0xc9: {  	v14 =	vld [tilespmem:s13+$0x1880];
	v1 =	vunpack.i.u.bf16.f32 v1;
	[tilespmem:s2+$0x40] =	vst v15  }
0xca: {  	v2 =	vadd.bf16 v63, v2;
	[tilespmem:s2+$0x50] =	vst v1  }
0xcb: {  	v1 =	vld [tilespmem:s1+$0x1910]  }
0xcc: {  	v3 =	vadd.bf16 v13, v3;
	v16 =	vld [tilespmem:s0+$0x4910];
	v18 =	vunpack.i.l.bf16.f32 v2  }
0xcd: {  	v17 =	vld [tilespmem:s4+$0x7910];
	v2 =	vunpack.i.u.bf16.f32 v2;
	[tilespmem:s2+$0x60] =	vst v18  }
0xce: {  	v3 =	vadd.bf16 v14, v3;
	[tilespmem:s2+$0x70] =	vst v2  }
0xcf: {  	v2 =	vld [tilespmem:s1+$0x1920]  }
0xd0: {  	s14 =	sor.u32 s10, s23;
	v21 =	vunpack.i.l.bf16.f32 v3;
	v19 =	vld [tilespmem:s0+$0x4920]  }
0xd1: {  	v3 =	vunpack.i.u.bf16.f32 v3;
	v20 =	vld [tilespmem:s4+$0x7920];
	[tilespmem:s14+$0x0] =	vst v21;
	v1 =	vadd.bf16 v16, v1  }
0xd2: {  	[tilespmem:s14+$0x10] =	vst v3  }
0xd3: {  	v3 =	vld [tilespmem:s1+$0x1930];
	v1 =	vadd.bf16 v17, v1  }
0xd4: {  	s1 =	smul.u32 $0xC0, s25;
	v22 =	vld [tilespmem:s0+$0x4930]  }
0xd5: {  	s0 =	smul.u32 $0xC0, s30;
	v2 =	vadd.bf16 v19, v2;
	v24 =	vunpack.i.l.bf16.f32 v1  }
0xd6: {  	v23 =	vld [tilespmem:s4+$0x7930];
	s4 =	smul.u32 $0xC0, s24;
	s15 =	sadd.s32 $0x3000, s1;
	v1 =	vunpack.i.u.bf16.f32 v1;
	[tilespmem:s14+$0x20] =	vst v24  }
0xd7: {  	s24 =	sadd.s32 $0x6000, s0;
	s8 =	sand.u32 $0x40, s1;
	s3 =	sand.u32 $0x7F80, s15;
	v2 =	vadd.bf16 v20, v2;
	[tilespmem:s14+$0x30] =	vst v1  }
0xd8: {  	s10 =	sand.u32 $0x40, s0;
	s6 =	sand.u32 $0xFF80, s24;
	s3 =	sor.u32 s8, s3;
	v1 =	vld [tilespmem:s4+$0x1880]  }
0xd9: {  	s25 =	sor.u32 s10, s6;
	v3 =	vadd.bf16 v22, v3;
	v25 =	vld [tilespmem:s3+$0x1880];
	v27 =	vunpack.i.l.bf16.f32 v2  }
0xda: {  	v26 =	vld [tilespmem:s25+$0x1880];
	v2 =	vunpack.i.u.bf16.f32 v2;
	[tilespmem:s14+$0x40] =	vst v27  }
0xdb: {  	v3 =	vadd.bf16 v23, v3;
	[tilespmem:s14+$0x50] =	vst v2  }
0xdc: {  	v2 =	vld [tilespmem:s4+$0x1890]  }
0xdd: {  	v30 =	vunpack.i.l.bf16.f32 v3;
	v28 =	vld [tilespmem:s1+$0x4890]  }
0xde: {  	v3 =	vunpack.i.u.bf16.f32 v3;
	v29 =	vld [tilespmem:s0+$0x7890];
	[tilespmem:s14+$0x60] =	vst v30;
	v1 =	vadd.bf16 v25, v1  }
0xdf: {  	[tilespmem:s14+$0x70] =	vst v3  }
0xe0: {  	v3 =	vld [tilespmem:s4+$0x18A0];
	v1 =	vadd.bf16 v26, v1  }
0xe1: {  	s6 =	sor.u32 $0x180, s29;
	v31 =	vld [tilespmem:s1+$0x48A0]  }
0xe2: {  	s28 =	sadd.s32 s6, s28;
	v2 =	vadd.bf16 v28, v2;
	v33 =	vunpack.i.l.bf16.f32 v1  }
0xe3: {  	v32 =	vld [tilespmem:s0+$0x78A0];
	v1 =	vunpack.i.u.bf16.f32 v1;
	[tilespmem:s28+$0x0] =	vst v33  }
0xe4: {  	v2 =	vadd.bf16 v29, v2;
	[tilespmem:s28+$0x10] =	vst v1  }
0xe5: {  	v1 =	vld [tilespmem:s4+$0x18B0]  }
0xe6: {  	v3 =	vadd.bf16 v31, v3;
	v34 =	vld [tilespmem:s1+$0x48B0];
	v36 =	vunpack.i.l.bf16.f32 v2  }
0xe7: {  	v35 =	vld [tilespmem:s0+$0x78B0];
	v2 =	vunpack.i.u.bf16.f32 v2;
	[tilespmem:s28+$0x20] =	vst v36  }
0xe8: {  	v3 =	vadd.bf16 v32, v3;
	[tilespmem:s28+$0x30] =	vst v2  }
0xe9: {  	v2 =	vld [tilespmem:s4+$0x18C0]  }
0xea: {  	v39 =	vunpack.i.l.bf16.f32 v3;
	v37 =	vld [tilespmem:s1+$0x48C0]  }
0xeb: {  	v3 =	vunpack.i.u.bf16.f32 v3;
	v38 =	vld [tilespmem:s0+$0x78C0];
	[tilespmem:s28+$0x40] =	vst v39;
	v1 =	vadd.bf16 v34, v1  }
0xec: {  	[tilespmem:s28+$0x50] =	vst v3  }
0xed: {  	v3 =	vld [tilespmem:s4+$0x18D0];
	v1 =	vadd.bf16 v35, v1  }
0xee: {  	(v2sf) =	vpush v0, $0x0;
	v40 =	vld [tilespmem:s1+$0x48D0]  }
0xef: {  	v2 =	vadd.bf16 v37, v2;
	v42 =	vunpack.i.l.bf16.f32 v1  }
0xf0: {  	v41 =	vld [tilespmem:s0+$0x78D0];
	v1 =	vunpack.i.u.bf16.f32 v1;
	[tilespmem:s28+$0x60] =	vst v42  }
0xf1: {  	(v2sf) =	vpush v0, $0x1;
	v2 =	vadd.bf16 v38, v2;
	[tilespmem:s28+$0x70] =	vst v1  }
0xf2: {  	(v2sf) =	vpush v0, $0x2;
	v1 =	vld [tilespmem:s4+$0x18E0]  }
0xf3: {  	(v2sf) =	vpush v0, $0x3;
	s29 =	sadd.s32 s6, s26;
	v3 =	vadd.bf16 v40, v3;
	v43 =	vld [tilespmem:s1+$0x48E0];
	v45 =	vunpack.i.l.bf16.f32 v2  }
0xf4: {  	(v2sf) =	vpush v0, $0x4;
	v44 =	vld [tilespmem:s0+$0x78E0];
	v2 =	vunpack.i.u.bf16.f32 v2;
	[tilespmem:s29+$0x0] =	vst v45  }
0xf5: {  	v3 =	vadd.bf16 v41, v3;
	[tilespmem:s29+$0x10] =	vst v2  }
0xf6: {  	(v2sf) =	vpush v0, $0x5;
	v2 =	vld [tilespmem:s4+$0x18F0]  }
0xf7: {  	(v2sf) =	vpush v0, $0x6;
	s12 =	sadd.s32 $0x80, s4;
	v48 =	vunpack.i.l.bf16.f32 v3;
	v46 =	vld [tilespmem:s1+$0x48F0]  }
0xf8: {  	(v2sf) =	vpush v0, $0x7;
	s13 =	sand.u32 $0x40, s4;
	s3 =	sand.u32 $0x7F80, s12;
	s14 =	sadd.s32 $0x3080, s1;
	v3 =	vunpack.i.u.bf16.f32 v3;
	v47 =	vld [tilespmem:s0+$0x78F0];
	[tilespmem:s29+$0x20] =	vst v48;
	v1 =	vadd.bf16 v43, v1  }
0xf9: {  	s3 =	sor.u32 s13, s3;
	s15 =	sand.u32 $0x7F80, s14;
	[tilespmem:s29+$0x30] =	vst v3  }
0xfa: {  	(v2sf) =	vpush v0, $0x8;
	s24 =	sadd.s32 $0x6080, s0;
	s25 =	sor.u32 s8, s15;
	v3 =	vld [tilespmem:s3+$0x1880];
	v1 =	vadd.bf16 v44, v1  }
0xfb: {  	(v2sf) =	vpush v0, $0x9;
	s26 =	sand.u32 $0xFF80, s24;
	v49 =	vld [tilespmem:s25+$0x1880]  }
0xfc: {  	(v2sf) =	vpush v0, $0xA;
	s28 =	sor.u32 s10, s26;
	v2 =	vadd.bf16 v46, v2;
	v51 =	vunpack.i.l.bf16.f32 v1  }
0xfd: {  	v50 =	vld [tilespmem:s28+$0x1880];
	s3 =	spop (v2sf);
	(v2sf) =	vpush v0, $0xB;
	v1 =	vunpack.i.u.bf16.f32 v1;
	[tilespmem:s29+$0x40] =	vst v51  }
0xfe: {  	v2 =	vadd.bf16 v47, v2;
	[tilespmem:s29+$0x50] =	vst v1  }
0xff: {  	v1 =	vld [tilespmem:s4+$0x1910]  }
0x100: {  	s8 =	spop (v2sf);
	v3 =	vadd.bf16 v49, v3;
	v52 =	vld [tilespmem:s1+$0x4910];
	v54 =	vunpack.i.l.bf16.f32 v2  }
0x101: {  	p1 =	sgt.s32 s3, $0x0;
	s9 =	spop (v2sf);
	v53 =	vld [tilespmem:s0+$0x7910];
	v2 =	vunpack.i.u.bf16.f32 v2;
	[tilespmem:s29+$0x60] =	vst v54  }
0x102: {  	s3 =	simm.s32 @!p1 $0x0;
	p1 =	sgt.s32 s8, $0x0;
	s10 =	spop (v2sf);
	v56 =	vadd.bf16 v50, v3;
	[tilespmem:s29+$0x70] =	vst v2  }
0x103: {  	s8 =	simm.s32 @!p1 $0x0;
	p1 =	sgt.s32 s9, $0x0;
	s11 =	spop (v2sf);
	v55 =	vld [tilespmem:s4+$0x1920]  }
0x104: {  	s9 =	simm.s32 @!p1 $0x0;
	p1 =	sgt.s32 s10, $0x0;
	v7 =	vunpack.i.l.bf16.f32 v56;
	s29 =	sadd.s32 s6, s23;
	v57 =	vld [tilespmem:s1+$0x4920]  }
0x105: {  	s2 =	spop (v2sf);
	s10 =	simm.s32 @!p1 $0x0;
	p1 =	sgt.s32 s11, $0x0;
	v2 =	vunpack.i.u.bf16.f32 v56;
	v58 =	vld [tilespmem:s0+$0x7920];
	[tilespmem:s29+$0x0] =	vst v7  }
0x106: {  	s12 =	spop (v2sf);
	s11 =	simm.s32 @!p1 $0x0;
	p1 =	sgt.s32 s2, $0x0;
	[tilespmem:s29+$0x10] =	vst v2  }
0x107: {  	s15 =	spop (v2sf);
	s2 =	simm.s32 @!p1 $0x0;
	p1 =	sgt.s32 s12, $0x0;
	v2 =	vld [tilespmem:s4+$0x1930]  }
0x108: {  	s12 =	simm.s32 @!p1 $0x0;
	p1 =	sgt.s32 s15, $0x0;
	v7 =	vld [tilespmem:s1+$0x4930]  }
0x109: {  	s23 =	spop (v2sf);
	s15 =	simm.s32 @!p1 $0x0;
	v1 =	vadd.bf16 v52, v1  }
0x10a: {  	s6 =	smin.u32 s2, $0x3F;
	s24 =	spop (v2sf);
	p1 =	sgt.s32 s23, $0x0;
	v59 =	vld [tilespmem:s0+$0x7930]  }
0x10b: {  	s25 =	spop (v2sf);
	s23 =	simm.s32 @!p1 $0x0;
	p1 =	sgt.s32 s24, $0x0;
	v1 =	vadd.bf16 v53, v1;
	v0 =	vadd.bf16 v57, v55  }
0x10c: {  	s24 =	simm.s32 @!p1 $0x0;
	p1 =	sgt.s32 s25, $0x0;
	s2 =	spop (v2sf)  }
0x10d: {  	s25 =	simm.s32 @!p1 $0x0;
	v2 =	vadd.bf16 v7, v2;
	p1 =	sgt.s32 s2, $0x0;
	v60 =	vunpack.i.l.bf16.f32 v1;
	v0 =	vadd.bf16 v58, v0  }
0x10e: {  	v1 =	vunpack.i.u.bf16.f32 v1;
	s2 =	simm.s32 @!p1 $0x0;
	p1 =	sne.s32 s21, $0x1E00;
	[tilespmem:s29+$0x20] =	vst v60  }
.Ltmp0:
0x10f: {  	s22 =	sadd.s32 $0x1, s22;
	s20 =	sadd.s32 $0xC, s20;
	[tilespmem:s29+$0x30] =	vst v1;
	v2 =	vadd.bf16 v59, v2;
	v61 =	vunpack.i.l.bf16.f32 v0;
	(pc) =	sbr.rel @p1 .LBB2_3-.Ltmp0, $4  }
0x110: {  	s14 =	smin.u32 s3, $0x3F;
	s8 =	smin.u32 s8, $0x3F;
	s9 =	smin.u32 s9, $0x3F;
	v0 =	vunpack.i.u.bf16.f32 v0;
	[tilespmem:s29+$0x40] =	vst v61  }
0x111: {  	s10 =	smin.u32 s10, $0x3F;
	s31 =	smin.u32 s12, $0x3F;
	s4 =	smin.u32 s11, $0x3F;
	[tilespmem:s29+$0x50] =	vst v0;
	v62 =	vunpack.i.l.bf16.f32 v2  }
0x112: {  	s0 =	smin.u32 s15, $0x3F;
	s1 =	smin.u32 s23, $0x3F;
	s24 =	smin.u32 s24, $0x3F;
	v63 =	vunpack.i.u.bf16.f32 v2;
	[tilespmem:s29+$0x60] =	vst v62  }
0x113: {  	s25 =	smin.u32 s25, $0x3F;
	s21 =	sadd.s32 $0x200, s21;
	s30 =	smin.u32 s2, $0x3F;
	[tilespmem:s29+$0x70] =	vst v63  }
0x114: {  	s0 =	sadd.s32 s5, s19  }
0x115: {  	s0 =	sshrl.u32 s0, $0x3  }
0x116: {  	s0 =	smul.u32 $0xC00, s0;
	_ =	sdelay $0x1  }
0x117: {  	s0 =	sadd.s32 s7, s0  }
0x118: {  	s1 =	rddreg [dreg:$0x1];
	s0 =	sshrl.u32 s0, $0x3  }
0x119: {  	s26 =	simm.s32 $0x0;
	s2 =	simm.s32 $0xA880;
	s0 =	sadd.s32 s1, s0  }
0x11a: {  	[hbm4b:s0+s26] =	stream.linear.scatter [tilespmem:s2], [sflag:$0x1], $0x6000, $0x38;
	[tilespmem:$0x16880] =	vst v63  }
0x11b: {  	s13 =	sshllo.u32 s18, $0x1;
	s0 =	simm.s32 @!p0 $0x2  }
0x11c: {  	s28 =	smul.u32 $0x300, s13;
	_ =	swait.ge @!p0 [sflag:s0], $0x6000  }
0x11d: {  	[sflag:s0] =	ssyncset.done @!p0 $0x0  }
0x11e: {  	s29 =	sshra.s32 s28, $0x2;
	[sflag:s0] =	ssyncadd.s32 @!p0 $0xFFFFA000  }
0x11f: {  	v0 =	vld [tilespmem:s29+$0x0];
	_ =	sdelay $0x4  }
0x120: {  	(v2sf) =	vpush v0, $0x0;
	_ =	sdelay $0x1  }
0x121: {  	(v2sf) =	vpush v0, $0x1  }
0x122: {  	(v2sf) =	vpush v0, $0x2  }
0x123: {  	(v2sf) =	vpush v0, $0x3  }
0x124: {  	(v2sf) =	vpush v0, $0x4;
	_ =	sdelay $0x1  }
0x125: {  	(v2sf) =	vpush v0, $0x5  }
0x126: {  	(v2sf) =	vpush v0, $0x6  }
0x127: {  	(v2sf) =	vpush v0, $0x7;
	_ =	sdelay $0x1  }
0x128: {  	(v2sf) =	vpush v0, $0x8  }
0x129: {  	(v2sf) =	vpush v0, $0x9  }
0x12a: {  	(v2sf) =	vpush v0, $0xA;
	_ =	sdelay $0x1  }
0x12b: {  	s0 =	spop (v2sf);
	(v2sf) =	vpush v0, $0xB;
	_ =	sdelay $0x1  }
0x12c: {  	s22 =	simm.s32 $0x0;
	s1 =	spop (v2sf);
	p0 =	sgt.s32 s0, $0x0  }
0x12d: {  	s2 =	spop (v2sf);
	s0 =	simm.s32 @!p0 $0x0;
	p0 =	sgt.s32 s1, $0x0  }
0x12e: {  	s21 =	simm.s32 $0x0;
	s3 =	spop (v2sf);
	s1 =	simm.s32 @!p0 $0x0  }
0x12f: {  	p0 =	sgt.s32 s2, $0x0;
	s14 =	smin.u32 s0, $0x3F;
	s4 =	spop (v2sf)  }
0x130: {  	s2 =	simm.s32 @!p0 $0x0;
	p0 =	sgt.s32 s3, $0x0;
	s8 =	smin.u32 s1, $0x3F  }
0x131: {  	s6 =	spop (v2sf);
	s3 =	simm.s32 @!p0 $0x0;
	p0 =	sgt.s32 s4, $0x0  }
0x132: {  	s9 =	smin.u32 s2, $0x3F;
	s11 =	spop (v2sf);
	s4 =	simm.s32 @!p0 $0x0  }
0x133: {  	p0 =	sgt.s32 s6, $0x0;
	s10 =	smin.u32 s3, $0x3F;
	s12 =	spop (v2sf)  }
0x134: {  	s6 =	simm.s32 @!p0 $0x0;
	p0 =	sgt.s32 s11, $0x0;
	s4 =	smin.u32 s4, $0x3F  }
0x135: {  	s15 =	spop (v2sf);
	s11 =	simm.s32 @!p0 $0x0;
	p0 =	sgt.s32 s12, $0x0  }
0x136: {  	s6 =	smin.u32 s6, $0x3F;
	s19 =	spop (v2sf);
	s12 =	simm.s32 @!p0 $0x0  }
0x137: {  	p0 =	sgt.s32 s15, $0x0;
	s31 =	smin.u32 s11, $0x3F;
	s20 =	spop (v2sf)  }
0x138: {  	s15 =	simm.s32 @!p0 $0x0;
	p0 =	sgt.s32 s19, $0x0;
	s1 =	smin.u32 s12, $0x3F  }
0x139: {  	s19 =	simm.s32 @!p0 $0x0;
	p0 =	sgt.s32 s20, $0x0;
	s2 =	spop (v2sf)  }
0x13a: {  	s0 =	smin.u32 s15, $0x3F;
	s20 =	simm.s32 @!p0 $0x0;
	p0 =	sgt.s32 s2, $0x0  }
0x13b: {  	s24 =	smin.u32 s19, $0x3F;
	s19 =	sshll.u32 s13, $0x6;
	s2 =	simm.s32 @!p0 $0x0  }
0x13c: {  	s25 =	smin.u32 s20, $0x3F;
	s20 =	smov.u32 s17;
	s30 =	smin.u32 s2, $0x3F  }
.LBB2_5:
0x13d: {  	s8 =	smul.u32 $0xC0, s8  }
0x13e: {  	s13 =	smul.u32 $0xC0, s9  }
0x13f: {  	s14 =	smul.u32 $0xC0, s14;
	s2 =	sadd.s32 $0x3000, s8  }
0x140: {  	s9 =	sand.u32 $0x40, s8;
	s2 =	sand.u32 $0x7F80, s2  }
0x141: {  	s3 =	sadd.s32 $0x6000, s13;
	v1 =	vld [tilespmem:s14+$0x1880];
	s2 =	sor.u32 s9, s2  }
0x142: {  	s15 =	sand.u32 $0x40, s13;
	s29 =	sand.u32 $0xFF80, s3;
	v2 =	vld [tilespmem:s2+$0x1880]  }
0x143: {  	s2 =	sor.u32 s15, s29  }
0x144: {  	v3 =	vld [tilespmem:s2+$0x1880]  }
0x145: {  	v4 =	vld [tilespmem:s14+$0x1890]  }
0x146: {  	v5 =	vld [tilespmem:s8+$0x4890];
	s3 =	sshrl.u32 s22, $0x1  }
0x147: {  	s2 =	smul.u32 $0x3000, s3;
	v1 =	vadd.bf16 v2, v1  }
0x148: {  	v28 =	vld [tilespmem:s13+$0x7890]  }
0x149: {  	v6 =	vld [tilespmem:s14+$0x18A0];
	s23 =	sshra.s32 s2, $0x2;
	v1 =	vadd.bf16 v3, v1  }
0x14a: {  	v29 =	vld [tilespmem:s8+$0x48A0];
	s29 =	sand.u32 $0x200, s21;
	s28 =	sadd.s32 $0x10880, s23  }
0x14b: {  	v0 =	vld [tilespmem:s20+$0x0];
	v4 =	vadd.bf16 v5, v4;
	s11 =	sor.u32 s29, s28;
	v8 =	vunpack.i.l.bf16.f32 v1  }
0x14c: {  	v7 =	vld [tilespmem:s13+$0x78A0];
	v1 =	vunpack.i.u.bf16.f32 v1;
	[tilespmem:s11+$0x0] =	vst v8  }
0x14d: {  	v2 =	vadd.bf16 v28, v4;
	[tilespmem:s11+$0x10] =	vst v1  }
0x14e: {  	v1 =	vld [tilespmem:s14+$0x18B0]  }
0x14f: {  	v32 =	vunpack.i.l.bf16.f32 v2;
	v3 =	vadd.bf16 v29, v6;
	v30 =	vld [tilespmem:s8+$0x48B0]  }
0x150: {  	v2 =	vunpack.i.u.bf16.f32 v2;
	v31 =	vld [tilespmem:s13+$0x78B0];
	[tilespmem:s11+$0x20] =	vst v32  }
0x151: {  	v3 =	vadd.bf16 v7, v3;
	[tilespmem:s11+$0x30] =	vst v2  }
0x152: {  	v2 =	vld [tilespmem:s14+$0x18C0]  }
0x153: {  	v35 =	vunpack.i.l.bf16.f32 v3;
	v33 =	vld [tilespmem:s8+$0x48C0]  }
0x154: {  	v3 =	vunpack.i.u.bf16.f32 v3;
	v34 =	vld [tilespmem:s13+$0x78C0];
	[tilespmem:s11+$0x40] =	vst v35;
	v1 =	vadd.bf16 v30, v1  }
0x155: {  	[tilespmem:s11+$0x50] =	vst v3  }
0x156: {  	v3 =	vld [tilespmem:s14+$0x18D0];
	v1 =	vadd.bf16 v31, v1  }
0x157: {  	v36 =	vld [tilespmem:s8+$0x48D0]  }
0x158: {  	v2 =	vadd.bf16 v33, v2;
	v38 =	vunpack.i.l.bf16.f32 v1  }
0x159: {  	v37 =	vld [tilespmem:s13+$0x78D0];
	v1 =	vunpack.i.u.bf16.f32 v1;
	[tilespmem:s11+$0x60] =	vst v38  }
0x15a: {  	v2 =	vadd.bf16 v34, v2;
	[tilespmem:s11+$0x70] =	vst v1  }
0x15b: {  	s26 =	sadd.s32 $0x10C80, s23;
	v1 =	vld [tilespmem:s14+$0x18E0]  }
0x15c: {  	s2 =	sor.u32 s29, s26;
	v3 =	vadd.bf16 v36, v3;
	v41 =	vunpack.i.l.bf16.f32 v2;
	v39 =	vld [tilespmem:s8+$0x48E0]  }
0x15d: {  	v2 =	vunpack.i.u.bf16.f32 v2;
	v40 =	vld [tilespmem:s13+$0x78E0];
	[tilespmem:s2+$0x0] =	vst v41  }
0x15e: {  	v3 =	vadd.bf16 v37, v3;
	[tilespmem:s2+$0x10] =	vst v2  }
0x15f: {  	v2 =	vld [tilespmem:s14+$0x18F0]  }
0x160: {  	s12 =	sadd.s32 $0x80, s14;
	v44 =	vunpack.i.l.bf16.f32 v3;
	v42 =	vld [tilespmem:s8+$0x48F0]  }
0x161: {  	s3 =	sand.u32 $0x7F80, s12;
	s12 =	sadd.s32 $0x3080, s8;
	s11 =	sand.u32 $0x40, s14;
	v3 =	vunpack.i.u.bf16.f32 v3;
	v43 =	vld [tilespmem:s13+$0x78F0];
	[tilespmem:s2+$0x20] =	vst v44;
	v1 =	vadd.bf16 v39, v1  }
0x162: {  	s3 =	sor.u32 s11, s3;
	s11 =	sand.u32 $0x7F80, s12;
	[tilespmem:s2+$0x30] =	vst v3  }
0x163: {  	s12 =	sadd.s32 $0x6080, s13;
	s11 =	sor.u32 s9, s11;
	v3 =	vld [tilespmem:s3+$0x1880];
	v1 =	vadd.bf16 v40, v1  }
0x164: {  	s12 =	sand.u32 $0xFF80, s12;
	v45 =	vld [tilespmem:s11+$0x1880]  }
0x165: {  	s11 =	sor.u32 s15, s12;
	v2 =	vadd.bf16 v42, v2;
	v47 =	vunpack.i.l.bf16.f32 v1  }
0x166: {  	v46 =	vld [tilespmem:s11+$0x1880];
	v1 =	vunpack.i.u.bf16.f32 v1;
	[tilespmem:s2+$0x40] =	vst v47  }
0x167: {  	v2 =	vadd.bf16 v43, v2;
	[tilespmem:s2+$0x50] =	vst v1  }
0x168: {  	v1 =	vld [tilespmem:s14+$0x1910]  }
0x169: {  	v3 =	vadd.bf16 v45, v3;
	v50 =	vunpack.i.l.bf16.f32 v2;
	v48 =	vld [tilespmem:s8+$0x4910]  }
0x16a: {  	v2 =	vunpack.i.u.bf16.f32 v2;
	v49 =	vld [tilespmem:s13+$0x7910];
	[tilespmem:s2+$0x60] =	vst v50  }
0x16b: {  	v3 =	vadd.bf16 v46, v3;
	[tilespmem:s2+$0x70] =	vst v2  }
0x16c: {  	s23 =	sadd.s32 $0x11080, s23;
	v2 =	vld [tilespmem:s14+$0x1920]  }
0x16d: {  	s12 =	sor.u32 s29, s23;
	v53 =	vunpack.i.l.bf16.f32 v3;
	v51 =	vld [tilespmem:s8+$0x4920]  }
0x16e: {  	v3 =	vunpack.i.u.bf16.f32 v3;
	v52 =	vld [tilespmem:s13+$0x7920];
	[tilespmem:s12+$0x0] =	vst v53;
	v1 =	vadd.bf16 v48, v1  }
0x16f: {  	[tilespmem:s12+$0x10] =	vst v3  }
0x170: {  	v3 =	vld [tilespmem:s14+$0x1930];
	v1 =	vadd.bf16 v49, v1  }
0x171: {  	s4 =	smul.u32 $0xC0, s4;
	v54 =	vld [tilespmem:s8+$0x4930]  }
0x172: {  	s8 =	smul.u32 $0xC0, s6;
	v2 =	vadd.bf16 v51, v2;
	v56 =	vunpack.i.l.bf16.f32 v1  }
0x173: {  	v55 =	vld [tilespmem:s13+$0x7930];
	s13 =	sadd.s32 $0x3000, s4;
	s6 =	smul.u32 $0xC0, s10;
	v1 =	vunpack.i.u.bf16.f32 v1;
	[tilespmem:s12+$0x20] =	vst v56  }
0x174: {  	s10 =	sand.u32 $0x40, s4;
	s3 =	sand.u32 $0x7F80, s13;
	s14 =	sadd.s32 $0x6000, s8;
	v2 =	vadd.bf16 v52, v2;
	[tilespmem:s12+$0x30] =	vst v1  }
0x175: {  	s3 =	sor.u32 s10, s3;
	s13 =	sand.u32 $0x40, s8;
	s9 =	sand.u32 $0xFF80, s14;
	v1 =	vld [tilespmem:s6+$0x1880]  }
0x176: {  	s15 =	sor.u32 s13, s9;
	v3 =	vadd.bf16 v54, v3;
	v59 =	vunpack.i.l.bf16.f32 v2;
	v57 =	vld [tilespmem:s3+$0x1880]  }
0x177: {  	v2 =	vunpack.i.u.bf16.f32 v2;
	v58 =	vld [tilespmem:s15+$0x1880];
	[tilespmem:s12+$0x40] =	vst v59  }
0x178: {  	v3 =	vadd.bf16 v55, v3;
	[tilespmem:s12+$0x50] =	vst v2  }
0x179: {  	v2 =	vld [tilespmem:s6+$0x1890]  }
0x17a: {  	v62 =	vunpack.i.l.bf16.f32 v3;
	v60 =	vld [tilespmem:s4+$0x4890]  }
0x17b: {  	v3 =	vunpack.i.u.bf16.f32 v3;
	v61 =	vld [tilespmem:s8+$0x7890];
	[tilespmem:s12+$0x60] =	vst v62;
	v1 =	vadd.bf16 v57, v1  }
0x17c: {  	[tilespmem:s12+$0x70] =	vst v3  }
0x17d: {  	v3 =	vld [tilespmem:s6+$0x18A0];
	v1 =	vadd.bf16 v58, v1  }
0x17e: {  	s14 =	sor.u32 $0x80, s29;
	v63 =	vld [tilespmem:s4+$0x48A0]  }
0x17f: {  	s9 =	sadd.s32 s14, s28;
	v2 =	vadd.bf16 v60, v2;
	v13 =	vunpack.i.l.bf16.f32 v1  }
0x180: {  	v12 =	vld [tilespmem:s8+$0x78A0];
	v1 =	vunpack.i.u.bf16.f32 v1;
	[tilespmem:s9+$0x0] =	vst v13  }
0x181: {  	v2 =	vadd.bf16 v61, v2;
	[tilespmem:s9+$0x10] =	vst v1  }
0x182: {  	v1 =	vld [tilespmem:s6+$0x18B0]  }
0x183: {  	v3 =	vadd.bf16 v63, v3;
	v16 =	vunpack.i.l.bf16.f32 v2;
	v14 =	vld [tilespmem:s4+$0x48B0]  }
0x184: {  	v2 =	vunpack.i.u.bf16.f32 v2;
	v15 =	vld [tilespmem:s8+$0x78B0];
	[tilespmem:s9+$0x20] =	vst v16  }
0x185: {  	v3 =	vadd.bf16 v12, v3;
	[tilespmem:s9+$0x30] =	vst v2  }
0x186: {  	v2 =	vld [tilespmem:s6+$0x18C0]  }
0x187: {  	v19 =	vunpack.i.l.bf16.f32 v3;
	v17 =	vld [tilespmem:s4+$0x48C0]  }
0x188: {  	v3 =	vunpack.i.u.bf16.f32 v3;
	v18 =	vld [tilespmem:s8+$0x78C0];
	[tilespmem:s9+$0x40] =	vst v19;
	v1 =	vadd.bf16 v14, v1  }
0x189: {  	[tilespmem:s9+$0x50] =	vst v3  }
0x18a: {  	v3 =	vld [tilespmem:s6+$0x18D0];
	v1 =	vadd.bf16 v15, v1  }
0x18b: {  	v20 =	vld [tilespmem:s4+$0x48D0]  }
0x18c: {  	v2 =	vadd.bf16 v17, v2;
	v22 =	vunpack.i.l.bf16.f32 v1  }
0x18d: {  	v21 =	vld [tilespmem:s8+$0x78D0];
	v1 =	vunpack.i.u.bf16.f32 v1;
	[tilespmem:s9+$0x60] =	vst v22  }
0x18e: {  	v2 =	vadd.bf16 v18, v2;
	[tilespmem:s9+$0x70] =	vst v1  }
0x18f: {  	v1 =	vld [tilespmem:s6+$0x18E0]  }
0x190: {  	s2 =	sadd.s32 s14, s26;
	v3 =	vadd.bf16 v20, v3;
	v25 =	vunpack.i.l.bf16.f32 v2;
	v23 =	vld [tilespmem:s4+$0x48E0]  }
0x191: {  	v2 =	vunpack.i.u.bf16.f32 v2;
	v24 =	vld [tilespmem:s8+$0x78E0];
	[tilespmem:s2+$0x0] =	vst v25  }
0x192: {  	v3 =	vadd.bf16 v21, v3;
	[tilespmem:s2+$0x10] =	vst v2  }
0x193: {  	v2 =	vld [tilespmem:s6+$0x18F0]  }
0x194: {  	s11 =	sadd.s32 $0x80, s6;
	v28 =	vunpack.i.l.bf16.f32 v3;
	v26 =	vld [tilespmem:s4+$0x48F0]  }
0x195: {  	s3 =	sand.u32 $0x7F80, s11;
	s15 =	sadd.s32 $0x3080, s4;
	s12 =	sand.u32 $0x40, s6;
	v3 =	vunpack.i.u.bf16.f32 v3;
	v27 =	vld [tilespmem:s8+$0x78F0];
	[tilespmem:s2+$0x20] =	vst v28;
	v1 =	vadd.bf16 v23, v1  }
0x196: {  	s3 =	sor.u32 s12, s3;
	s12 =	sand.u32 $0x7F80, s15;
	[tilespmem:s2+$0x30] =	vst v3  }
0x197: {  	s15 =	sadd.s32 $0x6080, s8;
	s9 =	sor.u32 s10, s12;
	v3 =	vld [tilespmem:s3+$0x1880];
	v1 =	vadd.bf16 v24, v1  }
0x198: {  	s10 =	sand.u32 $0xFF80, s15;
	v29 =	vld [tilespmem:s9+$0x1880]  }
0x199: {  	s11 =	sor.u32 s13, s10;
	v2 =	vadd.bf16 v26, v2;
	v31 =	vunpack.i.l.bf16.f32 v1  }
0x19a: {  	v30 =	vld [tilespmem:s11+$0x1880];
	v1 =	vunpack.i.u.bf16.f32 v1;
	[tilespmem:s2+$0x40] =	vst v31  }
0x19b: {  	v2 =	vadd.bf16 v27, v2;
	[tilespmem:s2+$0x50] =	vst v1  }
0x19c: {  	v1 =	vld [tilespmem:s6+$0x1910]  }
0x19d: {  	v3 =	vadd.bf16 v29, v3;
	v34 =	vunpack.i.l.bf16.f32 v2;
	v32 =	vld [tilespmem:s4+$0x4910]  }
0x19e: {  	v2 =	vunpack.i.u.bf16.f32 v2;
	v33 =	vld [tilespmem:s8+$0x7910];
	[tilespmem:s2+$0x60] =	vst v34  }
0x19f: {  	v3 =	vadd.bf16 v30, v3;
	[tilespmem:s2+$0x70] =	vst v2  }
0x1a0: {  	v2 =	vld [tilespmem:s6+$0x1920]  }
0x1a1: {  	s12 =	sadd.s32 s14, s23;
	v37 =	vunpack.i.l.bf16.f32 v3;
	v35 =	vld [tilespmem:s4+$0x4920]  }
0x1a2: {  	v3 =	vunpack.i.u.bf16.f32 v3;
	v36 =	vld [tilespmem:s8+$0x7920];
	[tilespmem:s12+$0x0] =	vst v37;
	v1 =	vadd.bf16 v32, v1  }
0x1a3: {  	[tilespmem:s12+$0x10] =	vst v3  }
0x1a4: {  	v3 =	vld [tilespmem:s6+$0x1930];
	v1 =	vadd.bf16 v33, v1  }
0x1a5: {  	s6 =	smul.u32 $0xC0, s1;
	v38 =	vld [tilespmem:s4+$0x4930]  }
0x1a6: {  	s4 =	smul.u32 $0xC0, s0;
	v2 =	vadd.bf16 v35, v2;
	v40 =	vunpack.i.l.bf16.f32 v1  }
0x1a7: {  	v39 =	vld [tilespmem:s8+$0x7930];
	s0 =	smul.u32 $0xC0, s31;
	s1 =	sadd.s32 $0x3000, s6;
	v1 =	vunpack.i.u.bf16.f32 v1;
	[tilespmem:s12+$0x20] =	vst v40  }
0x1a8: {  	s13 =	sadd.s32 $0x6000, s4;
	s14 =	sand.u32 $0x7F80, s1;
	s1 =	sand.u32 $0x40, s6;
	v2 =	vadd.bf16 v36, v2;
	[tilespmem:s12+$0x30] =	vst v1  }
0x1a9: {  	s8 =	sand.u32 $0x40, s4;
	s3 =	sand.u32 $0xFF80, s13;
	s15 =	sor.u32 s1, s14;
	v1 =	vld [tilespmem:s0+$0x1880]  }
0x1aa: {  	s3 =	sor.u32 s8, s3;
	v3 =	vadd.bf16 v38, v3;
	v43 =	vunpack.i.l.bf16.f32 v2;
	v41 =	vld [tilespmem:s15+$0x1880]  }
0x1ab: {  	v2 =	vunpack.i.u.bf16.f32 v2;
	v42 =	vld [tilespmem:s3+$0x1880];
	[tilespmem:s12+$0x40] =	vst v43  }
0x1ac: {  	v3 =	vadd.bf16 v39, v3;
	[tilespmem:s12+$0x50] =	vst v2  }
0x1ad: {  	v2 =	vld [tilespmem:s0+$0x1890]  }
0x1ae: {  	v46 =	vunpack.i.l.bf16.f32 v3;
	v44 =	vld [tilespmem:s6+$0x4890]  }
0x1af: {  	v3 =	vunpack.i.u.bf16.f32 v3;
	v45 =	vld [tilespmem:s4+$0x7890];
	[tilespmem:s12+$0x60] =	vst v46;
	v1 =	vadd.bf16 v41, v1  }
0x1b0: {  	[tilespmem:s12+$0x70] =	vst v3  }
0x1b1: {  	v3 =	vld [tilespmem:s0+$0x18A0];
	v1 =	vadd.bf16 v42, v1  }
0x1b2: {  	s10 =	sor.u32 $0x100, s29;
	v47 =	vld [tilespmem:s6+$0x48A0]  }
0x1b3: {  	s9 =	sor.u32 s10, s28;
	v2 =	vadd.bf16 v44, v2;
	v49 =	vunpack.i.l.bf16.f32 v1  }
0x1b4: {  	v48 =	vld [tilespmem:s4+$0x78A0];
	v1 =	vunpack.i.u.bf16.f32 v1;
	[tilespmem:s9+$0x0] =	vst v49  }
0x1b5: {  	v2 =	vadd.bf16 v45, v2;
	[tilespmem:s9+$0x10] =	vst v1  }
0x1b6: {  	v1 =	vld [tilespmem:s0+$0x18B0]  }
0x1b7: {  	v3 =	vadd.bf16 v47, v3;
	v52 =	vunpack.i.l.bf16.f32 v2;
	v50 =	vld [tilespmem:s6+$0x48B0]  }
0x1b8: {  	v2 =	vunpack.i.u.bf16.f32 v2;
	v51 =	vld [tilespmem:s4+$0x78B0];
	[tilespmem:s9+$0x20] =	vst v52  }
0x1b9: {  	v3 =	vadd.bf16 v48, v3;
	[tilespmem:s9+$0x30] =	vst v2  }
0x1ba: {  	v2 =	vld [tilespmem:s0+$0x18C0]  }
0x1bb: {  	v55 =	vunpack.i.l.bf16.f32 v3;
	v53 =	vld [tilespmem:s6+$0x48C0]  }
0x1bc: {  	v3 =	vunpack.i.u.bf16.f32 v3;
	v54 =	vld [tilespmem:s4+$0x78C0];
	[tilespmem:s9+$0x40] =	vst v55;
	v1 =	vadd.bf16 v50, v1  }
0x1bd: {  	[tilespmem:s9+$0x50] =	vst v3  }
0x1be: {  	v3 =	vld [tilespmem:s0+$0x18D0];
	v1 =	vadd.bf16 v51, v1  }
0x1bf: {  	v56 =	vld [tilespmem:s6+$0x48D0]  }
0x1c0: {  	v2 =	vadd.bf16 v53, v2;
	v58 =	vunpack.i.l.bf16.f32 v1  }
0x1c1: {  	v57 =	vld [tilespmem:s4+$0x78D0];
	v1 =	vunpack.i.u.bf16.f32 v1;
	[tilespmem:s9+$0x60] =	vst v58  }
0x1c2: {  	v2 =	vadd.bf16 v54, v2;
	[tilespmem:s9+$0x70] =	vst v1  }
0x1c3: {  	v1 =	vld [tilespmem:s0+$0x18E0]  }
0x1c4: {  	s2 =	sor.u32 s10, s26;
	v3 =	vadd.bf16 v56, v3;
	v61 =	vunpack.i.l.bf16.f32 v2;
	v59 =	vld [tilespmem:s6+$0x48E0]  }
0x1c5: {  	v2 =	vunpack.i.u.bf16.f32 v2;
	v60 =	vld [tilespmem:s4+$0x78E0];
	[tilespmem:s2+$0x0] =	vst v61  }
0x1c6: {  	v3 =	vadd.bf16 v57, v3;
	[tilespmem:s2+$0x10] =	vst v2  }
0x1c7: {  	v2 =	vld [tilespmem:s0+$0x18F0]  }
0x1c8: {  	s11 =	sadd.s32 $0x80, s0;
	v12 =	vunpack.i.l.bf16.f32 v3;
	v62 =	vld [tilespmem:s6+$0x48F0]  }
0x1c9: {  	s13 =	sadd.s32 $0x3080, s6;
	s3 =	sand.u32 $0x7F80, s11;
	s12 =	sand.u32 $0x40, s0;
	v3 =	vunpack.i.u.bf16.f32 v3;
	v63 =	vld [tilespmem:s4+$0x78F0];
	[tilespmem:s2+$0x20] =	vst v12;
	v1 =	vadd.bf16 v59, v1  }
0x1ca: {  	s14 =	sand.u32 $0x7F80, s13;
	s3 =	sor.u32 s12, s3;
	[tilespmem:s2+$0x30] =	vst v3  }
0x1cb: {  	s1 =	sor.u32 s1, s14;
	s15 =	sadd.s32 $0x6080, s4;
	v3 =	vld [tilespmem:s3+$0x1880];
	v1 =	vadd.bf16 v60, v1  }
0x1cc: {  	s12 =	sand.u32 $0xFF80, s15;
	v13 =	vld [tilespmem:s1+$0x1880]  }
0x1cd: {  	s13 =	sor.u32 s8, s12;
	v2 =	vadd.bf16 v62, v2;
	v15 =	vunpack.i.l.bf16.f32 v1  }
0x1ce: {  	v14 =	vld [tilespmem:s13+$0x1880];
	v1 =	vunpack.i.u.bf16.f32 v1;
	[tilespmem:s2+$0x40] =	vst v15  }
0x1cf: {  	v2 =	vadd.bf16 v63, v2;
	[tilespmem:s2+$0x50] =	vst v1  }
0x1d0: {  	v1 =	vld [tilespmem:s0+$0x1910]  }
0x1d1: {  	v3 =	vadd.bf16 v13, v3;
	v18 =	vunpack.i.l.bf16.f32 v2;
	v16 =	vld [tilespmem:s6+$0x4910]  }
0x1d2: {  	v2 =	vunpack.i.u.bf16.f32 v2;
	v17 =	vld [tilespmem:s4+$0x7910];
	[tilespmem:s2+$0x60] =	vst v18  }
0x1d3: {  	v3 =	vadd.bf16 v14, v3;
	[tilespmem:s2+$0x70] =	vst v2  }
0x1d4: {  	v2 =	vld [tilespmem:s0+$0x1920]  }
0x1d5: {  	s14 =	sor.u32 s10, s23;
	v21 =	vunpack.i.l.bf16.f32 v3;
	v19 =	vld [tilespmem:s6+$0x4920]  }
0x1d6: {  	v3 =	vunpack.i.u.bf16.f32 v3;
	v20 =	vld [tilespmem:s4+$0x7920];
	[tilespmem:s14+$0x0] =	vst v21;
	v1 =	vadd.bf16 v16, v1  }
0x1d7: {  	[tilespmem:s14+$0x10] =	vst v3  }
0x1d8: {  	v3 =	vld [tilespmem:s0+$0x1930];
	v1 =	vadd.bf16 v17, v1  }
0x1d9: {  	s1 =	smul.u32 $0xC0, s25;
	v22 =	vld [tilespmem:s6+$0x4930]  }
0x1da: {  	s0 =	smul.u32 $0xC0, s30;
	v2 =	vadd.bf16 v19, v2;
	v24 =	vunpack.i.l.bf16.f32 v1  }
0x1db: {  	s15 =	sadd.s32 $0x3000, s1;
	v23 =	vld [tilespmem:s4+$0x7930];
	s4 =	smul.u32 $0xC0, s24;
	v1 =	vunpack.i.u.bf16.f32 v1;
	[tilespmem:s14+$0x20] =	vst v24  }
0x1dc: {  	s8 =	sand.u32 $0x40, s1;
	s3 =	sand.u32 $0x7F80, s15;
	s24 =	sadd.s32 $0x6000, s0;
	v2 =	vadd.bf16 v20, v2;
	[tilespmem:s14+$0x30] =	vst v1  }
0x1dd: {  	s3 =	sor.u32 s8, s3;
	s10 =	sand.u32 $0x40, s0;
	s6 =	sand.u32 $0xFF80, s24;
	v1 =	vld [tilespmem:s4+$0x1880]  }
0x1de: {  	s25 =	sor.u32 s10, s6;
	v3 =	vadd.bf16 v22, v3;
	v27 =	vunpack.i.l.bf16.f32 v2;
	v25 =	vld [tilespmem:s3+$0x1880]  }
0x1df: {  	v2 =	vunpack.i.u.bf16.f32 v2;
	v26 =	vld [tilespmem:s25+$0x1880];
	[tilespmem:s14+$0x40] =	vst v27  }
0x1e0: {  	v3 =	vadd.bf16 v23, v3;
	[tilespmem:s14+$0x50] =	vst v2  }
0x1e1: {  	v2 =	vld [tilespmem:s4+$0x1890]  }
0x1e2: {  	v30 =	vunpack.i.l.bf16.f32 v3;
	v28 =	vld [tilespmem:s1+$0x4890]  }
0x1e3: {  	v3 =	vunpack.i.u.bf16.f32 v3;
	v29 =	vld [tilespmem:s0+$0x7890];
	[tilespmem:s14+$0x60] =	vst v30;
	v1 =	vadd.bf16 v25, v1  }
0x1e4: {  	[tilespmem:s14+$0x70] =	vst v3  }
0x1e5: {  	v3 =	vld [tilespmem:s4+$0x18A0];
	v1 =	vadd.bf16 v26, v1  }
0x1e6: {  	s6 =	sor.u32 $0x180, s29;
	v31 =	vld [tilespmem:s1+$0x48A0]  }
0x1e7: {  	s28 =	sadd.s32 s6, s28;
	v2 =	vadd.bf16 v28, v2;
	v33 =	vunpack.i.l.bf16.f32 v1  }
0x1e8: {  	v32 =	vld [tilespmem:s0+$0x78A0];
	v1 =	vunpack.i.u.bf16.f32 v1;
	[tilespmem:s28+$0x0] =	vst v33  }
0x1e9: {  	v2 =	vadd.bf16 v29, v2;
	[tilespmem:s28+$0x10] =	vst v1  }
0x1ea: {  	v1 =	vld [tilespmem:s4+$0x18B0]  }
0x1eb: {  	v3 =	vadd.bf16 v31, v3;
	v36 =	vunpack.i.l.bf16.f32 v2;
	v34 =	vld [tilespmem:s1+$0x48B0]  }
0x1ec: {  	v2 =	vunpack.i.u.bf16.f32 v2;
	v35 =	vld [tilespmem:s0+$0x78B0];
	[tilespmem:s28+$0x20] =	vst v36  }
0x1ed: {  	v3 =	vadd.bf16 v32, v3;
	[tilespmem:s28+$0x30] =	vst v2  }
0x1ee: {  	v2 =	vld [tilespmem:s4+$0x18C0]  }
0x1ef: {  	v39 =	vunpack.i.l.bf16.f32 v3;
	v37 =	vld [tilespmem:s1+$0x48C0]  }
0x1f0: {  	v3 =	vunpack.i.u.bf16.f32 v3;
	v38 =	vld [tilespmem:s0+$0x78C0];
	[tilespmem:s28+$0x40] =	vst v39;
	v1 =	vadd.bf16 v34, v1  }
0x1f1: {  	[tilespmem:s28+$0x50] =	vst v3  }
0x1f2: {  	v3 =	vld [tilespmem:s4+$0x18D0];
	v1 =	vadd.bf16 v35, v1  }
0x1f3: {  	(v2sf) =	vpush v0, $0x0;
	v40 =	vld [tilespmem:s1+$0x48D0]  }
0x1f4: {  	v2 =	vadd.bf16 v37, v2;
	v42 =	vunpack.i.l.bf16.f32 v1  }
0x1f5: {  	v41 =	vld [tilespmem:s0+$0x78D0];
	v1 =	vunpack.i.u.bf16.f32 v1;
	[tilespmem:s28+$0x60] =	vst v42  }
0x1f6: {  	(v2sf) =	vpush v0, $0x1;
	v2 =	vadd.bf16 v38, v2;
	[tilespmem:s28+$0x70] =	vst v1  }
0x1f7: {  	(v2sf) =	vpush v0, $0x2;
	v1 =	vld [tilespmem:s4+$0x18E0]  }
0x1f8: {  	(v2sf) =	vpush v0, $0x3;
	s29 =	sadd.s32 s6, s26;
	v3 =	vadd.bf16 v40, v3;
	v45 =	vunpack.i.l.bf16.f32 v2;
	v43 =	vld [tilespmem:s1+$0x48E0]  }
0x1f9: {  	(v2sf) =	vpush v0, $0x4;
	v2 =	vunpack.i.u.bf16.f32 v2;
	v44 =	vld [tilespmem:s0+$0x78E0];
	[tilespmem:s29+$0x0] =	vst v45  }
0x1fa: {  	v3 =	vadd.bf16 v41, v3;
	[tilespmem:s29+$0x10] =	vst v2  }
0x1fb: {  	(v2sf) =	vpush v0, $0x5;
	v2 =	vld [tilespmem:s4+$0x18F0]  }
0x1fc: {  	(v2sf) =	vpush v0, $0x6;
	s12 =	sadd.s32 $0x80, s4;
	v48 =	vunpack.i.l.bf16.f32 v3;
	v46 =	vld [tilespmem:s1+$0x48F0]  }
0x1fd: {  	(v2sf) =	vpush v0, $0x7;
	s13 =	sand.u32 $0x40, s4;
	s3 =	sand.u32 $0x7F80, s12;
	s14 =	sadd.s32 $0x3080, s1;
	v3 =	vunpack.i.u.bf16.f32 v3;
	v47 =	vld [tilespmem:s0+$0x78F0];
	[tilespmem:s29+$0x20] =	vst v48;
	v1 =	vadd.bf16 v43, v1  }
0x1fe: {  	s3 =	sor.u32 s13, s3;
	s15 =	sand.u32 $0x7F80, s14;
	[tilespmem:s29+$0x30] =	vst v3  }
0x1ff: {  	(v2sf) =	vpush v0, $0x8;
	s24 =	sadd.s32 $0x6080, s0;
	s25 =	sor.u32 s8, s15;
	v3 =	vld [tilespmem:s3+$0x1880];
	v1 =	vadd.bf16 v44, v1  }
0x200: {  	(v2sf) =	vpush v0, $0x9;
	s26 =	sand.u32 $0xFF80, s24;
	v49 =	vld [tilespmem:s25+$0x1880]  }
0x201: {  	(v2sf) =	vpush v0, $0xA;
	s28 =	sor.u32 s10, s26;
	v2 =	vadd.bf16 v46, v2;
	v51 =	vunpack.i.l.bf16.f32 v1  }
0x202: {  	v50 =	vld [tilespmem:s28+$0x1880];
	s3 =	spop (v2sf);
	(v2sf) =	vpush v0, $0xB;
	v1 =	vunpack.i.u.bf16.f32 v1;
	[tilespmem:s29+$0x40] =	vst v51  }
0x203: {  	v2 =	vadd.bf16 v47, v2;
	[tilespmem:s29+$0x50] =	vst v1  }
0x204: {  	v1 =	vld [tilespmem:s4+$0x1910]  }
0x205: {  	s8 =	spop (v2sf);
	v3 =	vadd.bf16 v49, v3;
	v54 =	vunpack.i.l.bf16.f32 v2;
	v52 =	vld [tilespmem:s1+$0x4910]  }
0x206: {  	p0 =	sgt.s32 s3, $0x0;
	s9 =	spop (v2sf);
	v2 =	vunpack.i.u.bf16.f32 v2;
	v53 =	vld [tilespmem:s0+$0x7910];
	[tilespmem:s29+$0x60] =	vst v54  }
0x207: {  	s3 =	simm.s32 @!p0 $0x0;
	p0 =	sgt.s32 s8, $0x0;
	s10 =	spop (v2sf);
	v56 =	vadd.bf16 v50, v3;
	[tilespmem:s29+$0x70] =	vst v2  }
0x208: {  	s8 =	simm.s32 @!p0 $0x0;
	p0 =	sgt.s32 s9, $0x0;
	s11 =	spop (v2sf);
	v55 =	vld [tilespmem:s4+$0x1920]  }
0x209: {  	s9 =	simm.s32 @!p0 $0x0;
	p0 =	sgt.s32 s10, $0x0;
	v7 =	vunpack.i.l.bf16.f32 v56;
	s29 =	sadd.s32 s6, s23;
	v57 =	vld [tilespmem:s1+$0x4920]  }
0x20a: {  	s2 =	spop (v2sf);
	s10 =	simm.s32 @!p0 $0x0;
	p0 =	sgt.s32 s11, $0x0;
	v2 =	vunpack.i.u.bf16.f32 v56;
	v58 =	vld [tilespmem:s0+$0x7920];
	[tilespmem:s29+$0x0] =	vst v7  }
0x20b: {  	s12 =	spop (v2sf);
	s11 =	simm.s32 @!p0 $0x0;
	p0 =	sgt.s32 s2, $0x0;
	[tilespmem:s29+$0x10] =	vst v2  }
0x20c: {  	s15 =	spop (v2sf);
	s2 =	simm.s32 @!p0 $0x0;
	p0 =	sgt.s32 s12, $0x0;
	v2 =	vld [tilespmem:s4+$0x1930]  }
0x20d: {  	s12 =	simm.s32 @!p0 $0x0;
	p0 =	sgt.s32 s15, $0x0;
	v7 =	vld [tilespmem:s1+$0x4930]  }
0x20e: {  	s23 =	spop (v2sf);
	s15 =	simm.s32 @!p0 $0x0;
	v1 =	vadd.bf16 v52, v1  }
0x20f: {  	s6 =	smin.u32 s2, $0x3F;
	s24 =	spop (v2sf);
	p0 =	sgt.s32 s23, $0x0;
	v59 =	vld [tilespmem:s0+$0x7930]  }
0x210: {  	s25 =	spop (v2sf);
	s23 =	simm.s32 @!p0 $0x0;
	p0 =	sgt.s32 s24, $0x0;
	v0 =	vadd.bf16 v57, v55;
	v1 =	vadd.bf16 v53, v1  }
0x211: {  	s24 =	simm.s32 @!p0 $0x0;
	p0 =	sgt.s32 s25, $0x0;
	s2 =	spop (v2sf)  }
0x212: {  	s25 =	simm.s32 @!p0 $0x0;
	v2 =	vadd.bf16 v7, v2;
	p0 =	sgt.s32 s2, $0x0;
	v0 =	vadd.bf16 v58, v0;
	v60 =	vunpack.i.l.bf16.f32 v1  }
0x213: {  	s2 =	simm.s32 @!p0 $0x0;
	p0 =	sne.s32 s21, $0x1E00;
	v1 =	vunpack.i.u.bf16.f32 v1;
	[tilespmem:s29+$0x20] =	vst v60  }
.Ltmp1:
0x214: {  	s20 =	sadd.s32 $0xC, s20;
	s22 =	sadd.s32 $0x1, s22;
	v2 =	vadd.bf16 v59, v2;
	[tilespmem:s29+$0x30] =	vst v1;
	v61 =	vunpack.i.l.bf16.f32 v0;
	(pc) =	sbr.rel @p0 .LBB2_5-.Ltmp1, $4  }
0x215: {  	s14 =	smin.u32 s3, $0x3F;
	s8 =	smin.u32 s8, $0x3F;
	s9 =	smin.u32 s9, $0x3F;
	v0 =	vunpack.i.u.bf16.f32 v0;
	[tilespmem:s29+$0x40] =	vst v61  }
0x216: {  	s10 =	smin.u32 s10, $0x3F;
	s31 =	smin.u32 s12, $0x3F;
	s4 =	smin.u32 s11, $0x3F;
	[tilespmem:s29+$0x50] =	vst v0;
	v62 =	vunpack.i.l.bf16.f32 v2  }
0x217: {  	s1 =	smin.u32 s15, $0x3F;
	s0 =	smin.u32 s23, $0x3F;
	s24 =	smin.u32 s24, $0x3F;
	v63 =	vunpack.i.u.bf16.f32 v2;
	[tilespmem:s29+$0x60] =	vst v62  }
0x218: {  	s25 =	smin.u32 s25, $0x3F;
	s21 =	sadd.s32 $0x200, s21;
	s30 =	smin.u32 s2, $0x3F;
	[tilespmem:s29+$0x70] =	vst v63  }
0x219: {  	s0 =	sadd.s32 s5, s19  }
0x21a: {  	s18 =	sadd.s32 $0x1, s18;
	s0 =	sshrl.u32 s0, $0x3  }
0x21b: {  	p0 =	sne.s32 s18, $0x10;
	s0 =	smul.u32 $0xC00, s0  }
.Ltmp2:
0x21c: {  	_ = 	snop;
	(pc) =	sbr.rel @p0 .LBB2_2-.Ltmp2, $4  }
0x21d: {  	s1 =	rddreg [dreg:$0x1];
	s0 =	sadd.s32 s7, s0  }
0x21e: {  	s31 =	simm.s32 $0x0;
	s2 =	simm.s32 $0x10880;
	s0 =	sshrl.u32 s0, $0x3  }
0x21f: {  	s16 =	sadd.s32 $0x180, s16;
	s17 =	sadd.s32 $0x180, s17;
	s0 =	sadd.s32 s1, s0  }
0x220: {  	[hbm4b:s0+s31] =	stream.linear.scatter [tilespmem:s2], [sflag:$0x2], $0x6000, $0x38;
	[tilespmem:$0x16880] =	vst v63  }
0x221: {  	s0 =	simm.s32 $0x1  }
0x222: {  	_ =	swait.ge [sflag:s0], $0x6000  }
0x223: {  	[sflag:s0] =	ssyncset.done $0x0  }
0x224: {  	s1 =	simm.s32 $0x2;
	[sflag:s0] =	ssyncadd.s32 $0xFFFFA000  }
0x225: {  	_ =	swait.ge [sflag:s1], $0x6000  }
0x226: {  	s2 =	rddreg [dreg:$0x6]  }
0x227: {  	s31 =	rddreg [dreg:$0x5];
	s2 =	sadd.s32 $0x1, s2  }
0x228: {  	p0 =	sne.s32 s2, s31  }
.Ltmp3:
0x229: {  	_ = 	snop;
	(pc) =	sbr.rel @p0 .LBB2_1-.Ltmp3, $3  }
0x22a: {  	_ =	sdelay $0x1  }
0x22b: {  	[sflag:s1] =	ssyncset.done $0x0  }
0x22c: {  	[sflag:s1] =	ssyncadd.s32 $0xFFFFA000  }
0x22d: {  	_ =	sfence.sel $0x180000  }
0x22e: {  	[bflag:$0x0] =	sbarrier.arrive $0xFFFF  }
0x22f: {  	_ =	strace $0x90000047  }
0x230: {  	s0 =	stileid.u32;
	[bflag:$0x2] =	sbarrier.arrive $0xFFFF  }
0x231: {  	p0 =	sne.s32 s0, $0x0;
	s0 =	rddreg [dreg:$0x2]  }
0x232: {  	s0 =	sadd.s32 @!p0 $0x100000, s0  }
0x233: {  	[sflag:s0] =	ssyncadd.tile.s32 @!p0 $0x1;
	_ =	shalt  }
.Lfunc_end2:
_tile_overlayer_lowered:
.L_overlay_start_2:
0x234: {  	(tag) =	ssettag $0x2  }
0x235: {  	s0 =	rddreg [dreg:$0x0];
	s2 =	stileid.u32  }
0x236: {  	s1 =	rddreg [dreg:$0x1];
	p0 =	sne.s32 s2, $0x0  }
0x237: {  	s3 =	rddreg [dreg:$0x2];
	[bflag:$0x3] =	sbarrier.arrive $0xFFFF;
	s2 =	simm.s32 @!p0 $0x1C03  }
0x238: {  	[timem:s3], [sflag:s2] =	dma.local @!p0 [hbm:s0], s1  }
0x239: {  	s0 =	simm.s32 @!p0 $0x3  }
0x23a: {  	_ =	swait.ge @!p0 [sflag:s0], s1  }
0x23b: {  	s1 =	ssub.s32 @!p0 $0x0, s1;
	[sflag:s0] =	ssyncset.done @!p0 $0x0  }
0x23c: {  	[sflag:s0] =	ssyncadd.s32 @!p0 s1  }
0x23d: {  	[bflag:$0x3] =	sbarrier.arrive $0xFFFF  }
0x23e: {  	_ =	shalt  }

</sc_bundles>
